<compile_context>
chip_gen: v7x
topology: tpu7x:2x2x1
jax: 0.10.2.dev20260603
libtpu: 0.0.44.dev20260713+nightly
codegen_flags: <defaults>
</compile_context>

<pallas_src>
import jax
import jax.numpy as jnp
from jax import lax
from jax.experimental import pallas as pl
from jax.experimental.pallas import tpu as pltpu
from jax.experimental.pallas import tpu_sc as plsc

N = 10000
E = 320000
D = 128
G = 64

NC = 2
NS = 16
NW = NC * NS

CHUNK = 128
CPT = 80
EPT = CPT * CHUNK
E_PAD = NW * EPT
N_PAD = 10240
ROWS_PT = N_PAD // NS
ZCHUNKS = ROWS_PT // CHUNK
L = 16


def _sc_agg_body(h_hbm, idx_hbm, zeros_hbm, out_hbm,
                 pk_v, iu_v, rows0_v, rows1_v, sem0, sem1, agg_sh):
    c = lax.axis_index("c")
    s = lax.axis_index("s")
    wid = c * NS + s

    pltpu.sync_copy(zeros_hbm, rows0_v)
    for k in range(ZCHUNKS):
        pltpu.sync_copy(rows0_v,
                        agg_sh.at[pl.ds(s * ROWS_PT + k * CHUNK, CHUNK)])
    pltpu.sync_copy(idx_hbm.at[wid], pk_v)
    plsc.subcore_barrier()

    rows = (rows0_v, rows1_v)
    sems = (sem0, sem1)

    def _unpack(j, u):
        for t in range(CHUNK // L):
            v = pk_v[j, pl.ds(t * L, L)]
            iu_v[u, 0, pl.ds(t * L, L)] = v & 0xFFFF
            iu_v[u, 1, pl.ds(t * L, L)] = lax.shift_right_logical(v, 16)

    def _gather(u, r):
        return pltpu.make_async_copy(h_hbm.at[iu_v.at[u, 0]],
                                     rows[r], sems[r])

    def _scatter(u, r):
        pltpu.sync_copy(rows[r], agg_sh.at[iu_v.at[u, 1]], add=True)

    _unpack(0, 0)
    _gather(0, 0).start()

    def body(i, carry):
        j0 = 2 * i
        _unpack(j0 + 1, 1)
        _gather(1, 1).start()
        _gather(0, 0).wait()
        _scatter(0, 0)

        @pl.when(i < CPT // 2 - 1)
        def _():
            _unpack(j0 + 2, 0)
            _gather(0, 0).start()

        _gather(1, 1).wait()
        _scatter(1, 1)
        return carry

    lax.fori_loop(0, CPT // 2, body, 0)
    plsc.subcore_barrier()

    pltpu.sync_copy(agg_sh.at[pl.ds(s * ROWS_PT, ROWS_PT)],
                    out_hbm.at[c, pl.ds(s * ROWS_PT, ROWS_PT)])


_sc_agg = pl.kernel(
    _sc_agg_body,
    out_type=jax.ShapeDtypeStruct((NC, N_PAD, D), jnp.float32),
    mesh=plsc.VectorSubcoreMesh(core_axis_name="c", subcore_axis_name="s"),
    scratch_types=[
        pltpu.VMEM((CPT, CHUNK), jnp.int32),
        pltpu.VMEM((2, 2, CHUNK), jnp.int32),
        pltpu.VMEM((CHUNK, D), jnp.float32),
        pltpu.VMEM((CHUNK, D), jnp.float32),
        pltpu.SemaphoreType.DMA,
        pltpu.SemaphoreType.DMA,
        pltpu.VMEM_SHARED((N_PAD, D), jnp.float32),
    ],
)


def _mlp_bn(h_ref, agg_ref, W1_ref, b1_ref, g_ref, be_ref, W2_ref, b2_ref):
    hsum = h_ref[...] + agg_ref[0, :N, :] + agg_ref[1, :N, :]
    z = jnp.dot(hsum, W1_ref[...], preferred_element_type=jnp.float32)
    z = jnp.maximum(z + b1_ref[...], 0.0)
    mu = jnp.mean(z, axis=0, keepdims=True)
    var = jnp.mean((z - mu) ** 2, axis=0, keepdims=True)
    zn = (z - mu) / jnp.sqrt(var + 1e-5) * g_ref[...] + be_ref[...]
    h2 = jnp.dot(zn, W2_ref[...], preferred_element_type=jnp.float32)
    return jnp.maximum(h2 + b2_ref[...], 0.0)


def _tc_layer_body(h_ref, agg_ref, W1_ref, b1_ref, g_ref, be_ref,
                   W2_ref, b2_ref, out_ref):
    out_ref[...] = _mlp_bn(h_ref, agg_ref, W1_ref, b1_ref, g_ref, be_ref,
                           W2_ref, b2_ref)


def _tc_layer_pool_body(h_ref, agg_ref, batch_ref, W1_ref, b1_ref, g_ref,
                        be_ref, W2_ref, b2_ref, out_ref):
    h3 = _mlp_bn(h_ref, agg_ref, W1_ref, b1_ref, g_ref, be_ref,
                 W2_ref, b2_ref)
    gids = lax.broadcasted_iota(jnp.int32, (G, N), 0)
    onehot = (gids == batch_ref[...]).astype(jnp.float32)
    out_ref[...] = jnp.dot(onehot, h3, preferred_element_type=jnp.float32)


_tc_layer = pl.pallas_call(
    _tc_layer_body,
    out_shape=jax.ShapeDtypeStruct((N, D), jnp.float32),
)

_tc_layer_pool = pl.pallas_call(
    _tc_layer_pool_body,
    out_shape=jax.ShapeDtypeStruct((G, D), jnp.float32),
)


def kernel(x, edge_index, batch, W1_0, b1_0, g_0, be_0, W2_0, b2_0,
           W1_1, b1_1, g_1, be_1, W2_1, b2_1,
           W1_2, b1_2, g_2, be_2, W2_2, b2_2):
    src = edge_index[0]
    dst = edge_index[1]
    ept_real = E // NW
    padt = EPT - ept_real
    junk = (N + jnp.arange(padt, dtype=jnp.int32) % (N_PAD - N))[None, :]
    src3 = jnp.pad(src.reshape(NW, ept_real), ((0, 0), (0, padt)),
                   mode="edge").reshape(NW, CPT, CHUNK)
    dst3 = jnp.concatenate(
        [dst.reshape(NW, ept_real),
         jnp.broadcast_to(junk, (NW, padt))], axis=1).reshape(NW, CPT, CHUNK)
    idx_pk = (dst3 << 16) | src3
    zeros = jnp.zeros((CHUNK, D), jnp.float32)
    batch2 = batch.reshape(1, N)

    params = [
        (W1_0, b1_0, g_0, be_0, W2_0, b2_0),
        (W1_1, b1_1, g_1, be_1, W2_1, b2_1),
        (W1_2, b1_2, g_2, be_2, W2_2, b2_2),
    ]
    h = x
    for i, (W1, b1, g, be, W2, b2) in enumerate(params):
        agg = _sc_agg(h, idx_pk, zeros)
        args = (h, agg, W1, b1.reshape(1, D), g.reshape(1, D),
                be.reshape(1, D), W2, b2.reshape(1, D))
        if i < 2:
            h = _tc_layer(*args)
        else:
            h = _tc_layer_pool(h, agg, batch2, *args[2:])
    return h

# --- scband reference (transcript-rebuilt; emitter-appended) ---
"""Pipeline reference for scband-encoder-17660905521340 (READ-ONLY COPY).

The authoritative reference and input builder live on the scoring server;
editing this copy changes nothing except your own understanding.
"""

import jax, jax.numpy as jnp
import numpy as np

N = 10000
E = 320000
D = 128
H = 128
G = 64

def _gin_layer(x, src, dst, W1, b1, g, be, W2, b2):
    # GINConv with eps=0: h = MLP((1+eps)*x + sum_{j in N(i)} x_j)
    agg = jnp.zeros_like(x).at[dst].add(x[src])
    h = x + agg
    h = h @ W1 + b1
    h = jax.nn.relu(h)
    # BatchNorm1d in training mode: normalize with batch statistics
    mu = jnp.mean(h, axis=0)
    var = jnp.var(h, axis=0)
    h = (h - mu) / jnp.sqrt(var + 1e-5) * g + be
    h = h @ W2 + b2
    h = jax.nn.relu(h)
    return h

def setup_inputs(seed: int = 0) -> dict:
    key = jax.random.key(seed)
    inp = {}
    inp["x"] = jax.random.normal(jax.random.fold_in(key, 0), (N, D), dtype=jnp.float32)
    inp["edge_index"] = jax.random.randint(jax.random.fold_in(key, 1), (2, E), 0, N, dtype=jnp.int32)
    inp["batch"] = jnp.sort(jax.random.randint(jax.random.fold_in(key, 2), (N,), 0, G, dtype=jnp.int32))
    for i in range(3):
        d_in = D if i == 0 else H
        inp["W1_%d" % i] = jax.random.normal(jax.random.fold_in(key, 10 + 6 * i), (d_in, H), dtype=jnp.float32) / np.sqrt(d_in)
        inp["b1_%d" % i] = jnp.zeros((H,), dtype=jnp.float32)
        inp["g_%d" % i] = jnp.ones((H,), dtype=jnp.float32)
        inp["be_%d" % i] = jnp.zeros((H,), dtype=jnp.float32)
        inp["W2_%d" % i] = jax.random.normal(jax.random.fold_in(key, 11 + 6 * i), (H, H), dtype=jnp.float32) / np.sqrt(H)
        inp["b2_%d" % i] = jnp.zeros((H,), dtype=jnp.float32)
    return inp

def reference(x, edge_index, batch, W1_0, b1_0, g_0, be_0, W2_0, b2_0, W1_1, b1_1, g_1, be_1, W2_1, b2_1, W1_2, b1_2, g_2, be_2, W2_2, b2_2):
    src = edge_index[0]
    dst = edge_index[1]
    params = [(W1_0, b1_0, g_0, be_0, W2_0, b2_0), (W1_1, b1_1, g_1, be_1, W2_1, b2_1), (W1_2, b1_2, g_2, be_2, W2_2, b2_2)]
    h = x
    for (W1, b1, g, be, W2, b2) in params:
        h = _gin_layer(h, src, dst, W1, b1, g, be, W2, b2)
    out = jax.ops.segment_sum(h, batch, num_segments=G)
    return out

if __name__ == "__main__":
    import jax
    _d = setup_inputs()
    print(jax.jit(kernel)(*tuple(_d.values())))

</pallas_src>

<mosaic_0001>
#map = affine_map<(d0, d1) -> (0, 0)>
#map1 = affine_map<(d0, d1) -> (0, 0, 0)>
module attributes {stable_mosaic.version = 14 : i64} {
  func.func @_sc_agg_body(%arg0: i32, %arg1: i32, %arg2: memref<10000x128xf32, #tpu.memory_space<hbm>>, %arg3: memref<32x80x128xi32, #tpu.memory_space<hbm>>, %arg4: memref<128x128xf32, #tpu.memory_space<hbm>>, %arg5: memref<2x10240x128xf32, #tpu.memory_space<hbm>>, %arg6: memref<80x128xi32, #tpu.memory_space<vmem>>, %arg7: memref<2x2x128xi32, #tpu.memory_space<vmem>>, %arg8: memref<128x128xf32, #tpu.memory_space<vmem>>, %arg9: memref<128x128xf32, #tpu.memory_space<vmem>>, %arg10: memref<!tpu.dma_semaphore, #tpu.memory_space<semaphore_mem>>, %arg11: memref<!tpu.dma_semaphore, #tpu.memory_space<semaphore_mem>>, %arg12: memref<10240x128xf32, #tpu.memory_space<vmem_shared>>) attributes {dimension_semantics = [#tpu.dimension_semantics<core_parallel>, #tpu.dimension_semantics<subcore_parallel>], iteration_bounds = array<i64: 2, 16>, scalar_prefetch = 0 : i64, scratch_operands = 7 : i64, tpu.core_type = #tpu.core_type<sc_vector_subcore>, window_params = [{transform_indices = #map}, {transform_indices = #map1}, {transform_indices = #map}, {transform_indices = #map1}]} {
    %mul3A = arith.constant 16 : i32
    %mul3A_0 = arith.muli %arg0, %mul3A : i32
    %add3A = arith.addi %mul3A_0, %arg1 : i32
    "tpu.region"() ({
      %run_scoped3A = tpu.sem_alloc : memref<!tpu.dma_semaphore, #tpu.memory_space<semaphore_mem>>
      tpu.enqueue_dma source(%arg4 : memref<128x128xf32, #tpu.memory_space<hbm>>) target(%arg8 : memref<128x128xf32, #tpu.memory_space<vmem>>) target_semaphore(%run_scoped3A : memref<!tpu.dma_semaphore, #tpu.memory_space<semaphore_mem>>)
      tpu.wait_dma2 semaphore(%run_scoped3A : memref<!tpu.dma_semaphore, #tpu.memory_space<semaphore_mem>>) src(%arg4 : memref<128x128xf32, #tpu.memory_space<hbm>>) dst(%arg8 : memref<128x128xf32, #tpu.memory_space<vmem>>)
      tpu.yield
    }) : () -> ()
    %mul3A_1 = arith.constant 640 : i32
    %mul3A_2 = arith.muli %arg1, %mul3A_1 : i32
    %add3A_3 = arith.constant 0 : i32
    %add3A_4 = arith.addi %mul3A_2, %add3A_3 : i32
    "tpu.region"() ({
      %run_scoped3A = tpu.sem_alloc : memref<!tpu.dma_semaphore, #tpu.memory_space<semaphore_mem>>
      %dma_start3A_250 = arith.constant 0 : i32
      %dma_start3A_251 = tpu.memref_slice %arg12[%add3A_4, %dma_start3A_250] : memref<10240x128xf32, #tpu.memory_space<vmem_shared>> -> memref<128x128xf32, #tpu.memory_space<vmem_shared>>
      %dma_start3A_252 = arith.constant 0 : i32
      %dma_start3A_253 = tpu.memref_slice %arg12[%add3A_4, %dma_start3A_252] : memref<10240x128xf32, #tpu.memory_space<vmem_shared>> -> memref<128x128xf32, #tpu.memory_space<vmem_shared>>
      tpu.enqueue_dma source(%arg8 : memref<128x128xf32, #tpu.memory_space<vmem>>) target(%dma_start3A_253 : memref<128x128xf32, #tpu.memory_space<vmem_shared>>) target_semaphore(%run_scoped3A : memref<!tpu.dma_semaphore, #tpu.memory_space<semaphore_mem>>)
      %dma_wait3A = arith.constant 0 : i32
      %dma_wait3A_254 = tpu.memref_slice %arg12[%add3A_4, %dma_wait3A] : memref<10240x128xf32, #tpu.memory_space<vmem_shared>> -> memref<128x128xf32, #tpu.memory_space<vmem_shared>>
      %dma_wait3A_255 = arith.constant 0 : i32
      %dma_wait3A_256 = tpu.memref_slice %arg12[%add3A_4, %dma_wait3A_255] : memref<10240x128xf32, #tpu.memory_space<vmem_shared>> -> memref<128x128xf32, #tpu.memory_space<vmem_shared>>
      tpu.wait_dma2 semaphore(%run_scoped3A : memref<!tpu.dma_semaphore, #tpu.memory_space<semaphore_mem>>) src(%arg8 : memref<128x128xf32, #tpu.memory_space<vmem>>) dst(%dma_wait3A_256 : memref<128x128xf32, #tpu.memory_space<vmem_shared>>)
      tpu.yield
    }) : () -> ()
    %mul3A_5 = arith.constant 640 : i32
    %mul3A_6 = arith.muli %arg1, %mul3A_5 : i32
    %add3A_7 = arith.constant 128 : i32
    %add3A_8 = arith.addi %mul3A_6, %add3A_7 : i32
    "tpu.region"() ({
      %run_scoped3A = tpu.sem_alloc : memref<!tpu.dma_semaphore, #tpu.memory_space<semaphore_mem>>
      %dma_start3A_250 = arith.constant 0 : i32
      %dma_start3A_251 = tpu.memref_slice %arg12[%add3A_8, %dma_start3A_250] : memref<10240x128xf32, #tpu.memory_space<vmem_shared>> -> memref<128x128xf32, #tpu.memory_space<vmem_shared>>
      %dma_start3A_252 = arith.constant 0 : i32
      %dma_start3A_253 = tpu.memref_slice %arg12[%add3A_8, %dma_start3A_252] : memref<10240x128xf32, #tpu.memory_space<vmem_shared>> -> memref<128x128xf32, #tpu.memory_space<vmem_shared>>
      tpu.enqueue_dma source(%arg8 : memref<128x128xf32, #tpu.memory_space<vmem>>) target(%dma_start3A_253 : memref<128x128xf32, #tpu.memory_space<vmem_shared>>) target_semaphore(%run_scoped3A : memref<!tpu.dma_semaphore, #tpu.memory_space<semaphore_mem>>)
      %dma_wait3A = arith.constant 0 : i32
      %dma_wait3A_254 = tpu.memref_slice %arg12[%add3A_8, %dma_wait3A] : memref<10240x128xf32, #tpu.memory_space<vmem_shared>> -> memref<128x128xf32, #tpu.memory_space<vmem_shared>>
      %dma_wait3A_255 = arith.constant 0 : i32
      %dma_wait3A_256 = tpu.memref_slice %arg12[%add3A_8, %dma_wait3A_255] : memref<10240x128xf32, #tpu.memory_space<vmem_shared>> -> memref<128x128xf32, #tpu.memory_space<vmem_shared>>
      tpu.wait_dma2 semaphore(%run_scoped3A : memref<!tpu.dma_semaphore, #tpu.memory_space<semaphore_mem>>) src(%arg8 : memref<128x128xf32, #tpu.memory_space<vmem>>) dst(%dma_wait3A_256 : memref<128x128xf32, #tpu.memory_space<vmem_shared>>)
      tpu.yield
    }) : () -> ()
    %mul3A_9 = arith.constant 640 : i32
    %mul3A_10 = arith.muli %arg1, %mul3A_9 : i32
    %add3A_11 = arith.constant 256 : i32
    %add3A_12 = arith.addi %mul3A_10, %add3A_11 : i32
    "tpu.region"() ({
      %run_scoped3A = tpu.sem_alloc : memref<!tpu.dma_semaphore, #tpu.memory_space<semaphore_mem>>
      %dma_start3A_250 = arith.constant 0 : i32
      %dma_start3A_251 = tpu.memref_slice %arg12[%add3A_12, %dma_start3A_250] : memref<10240x128xf32, #tpu.memory_space<vmem_shared>> -> memref<128x128xf32, #tpu.memory_space<vmem_shared>>
      %dma_start3A_252 = arith.constant 0 : i32
      %dma_start3A_253 = tpu.memref_slice %arg12[%add3A_12, %dma_start3A_252] : memref<10240x128xf32, #tpu.memory_space<vmem_shared>> -> memref<128x128xf32, #tpu.memory_space<vmem_shared>>
      tpu.enqueue_dma source(%arg8 : memref<128x128xf32, #tpu.memory_space<vmem>>) target(%dma_start3A_253 : memref<128x128xf32, #tpu.memory_space<vmem_shared>>) target_semaphore(%run_scoped3A : memref<!tpu.dma_semaphore, #tpu.memory_space<semaphore_mem>>)
      %dma_wait3A = arith.constant 0 : i32
      %dma_wait3A_254 = tpu.memref_slice %arg12[%add3A_12, %dma_wait3A] : memref<10240x128xf32, #tpu.memory_space<vmem_shared>> -> memref<128x128xf32, #tpu.memory_space<vmem_shared>>
      %dma_wait3A_255 = arith.constant 0 : i32
      %dma_wait3A_256 = tpu.memref_slice %arg12[%add3A_12, %dma_wait3A_255] : memref<10240x128xf32, #tpu.memory_space<vmem_shared>> -> memref<128x128xf32, #tpu.memory_space<vmem_shared>>
      tpu.wait_dma2 semaphore(%run_scoped3A : memref<!tpu.dma_semaphore, #tpu.memory_space<semaphore_mem>>) src(%arg8 : memref<128x128xf32, #tpu.memory_space<vmem>>) dst(%dma_wait3A_256 : memref<128x128xf32, #tpu.memory_space<vmem_shared>>)
      tpu.yield
    }) : () -> ()
    %mul3A_13 = arith.constant 640 : i32
    %mul3A_14 = arith.muli %arg1, %mul3A_13 : i32
    %add3A_15 = arith.constant 384 : i32
    %add3A_16 = arith.addi %mul3A_14, %add3A_15 : i32
    "tpu.region"() ({
      %run_scoped3A = tpu.sem_alloc : memref<!tpu.dma_semaphore, #tpu.memory_space<semaphore_mem>>
      %dma_start3A_250 = arith.constant 0 : i32
      %dma_start3A_251 = tpu.memref_slice %arg12[%add3A_16, %dma_start3A_250] : memref<10240x128xf32, #tpu.memory_space<vmem_shared>> -> memref<128x128xf32, #tpu.memory_space<vmem_shared>>
      %dma_start3A_252 = arith.constant 0 : i32
      %dma_start3A_253 = tpu.memref_slice %arg12[%add3A_16, %dma_start3A_252] : memref<10240x128xf32, #tpu.memory_space<vmem_shared>> -> memref<128x128xf32, #tpu.memory_space<vmem_shared>>
      tpu.enqueue_dma source(%arg8 : memref<128x128xf32, #tpu.memory_space<vmem>>) target(%dma_start3A_253 : memref<128x128xf32, #tpu.memory_space<vmem_shared>>) target_semaphore(%run_scoped3A : memref<!tpu.dma_semaphore, #tpu.memory_space<semaphore_mem>>)
      %dma_wait3A = arith.constant 0 : i32
      %dma_wait3A_254 = tpu.memref_slice %arg12[%add3A_16, %dma_wait3A] : memref<10240x128xf32, #tpu.memory_space<vmem_shared>> -> memref<128x128xf32, #tpu.memory_space<vmem_shared>>
      %dma_wait3A_255 = arith.constant 0 : i32
      %dma_wait3A_256 = tpu.memref_slice %arg12[%add3A_16, %dma_wait3A_255] : memref<10240x128xf32, #tpu.memory_space<vmem_shared>> -> memref<128x128xf32, #tpu.memory_space<vmem_shared>>
      tpu.wait_dma2 semaphore(%run_scoped3A : memref<!tpu.dma_semaphore, #tpu.memory_space<semaphore_mem>>) src(%arg8 : memref<128x128xf32, #tpu.memory_space<vmem>>) dst(%dma_wait3A_256 : memref<128x128xf32, #tpu.memory_space<vmem_shared>>)
      tpu.yield
    }) : () -> ()
    %mul3A_17 = arith.constant 640 : i32
    %mul3A_18 = arith.muli %arg1, %mul3A_17 : i32
    %add3A_19 = arith.constant 512 : i32
    %add3A_20 = arith.addi %mul3A_18, %add3A_19 : i32
    "tpu.region"() ({
      %run_scoped3A = tpu.sem_alloc : memref<!tpu.dma_semaphore, #tpu.memory_space<semaphore_mem>>
      %dma_start3A_250 = arith.constant 0 : i32
      %dma_start3A_251 = tpu.memref_slice %arg12[%add3A_20, %dma_start3A_250] : memref<10240x128xf32, #tpu.memory_space<vmem_shared>> -> memref<128x128xf32, #tpu.memory_space<vmem_shared>>
      %dma_start3A_252 = arith.constant 0 : i32
      %dma_start3A_253 = tpu.memref_slice %arg12[%add3A_20, %dma_start3A_252] : memref<10240x128xf32, #tpu.memory_space<vmem_shared>> -> memref<128x128xf32, #tpu.memory_space<vmem_shared>>
      tpu.enqueue_dma source(%arg8 : memref<128x128xf32, #tpu.memory_space<vmem>>) target(%dma_start3A_253 : memref<128x128xf32, #tpu.memory_space<vmem_shared>>) target_semaphore(%run_scoped3A : memref<!tpu.dma_semaphore, #tpu.memory_space<semaphore_mem>>)
      %dma_wait3A = arith.constant 0 : i32
      %dma_wait3A_254 = tpu.memref_slice %arg12[%add3A_20, %dma_wait3A] : memref<10240x128xf32, #tpu.memory_space<vmem_shared>> -> memref<128x128xf32, #tpu.memory_space<vmem_shared>>
      %dma_wait3A_255 = arith.constant 0 : i32
      %dma_wait3A_256 = tpu.memref_slice %arg12[%add3A_20, %dma_wait3A_255] : memref<10240x128xf32, #tpu.memory_space<vmem_shared>> -> memref<128x128xf32, #tpu.memory_space<vmem_shared>>
      tpu.wait_dma2 semaphore(%run_scoped3A : memref<!tpu.dma_semaphore, #tpu.memory_space<semaphore_mem>>) src(%arg8 : memref<128x128xf32, #tpu.memory_space<vmem>>) dst(%dma_wait3A_256 : memref<128x128xf32, #tpu.memory_space<vmem_shared>>)
      tpu.yield
    }) : () -> ()
    "tpu.region"() ({
      %run_scoped3A = tpu.sem_alloc : memref<!tpu.dma_semaphore, #tpu.memory_space<semaphore_mem>>
      %dma_start3A_250 = arith.constant 0 : i32
      %dma_start3A_251 = arith.constant 0 : i32
      %dma_start3A_252 = tpu.memref_slice %arg3[%add3A, %dma_start3A_250, %dma_start3A_251] : memref<32x80x128xi32, #tpu.memory_space<hbm>> -> memref<1x80x128xi32, #tpu.memory_space<hbm>>
      %dma_start3A_253 = tpu.memref_squeeze %dma_start3A_252 : memref<1x80x128xi32, #tpu.memory_space<hbm>> -> memref<80x128xi32, #tpu.memory_space<hbm>>
      %dma_start3A_254 = arith.constant 0 : i32
      %dma_start3A_255 = arith.constant 0 : i32
      %dma_start3A_256 = tpu.memref_slice %arg3[%add3A, %dma_start3A_254, %dma_start3A_255] : memref<32x80x128xi32, #tpu.memory_space<hbm>> -> memref<1x80x128xi32, #tpu.memory_space<hbm>>
      %dma_start3A_257 = tpu.memref_squeeze %dma_start3A_256 : memref<1x80x128xi32, #tpu.memory_space<hbm>> -> memref<80x128xi32, #tpu.memory_space<hbm>>
      tpu.enqueue_dma source(%dma_start3A_257 : memref<80x128xi32, #tpu.memory_space<hbm>>) target(%arg6 : memref<80x128xi32, #tpu.memory_space<vmem>>) target_semaphore(%run_scoped3A : memref<!tpu.dma_semaphore, #tpu.memory_space<semaphore_mem>>)
      %dma_wait3A = arith.constant 0 : i32
      %dma_wait3A_258 = arith.constant 0 : i32
      %dma_wait3A_259 = tpu.memref_slice %arg3[%add3A, %dma_wait3A, %dma_wait3A_258] : memref<32x80x128xi32, #tpu.memory_space<hbm>> -> memref<1x80x128xi32, #tpu.memory_space<hbm>>
      %dma_wait3A_260 = tpu.memref_squeeze %dma_wait3A_259 : memref<1x80x128xi32, #tpu.memory_space<hbm>> -> memref<80x128xi32, #tpu.memory_space<hbm>>
      %dma_wait3A_261 = arith.constant 0 : i32
      %dma_wait3A_262 = arith.constant 0 : i32
      %dma_wait3A_263 = tpu.memref_slice %arg3[%add3A, %dma_wait3A_261, %dma_wait3A_262] : memref<32x80x128xi32, #tpu.memory_space<hbm>> -> memref<1x80x128xi32, #tpu.memory_space<hbm>>
      %dma_wait3A_264 = tpu.memref_squeeze %dma_wait3A_263 : memref<1x80x128xi32, #tpu.memory_space<hbm>> -> memref<80x128xi32, #tpu.memory_space<hbm>>
      tpu.wait_dma2 semaphore(%run_scoped3A : memref<!tpu.dma_semaphore, #tpu.memory_space<semaphore_mem>>) src(%dma_wait3A_264 : memref<80x128xi32, #tpu.memory_space<hbm>>) dst(%arg6 : memref<80x128xi32, #tpu.memory_space<vmem>>)
      tpu.yield
    }) : () -> ()
    %barrier3A = arith.constant 0 : index
    tpu.barrier barrier_id(%barrier3A)
    %get3A = arith.constant 0 : i32
    %get3A_21 = arith.index_cast %get3A : i32 to index
    %get3A_22 = arith.constant 0 : index
    %get3A_23 = tpu.vector_load %arg6[%get3A_21, %get3A_22] {strides = array<i32>} : memref<80x128xi32, #tpu.memory_space<vmem>>, vector<1x16xi32>,
    %get3A_24 = vector.shape_cast %get3A_23 : vector<1x16xi32> to vector<16xi32>
    %and3A = arith.constant 65535 : i32
    %and3A_25 = vector.broadcast %and3A : i32 to vector<16xi32>
    %and3A_26 = arith.andi %get3A_24, %and3A_25 : vector<16xi32>
    %swap3A = arith.constant 0 : i32
    %swap3A_27 = arith.constant 0 : i32
    %swap3A_28 = arith.index_cast %swap3A : i32 to index
    %swap3A_29 = arith.index_cast %swap3A_27 : i32 to index
    %swap3A_30 = arith.constant 0 : index
    %swap3A_31 = tpu.vector_load %arg7[%swap3A_28, %swap3A_29, %swap3A_30] {strides = array<i32>} : memref<2x2x128xi32, #tpu.memory_space<vmem>>, vector<1x1x16xi32>,
    %swap3A_32 = vector.shape_cast %swap3A_31 : vector<1x1x16xi32> to vector<16xi32>
    %swap3A_33 = vector.shape_cast %and3A_26 : vector<16xi32> to vector<1x1x16xi32>
    tpu.vector_store %arg7[%swap3A_28, %swap3A_29, %swap3A_30], %swap3A_33 {strides = array<i32>} : memref<2x2x128xi32, #tpu.memory_space<vmem>>, vector<1x1x16xi32>,
    %shift_right_logical3A = arith.constant 16 : i32
    %shift_right_logical3A_34 = vector.broadcast %shift_right_logical3A : i32 to vector<16xi32>
    %shift_right_logical3A_35 = arith.shrui %get3A_24, %shift_right_logical3A_34 : vector<16xi32>
    %swap3A_36 = arith.constant 0 : i32
    %swap3A_37 = arith.constant 1 : i32
    %swap3A_38 = arith.index_cast %swap3A_36 : i32 to index
    %swap3A_39 = arith.index_cast %swap3A_37 : i32 to index
    %swap3A_40 = arith.constant 0 : index
    %swap3A_41 = tpu.vector_load %arg7[%swap3A_38, %swap3A_39, %swap3A_40] {strides = array<i32>} : memref<2x2x128xi32, #tpu.memory_space<vmem>>, vector<1x1x16xi32>,
    %swap3A_42 = vector.shape_cast %swap3A_41 : vector<1x1x16xi32> to vector<16xi32>
    %swap3A_43 = vector.shape_cast %shift_right_logical3A_35 : vector<16xi32> to vector<1x1x16xi32>
    tpu.vector_store %arg7[%swap3A_38, %swap3A_39, %swap3A_40], %swap3A_43 {strides = array<i32>} : memref<2x2x128xi32, #tpu.memory_space<vmem>>, vector<1x1x16xi32>,
    %get3A_44 = arith.constant 0 : i32
    %get3A_45 = arith.index_cast %get3A_44 : i32 to index
    %get3A_46 = arith.constant 16 : index
    %get3A_47 = tpu.vector_load %arg6[%get3A_45, %get3A_46] {strides = array<i32>} : memref<80x128xi32, #tpu.memory_space<vmem>>, vector<1x16xi32>,
    %get3A_48 = vector.shape_cast %get3A_47 : vector<1x16xi32> to vector<16xi32>
    %and3A_49 = arith.constant 65535 : i32
    %and3A_50 = vector.broadcast %and3A_49 : i32 to vector<16xi32>
    %and3A_51 = arith.andi %get3A_48, %and3A_50 : vector<16xi32>
    %swap3A_52 = arith.constant 0 : i32
    %swap3A_53 = arith.constant 0 : i32
    %swap3A_54 = arith.index_cast %swap3A_52 : i32 to index
    %swap3A_55 = arith.index_cast %swap3A_53 : i32 to index
    %swap3A_56 = arith.constant 16 : index
    %swap3A_57 = tpu.vector_load %arg7[%swap3A_54, %swap3A_55, %swap3A_56] {strides = array<i32>} : memref<2x2x128xi32, #tpu.memory_space<vmem>>, vector<1x1x16xi32>,
    %swap3A_58 = vector.shape_cast %swap3A_57 : vector<1x1x16xi32> to vector<16xi32>
    %swap3A_59 = vector.shape_cast %and3A_51 : vector<16xi32> to vector<1x1x16xi32>
    tpu.vector_store %arg7[%swap3A_54, %swap3A_55, %swap3A_56], %swap3A_59 {strides = array<i32>} : memref<2x2x128xi32, #tpu.memory_space<vmem>>, vector<1x1x16xi32>,
    %shift_right_logical3A_60 = arith.constant 16 : i32
    %shift_right_logical3A_61 = vector.broadcast %shift_right_logical3A_60 : i32 to vector<16xi32>
    %shift_right_logical3A_62 = arith.shrui %get3A_48, %shift_right_logical3A_61 : vector<16xi32>
    %swap3A_63 = arith.constant 0 : i32
    %swap3A_64 = arith.constant 1 : i32
    %swap3A_65 = arith.index_cast %swap3A_63 : i32 to index
    %swap3A_66 = arith.index_cast %swap3A_64 : i32 to index
    %swap3A_67 = arith.constant 16 : index
    %swap3A_68 = tpu.vector_load %arg7[%swap3A_65, %swap3A_66, %swap3A_67] {strides = array<i32>} : memref<2x2x128xi32, #tpu.memory_space<vmem>>, vector<1x1x16xi32>,
    %swap3A_69 = vector.shape_cast %swap3A_68 : vector<1x1x16xi32> to vector<16xi32>
    %swap3A_70 = vector.shape_cast %shift_right_logical3A_62 : vector<16xi32> to vector<1x1x16xi32>
    tpu.vector_store %arg7[%swap3A_65, %swap3A_66, %swap3A_67], %swap3A_70 {strides = array<i32>} : memref<2x2x128xi32, #tpu.memory_space<vmem>>, vector<1x1x16xi32>,
    %get3A_71 = arith.constant 0 : i32
    %get3A_72 = arith.index_cast %get3A_71 : i32 to index
    %get3A_73 = arith.constant 32 : index
    %get3A_74 = tpu.vector_load %arg6[%get3A_72, %get3A_73] {strides = array<i32>} : memref<80x128xi32, #tpu.memory_space<vmem>>, vector<1x16xi32>,
    %get3A_75 = vector.shape_cast %get3A_74 : vector<1x16xi32> to vector<16xi32>
    %and3A_76 = arith.constant 65535 : i32
    %and3A_77 = vector.broadcast %and3A_76 : i32 to vector<16xi32>
    %and3A_78 = arith.andi %get3A_75, %and3A_77 : vector<16xi32>
    %swap3A_79 = arith.constant 0 : i32
    %swap3A_80 = arith.constant 0 : i32
    %swap3A_81 = arith.index_cast %swap3A_79 : i32 to index
    %swap3A_82 = arith.index_cast %swap3A_80 : i32 to index
    %swap3A_83 = arith.constant 32 : index
    %swap3A_84 = tpu.vector_load %arg7[%swap3A_81, %swap3A_82, %swap3A_83] {strides = array<i32>} : memref<2x2x128xi32, #tpu.memory_space<vmem>>, vector<1x1x16xi32>,
    %swap3A_85 = vector.shape_cast %swap3A_84 : vector<1x1x16xi32> to vector<16xi32>
    %swap3A_86 = vector.shape_cast %and3A_78 : vector<16xi32> to vector<1x1x16xi32>
    tpu.vector_store %arg7[%swap3A_81, %swap3A_82, %swap3A_83], %swap3A_86 {strides = array<i32>} : memref<2x2x128xi32, #tpu.memory_space<vmem>>, vector<1x1x16xi32>,
    %shift_right_logical3A_87 = arith.constant 16 : i32
    %shift_right_logical3A_88 = vector.broadcast %shift_right_logical3A_87 : i32 to vector<16xi32>
    %shift_right_logical3A_89 = arith.shrui %get3A_75, %shift_right_logical3A_88 : vector<16xi32>
    %swap3A_90 = arith.constant 0 : i32
    %swap3A_91 = arith.constant 1 : i32
    %swap3A_92 = arith.index_cast %swap3A_90 : i32 to index
    %swap3A_93 = arith.index_cast %swap3A_91 : i32 to index
    %swap3A_94 = arith.constant 32 : index
    %swap3A_95 = tpu.vector_load %arg7[%swap3A_92, %swap3A_93, %swap3A_94] {strides = array<i32>} : memref<2x2x128xi32, #tpu.memory_space<vmem>>, vector<1x1x16xi32>,
    %swap3A_96 = vector.shape_cast %swap3A_95 : vector<1x1x16xi32> to vector<16xi32>
    %swap3A_97 = vector.shape_cast %shift_right_logical3A_89 : vector<16xi32> to vector<1x1x16xi32>
    tpu.vector_store %arg7[%swap3A_92, %swap3A_93, %swap3A_94], %swap3A_97 {strides = array<i32>} : memref<2x2x128xi32, #tpu.memory_space<vmem>>, vector<1x1x16xi32>,
    %get3A_98 = arith.constant 0 : i32
    %get3A_99 = arith.index_cast %get3A_98 : i32 to index
    %get3A_100 = arith.constant 48 : index
    %get3A_101 = tpu.vector_load %arg6[%get3A_99, %get3A_100] {strides = array<i32>} : memref<80x128xi32, #tpu.memory_space<vmem>>, vector<1x16xi32>,
    %get3A_102 = vector.shape_cast %get3A_101 : vector<1x16xi32> to vector<16xi32>
    %and3A_103 = arith.constant 65535 : i32
    %and3A_104 = vector.broadcast %and3A_103 : i32 to vector<16xi32>
    %and3A_105 = arith.andi %get3A_102, %and3A_104 : vector<16xi32>
    %swap3A_106 = arith.constant 0 : i32
    %swap3A_107 = arith.constant 0 : i32
    %swap3A_108 = arith.index_cast %swap3A_106 : i32 to index
    %swap3A_109 = arith.index_cast %swap3A_107 : i32 to index
    %swap3A_110 = arith.constant 48 : index
    %swap3A_111 = tpu.vector_load %arg7[%swap3A_108, %swap3A_109, %swap3A_110] {strides = array<i32>} : memref<2x2x128xi32, #tpu.memory_space<vmem>>, vector<1x1x16xi32>,
    %swap3A_112 = vector.shape_cast %swap3A_111 : vector<1x1x16xi32> to vector<16xi32>
    %swap3A_113 = vector.shape_cast %and3A_105 : vector<16xi32> to vector<1x1x16xi32>
    tpu.vector_store %arg7[%swap3A_108, %swap3A_109, %swap3A_110], %swap3A_113 {strides = array<i32>} : memref<2x2x128xi32, #tpu.memory_space<vmem>>, vector<1x1x16xi32>,
    %shift_right_logical3A_114 = arith.constant 16 : i32
    %shift_right_logical3A_115 = vector.broadcast %shift_right_logical3A_114 : i32 to vector<16xi32>
    %shift_right_logical3A_116 = arith.shrui %get3A_102, %shift_right_logical3A_115 : vector<16xi32>
    %swap3A_117 = arith.constant 0 : i32
    %swap3A_118 = arith.constant 1 : i32
    %swap3A_119 = arith.index_cast %swap3A_117 : i32 to index
    %swap3A_120 = arith.index_cast %swap3A_118 : i32 to index
    %swap3A_121 = arith.constant 48 : index
    %swap3A_122 = tpu.vector_load %arg7[%swap3A_119, %swap3A_120, %swap3A_121] {strides = array<i32>} : memref<2x2x128xi32, #tpu.memory_space<vmem>>, vector<1x1x16xi32>,
    %swap3A_123 = vector.shape_cast %swap3A_122 : vector<1x1x16xi32> to vector<16xi32>
    %swap3A_124 = vector.shape_cast %shift_right_logical3A_116 : vector<16xi32> to vector<1x1x16xi32>
    tpu.vector_store %arg7[%swap3A_119, %swap3A_120, %swap3A_121], %swap3A_124 {strides = array<i32>} : memref<2x2x128xi32, #tpu.memory_space<vmem>>, vector<1x1x16xi32>,
    %get3A_125 = arith.constant 0 : i32
    %get3A_126 = arith.index_cast %get3A_125 : i32 to index
    %get3A_127 = arith.constant 64 : index
    %get3A_128 = tpu.vector_load %arg6[%get3A_126, %get3A_127] {strides = array<i32>} : memref<80x128xi32, #tpu.memory_space<vmem>>, vector<1x16xi32>,
    %get3A_129 = vector.shape_cast %get3A_128 : vector<1x16xi32> to vector<16xi32>
    %and3A_130 = arith.constant 65535 : i32
    %and3A_131 = vector.broadcast %and3A_130 : i32 to vector<16xi32>
    %and3A_132 = arith.andi %get3A_129, %and3A_131 : vector<16xi32>
    %swap3A_133 = arith.constant 0 : i32
    %swap3A_134 = arith.constant 0 : i32
    %swap3A_135 = arith.index_cast %swap3A_133 : i32 to index
    %swap3A_136 = arith.index_cast %swap3A_134 : i32 to index
    %swap3A_137 = arith.constant 64 : index
    %swap3A_138 = tpu.vector_load %arg7[%swap3A_135, %swap3A_136, %swap3A_137] {strides = array<i32>} : memref<2x2x128xi32, #tpu.memory_space<vmem>>, vector<1x1x16xi32>,
    %swap3A_139 = vector.shape_cast %swap3A_138 : vector<1x1x16xi32> to vector<16xi32>
    %swap3A_140 = vector.shape_cast %and3A_132 : vector<16xi32> to vector<1x1x16xi32>
    tpu.vector_store %arg7[%swap3A_135, %swap3A_136, %swap3A_137], %swap3A_140 {strides = array<i32>} : memref<2x2x128xi32, #tpu.memory_space<vmem>>, vector<1x1x16xi32>,
    %shift_right_logical3A_141 = arith.constant 16 : i32
    %shift_right_logical3A_142 = vector.broadcast %shift_right_logical3A_141 : i32 to vector<16xi32>
    %shift_right_logical3A_143 = arith.shrui %get3A_129, %shift_right_logical3A_142 : vector<16xi32>
    %swap3A_144 = arith.constant 0 : i32
    %swap3A_145 = arith.constant 1 : i32
    %swap3A_146 = arith.index_cast %swap3A_144 : i32 to index
    %swap3A_147 = arith.index_cast %swap3A_145 : i32 to index
    %swap3A_148 = arith.constant 64 : index
    %swap3A_149 = tpu.vector_load %arg7[%swap3A_146, %swap3A_147, %swap3A_148] {strides = array<i32>} : memref<2x2x128xi32, #tpu.memory_space<vmem>>, vector<1x1x16xi32>,
    %swap3A_150 = vector.shape_cast %swap3A_149 : vector<1x1x16xi32> to vector<16xi32>
    %swap3A_151 = vector.shape_cast %shift_right_logical3A_143 : vector<16xi32> to vector<1x1x16xi32>
    tpu.vector_store %arg7[%swap3A_146, %swap3A_147, %swap3A_148], %swap3A_151 {strides = array<i32>} : memref<2x2x128xi32, #tpu.memory_space<vmem>>, vector<1x1x16xi32>,
    %get3A_152 = arith.constant 0 : i32
    %get3A_153 = arith.index_cast %get3A_152 : i32 to index
    %get3A_154 = arith.constant 80 : index
    %get3A_155 = tpu.vector_load %arg6[%get3A_153, %get3A_154] {strides = array<i32>} : memref<80x128xi32, #tpu.memory_space<vmem>>, vector<1x16xi32>,
    %get3A_156 = vector.shape_cast %get3A_155 : vector<1x16xi32> to vector<16xi32>
    %and3A_157 = arith.constant 65535 : i32
    %and3A_158 = vector.broadcast %and3A_157 : i32 to vector<16xi32>
    %and3A_159 = arith.andi %get3A_156, %and3A_158 : vector<16xi32>
    %swap3A_160 = arith.constant 0 : i32
    %swap3A_161 = arith.constant 0 : i32
    %swap3A_162 = arith.index_cast %swap3A_160 : i32 to index
    %swap3A_163 = arith.index_cast %swap3A_161 : i32 to index
    %swap3A_164 = arith.constant 80 : index
    %swap3A_165 = tpu.vector_load %arg7[%swap3A_162, %swap3A_163, %swap3A_164] {strides = array<i32>} : memref<2x2x128xi32, #tpu.memory_space<vmem>>, vector<1x1x16xi32>,
    %swap3A_166 = vector.shape_cast %swap3A_165 : vector<1x1x16xi32> to vector<16xi32>
    %swap3A_167 = vector.shape_cast %and3A_159 : vector<16xi32> to vector<1x1x16xi32>
    tpu.vector_store %arg7[%swap3A_162, %swap3A_163, %swap3A_164], %swap3A_167 {strides = array<i32>} : memref<2x2x128xi32, #tpu.memory_space<vmem>>, vector<1x1x16xi32>,
    %shift_right_logical3A_168 = arith.constant 16 : i32
    %shift_right_logical3A_169 = vector.broadcast %shift_right_logical3A_168 : i32 to vector<16xi32>
    %shift_right_logical3A_170 = arith.shrui %get3A_156, %shift_right_logical3A_169 : vector<16xi32>
    %swap3A_171 = arith.constant 0 : i32
    %swap3A_172 = arith.constant 1 : i32
    %swap3A_173 = arith.index_cast %swap3A_171 : i32 to index
    %swap3A_174 = arith.index_cast %swap3A_172 : i32 to index
    %swap3A_175 = arith.constant 80 : index
    %swap3A_176 = tpu.vector_load %arg7[%swap3A_173, %swap3A_174, %swap3A_175] {strides = array<i32>} : memref<2x2x128xi32, #tpu.memory_space<vmem>>, vector<1x1x16xi32>,
    %swap3A_177 = vector.shape_cast %swap3A_176 : vector<1x1x16xi32> to vector<16xi32>
    %swap3A_178 = vector.shape_cast %shift_right_logical3A_170 : vector<16xi32> to vector<1x1x16xi32>
    tpu.vector_store %arg7[%swap3A_173, %swap3A_174, %swap3A_175], %swap3A_178 {strides = array<i32>} : memref<2x2x128xi32, #tpu.memory_space<vmem>>, vector<1x1x16xi32>,
    %get3A_179 = arith.constant 0 : i32
    %get3A_180 = arith.index_cast %get3A_179 : i32 to index
    %get3A_181 = arith.constant 96 : index
    %get3A_182 = tpu.vector_load %arg6[%get3A_180, %get3A_181] {strides = array<i32>} : memref<80x128xi32, #tpu.memory_space<vmem>>, vector<1x16xi32>,
    %get3A_183 = vector.shape_cast %get3A_182 : vector<1x16xi32> to vector<16xi32>
    %and3A_184 = arith.constant 65535 : i32
    %and3A_185 = vector.broadcast %and3A_184 : i32 to vector<16xi32>
    %and3A_186 = arith.andi %get3A_183, %and3A_185 : vector<16xi32>
    %swap3A_187 = arith.constant 0 : i32
    %swap3A_188 = arith.constant 0 : i32
    %swap3A_189 = arith.index_cast %swap3A_187 : i32 to index
    %swap3A_190 = arith.index_cast %swap3A_188 : i32 to index
    %swap3A_191 = arith.constant 96 : index
    %swap3A_192 = tpu.vector_load %arg7[%swap3A_189, %swap3A_190, %swap3A_191] {strides = array<i32>} : memref<2x2x128xi32, #tpu.memory_space<vmem>>, vector<1x1x16xi32>,
    %swap3A_193 = vector.shape_cast %swap3A_192 : vector<1x1x16xi32> to vector<16xi32>
    %swap3A_194 = vector.shape_cast %and3A_186 : vector<16xi32> to vector<1x1x16xi32>
    tpu.vector_store %arg7[%swap3A_189, %swap3A_190, %swap3A_191], %swap3A_194 {strides = array<i32>} : memref<2x2x128xi32, #tpu.memory_space<vmem>>, vector<1x1x16xi32>,
    %shift_right_logical3A_195 = arith.constant 16 : i32
    %shift_right_logical3A_196 = vector.broadcast %shift_right_logical3A_195 : i32 to vector<16xi32>
    %shift_right_logical3A_197 = arith.shrui %get3A_183, %shift_right_logical3A_196 : vector<16xi32>
    %swap3A_198 = arith.constant 0 : i32
    %swap3A_199 = arith.constant 1 : i32
    %swap3A_200 = arith.index_cast %swap3A_198 : i32 to index
    %swap3A_201 = arith.index_cast %swap3A_199 : i32 to index
    %swap3A_202 = arith.constant 96 : index
    %swap3A_203 = tpu.vector_load %arg7[%swap3A_200, %swap3A_201, %swap3A_202] {strides = array<i32>} : memref<2x2x128xi32, #tpu.memory_space<vmem>>, vector<1x1x16xi32>,
    %swap3A_204 = vector.shape_cast %swap3A_203 : vector<1x1x16xi32> to vector<16xi32>
    %swap3A_205 = vector.shape_cast %shift_right_logical3A_197 : vector<16xi32> to vector<1x1x16xi32>
    tpu.vector_store %arg7[%swap3A_200, %swap3A_201, %swap3A_202], %swap3A_205 {strides = array<i32>} : memref<2x2x128xi32, #tpu.memory_space<vmem>>, vector<1x1x16xi32>,
    %get3A_206 = arith.constant 0 : i32
    %get3A_207 = arith.index_cast %get3A_206 : i32 to index
    %get3A_208 = arith.constant 112 : index
    %get3A_209 = tpu.vector_load %arg6[%get3A_207, %get3A_208] {strides = array<i32>} : memref<80x128xi32, #tpu.memory_space<vmem>>, vector<1x16xi32>,
    %get3A_210 = vector.shape_cast %get3A_209 : vector<1x16xi32> to vector<16xi32>
    %and3A_211 = arith.constant 65535 : i32
    %and3A_212 = vector.broadcast %and3A_211 : i32 to vector<16xi32>
    %and3A_213 = arith.andi %get3A_210, %and3A_212 : vector<16xi32>
    %swap3A_214 = arith.constant 0 : i32
    %swap3A_215 = arith.constant 0 : i32
    %swap3A_216 = arith.index_cast %swap3A_214 : i32 to index
    %swap3A_217 = arith.index_cast %swap3A_215 : i32 to index
    %swap3A_218 = arith.constant 112 : index
    %swap3A_219 = tpu.vector_load %arg7[%swap3A_216, %swap3A_217, %swap3A_218] {strides = array<i32>} : memref<2x2x128xi32, #tpu.memory_space<vmem>>, vector<1x1x16xi32>,
    %swap3A_220 = vector.shape_cast %swap3A_219 : vector<1x1x16xi32> to vector<16xi32>
    %swap3A_221 = vector.shape_cast %and3A_213 : vector<16xi32> to vector<1x1x16xi32>
    tpu.vector_store %arg7[%swap3A_216, %swap3A_217, %swap3A_218], %swap3A_221 {strides = array<i32>} : memref<2x2x128xi32, #tpu.memory_space<vmem>>, vector<1x1x16xi32>,
    %shift_right_logical3A_222 = arith.constant 16 : i32
    %shift_right_logical3A_223 = vector.broadcast %shift_right_logical3A_222 : i32 to vector<16xi32>
    %shift_right_logical3A_224 = arith.shrui %get3A_210, %shift_right_logical3A_223 : vector<16xi32>
    %swap3A_225 = arith.constant 0 : i32
    %swap3A_226 = arith.constant 1 : i32
    %swap3A_227 = arith.index_cast %swap3A_225 : i32 to index
    %swap3A_228 = arith.index_cast %swap3A_226 : i32 to index
    %swap3A_229 = arith.constant 112 : index
    %swap3A_230 = tpu.vector_load %arg7[%swap3A_227, %swap3A_228, %swap3A_229] {strides = array<i32>} : memref<2x2x128xi32, #tpu.memory_space<vmem>>, vector<1x1x16xi32>,
    %swap3A_231 = vector.shape_cast %swap3A_230 : vector<1x1x16xi32> to vector<16xi32>
    %swap3A_232 = vector.shape_cast %shift_right_logical3A_224 : vector<16xi32> to vector<1x1x16xi32>
    tpu.vector_store %arg7[%swap3A_227, %swap3A_228, %swap3A_229], %swap3A_232 {strides = array<i32>} : memref<2x2x128xi32, #tpu.memory_space<vmem>>, vector<1x1x16xi32>,
    %dma_start3A = arith.constant 0 : i32
    %dma_start3A_233 = arith.constant 0 : i32
    %dma_start3A_234 = arith.constant 0 : i32
    %dma_start3A_235 = tpu.memref_slice %arg7[%dma_start3A, %dma_start3A_233, %dma_start3A_234] : memref<2x2x128xi32, #tpu.memory_space<vmem>> -> memref<1x1x128xi32, #tpu.memory_space<vmem>>
    %dma_start3A_236 = tpu.memref_squeeze %dma_start3A_235 : memref<1x1x128xi32, #tpu.memory_space<vmem>> -> memref<128xi32, #tpu.memory_space<vmem>>
    %dma_start3A_237 = arith.constant 0 : i32
    %dma_start3A_238 = arith.constant 0 : i32
    %dma_start3A_239 = tpu.memref_slice %arg2[%dma_start3A_237, %dma_start3A_238] : memref<10000x128xf32, #tpu.memory_space<hbm>> -> memref<10000x128xf32, #tpu.memory_space<hbm>>
    tpu.enqueue_indirect_dma source(%dma_start3A_239 : memref<10000x128xf32, #tpu.memory_space<hbm>>) target(%arg8 : memref<128x128xf32, #tpu.memory_space<vmem>>) offsets(%dma_start3A_236 : memref<128xi32, #tpu.memory_space<vmem>>) semaphore(%arg10 : memref<!tpu.dma_semaphore, #tpu.memory_space<semaphore_mem>>)
    %scan3A = arith.constant 0 : i32
    %scan3A_240 = arith.constant 0 : i32
    %scan3A_241 = arith.constant 40 : i32
    %scan3A_242 = arith.addi %scan3A_240, %scan3A_241 : i32
    %scan3A_243 = arith.constant 1 : i32
    scf.for %scan3A_250 = %scan3A_240 to %scan3A_242 step %scan3A_243  : i32 {
      %mul3A_251 = arith.constant 2 : i32
      %mul3A_252 = arith.muli %mul3A_251, %scan3A_250 : i32
      %add3A_253 = arith.constant 1 : i32
      %add3A_254 = arith.addi %mul3A_252, %add3A_253 : i32
      %get3A_255 = arith.index_cast %add3A_254 : i32 to index
      %get3A_256 = arith.constant 0 : index
      %get3A_257 = tpu.vector_load %arg6[%get3A_255, %get3A_256] {strides = array<i32>} : memref<80x128xi32, #tpu.memory_space<vmem>>, vector<1x16xi32>,
      %get3A_258 = vector.shape_cast %get3A_257 : vector<1x16xi32> to vector<16xi32>
      %and3A_259 = arith.constant 65535 : i32
      %and3A_260 = vector.broadcast %and3A_259 : i32 to vector<16xi32>
      %and3A_261 = arith.andi %get3A_258, %and3A_260 : vector<16xi32>
      %swap3A_262 = arith.constant 1 : i32
      %swap3A_263 = arith.constant 0 : i32
      %swap3A_264 = arith.index_cast %swap3A_262 : i32 to index
      %swap3A_265 = arith.index_cast %swap3A_263 : i32 to index
      %swap3A_266 = arith.constant 0 : index
      %swap3A_267 = tpu.vector_load %arg7[%swap3A_264, %swap3A_265, %swap3A_266] {strides = array<i32>} : memref<2x2x128xi32, #tpu.memory_space<vmem>>, vector<1x1x16xi32>,
      %swap3A_268 = vector.shape_cast %swap3A_267 : vector<1x1x16xi32> to vector<16xi32>
      %swap3A_269 = vector.shape_cast %and3A_261 : vector<16xi32> to vector<1x1x16xi32>
      tpu.vector_store %arg7[%swap3A_264, %swap3A_265, %swap3A_266], %swap3A_269 {strides = array<i32>} : memref<2x2x128xi32, #tpu.memory_space<vmem>>, vector<1x1x16xi32>,
      %shift_right_logical3A_270 = arith.constant 16 : i32
      %shift_right_logical3A_271 = vector.broadcast %shift_right_logical3A_270 : i32 to vector<16xi32>
      %shift_right_logical3A_272 = arith.shrui %get3A_258, %shift_right_logical3A_271 : vector<16xi32>
      %swap3A_273 = arith.constant 1 : i32
      %swap3A_274 = arith.constant 1 : i32
      %swap3A_275 = arith.index_cast %swap3A_273 : i32 to index
      %swap3A_276 = arith.index_cast %swap3A_274 : i32 to index
      %swap3A_277 = arith.constant 0 : index
      %swap3A_278 = tpu.vector_load %arg7[%swap3A_275, %swap3A_276, %swap3A_277] {strides = array<i32>} : memref<2x2x128xi32, #tpu.memory_space<vmem>>, vector<1x1x16xi32>,
      %swap3A_279 = vector.shape_cast %swap3A_278 : vector<1x1x16xi32> to vector<16xi32>
      %swap3A_280 = vector.shape_cast %shift_right_logical3A_272 : vector<16xi32> to vector<1x1x16xi32>
      tpu.vector_store %arg7[%swap3A_275, %swap3A_276, %swap3A_277], %swap3A_280 {strides = array<i32>} : memref<2x2x128xi32, #tpu.memory_space<vmem>>, vector<1x1x16xi32>,
      %get3A_281 = arith.index_cast %add3A_254 : i32 to index
      %get3A_282 = arith.constant 16 : index
      %get3A_283 = tpu.vector_load %arg6[%get3A_281, %get3A_282] {strides = array<i32>} : memref<80x128xi32, #tpu.memory_space<vmem>>, vector<1x16xi32>,
      %get3A_284 = vector.shape_cast %get3A_283 : vector<1x16xi32> to vector<16xi32>
      %and3A_285 = arith.constant 65535 : i32
      %and3A_286 = vector.broadcast %and3A_285 : i32 to vector<16xi32>
      %and3A_287 = arith.andi %get3A_284, %and3A_286 : vector<16xi32>
      %swap3A_288 = arith.constant 1 : i32
      %swap3A_289 = arith.constant 0 : i32
      %swap3A_290 = arith.index_cast %swap3A_288 : i32 to index
      %swap3A_291 = arith.index_cast %swap3A_289 : i32 to index
      %swap3A_292 = arith.constant 16 : index
      %swap3A_293 = tpu.vector_load %arg7[%swap3A_290, %swap3A_291, %swap3A_292] {strides = array<i32>} : memref<2x2x128xi32, #tpu.memory_space<vmem>>, vector<1x1x16xi32>,
      %swap3A_294 = vector.shape_cast %swap3A_293 : vector<1x1x16xi32> to vector<16xi32>
      %swap3A_295 = vector.shape_cast %and3A_287 : vector<16xi32> to vector<1x1x16xi32>
      tpu.vector_store %arg7[%swap3A_290, %swap3A_291, %swap3A_292], %swap3A_295 {strides = array<i32>} : memref<2x2x128xi32, #tpu.memory_space<vmem>>, vector<1x1x16xi32>,
      %shift_right_logical3A_296 = arith.constant 16 : i32
      %shift_right_logical3A_297 = vector.broadcast %shift_right_logical3A_296 : i32 to vector<16xi32>
      %shift_right_logical3A_298 = arith.shrui %get3A_284, %shift_right_logical3A_297 : vector<16xi32>
      %swap3A_299 = arith.constant 1 : i32
      %swap3A_300 = arith.constant 1 : i32
      %swap3A_301 = arith.index_cast %swap3A_299 : i32 to index
      %swap3A_302 = arith.index_cast %swap3A_300 : i32 to index
      %swap3A_303 = arith.constant 16 : index
      %swap3A_304 = tpu.vector_load %arg7[%swap3A_301, %swap3A_302, %swap3A_303] {strides = array<i32>} : memref<2x2x128xi32, #tpu.memory_space<vmem>>, vector<1x1x16xi32>,
      %swap3A_305 = vector.shape_cast %swap3A_304 : vector<1x1x16xi32> to vector<16xi32>
      %swap3A_306 = vector.shape_cast %shift_right_logical3A_298 : vector<16xi32> to vector<1x1x16xi32>
      tpu.vector_store %arg7[%swap3A_301, %swap3A_302, %swap3A_303], %swap3A_306 {strides = array<i32>} : memref<2x2x128xi32, #tpu.memory_space<vmem>>, vector<1x1x16xi32>,
      %get3A_307 = arith.index_cast %add3A_254 : i32 to index
      %get3A_308 = arith.constant 32 : index
      %get3A_309 = tpu.vector_load %arg6[%get3A_307, %get3A_308] {strides = array<i32>} : memref<80x128xi32, #tpu.memory_space<vmem>>, vector<1x16xi32>,
      %get3A_310 = vector.shape_cast %get3A_309 : vector<1x16xi32> to vector<16xi32>
      %and3A_311 = arith.constant 65535 : i32
      %and3A_312 = vector.broadcast %and3A_311 : i32 to vector<16xi32>
      %and3A_313 = arith.andi %get3A_310, %and3A_312 : vector<16xi32>
      %swap3A_314 = arith.constant 1 : i32
      %swap3A_315 = arith.constant 0 : i32
      %swap3A_316 = arith.index_cast %swap3A_314 : i32 to index
      %swap3A_317 = arith.index_cast %swap3A_315 : i32 to index
      %swap3A_318 = arith.constant 32 : index
      %swap3A_319 = tpu.vector_load %arg7[%swap3A_316, %swap3A_317, %swap3A_318] {strides = array<i32>} : memref<2x2x128xi32, #tpu.memory_space<vmem>>, vector<1x1x16xi32>,
      %swap3A_320 = vector.shape_cast %swap3A_319 : vector<1x1x16xi32> to vector<16xi32>
      %swap3A_321 = vector.shape_cast %and3A_313 : vector<16xi32> to vector<1x1x16xi32>
      tpu.vector_store %arg7[%swap3A_316, %swap3A_317, %swap3A_318], %swap3A_321 {strides = array<i32>} : memref<2x2x128xi32, #tpu.memory_space<vmem>>, vector<1x1x16xi32>,
      %shift_right_logical3A_322 = arith.constant 16 : i32
      %shift_right_logical3A_323 = vector.broadcast %shift_right_logical3A_322 : i32 to vector<16xi32>
      %shift_right_logical3A_324 = arith.shrui %get3A_310, %shift_right_logical3A_323 : vector<16xi32>
      %swap3A_325 = arith.constant 1 : i32
      %swap3A_326 = arith.constant 1 : i32
      %swap3A_327 = arith.index_cast %swap3A_325 : i32 to index
      %swap3A_328 = arith.index_cast %swap3A_326 : i32 to index
      %swap3A_329 = arith.constant 32 : index
      %swap3A_330 = tpu.vector_load %arg7[%swap3A_327, %swap3A_328, %swap3A_329] {strides = array<i32>} : memref<2x2x128xi32, #tpu.memory_space<vmem>>, vector<1x1x16xi32>,
      %swap3A_331 = vector.shape_cast %swap3A_330 : vector<1x1x16xi32> to vector<16xi32>
      %swap3A_332 = vector.shape_cast %shift_right_logical3A_324 : vector<16xi32> to vector<1x1x16xi32>
      tpu.vector_store %arg7[%swap3A_327, %swap3A_328, %swap3A_329], %swap3A_332 {strides = array<i32>} : memref<2x2x128xi32, #tpu.memory_space<vmem>>, vector<1x1x16xi32>,
      %get3A_333 = arith.index_cast %add3A_254 : i32 to index
      %get3A_334 = arith.constant 48 : index
      %get3A_335 = tpu.vector_load %arg6[%get3A_333, %get3A_334] {strides = array<i32>} : memref<80x128xi32, #tpu.memory_space<vmem>>, vector<1x16xi32>,
      %get3A_336 = vector.shape_cast %get3A_335 : vector<1x16xi32> to vector<16xi32>
      %and3A_337 = arith.constant 65535 : i32
      %and3A_338 = vector.broadcast %and3A_337 : i32 to vector<16xi32>
      %and3A_339 = arith.andi %get3A_336, %and3A_338 : vector<16xi32>
      %swap3A_340 = arith.constant 1 : i32
      %swap3A_341 = arith.constant 0 : i32
      %swap3A_342 = arith.index_cast %swap3A_340 : i32 to index
      %swap3A_343 = arith.index_cast %swap3A_341 : i32 to index
      %swap3A_344 = arith.constant 48 : index
      %swap3A_345 = tpu.vector_load %arg7[%swap3A_342, %swap3A_343, %swap3A_344] {strides = array<i32>} : memref<2x2x128xi32, #tpu.memory_space<vmem>>, vector<1x1x16xi32>,
      %swap3A_346 = vector.shape_cast %swap3A_345 : vector<1x1x16xi32> to vector<16xi32>
      %swap3A_347 = vector.shape_cast %and3A_339 : vector<16xi32> to vector<1x1x16xi32>
      tpu.vector_store %arg7[%swap3A_342, %swap3A_343, %swap3A_344], %swap3A_347 {strides = array<i32>} : memref<2x2x128xi32, #tpu.memory_space<vmem>>, vector<1x1x16xi32>,
      %shift_right_logical3A_348 = arith.constant 16 : i32
      %shift_right_logical3A_349 = vector.broadcast %shift_right_logical3A_348 : i32 to vector<16xi32>
      %shift_right_logical3A_350 = arith.shrui %get3A_336, %shift_right_logical3A_349 : vector<16xi32>
      %swap3A_351 = arith.constant 1 : i32
      %swap3A_352 = arith.constant 1 : i32
      %swap3A_353 = arith.index_cast %swap3A_351 : i32 to index
      %swap3A_354 = arith.index_cast %swap3A_352 : i32 to index
      %swap3A_355 = arith.constant 48 : index
      %swap3A_356 = tpu.vector_load %arg7[%swap3A_353, %swap3A_354, %swap3A_355] {strides = array<i32>} : memref<2x2x128xi32, #tpu.memory_space<vmem>>, vector<1x1x16xi32>,
      %swap3A_357 = vector.shape_cast %swap3A_356 : vector<1x1x16xi32> to vector<16xi32>
      %swap3A_358 = vector.shape_cast %shift_right_logical3A_350 : vector<16xi32> to vector<1x1x16xi32>
      tpu.vector_store %arg7[%swap3A_353, %swap3A_354, %swap3A_355], %swap3A_358 {strides = array<i32>} : memref<2x2x128xi32, #tpu.memory_space<vmem>>, vector<1x1x16xi32>,
      %get3A_359 = arith.index_cast %add3A_254 : i32 to index
      %get3A_360 = arith.constant 64 : index
      %get3A_361 = tpu.vector_load %arg6[%get3A_359, %get3A_360] {strides = array<i32>} : memref<80x128xi32, #tpu.memory_space<vmem>>, vector<1x16xi32>,
      %get3A_362 = vector.shape_cast %get3A_361 : vector<1x16xi32> to vector<16xi32>
      %and3A_363 = arith.constant 65535 : i32
      %and3A_364 = vector.broadcast %and3A_363 : i32 to vector<16xi32>
      %and3A_365 = arith.andi %get3A_362, %and3A_364 : vector<16xi32>
      %swap3A_366 = arith.constant 1 : i32
      %swap3A_367 = arith.constant 0 : i32
      %swap3A_368 = arith.index_cast %swap3A_366 : i32 to index
      %swap3A_369 = arith.index_cast %swap3A_367 : i32 to index
      %swap3A_370 = arith.constant 64 : index
      %swap3A_371 = tpu.vector_load %arg7[%swap3A_368, %swap3A_369, %swap3A_370] {strides = array<i32>} : memref<2x2x128xi32, #tpu.memory_space<vmem>>, vector<1x1x16xi32>,
      %swap3A_372 = vector.shape_cast %swap3A_371 : vector<1x1x16xi32> to vector<16xi32>
      %swap3A_373 = vector.shape_cast %and3A_365 : vector<16xi32> to vector<1x1x16xi32>
      tpu.vector_store %arg7[%swap3A_368, %swap3A_369, %swap3A_370], %swap3A_373 {strides = array<i32>} : memref<2x2x128xi32, #tpu.memory_space<vmem>>, vector<1x1x16xi32>,
      %shift_right_logical3A_374 = arith.constant 16 : i32
      %shift_right_logical3A_375 = vector.broadcast %shift_right_logical3A_374 : i32 to vector<16xi32>
      %shift_right_logical3A_376 = arith.shrui %get3A_362, %shift_right_logical3A_375 : vector<16xi32>
      %swap3A_377 = arith.constant 1 : i32
      %swap3A_378 = arith.constant 1 : i32
      %swap3A_379 = arith.index_cast %swap3A_377 : i32 to index
      %swap3A_380 = arith.index_cast %swap3A_378 : i32 to index
      %swap3A_381 = arith.constant 64 : index
      %swap3A_382 = tpu.vector_load %arg7[%swap3A_379, %swap3A_380, %swap3A_381] {strides = array<i32>} : memref<2x2x128xi32, #tpu.memory_space<vmem>>, vector<1x1x16xi32>,
      %swap3A_383 = vector.shape_cast %swap3A_382 : vector<1x1x16xi32> to vector<16xi32>
      %swap3A_384 = vector.shape_cast %shift_right_logical3A_376 : vector<16xi32> to vector<1x1x16xi32>
      tpu.vector_store %arg7[%swap3A_379, %swap3A_380, %swap3A_381], %swap3A_384 {strides = array<i32>} : memref<2x2x128xi32, #tpu.memory_space<vmem>>, vector<1x1x16xi32>,
      %get3A_385 = arith.index_cast %add3A_254 : i32 to index
      %get3A_386 = arith.constant 80 : index
      %get3A_387 = tpu.vector_load %arg6[%get3A_385, %get3A_386] {strides = array<i32>} : memref<80x128xi32, #tpu.memory_space<vmem>>, vector<1x16xi32>,
      %get3A_388 = vector.shape_cast %get3A_387 : vector<1x16xi32> to vector<16xi32>
      %and3A_389 = arith.constant 65535 : i32
      %and3A_390 = vector.broadcast %and3A_389 : i32 to vector<16xi32>
      %and3A_391 = arith.andi %get3A_388, %and3A_390 : vector<16xi32>
      %swap3A_392 = arith.constant 1 : i32
      %swap3A_393 = arith.constant 0 : i32
      %swap3A_394 = arith.index_cast %swap3A_392 : i32 to index
      %swap3A_395 = arith.index_cast %swap3A_393 : i32 to index
      %swap3A_396 = arith.constant 80 : index
      %swap3A_397 = tpu.vector_load %arg7[%swap3A_394, %swap3A_395, %swap3A_396] {strides = array<i32>} : memref<2x2x128xi32, #tpu.memory_space<vmem>>, vector<1x1x16xi32>,
      %swap3A_398 = vector.shape_cast %swap3A_397 : vector<1x1x16xi32> to vector<16xi32>
      %swap3A_399 = vector.shape_cast %and3A_391 : vector<16xi32> to vector<1x1x16xi32>
      tpu.vector_store %arg7[%swap3A_394, %swap3A_395, %swap3A_396], %swap3A_399 {strides = array<i32>} : memref<2x2x128xi32, #tpu.memory_space<vmem>>, vector<1x1x16xi32>,
      %shift_right_logical3A_400 = arith.constant 16 : i32
      %shift_right_logical3A_401 = vector.broadcast %shift_right_logical3A_400 : i32 to vector<16xi32>
      %shift_right_logical3A_402 = arith.shrui %get3A_388, %shift_right_logical3A_401 : vector<16xi32>
      %swap3A_403 = arith.constant 1 : i32
      %swap3A_404 = arith.constant 1 : i32
      %swap3A_405 = arith.index_cast %swap3A_403 : i32 to index
      %swap3A_406 = arith.index_cast %swap3A_404 : i32 to index
      %swap3A_407 = arith.constant 80 : index
      %swap3A_408 = tpu.vector_load %arg7[%swap3A_405, %swap3A_406, %swap3A_407] {strides = array<i32>} : memref<2x2x128xi32, #tpu.memory_space<vmem>>, vector<1x1x16xi32>,
      %swap3A_409 = vector.shape_cast %swap3A_408 : vector<1x1x16xi32> to vector<16xi32>
      %swap3A_410 = vector.shape_cast %shift_right_logical3A_402 : vector<16xi32> to vector<1x1x16xi32>
      tpu.vector_store %arg7[%swap3A_405, %swap3A_406, %swap3A_407], %swap3A_410 {strides = array<i32>} : memref<2x2x128xi32, #tpu.memory_space<vmem>>, vector<1x1x16xi32>,
      %get3A_411 = arith.index_cast %add3A_254 : i32 to index
      %get3A_412 = arith.constant 96 : index
      %get3A_413 = tpu.vector_load %arg6[%get3A_411, %get3A_412] {strides = array<i32>} : memref<80x128xi32, #tpu.memory_space<vmem>>, vector<1x16xi32>,
      %get3A_414 = vector.shape_cast %get3A_413 : vector<1x16xi32> to vector<16xi32>
      %and3A_415 = arith.constant 65535 : i32
      %and3A_416 = vector.broadcast %and3A_415 : i32 to vector<16xi32>
      %and3A_417 = arith.andi %get3A_414, %and3A_416 : vector<16xi32>
      %swap3A_418 = arith.constant 1 : i32
      %swap3A_419 = arith.constant 0 : i32
      %swap3A_420 = arith.index_cast %swap3A_418 : i32 to index
      %swap3A_421 = arith.index_cast %swap3A_419 : i32 to index
      %swap3A_422 = arith.constant 96 : index
      %swap3A_423 = tpu.vector_load %arg7[%swap3A_420, %swap3A_421, %swap3A_422] {strides = array<i32>} : memref<2x2x128xi32, #tpu.memory_space<vmem>>, vector<1x1x16xi32>,
      %swap3A_424 = vector.shape_cast %swap3A_423 : vector<1x1x16xi32> to vector<16xi32>
      %swap3A_425 = vector.shape_cast %and3A_417 : vector<16xi32> to vector<1x1x16xi32>
      tpu.vector_store %arg7[%swap3A_420, %swap3A_421, %swap3A_422], %swap3A_425 {strides = array<i32>} : memref<2x2x128xi32, #tpu.memory_space<vmem>>, vector<1x1x16xi32>,
      %shift_right_logical3A_426 = arith.constant 16 : i32
      %shift_right_logical3A_427 = vector.broadcast %shift_right_logical3A_426 : i32 to vector<16xi32>
      %shift_right_logical3A_428 = arith.shrui %get3A_414, %shift_right_logical3A_427 : vector<16xi32>
      %swap3A_429 = arith.constant 1 : i32
      %swap3A_430 = arith.constant 1 : i32
      %swap3A_431 = arith.index_cast %swap3A_429 : i32 to index
      %swap3A_432 = arith.index_cast %swap3A_430 : i32 to index
      %swap3A_433 = arith.constant 96 : index
      %swap3A_434 = tpu.vector_load %arg7[%swap3A_431, %swap3A_432, %swap3A_433] {strides = array<i32>} : memref<2x2x128xi32, #tpu.memory_space<vmem>>, vector<1x1x16xi32>,
      %swap3A_435 = vector.shape_cast %swap3A_434 : vector<1x1x16xi32> to vector<16xi32>
      %swap3A_436 = vector.shape_cast %shift_right_logical3A_428 : vector<16xi32> to vector<1x1x16xi32>
      tpu.vector_store %arg7[%swap3A_431, %swap3A_432, %swap3A_433], %swap3A_436 {strides = array<i32>} : memref<2x2x128xi32, #tpu.memory_space<vmem>>, vector<1x1x16xi32>,
      %get3A_437 = arith.index_cast %add3A_254 : i32 to index
      %get3A_438 = arith.constant 112 : index
      %get3A_439 = tpu.vector_load %arg6[%get3A_437, %get3A_438] {strides = array<i32>} : memref<80x128xi32, #tpu.memory_space<vmem>>, vector<1x16xi32>,
      %get3A_440 = vector.shape_cast %get3A_439 : vector<1x16xi32> to vector<16xi32>
      %and3A_441 = arith.constant 65535 : i32
      %and3A_442 = vector.broadcast %and3A_441 : i32 to vector<16xi32>
      %and3A_443 = arith.andi %get3A_440, %and3A_442 : vector<16xi32>
      %swap3A_444 = arith.constant 1 : i32
      %swap3A_445 = arith.constant 0 : i32
      %swap3A_446 = arith.index_cast %swap3A_444 : i32 to index
      %swap3A_447 = arith.index_cast %swap3A_445 : i32 to index
      %swap3A_448 = arith.constant 112 : index
      %swap3A_449 = tpu.vector_load %arg7[%swap3A_446, %swap3A_447, %swap3A_448] {strides = array<i32>} : memref<2x2x128xi32, #tpu.memory_space<vmem>>, vector<1x1x16xi32>,
      %swap3A_450 = vector.shape_cast %swap3A_449 : vector<1x1x16xi32> to vector<16xi32>
      %swap3A_451 = vector.shape_cast %and3A_443 : vector<16xi32> to vector<1x1x16xi32>
      tpu.vector_store %arg7[%swap3A_446, %swap3A_447, %swap3A_448], %swap3A_451 {strides = array<i32>} : memref<2x2x128xi32, #tpu.memory_space<vmem>>, vector<1x1x16xi32>,
      %shift_right_logical3A_452 = arith.constant 16 : i32
      %shift_right_logical3A_453 = vector.broadcast %shift_right_logical3A_452 : i32 to vector<16xi32>
      %shift_right_logical3A_454 = arith.shrui %get3A_440, %shift_right_logical3A_453 : vector<16xi32>
      %swap3A_455 = arith.constant 1 : i32
      %swap3A_456 = arith.constant 1 : i32
      %swap3A_457 = arith.index_cast %swap3A_455 : i32 to index
      %swap3A_458 = arith.index_cast %swap3A_456 : i32 to index
      %swap3A_459 = arith.constant 112 : index
      %swap3A_460 = tpu.vector_load %arg7[%swap3A_457, %swap3A_458, %swap3A_459] {strides = array<i32>} : memref<2x2x128xi32, #tpu.memory_space<vmem>>, vector<1x1x16xi32>,
      %swap3A_461 = vector.shape_cast %swap3A_460 : vector<1x1x16xi32> to vector<16xi32>
      %swap3A_462 = vector.shape_cast %shift_right_logical3A_454 : vector<16xi32> to vector<1x1x16xi32>
      tpu.vector_store %arg7[%swap3A_457, %swap3A_458, %swap3A_459], %swap3A_462 {strides = array<i32>} : memref<2x2x128xi32, #tpu.memory_space<vmem>>, vector<1x1x16xi32>,
      %dma_start3A_463 = arith.constant 1 : i32
      %dma_start3A_464 = arith.constant 0 : i32
      %dma_start3A_465 = arith.constant 0 : i32
      %dma_start3A_466 = tpu.memref_slice %arg7[%dma_start3A_463, %dma_start3A_464, %dma_start3A_465] : memref<2x2x128xi32, #tpu.memory_space<vmem>> -> memref<1x1x128xi32, #tpu.memory_space<vmem>>
      %dma_start3A_467 = tpu.memref_squeeze %dma_start3A_466 : memref<1x1x128xi32, #tpu.memory_space<vmem>> -> memref<128xi32, #tpu.memory_space<vmem>>
      %dma_start3A_468 = arith.constant 0 : i32
      %dma_start3A_469 = arith.constant 0 : i32
      %dma_start3A_470 = tpu.memref_slice %arg2[%dma_start3A_468, %dma_start3A_469] : memref<10000x128xf32, #tpu.memory_space<hbm>> -> memref<10000x128xf32, #tpu.memory_space<hbm>>
      tpu.enqueue_indirect_dma source(%dma_start3A_470 : memref<10000x128xf32, #tpu.memory_space<hbm>>) target(%arg9 : memref<128x128xf32, #tpu.memory_space<vmem>>) offsets(%dma_start3A_467 : memref<128xi32, #tpu.memory_space<vmem>>) semaphore(%arg11 : memref<!tpu.dma_semaphore, #tpu.memory_space<semaphore_mem>>)
      %dma_wait3A = arith.constant 0 : i32
      %dma_wait3A_471 = arith.constant 0 : i32
      %dma_wait3A_472 = arith.constant 0 : i32
      %dma_wait3A_473 = tpu.memref_slice %arg7[%dma_wait3A, %dma_wait3A_471, %dma_wait3A_472] : memref<2x2x128xi32, #tpu.memory_space<vmem>> -> memref<1x1x128xi32, #tpu.memory_space<vmem>>
      %dma_wait3A_474 = tpu.memref_squeeze %dma_wait3A_473 : memref<1x1x128xi32, #tpu.memory_space<vmem>> -> memref<128xi32, #tpu.memory_space<vmem>>
      %dma_wait3A_475 = arith.constant 0 : i32
      %dma_wait3A_476 = arith.constant 0 : i32
      %dma_wait3A_477 = tpu.memref_slice %arg2[%dma_wait3A_475, %dma_wait3A_476] : memref<10000x128xf32, #tpu.memory_space<hbm>> -> memref<10000x128xf32, #tpu.memory_space<hbm>>
      tpu.wait_indirect_dma semaphore(%arg10 : memref<!tpu.dma_semaphore, #tpu.memory_space<semaphore_mem>>) src(%dma_wait3A_477 : memref<10000x128xf32, #tpu.memory_space<hbm>>) dst(%arg8 : memref<128x128xf32, #tpu.memory_space<vmem>>)
      %run_scoped3A = arith.constant 0 : i32
      %run_scoped3A_478 = arith.constant 1 : i32
      "tpu.region"() ({
        %run_scoped3A_491 = tpu.sem_alloc : memref<!tpu.dma_semaphore, #tpu.memory_space<semaphore_mem>>
        %dma_start3A_492 = arith.constant 0 : i32
        %dma_start3A_493 = tpu.memref_slice %arg7[%run_scoped3A, %run_scoped3A_478, %dma_start3A_492] : memref<2x2x128xi32, #tpu.memory_space<vmem>> -> memref<1x1x128xi32, #tpu.memory_space<vmem>>
        %dma_start3A_494 = tpu.memref_squeeze %dma_start3A_493 : memref<1x1x128xi32, #tpu.memory_space<vmem>> -> memref<128xi32, #tpu.memory_space<vmem>>
        %dma_start3A_495 = arith.constant 0 : i32
        %dma_start3A_496 = arith.constant 0 : i32
        %dma_start3A_497 = tpu.memref_slice %arg12[%dma_start3A_495, %dma_start3A_496] : memref<10240x128xf32, #tpu.memory_space<vmem_shared>> -> memref<10240x128xf32, #tpu.memory_space<vmem_shared>>
        tpu.enqueue_indirect_dma source(%arg8 : memref<128x128xf32, #tpu.memory_space<vmem>>) target(%dma_start3A_497 : memref<10240x128xf32, #tpu.memory_space<vmem_shared>>) offsets(%dma_start3A_494 : memref<128xi32, #tpu.memory_space<vmem>>) semaphore(%run_scoped3A_491 : memref<!tpu.dma_semaphore, #tpu.memory_space<semaphore_mem>>) {add = true}
        %dma_wait3A_498 = arith.constant 0 : i32
        %dma_wait3A_499 = tpu.memref_slice %arg7[%run_scoped3A, %run_scoped3A_478, %dma_wait3A_498] : memref<2x2x128xi32, #tpu.memory_space<vmem>> -> memref<1x1x128xi32, #tpu.memory_space<vmem>>
        %dma_wait3A_500 = tpu.memref_squeeze %dma_wait3A_499 : memref<1x1x128xi32, #tpu.memory_space<vmem>> -> memref<128xi32, #tpu.memory_space<vmem>>
        %dma_wait3A_501 = arith.constant 0 : i32
        %dma_wait3A_502 = arith.constant 0 : i32
        %dma_wait3A_503 = tpu.memref_slice %arg12[%dma_wait3A_501, %dma_wait3A_502] : memref<10240x128xf32, #tpu.memory_space<vmem_shared>> -> memref<10240x128xf32, #tpu.memory_space<vmem_shared>>
        tpu.wait_indirect_dma semaphore(%run_scoped3A_491 : memref<!tpu.dma_semaphore, #tpu.memory_space<semaphore_mem>>) src(%arg8 : memref<128x128xf32, #tpu.memory_space<vmem>>) dst(%dma_wait3A_503 : memref<10240x128xf32, #tpu.memory_space<vmem_shared>>)
        tpu.yield
      }) : () -> ()
      %lt3A = arith.constant 39 : i32
      %lt3A_479 = arith.cmpi slt, %scan3A_250, %lt3A : i32
      %convert_element_type3A = arith.extui %lt3A_479 : i1 to i32
      %cond3A = arith.constant 0 : i32
      %cond3A_480 = arith.cmpi ne, %convert_element_type3A, %cond3A : i32
      scf.if %cond3A_480 {
        %add3A_491 = arith.constant 2 : i32
        %add3A_492 = arith.addi %mul3A_252, %add3A_491 : i32
        %get3A_493 = arith.index_cast %add3A_492 : i32 to index
        %get3A_494 = arith.constant 0 : index
        %get3A_495 = tpu.vector_load %arg6[%get3A_493, %get3A_494] {strides = array<i32>} : memref<80x128xi32, #tpu.memory_space<vmem>>, vector<1x16xi32>,
        %get3A_496 = vector.shape_cast %get3A_495 : vector<1x16xi32> to vector<16xi32>
        %and3A_497 = arith.constant 65535 : i32
        %and3A_498 = vector.broadcast %and3A_497 : i32 to vector<16xi32>
        %and3A_499 = arith.andi %get3A_496, %and3A_498 : vector<16xi32>
        %swap3A_500 = arith.constant 0 : i32
        %swap3A_501 = arith.constant 0 : i32
        %swap3A_502 = arith.index_cast %swap3A_500 : i32 to index
        %swap3A_503 = arith.index_cast %swap3A_501 : i32 to index
        %swap3A_504 = arith.constant 0 : index
        %swap3A_505 = tpu.vector_load %arg7[%swap3A_502, %swap3A_503, %swap3A_504] {strides = array<i32>} : memref<2x2x128xi32, #tpu.memory_space<vmem>>, vector<1x1x16xi32>,
        %swap3A_506 = vector.shape_cast %swap3A_505 : vector<1x1x16xi32> to vector<16xi32>
        %swap3A_507 = vector.shape_cast %and3A_499 : vector<16xi32> to vector<1x1x16xi32>
        tpu.vector_store %arg7[%swap3A_502, %swap3A_503, %swap3A_504], %swap3A_507 {strides = array<i32>} : memref<2x2x128xi32, #tpu.memory_space<vmem>>, vector<1x1x16xi32>,
        %shift_right_logical3A_508 = arith.constant 16 : i32
        %shift_right_logical3A_509 = vector.broadcast %shift_right_logical3A_508 : i32 to vector<16xi32>
        %shift_right_logical3A_510 = arith.shrui %get3A_496, %shift_right_logical3A_509 : vector<16xi32>
        %swap3A_511 = arith.constant 0 : i32
        %swap3A_512 = arith.constant 1 : i32
        %swap3A_513 = arith.index_cast %swap3A_511 : i32 to index
        %swap3A_514 = arith.index_cast %swap3A_512 : i32 to index
        %swap3A_515 = arith.constant 0 : index
        %swap3A_516 = tpu.vector_load %arg7[%swap3A_513, %swap3A_514, %swap3A_515] {strides = array<i32>} : memref<2x2x128xi32, #tpu.memory_space<vmem>>, vector<1x1x16xi32>,
        %swap3A_517 = vector.shape_cast %swap3A_516 : vector<1x1x16xi32> to vector<16xi32>
        %swap3A_518 = vector.shape_cast %shift_right_logical3A_510 : vector<16xi32> to vector<1x1x16xi32>
        tpu.vector_store %arg7[%swap3A_513, %swap3A_514, %swap3A_515], %swap3A_518 {strides = array<i32>} : memref<2x2x128xi32, #tpu.memory_space<vmem>>, vector<1x1x16xi32>,
        %get3A_519 = arith.index_cast %add3A_492 : i32 to index
        %get3A_520 = arith.constant 16 : index
        %get3A_521 = tpu.vector_load %arg6[%get3A_519, %get3A_520] {strides = array<i32>} : memref<80x128xi32, #tpu.memory_space<vmem>>, vector<1x16xi32>,
        %get3A_522 = vector.shape_cast %get3A_521 : vector<1x16xi32> to vector<16xi32>
        %and3A_523 = arith.constant 65535 : i32
        %and3A_524 = vector.broadcast %and3A_523 : i32 to vector<16xi32>
        %and3A_525 = arith.andi %get3A_522, %and3A_524 : vector<16xi32>
        %swap3A_526 = arith.constant 0 : i32
        %swap3A_527 = arith.constant 0 : i32
        %swap3A_528 = arith.index_cast %swap3A_526 : i32 to index
        %swap3A_529 = arith.index_cast %swap3A_527 : i32 to index
        %swap3A_530 = arith.constant 16 : index
        %swap3A_531 = tpu.vector_load %arg7[%swap3A_528, %swap3A_529, %swap3A_530] {strides = array<i32>} : memref<2x2x128xi32, #tpu.memory_space<vmem>>, vector<1x1x16xi32>,
        %swap3A_532 = vector.shape_cast %swap3A_531 : vector<1x1x16xi32> to vector<16xi32>
        %swap3A_533 = vector.shape_cast %and3A_525 : vector<16xi32> to vector<1x1x16xi32>
        tpu.vector_store %arg7[%swap3A_528, %swap3A_529, %swap3A_530], %swap3A_533 {strides = array<i32>} : memref<2x2x128xi32, #tpu.memory_space<vmem>>, vector<1x1x16xi32>,
        %shift_right_logical3A_534 = arith.constant 16 : i32
        %shift_right_logical3A_535 = vector.broadcast %shift_right_logical3A_534 : i32 to vector<16xi32>
        %shift_right_logical3A_536 = arith.shrui %get3A_522, %shift_right_logical3A_535 : vector<16xi32>
        %swap3A_537 = arith.constant 0 : i32
        %swap3A_538 = arith.constant 1 : i32
        %swap3A_539 = arith.index_cast %swap3A_537 : i32 to index
        %swap3A_540 = arith.index_cast %swap3A_538 : i32 to index
        %swap3A_541 = arith.constant 16 : index
        %swap3A_542 = tpu.vector_load %arg7[%swap3A_539, %swap3A_540, %swap3A_541] {strides = array<i32>} : memref<2x2x128xi32, #tpu.memory_space<vmem>>, vector<1x1x16xi32>,
        %swap3A_543 = vector.shape_cast %swap3A_542 : vector<1x1x16xi32> to vector<16xi32>
        %swap3A_544 = vector.shape_cast %shift_right_logical3A_536 : vector<16xi32> to vector<1x1x16xi32>
        tpu.vector_store %arg7[%swap3A_539, %swap3A_540, %swap3A_541], %swap3A_544 {strides = array<i32>} : memref<2x2x128xi32, #tpu.memory_space<vmem>>, vector<1x1x16xi32>,
        %get3A_545 = arith.index_cast %add3A_492 : i32 to index
        %get3A_546 = arith.constant 32 : index
        %get3A_547 = tpu.vector_load %arg6[%get3A_545, %get3A_546] {strides = array<i32>} : memref<80x128xi32, #tpu.memory_space<vmem>>, vector<1x16xi32>,
        %get3A_548 = vector.shape_cast %get3A_547 : vector<1x16xi32> to vector<16xi32>
        %and3A_549 = arith.constant 65535 : i32
        %and3A_550 = vector.broadcast %and3A_549 : i32 to vector<16xi32>
        %and3A_551 = arith.andi %get3A_548, %and3A_550 : vector<16xi32>
        %swap3A_552 = arith.constant 0 : i32
        %swap3A_553 = arith.constant 0 : i32
        %swap3A_554 = arith.index_cast %swap3A_552 : i32 to index
        %swap3A_555 = arith.index_cast %swap3A_553 : i32 to index
        %swap3A_556 = arith.constant 32 : index
        %swap3A_557 = tpu.vector_load %arg7[%swap3A_554, %swap3A_555, %swap3A_556] {strides = array<i32>} : memref<2x2x128xi32, #tpu.memory_space<vmem>>, vector<1x1x16xi32>,
        %swap3A_558 = vector.shape_cast %swap3A_557 : vector<1x1x16xi32> to vector<16xi32>
        %swap3A_559 = vector.shape_cast %and3A_551 : vector<16xi32> to vector<1x1x16xi32>
        tpu.vector_store %arg7[%swap3A_554, %swap3A_555, %swap3A_556], %swap3A_559 {strides = array<i32>} : memref<2x2x128xi32, #tpu.memory_space<vmem>>, vector<1x1x16xi32>,
        %shift_right_logical3A_560 = arith.constant 16 : i32
        %shift_right_logical3A_561 = vector.broadcast %shift_right_logical3A_560 : i32 to vector<16xi32>
        %shift_right_logical3A_562 = arith.shrui %get3A_548, %shift_right_logical3A_561 : vector<16xi32>
        %swap3A_563 = arith.constant 0 : i32
        %swap3A_564 = arith.constant 1 : i32
        %swap3A_565 = arith.index_cast %swap3A_563 : i32 to index
        %swap3A_566 = arith.index_cast %swap3A_564 : i32 to index
        %swap3A_567 = arith.constant 32 : index
        %swap3A_568 = tpu.vector_load %arg7[%swap3A_565, %swap3A_566, %swap3A_567] {strides = array<i32>} : memref<2x2x128xi32, #tpu.memory_space<vmem>>, vector<1x1x16xi32>,
        %swap3A_569 = vector.shape_cast %swap3A_568 : vector<1x1x16xi32> to vector<16xi32>
        %swap3A_570 = vector.shape_cast %shift_right_logical3A_562 : vector<16xi32> to vector<1x1x16xi32>
        tpu.vector_store %arg7[%swap3A_565, %swap3A_566, %swap3A_567], %swap3A_570 {strides = array<i32>} : memref<2x2x128xi32, #tpu.memory_space<vmem>>, vector<1x1x16xi32>,
        %get3A_571 = arith.index_cast %add3A_492 : i32 to index
        %get3A_572 = arith.constant 48 : index
        %get3A_573 = tpu.vector_load %arg6[%get3A_571, %get3A_572] {strides = array<i32>} : memref<80x128xi32, #tpu.memory_space<vmem>>, vector<1x16xi32>,
        %get3A_574 = vector.shape_cast %get3A_573 : vector<1x16xi32> to vector<16xi32>
        %and3A_575 = arith.constant 65535 : i32
        %and3A_576 = vector.broadcast %and3A_575 : i32 to vector<16xi32>
        %and3A_577 = arith.andi %get3A_574, %and3A_576 : vector<16xi32>
        %swap3A_578 = arith.constant 0 : i32
        %swap3A_579 = arith.constant 0 : i32
        %swap3A_580 = arith.index_cast %swap3A_578 : i32 to index
        %swap3A_581 = arith.index_cast %swap3A_579 : i32 to index
        %swap3A_582 = arith.constant 48 : index
        %swap3A_583 = tpu.vector_load %arg7[%swap3A_580, %swap3A_581, %swap3A_582] {strides = array<i32>} : memref<2x2x128xi32, #tpu.memory_space<vmem>>, vector<1x1x16xi32>,
        %swap3A_584 = vector.shape_cast %swap3A_583 : vector<1x1x16xi32> to vector<16xi32>
        %swap3A_585 = vector.shape_cast %and3A_577 : vector<16xi32> to vector<1x1x16xi32>
        tpu.vector_store %arg7[%swap3A_580, %swap3A_581, %swap3A_582], %swap3A_585 {strides = array<i32>} : memref<2x2x128xi32, #tpu.memory_space<vmem>>, vector<1x1x16xi32>,
        %shift_right_logical3A_586 = arith.constant 16 : i32
        %shift_right_logical3A_587 = vector.broadcast %shift_right_logical3A_586 : i32 to vector<16xi32>
        %shift_right_logical3A_588 = arith.shrui %get3A_574, %shift_right_logical3A_587 : vector<16xi32>
        %swap3A_589 = arith.constant 0 : i32
        %swap3A_590 = arith.constant 1 : i32
        %swap3A_591 = arith.index_cast %swap3A_589 : i32 to index
        %swap3A_592 = arith.index_cast %swap3A_590 : i32 to index
        %swap3A_593 = arith.constant 48 : index
        %swap3A_594 = tpu.vector_load %arg7[%swap3A_591, %swap3A_592, %swap3A_593] {strides = array<i32>} : memref<2x2x128xi32, #tpu.memory_space<vmem>>, vector<1x1x16xi32>,
        %swap3A_595 = vector.shape_cast %swap3A_594 : vector<1x1x16xi32> to vector<16xi32>
        %swap3A_596 = vector.shape_cast %shift_right_logical3A_588 : vector<16xi32> to vector<1x1x16xi32>
        tpu.vector_store %arg7[%swap3A_591, %swap3A_592, %swap3A_593], %swap3A_596 {strides = array<i32>} : memref<2x2x128xi32, #tpu.memory_space<vmem>>, vector<1x1x16xi32>,
        %get3A_597 = arith.index_cast %add3A_492 : i32 to index
        %get3A_598 = arith.constant 64 : index
        %get3A_599 = tpu.vector_load %arg6[%get3A_597, %get3A_598] {strides = array<i32>} : memref<80x128xi32, #tpu.memory_space<vmem>>, vector<1x16xi32>,
        %get3A_600 = vector.shape_cast %get3A_599 : vector<1x16xi32> to vector<16xi32>
        %and3A_601 = arith.constant 65535 : i32
        %and3A_602 = vector.broadcast %and3A_601 : i32 to vector<16xi32>
        %and3A_603 = arith.andi %get3A_600, %and3A_602 : vector<16xi32>
        %swap3A_604 = arith.constant 0 : i32
        %swap3A_605 = arith.constant 0 : i32
        %swap3A_606 = arith.index_cast %swap3A_604 : i32 to index
        %swap3A_607 = arith.index_cast %swap3A_605 : i32 to index
        %swap3A_608 = arith.constant 64 : index
        %swap3A_609 = tpu.vector_load %arg7[%swap3A_606, %swap3A_607, %swap3A_608] {strides = array<i32>} : memref<2x2x128xi32, #tpu.memory_space<vmem>>, vector<1x1x16xi32>,
        %swap3A_610 = vector.shape_cast %swap3A_609 : vector<1x1x16xi32> to vector<16xi32>
        %swap3A_611 = vector.shape_cast %and3A_603 : vector<16xi32> to vector<1x1x16xi32>
        tpu.vector_store %arg7[%swap3A_606, %swap3A_607, %swap3A_608], %swap3A_611 {strides = array<i32>} : memref<2x2x128xi32, #tpu.memory_space<vmem>>, vector<1x1x16xi32>,
        %shift_right_logical3A_612 = arith.constant 16 : i32
        %shift_right_logical3A_613 = vector.broadcast %shift_right_logical3A_612 : i32 to vector<16xi32>
        %shift_right_logical3A_614 = arith.shrui %get3A_600, %shift_right_logical3A_613 : vector<16xi32>
        %swap3A_615 = arith.constant 0 : i32
        %swap3A_616 = arith.constant 1 : i32
        %swap3A_617 = arith.index_cast %swap3A_615 : i32 to index
        %swap3A_618 = arith.index_cast %swap3A_616 : i32 to index
        %swap3A_619 = arith.constant 64 : index
        %swap3A_620 = tpu.vector_load %arg7[%swap3A_617, %swap3A_618, %swap3A_619] {strides = array<i32>} : memref<2x2x128xi32, #tpu.memory_space<vmem>>, vector<1x1x16xi32>,
        %swap3A_621 = vector.shape_cast %swap3A_620 : vector<1x1x16xi32> to vector<16xi32>
        %swap3A_622 = vector.shape_cast %shift_right_logical3A_614 : vector<16xi32> to vector<1x1x16xi32>
        tpu.vector_store %arg7[%swap3A_617, %swap3A_618, %swap3A_619], %swap3A_622 {strides = array<i32>} : memref<2x2x128xi32, #tpu.memory_space<vmem>>, vector<1x1x16xi32>,
        %get3A_623 = arith.index_cast %add3A_492 : i32 to index
        %get3A_624 = arith.constant 80 : index
        %get3A_625 = tpu.vector_load %arg6[%get3A_623, %get3A_624] {strides = array<i32>} : memref<80x128xi32, #tpu.memory_space<vmem>>, vector<1x16xi32>,
        %get3A_626 = vector.shape_cast %get3A_625 : vector<1x16xi32> to vector<16xi32>
        %and3A_627 = arith.constant 65535 : i32
        %and3A_628 = vector.broadcast %and3A_627 : i32 to vector<16xi32>
        %and3A_629 = arith.andi %get3A_626, %and3A_628 : vector<16xi32>
        %swap3A_630 = arith.constant 0 : i32
        %swap3A_631 = arith.constant 0 : i32
        %swap3A_632 = arith.index_cast %swap3A_630 : i32 to index
        %swap3A_633 = arith.index_cast %swap3A_631 : i32 to index
        %swap3A_634 = arith.constant 80 : index
        %swap3A_635 = tpu.vector_load %arg7[%swap3A_632, %swap3A_633, %swap3A_634] {strides = array<i32>} : memref<2x2x128xi32, #tpu.memory_space<vmem>>, vector<1x1x16xi32>,
        %swap3A_636 = vector.shape_cast %swap3A_635 : vector<1x1x16xi32> to vector<16xi32>
        %swap3A_637 = vector.shape_cast %and3A_629 : vector<16xi32> to vector<1x1x16xi32>
        tpu.vector_store %arg7[%swap3A_632, %swap3A_633, %swap3A_634], %swap3A_637 {strides = array<i32>} : memref<2x2x128xi32, #tpu.memory_space<vmem>>, vector<1x1x16xi32>,
        %shift_right_logical3A_638 = arith.constant 16 : i32
        %shift_right_logical3A_639 = vector.broadcast %shift_right_logical3A_638 : i32 to vector<16xi32>
        %shift_right_logical3A_640 = arith.shrui %get3A_626, %shift_right_logical3A_639 : vector<16xi32>
        %swap3A_641 = arith.constant 0 : i32
        %swap3A_642 = arith.constant 1 : i32
        %swap3A_643 = arith.index_cast %swap3A_641 : i32 to index
        %swap3A_644 = arith.index_cast %swap3A_642 : i32 to index
        %swap3A_645 = arith.constant 80 : index
        %swap3A_646 = tpu.vector_load %arg7[%swap3A_643, %swap3A_644, %swap3A_645] {strides = array<i32>} : memref<2x2x128xi32, #tpu.memory_space<vmem>>, vector<1x1x16xi32>,
        %swap3A_647 = vector.shape_cast %swap3A_646 : vector<1x1x16xi32> to vector<16xi32>
        %swap3A_648 = vector.shape_cast %shift_right_logical3A_640 : vector<16xi32> to vector<1x1x16xi32>
        tpu.vector_store %arg7[%swap3A_643, %swap3A_644, %swap3A_645], %swap3A_648 {strides = array<i32>} : memref<2x2x128xi32, #tpu.memory_space<vmem>>, vector<1x1x16xi32>,
        %get3A_649 = arith.index_cast %add3A_492 : i32 to index
        %get3A_650 = arith.constant 96 : index
        %get3A_651 = tpu.vector_load %arg6[%get3A_649, %get3A_650] {strides = array<i32>} : memref<80x128xi32, #tpu.memory_space<vmem>>, vector<1x16xi32>,
        %get3A_652 = vector.shape_cast %get3A_651 : vector<1x16xi32> to vector<16xi32>
        %and3A_653 = arith.constant 65535 : i32
        %and3A_654 = vector.broadcast %and3A_653 : i32 to vector<16xi32>
        %and3A_655 = arith.andi %get3A_652, %and3A_654 : vector<16xi32>
        %swap3A_656 = arith.constant 0 : i32
        %swap3A_657 = arith.constant 0 : i32
        %swap3A_658 = arith.index_cast %swap3A_656 : i32 to index
        %swap3A_659 = arith.index_cast %swap3A_657 : i32 to index
        %swap3A_660 = arith.constant 96 : index
        %swap3A_661 = tpu.vector_load %arg7[%swap3A_658, %swap3A_659, %swap3A_660] {strides = array<i32>} : memref<2x2x128xi32, #tpu.memory_space<vmem>>, vector<1x1x16xi32>,
        %swap3A_662 = vector.shape_cast %swap3A_661 : vector<1x1x16xi32> to vector<16xi32>
        %swap3A_663 = vector.shape_cast %and3A_655 : vector<16xi32> to vector<1x1x16xi32>
        tpu.vector_store %arg7[%swap3A_658, %swap3A_659, %swap3A_660], %swap3A_663 {strides = array<i32>} : memref<2x2x128xi32, #tpu.memory_space<vmem>>, vector<1x1x16xi32>,
        %shift_right_logical3A_664 = arith.constant 16 : i32
        %shift_right_logical3A_665 = vector.broadcast %shift_right_logical3A_664 : i32 to vector<16xi32>
        %shift_right_logical3A_666 = arith.shrui %get3A_652, %shift_right_logical3A_665 : vector<16xi32>
        %swap3A_667 = arith.constant 0 : i32
        %swap3A_668 = arith.constant 1 : i32
        %swap3A_669 = arith.index_cast %swap3A_667 : i32 to index
        %swap3A_670 = arith.index_cast %swap3A_668 : i32 to index
        %swap3A_671 = arith.constant 96 : index
        %swap3A_672 = tpu.vector_load %arg7[%swap3A_669, %swap3A_670, %swap3A_671] {strides = array<i32>} : memref<2x2x128xi32, #tpu.memory_space<vmem>>, vector<1x1x16xi32>,
        %swap3A_673 = vector.shape_cast %swap3A_672 : vector<1x1x16xi32> to vector<16xi32>
        %swap3A_674 = vector.shape_cast %shift_right_logical3A_666 : vector<16xi32> to vector<1x1x16xi32>
        tpu.vector_store %arg7[%swap3A_669, %swap3A_670, %swap3A_671], %swap3A_674 {strides = array<i32>} : memref<2x2x128xi32, #tpu.memory_space<vmem>>, vector<1x1x16xi32>,
        %get3A_675 = arith.index_cast %add3A_492 : i32 to index
        %get3A_676 = arith.constant 112 : index
        %get3A_677 = tpu.vector_load %arg6[%get3A_675, %get3A_676] {strides = array<i32>} : memref<80x128xi32, #tpu.memory_space<vmem>>, vector<1x16xi32>,
        %get3A_678 = vector.shape_cast %get3A_677 : vector<1x16xi32> to vector<16xi32>
        %and3A_679 = arith.constant 65535 : i32
        %and3A_680 = vector.broadcast %and3A_679 : i32 to vector<16xi32>
        %and3A_681 = arith.andi %get3A_678, %and3A_680 : vector<16xi32>
        %swap3A_682 = arith.constant 0 : i32
        %swap3A_683 = arith.constant 0 : i32
        %swap3A_684 = arith.index_cast %swap3A_682 : i32 to index
        %swap3A_685 = arith.index_cast %swap3A_683 : i32 to index
        %swap3A_686 = arith.constant 112 : index
        %swap3A_687 = tpu.vector_load %arg7[%swap3A_684, %swap3A_685, %swap3A_686] {strides = array<i32>} : memref<2x2x128xi32, #tpu.memory_space<vmem>>, vector<1x1x16xi32>,
        %swap3A_688 = vector.shape_cast %swap3A_687 : vector<1x1x16xi32> to vector<16xi32>
        %swap3A_689 = vector.shape_cast %and3A_681 : vector<16xi32> to vector<1x1x16xi32>
        tpu.vector_store %arg7[%swap3A_684, %swap3A_685, %swap3A_686], %swap3A_689 {strides = array<i32>} : memref<2x2x128xi32, #tpu.memory_space<vmem>>, vector<1x1x16xi32>,
        %shift_right_logical3A_690 = arith.constant 16 : i32
        %shift_right_logical3A_691 = vector.broadcast %shift_right_logical3A_690 : i32 to vector<16xi32>
        %shift_right_logical3A_692 = arith.shrui %get3A_678, %shift_right_logical3A_691 : vector<16xi32>
        %swap3A_693 = arith.constant 0 : i32
        %swap3A_694 = arith.constant 1 : i32
        %swap3A_695 = arith.index_cast %swap3A_693 : i32 to index
        %swap3A_696 = arith.index_cast %swap3A_694 : i32 to index
        %swap3A_697 = arith.constant 112 : index
        %swap3A_698 = tpu.vector_load %arg7[%swap3A_695, %swap3A_696, %swap3A_697] {strides = array<i32>} : memref<2x2x128xi32, #tpu.memory_space<vmem>>, vector<1x1x16xi32>,
        %swap3A_699 = vector.shape_cast %swap3A_698 : vector<1x1x16xi32> to vector<16xi32>
        %swap3A_700 = vector.shape_cast %shift_right_logical3A_692 : vector<16xi32> to vector<1x1x16xi32>
        tpu.vector_store %arg7[%swap3A_695, %swap3A_696, %swap3A_697], %swap3A_700 {strides = array<i32>} : memref<2x2x128xi32, #tpu.memory_space<vmem>>, vector<1x1x16xi32>,
        %dma_start3A_701 = arith.constant 0 : i32
        %dma_start3A_702 = arith.constant 0 : i32
        %dma_start3A_703 = arith.constant 0 : i32
        %dma_start3A_704 = tpu.memref_slice %arg7[%dma_start3A_701, %dma_start3A_702, %dma_start3A_703] : memref<2x2x128xi32, #tpu.memory_space<vmem>> -> memref<1x1x128xi32, #tpu.memory_space<vmem>>
        %dma_start3A_705 = tpu.memref_squeeze %dma_start3A_704 : memref<1x1x128xi32, #tpu.memory_space<vmem>> -> memref<128xi32, #tpu.memory_space<vmem>>
        %dma_start3A_706 = arith.constant 0 : i32
        %dma_start3A_707 = arith.constant 0 : i32
        %dma_start3A_708 = tpu.memref_slice %arg2[%dma_start3A_706, %dma_start3A_707] : memref<10000x128xf32, #tpu.memory_space<hbm>> -> memref<10000x128xf32, #tpu.memory_space<hbm>>
        tpu.enqueue_indirect_dma source(%dma_start3A_708 : memref<10000x128xf32, #tpu.memory_space<hbm>>) target(%arg8 : memref<128x128xf32, #tpu.memory_space<vmem>>) offsets(%dma_start3A_705 : memref<128xi32, #tpu.memory_space<vmem>>) semaphore(%arg10 : memref<!tpu.dma_semaphore, #tpu.memory_space<semaphore_mem>>)
      } else {
      }
      %dma_wait3A_481 = arith.constant 1 : i32
      %dma_wait3A_482 = arith.constant 0 : i32
      %dma_wait3A_483 = arith.constant 0 : i32
      %dma_wait3A_484 = tpu.memref_slice %arg7[%dma_wait3A_481, %dma_wait3A_482, %dma_wait3A_483] : memref<2x2x128xi32, #tpu.memory_space<vmem>> -> memref<1x1x128xi32, #tpu.memory_space<vmem>>
      %dma_wait3A_485 = tpu.memref_squeeze %dma_wait3A_484 : memref<1x1x128xi32, #tpu.memory_space<vmem>> -> memref<128xi32, #tpu.memory_space<vmem>>
      %dma_wait3A_486 = arith.constant 0 : i32
      %dma_wait3A_487 = arith.constant 0 : i32
      %dma_wait3A_488 = tpu.memref_slice %arg2[%dma_wait3A_486, %dma_wait3A_487] : memref<10000x128xf32, #tpu.memory_space<hbm>> -> memref<10000x128xf32, #tpu.memory_space<hbm>>
      tpu.wait_indirect_dma semaphore(%arg11 : memref<!tpu.dma_semaphore, #tpu.memory_space<semaphore_mem>>) src(%dma_wait3A_488 : memref<10000x128xf32, #tpu.memory_space<hbm>>) dst(%arg9 : memref<128x128xf32, #tpu.memory_space<vmem>>)
      %run_scoped3A_489 = arith.constant 1 : i32
      %run_scoped3A_490 = arith.constant 1 : i32
      "tpu.region"() ({
        %run_scoped3A_491 = tpu.sem_alloc : memref<!tpu.dma_semaphore, #tpu.memory_space<semaphore_mem>>
        %dma_start3A_492 = arith.constant 0 : i32
        %dma_start3A_493 = tpu.memref_slice %arg7[%run_scoped3A_489, %run_scoped3A_490, %dma_start3A_492] : memref<2x2x128xi32, #tpu.memory_space<vmem>> -> memref<1x1x128xi32, #tpu.memory_space<vmem>>
        %dma_start3A_494 = tpu.memref_squeeze %dma_start3A_493 : memref<1x1x128xi32, #tpu.memory_space<vmem>> -> memref<128xi32, #tpu.memory_space<vmem>>
        %dma_start3A_495 = arith.constant 0 : i32
        %dma_start3A_496 = arith.constant 0 : i32
        %dma_start3A_497 = tpu.memref_slice %arg12[%dma_start3A_495, %dma_start3A_496] : memref<10240x128xf32, #tpu.memory_space<vmem_shared>> -> memref<10240x128xf32, #tpu.memory_space<vmem_shared>>
        tpu.enqueue_indirect_dma source(%arg9 : memref<128x128xf32, #tpu.memory_space<vmem>>) target(%dma_start3A_497 : memref<10240x128xf32, #tpu.memory_space<vmem_shared>>) offsets(%dma_start3A_494 : memref<128xi32, #tpu.memory_space<vmem>>) semaphore(%run_scoped3A_491 : memref<!tpu.dma_semaphore, #tpu.memory_space<semaphore_mem>>) {add = true}
        %dma_wait3A_498 = arith.constant 0 : i32
        %dma_wait3A_499 = tpu.memref_slice %arg7[%run_scoped3A_489, %run_scoped3A_490, %dma_wait3A_498] : memref<2x2x128xi32, #tpu.memory_space<vmem>> -> memref<1x1x128xi32, #tpu.memory_space<vmem>>
        %dma_wait3A_500 = tpu.memref_squeeze %dma_wait3A_499 : memref<1x1x128xi32, #tpu.memory_space<vmem>> -> memref<128xi32, #tpu.memory_space<vmem>>
        %dma_wait3A_501 = arith.constant 0 : i32
        %dma_wait3A_502 = arith.constant 0 : i32
        %dma_wait3A_503 = tpu.memref_slice %arg12[%dma_wait3A_501, %dma_wait3A_502] : memref<10240x128xf32, #tpu.memory_space<vmem_shared>> -> memref<10240x128xf32, #tpu.memory_space<vmem_shared>>
        tpu.wait_indirect_dma semaphore(%run_scoped3A_491 : memref<!tpu.dma_semaphore, #tpu.memory_space<semaphore_mem>>) src(%arg9 : memref<128x128xf32, #tpu.memory_space<vmem>>) dst(%dma_wait3A_503 : memref<10240x128xf32, #tpu.memory_space<vmem_shared>>)
        tpu.yield
      }) : () -> ()
    }
    %scan3A_244 = arith.constant 40 : i32
    %barrier3A_245 = arith.constant 0 : index
    tpu.barrier barrier_id(%barrier3A_245)
    %mul3A_246 = arith.constant 640 : i32
    %mul3A_247 = arith.muli %arg1, %mul3A_246 : i32
    %mul3A_248 = arith.constant 640 : i32
    %mul3A_249 = arith.muli %arg1, %mul3A_248 : i32
    "tpu.region"() ({
      %run_scoped3A = tpu.sem_alloc : memref<!tpu.dma_semaphore, #tpu.memory_space<semaphore_mem>>
      %dma_start3A_250 = arith.constant 0 : i32
      %dma_start3A_251 = tpu.memref_slice %arg5[%arg0, %mul3A_249, %dma_start3A_250] : memref<2x10240x128xf32, #tpu.memory_space<hbm>> -> memref<1x640x128xf32, #tpu.memory_space<hbm>>
      %dma_start3A_252 = tpu.memref_squeeze %dma_start3A_251 : memref<1x640x128xf32, #tpu.memory_space<hbm>> -> memref<640x128xf32, #tpu.memory_space<hbm>>
      %dma_start3A_253 = arith.constant 0 : i32
      %dma_start3A_254 = tpu.memref_slice %arg12[%mul3A_247, %dma_start3A_253] : memref<10240x128xf32, #tpu.memory_space<vmem_shared>> -> memref<640x128xf32, #tpu.memory_space<vmem_shared>>
      tpu.enqueue_dma source(%dma_start3A_254 : memref<640x128xf32, #tpu.memory_space<vmem_shared>>) target(%dma_start3A_252 : memref<640x128xf32, #tpu.memory_space<hbm>>) target_semaphore(%run_scoped3A : memref<!tpu.dma_semaphore, #tpu.memory_space<semaphore_mem>>)
      %dma_wait3A = arith.constant 0 : i32
      %dma_wait3A_255 = tpu.memref_slice %arg5[%arg0, %mul3A_249, %dma_wait3A] : memref<2x10240x128xf32, #tpu.memory_space<hbm>> -> memref<1x640x128xf32, #tpu.memory_space<hbm>>
      %dma_wait3A_256 = tpu.memref_squeeze %dma_wait3A_255 : memref<1x640x128xf32, #tpu.memory_space<hbm>> -> memref<640x128xf32, #tpu.memory_space<hbm>>
      %dma_wait3A_257 = arith.constant 0 : i32
      %dma_wait3A_258 = tpu.memref_slice %arg12[%mul3A_247, %dma_wait3A_257] : memref<10240x128xf32, #tpu.memory_space<vmem_shared>> -> memref<640x128xf32, #tpu.memory_space<vmem_shared>>
      tpu.wait_dma2 semaphore(%run_scoped3A : memref<!tpu.dma_semaphore, #tpu.memory_space<semaphore_mem>>) src(%dma_wait3A_258 : memref<640x128xf32, #tpu.memory_space<vmem_shared>>) dst(%dma_wait3A_256 : memref<640x128xf32, #tpu.memory_space<hbm>>)
      tpu.yield
    }) : () -> ()
    return
  }
}

#map = affine_map<(d0, d1) -> (0, 0)>
#map1 = affine_map<(d0, d1) -> (0, 0, 0)>
module attributes {stable_mosaic.version = 14 : i64} {
  func.func @_sc_agg_body(%arg0: i32, %arg1: i32, %arg2: memref<10000x128xf32, #tpu.memory_space<hbm>>, %arg3: memref<32x80x128xi32, #tpu.memory_space<hbm>>, %arg4: memref<128x128xf32, #tpu.memory_space<hbm>>, %arg5: memref<2x10240x128xf32, #tpu.memory_space<hbm>>, %arg6: memref<80x128xi32, #tpu.memory_space<vmem>>, %arg7: memref<2x2x128xi32, #tpu.memory_space<vmem>>, %arg8: memref<128x128xf32, #tpu.memory_space<vmem>>, %arg9: memref<128x128xf32, #tpu.memory_space<vmem>>, %arg10: memref<!tpu.dma_semaphore, #tpu.memory_space<semaphore_mem>>, %arg11: memref<!tpu.dma_semaphore, #tpu.memory_space<semaphore_mem>>, %arg12: memref<10240x128xf32, #tpu.memory_space<vmem_shared>>) attributes {dimension_semantics = [#tpu.dimension_semantics<core_parallel>, #tpu.dimension_semantics<subcore_parallel>], iteration_bounds = array<i64: 2, 16>, scalar_prefetch = 0 : i64, scratch_operands = 7 : i64, tpu.core_type = #tpu.core_type<sc_vector_subcore>, window_params = [{transform_indices = #map}, {transform_indices = #map1}, {transform_indices = #map}, {transform_indices = #map1}]} {
    %mul3A = arith.constant 16 : i32
    %mul3A_0 = arith.muli %arg0, %mul3A : i32
    %add3A = arith.addi %mul3A_0, %arg1 : i32
    "tpu.region"() ({
      %run_scoped3A = tpu.sem_alloc : memref<!tpu.dma_semaphore, #tpu.memory_space<semaphore_mem>>
      tpu.enqueue_dma source(%arg4 : memref<128x128xf32, #tpu.memory_space<hbm>>) target(%arg8 : memref<128x128xf32, #tpu.memory_space<vmem>>) target_semaphore(%run_scoped3A : memref<!tpu.dma_semaphore, #tpu.memory_space<semaphore_mem>>)
      tpu.wait_dma2 semaphore(%run_scoped3A : memref<!tpu.dma_semaphore, #tpu.memory_space<semaphore_mem>>) src(%arg4 : memref<128x128xf32, #tpu.memory_space<hbm>>) dst(%arg8 : memref<128x128xf32, #tpu.memory_space<vmem>>)
      tpu.yield
    }) : () -> ()
    %mul3A_1 = arith.constant 640 : i32
    %mul3A_2 = arith.muli %arg1, %mul3A_1 : i32
    %add3A_3 = arith.constant 0 : i32
    %add3A_4 = arith.addi %mul3A_2, %add3A_3 : i32
    "tpu.region"() ({
      %run_scoped3A = tpu.sem_alloc : memref<!tpu.dma_semaphore, #tpu.memory_space<semaphore_mem>>
      %dma_start3A_250 = arith.constant 0 : i32
      %dma_start3A_251 = tpu.memref_slice %arg12[%add3A_4, %dma_start3A_250] : memref<10240x128xf32, #tpu.memory_space<vmem_shared>> -> memref<128x128xf32, #tpu.memory_space<vmem_shared>>
      %dma_start3A_252 = arith.constant 0 : i32
      %dma_start3A_253 = tpu.memref_slice %arg12[%add3A_4, %dma_start3A_252] : memref<10240x128xf32, #tpu.memory_space<vmem_shared>> -> memref<128x128xf32, #tpu.memory_space<vmem_shared>>
      tpu.enqueue_dma source(%arg8 : memref<128x128xf32, #tpu.memory_space<vmem>>) target(%dma_start3A_253 : memref<128x128xf32, #tpu.memory_space<vmem_shared>>) target_semaphore(%run_scoped3A : memref<!tpu.dma_semaphore, #tpu.memory_space<semaphore_mem>>)
      %dma_wait3A = arith.constant 0 : i32
      %dma_wait3A_254 = tpu.memref_slice %arg12[%add3A_4, %dma_wait3A] : memref<10240x128xf32, #tpu.memory_space<vmem_shared>> -> memref<128x128xf32, #tpu.memory_space<vmem_shared>>
      %dma_wait3A_255 = arith.constant 0 : i32
      %dma_wait3A_256 = tpu.memref_slice %arg12[%add3A_4, %dma_wait3A_255] : memref<10240x128xf32, #tpu.memory_space<vmem_shared>> -> memref<128x128xf32, #tpu.memory_space<vmem_shared>>
      tpu.wait_dma2 semaphore(%run_scoped3A : memref<!tpu.dma_semaphore, #tpu.memory_space<semaphore_mem>>) src(%arg8 : memref<128x128xf32, #tpu.memory_space<vmem>>) dst(%dma_wait3A_256 : memref<128x128xf32, #tpu.memory_space<vmem_shared>>)
      tpu.yield
    }) : () -> ()
    %mul3A_5 = arith.constant 640 : i32
    %mul3A_6 = arith.muli %arg1, %mul3A_5 : i32
    %add3A_7 = arith.constant 128 : i32
    %add3A_8 = arith.addi %mul3A_6, %add3A_7 : i32
    "tpu.region"() ({
      %run_scoped3A = tpu.sem_alloc : memref<!tpu.dma_semaphore, #tpu.memory_space<semaphore_mem>>
      %dma_start3A_250 = arith.constant 0 : i32
      %dma_start3A_251 = tpu.memref_slice %arg12[%add3A_8, %dma_start3A_250] : memref<10240x128xf32, #tpu.memory_space<vmem_shared>> -> memref<128x128xf32, #tpu.memory_space<vmem_shared>>
      %dma_start3A_252 = arith.constant 0 : i32
      %dma_start3A_253 = tpu.memref_slice %arg12[%add3A_8, %dma_start3A_252] : memref<10240x128xf32, #tpu.memory_space<vmem_shared>> -> memref<128x128xf32, #tpu.memory_space<vmem_shared>>
      tpu.enqueue_dma source(%arg8 : memref<128x128xf32, #tpu.memory_space<vmem>>) target(%dma_start3A_253 : memref<128x128xf32, #tpu.memory_space<vmem_shared>>) target_semaphore(%run_scoped3A : memref<!tpu.dma_semaphore, #tpu.memory_space<semaphore_mem>>)
      %dma_wait3A = arith.constant 0 : i32
      %dma_wait3A_254 = tpu.memref_slice %arg12[%add3A_8, %dma_wait3A] : memref<10240x128xf32, #tpu.memory_space<vmem_shared>> -> memref<128x128xf32, #tpu.memory_space<vmem_shared>>
      %dma_wait3A_255 = arith.constant 0 : i32
      %dma_wait3A_256 = tpu.memref_slice %arg12[%add3A_8, %dma_wait3A_255] : memref<10240x128xf32, #tpu.memory_space<vmem_shared>> -> memref<128x128xf32, #tpu.memory_space<vmem_shared>>
      tpu.wait_dma2 semaphore(%run_scoped3A : memref<!tpu.dma_semaphore, #tpu.memory_space<semaphore_mem>>) src(%arg8 : memref<128x128xf32, #tpu.memory_space<vmem>>) dst(%dma_wait3A_256 : memref<128x128xf32, #tpu.memory_space<vmem_shared>>)
      tpu.yield
    }) : () -> ()
    %mul3A_9 = arith.constant 640 : i32
    %mul3A_10 = arith.muli %arg1, %mul3A_9 : i32
    %add3A_11 = arith.constant 256 : i32
    %add3A_12 = arith.addi %mul3A_10, %add3A_11 : i32
    "tpu.region"() ({
      %run_scoped3A = tpu.sem_alloc : memref<!tpu.dma_semaphore, #tpu.memory_space<semaphore_mem>>
      %dma_start3A_250 = arith.constant 0 : i32
      %dma_start3A_251 = tpu.memref_slice %arg12[%add3A_12, %dma_start3A_250] : memref<10240x128xf32, #tpu.memory_space<vmem_shared>> -> memref<128x128xf32, #tpu.memory_space<vmem_shared>>
      %dma_start3A_252 = arith.constant 0 : i32
      %dma_start3A_253 = tpu.memref_slice %arg12[%add3A_12, %dma_start3A_252] : memref<10240x128xf32, #tpu.memory_space<vmem_shared>> -> memref<128x128xf32, #tpu.memory_space<vmem_shared>>
      tpu.enqueue_dma source(%arg8 : memref<128x128xf32, #tpu.memory_space<vmem>>) target(%dma_start3A_253 : memref<128x128xf32, #tpu.memory_space<vmem_shared>>) target_semaphore(%run_scoped3A : memref<!tpu.dma_semaphore, #tpu.memory_space<semaphore_mem>>)
      %dma_wait3A = arith.constant 0 : i32
      %dma_wait3A_254 = tpu.memref_slice %arg12[%add3A_12, %dma_wait3A] : memref<10240x128xf32, #tpu.memory_space<vmem_shared>> -> memref<128x128xf32, #tpu.memory_space<vmem_shared>>
      %dma_wait3A_255 = arith.constant 0 : i32
      %dma_wait3A_256 = tpu.memref_slice %arg12[%add3A_12, %dma_wait3A_255] : memref<10240x128xf32, #tpu.memory_space<vmem_shared>> -> memref<128x128xf32, #tpu.memory_space<vmem_shared>>
      tpu.wait_dma2 semaphore(%run_scoped3A : memref<!tpu.dma_semaphore, #tpu.memory_space<semaphore_mem>>) src(%arg8 : memref<128x128xf32, #tpu.memory_space<vmem>>) dst(%dma_wait3A_256 : memref<128x128xf32, #tpu.memory_space<vmem_shared>>)
      tpu.yield
    }) : () -> ()
    %mul3A_13 = arith.constant 640 : i32
    %mul3A_14 = arith.muli %arg1, %mul3A_13 : i32
    %add3A_15 = arith.constant 384 : i32
    %add3A_16 = arith.addi %mul3A_14, %add3A_15 : i32
    "tpu.region"() ({
      %run_scoped3A = tpu.sem_alloc : memref<!tpu.dma_semaphore, #tpu.memory_space<semaphore_mem>>
      %dma_start3A_250 = arith.constant 0 : i32
      %dma_start3A_251 = tpu.memref_slice %arg12[%add3A_16, %dma_start3A_250] : memref<10240x128xf32, #tpu.memory_space<vmem_shared>> -> memref<128x128xf32, #tpu.memory_space<vmem_shared>>
      %dma_start3A_252 = arith.constant 0 : i32
      %dma_start3A_253 = tpu.memref_slice %arg12[%add3A_16, %dma_start3A_252] : memref<10240x128xf32, #tpu.memory_space<vmem_shared>> -> memref<128x128xf32, #tpu.memory_space<vmem_shared>>
      tpu.enqueue_dma source(%arg8 : memref<128x128xf32, #tpu.memory_space<vmem>>) target(%dma_start3A_253 : memref<128x128xf32, #tpu.memory_space<vmem_shared>>) target_semaphore(%run_scoped3A : memref<!tpu.dma_semaphore, #tpu.memory_space<semaphore_mem>>)
      %dma_wait3A = arith.constant 0 : i32
      %dma_wait3A_254 = tpu.memref_slice %arg12[%add3A_16, %dma_wait3A] : memref<10240x128xf32, #tpu.memory_space<vmem_shared>> -> memref<128x128xf32, #tpu.memory_space<vmem_shared>>
      %dma_wait3A_255 = arith.constant 0 : i32
      %dma_wait3A_256 = tpu.memref_slice %arg12[%add3A_16, %dma_wait3A_255] : memref<10240x128xf32, #tpu.memory_space<vmem_shared>> -> memref<128x128xf32, #tpu.memory_space<vmem_shared>>
      tpu.wait_dma2 semaphore(%run_scoped3A : memref<!tpu.dma_semaphore, #tpu.memory_space<semaphore_mem>>) src(%arg8 : memref<128x128xf32, #tpu.memory_space<vmem>>) dst(%dma_wait3A_256 : memref<128x128xf32, #tpu.memory_space<vmem_shared>>)
      tpu.yield
    }) : () -> ()
    %mul3A_17 = arith.constant 640 : i32
    %mul3A_18 = arith.muli %arg1, %mul3A_17 : i32
    %add3A_19 = arith.constant 512 : i32
    %add3A_20 = arith.addi %mul3A_18, %add3A_19 : i32
    "tpu.region"() ({
      %run_scoped3A = tpu.sem_alloc : memref<!tpu.dma_semaphore, #tpu.memory_space<semaphore_mem>>
      %dma_start3A_250 = arith.constant 0 : i32
      %dma_start3A_251 = tpu.memref_slice %arg12[%add3A_20, %dma_start3A_250] : memref<10240x128xf32, #tpu.memory_space<vmem_shared>> -> memref<128x128xf32, #tpu.memory_space<vmem_shared>>
      %dma_start3A_252 = arith.constant 0 : i32
      %dma_start3A_253 = tpu.memref_slice %arg12[%add3A_20, %dma_start3A_252] : memref<10240x128xf32, #tpu.memory_space<vmem_shared>> -> memref<128x128xf32, #tpu.memory_space<vmem_shared>>
      tpu.enqueue_dma source(%arg8 : memref<128x128xf32, #tpu.memory_space<vmem>>) target(%dma_start3A_253 : memref<128x128xf32, #tpu.memory_space<vmem_shared>>) target_semaphore(%run_scoped3A : memref<!tpu.dma_semaphore, #tpu.memory_space<semaphore_mem>>)
      %dma_wait3A = arith.constant 0 : i32
      %dma_wait3A_254 = tpu.memref_slice %arg12[%add3A_20, %dma_wait3A] : memref<10240x128xf32, #tpu.memory_space<vmem_shared>> -> memref<128x128xf32, #tpu.memory_space<vmem_shared>>
      %dma_wait3A_255 = arith.constant 0 : i32
      %dma_wait3A_256 = tpu.memref_slice %arg12[%add3A_20, %dma_wait3A_255] : memref<10240x128xf32, #tpu.memory_space<vmem_shared>> -> memref<128x128xf32, #tpu.memory_space<vmem_shared>>
      tpu.wait_dma2 semaphore(%run_scoped3A : memref<!tpu.dma_semaphore, #tpu.memory_space<semaphore_mem>>) src(%arg8 : memref<128x128xf32, #tpu.memory_space<vmem>>) dst(%dma_wait3A_256 : memref<128x128xf32, #tpu.memory_space<vmem_shared>>)
      tpu.yield
    }) : () -> ()
    "tpu.region"() ({
      %run_scoped3A = tpu.sem_alloc : memref<!tpu.dma_semaphore, #tpu.memory_space<semaphore_mem>>
      %dma_start3A_250 = arith.constant 0 : i32
      %dma_start3A_251 = arith.constant 0 : i32
      %dma_start3A_252 = tpu.memref_slice %arg3[%add3A, %dma_start3A_250, %dma_start3A_251] : memref<32x80x128xi32, #tpu.memory_space<hbm>> -> memref<1x80x128xi32, #tpu.memory_space<hbm>>
      %dma_start3A_253 = tpu.memref_squeeze %dma_start3A_252 : memref<1x80x128xi32, #tpu.memory_space<hbm>> -> memref<80x128xi32, #tpu.memory_space<hbm>>
      %dma_start3A_254 = arith.constant 0 : i32
      %dma_start3A_255 = arith.constant 0 : i32
      %dma_start3A_256 = tpu.memref_slice %arg3[%add3A, %dma_start3A_254, %dma_start3A_255] : memref<32x80x128xi32, #tpu.memory_space<hbm>> -> memref<1x80x128xi32, #tpu.memory_space<hbm>>
      %dma_start3A_257 = tpu.memref_squeeze %dma_start3A_256 : memref<1x80x128xi32, #tpu.memory_space<hbm>> -> memref<80x128xi32, #tpu.memory_space<hbm>>
      tpu.enqueue_dma source(%dma_start3A_257 : memref<80x128xi32, #tpu.memory_space<hbm>>) target(%arg6 : memref<80x128xi32, #tpu.memory_space<vmem>>) target_semaphore(%run_scoped3A : memref<!tpu.dma_semaphore, #tpu.memory_space<semaphore_mem>>)
      %dma_wait3A = arith.constant 0 : i32
      %dma_wait3A_258 = arith.constant 0 : i32
      %dma_wait3A_259 = tpu.memref_slice %arg3[%add3A, %dma_wait3A, %dma_wait3A_258] : memref<32x80x128xi32, #tpu.memory_space<hbm>> -> memref<1x80x128xi32, #tpu.memory_space<hbm>>
      %dma_wait3A_260 = tpu.memref_squeeze %dma_wait3A_259 : memref<1x80x128xi32, #tpu.memory_space<hbm>> -> memref<80x128xi32, #tpu.memory_space<hbm>>
      %dma_wait3A_261 = arith.constant 0 : i32
      %dma_wait3A_262 = arith.constant 0 : i32
      %dma_wait3A_263 = tpu.memref_slice %arg3[%add3A, %dma_wait3A_261, %dma_wait3A_262] : memref<32x80x128xi32, #tpu.memory_space<hbm>> -> memref<1x80x128xi32, #tpu.memory_space<hbm>>
      %dma_wait3A_264 = tpu.memref_squeeze %dma_wait3A_263 : memref<1x80x128xi32, #tpu.memory_space<hbm>> -> memref<80x128xi32, #tpu.memory_space<hbm>>
      tpu.wait_dma2 semaphore(%run_scoped3A : memref<!tpu.dma_semaphore, #tpu.memory_space<semaphore_mem>>) src(%dma_wait3A_264 : memref<80x128xi32, #tpu.memory_space<hbm>>) dst(%arg6 : memref<80x128xi32, #tpu.memory_space<vmem>>)
      tpu.yield
    }) : () -> ()
    %barrier3A = arith.constant 0 : index
    tpu.barrier barrier_id(%barrier3A)
    %get3A = arith.constant 0 : i32
    %get3A_21 = arith.index_cast %get3A : i32 to index
    %get3A_22 = arith.constant 0 : index
    %get3A_23 = tpu.vector_load %arg6[%get3A_21, %get3A_22] {strides = array<i32>} : memref<80x128xi32, #tpu.memory_space<vmem>>, vector<1x16xi32>,
    %get3A_24 = vector.shape_cast %get3A_23 : vector<1x16xi32> to vector<16xi32>
    %and3A = arith.constant 65535 : i32
    %and3A_25 = vector.broadcast %and3A : i32 to vector<16xi32>
    %and3A_26 = arith.andi %get3A_24, %and3A_25 : vector<16xi32>
    %swap3A = arith.constant 0 : i32
    %swap3A_27 = arith.constant 0 : i32
    %swap3A_28 = arith.index_cast %swap3A : i32 to index
    %swap3A_29 = arith.index_cast %swap3A_27 : i32 to index
    %swap3A_30 = arith.constant 0 : index
    %swap3A_31 = tpu.vector_load %arg7[%swap3A_28, %swap3A_29, %swap3A_30] {strides = array<i32>} : memref<2x2x128xi32, #tpu.memory_space<vmem>>, vector<1x1x16xi32>,
    %swap3A_32 = vector.shape_cast %swap3A_31 : vector<1x1x16xi32> to vector<16xi32>
    %swap3A_33 = vector.shape_cast %and3A_26 : vector<16xi32> to vector<1x1x16xi32>
    tpu.vector_store %arg7[%swap3A_28, %swap3A_29, %swap3A_30], %swap3A_33 {strides = array<i32>} : memref<2x2x128xi32, #tpu.memory_space<vmem>>, vector<1x1x16xi32>,
    %shift_right_logical3A = arith.constant 16 : i32
    %shift_right_logical3A_34 = vector.broadcast %shift_right_logical3A : i32 to vector<16xi32>
    %shift_right_logical3A_35 = arith.shrui %get3A_24, %shift_right_logical3A_34 : vector<16xi32>
    %swap3A_36 = arith.constant 0 : i32
    %swap3A_37 = arith.constant 1 : i32
    %swap3A_38 = arith.index_cast %swap3A_36 : i32 to index
    %swap3A_39 = arith.index_cast %swap3A_37 : i32 to index
    %swap3A_40 = arith.constant 0 : index
    %swap3A_41 = tpu.vector_load %arg7[%swap3A_38, %swap3A_39, %swap3A_40] {strides = array<i32>} : memref<2x2x128xi32, #tpu.memory_space<vmem>>, vector<1x1x16xi32>,
    %swap3A_42 = vector.shape_cast %swap3A_41 : vector<1x1x16xi32> to vector<16xi32>
    %swap3A_43 = vector.shape_cast %shift_right_logical3A_35 : vector<16xi32> to vector<1x1x16xi32>
    tpu.vector_store %arg7[%swap3A_38, %swap3A_39, %swap3A_40], %swap3A_43 {strides = array<i32>} : memref<2x2x128xi32, #tpu.memory_space<vmem>>, vector<1x1x16xi32>,
    %get3A_44 = arith.constant 0 : i32
    %get3A_45 = arith.index_cast %get3A_44 : i32 to index
    %get3A_46 = arith.constant 16 : index
    %get3A_47 = tpu.vector_load %arg6[%get3A_45, %get3A_46] {strides = array<i32>} : memref<80x128xi32, #tpu.memory_space<vmem>>, vector<1x16xi32>,
    %get3A_48 = vector.shape_cast %get3A_47 : vector<1x16xi32> to vector<16xi32>
    %and3A_49 = arith.constant 65535 : i32
    %and3A_50 = vector.broadcast %and3A_49 : i32 to vector<16xi32>
    %and3A_51 = arith.andi %get3A_48, %and3A_50 : vector<16xi32>
    %swap3A_52 = arith.constant 0 : i32
    %swap3A_53 = arith.constant 0 : i32
    %swap3A_54 = arith.index_cast %swap3A_52 : i32 to index
    %swap3A_55 = arith.index_cast %swap3A_53 : i32 to index
    %swap3A_56 = arith.constant 16 : index
    %swap3A_57 = tpu.vector_load %arg7[%swap3A_54, %swap3A_55, %swap3A_56] {strides = array<i32>} : memref<2x2x128xi32, #tpu.memory_space<vmem>>, vector<1x1x16xi32>,
    %swap3A_58 = vector.shape_cast %swap3A_57 : vector<1x1x16xi32> to vector<16xi32>
    %swap3A_59 = vector.shape_cast %and3A_51 : vector<16xi32> to vector<1x1x16xi32>
    tpu.vector_store %arg7[%swap3A_54, %swap3A_55, %swap3A_56], %swap3A_59 {strides = array<i32>} : memref<2x2x128xi32, #tpu.memory_space<vmem>>, vector<1x1x16xi32>,
    %shift_right_logical3A_60 = arith.constant 16 : i32
    %shift_right_logical3A_61 = vector.broadcast %shift_right_logical3A_60 : i32 to vector<16xi32>
    %shift_right_logical3A_62 = arith.shrui %get3A_48, %shift_right_logical3A_61 : vector<16xi32>
    %swap3A_63 = arith.constant 0 : i32
    %swap3A_64 = arith.constant 1 : i32
    %swap3A_65 = arith.index_cast %swap3A_63 : i32 to index
    %swap3A_66 = arith.index_cast %swap3A_64 : i32 to index
    %swap3A_67 = arith.constant 16 : index
    %swap3A_68 = tpu.vector_load %arg7[%swap3A_65, %swap3A_66, %swap3A_67] {strides = array<i32>} : memref<2x2x128xi32, #tpu.memory_space<vmem>>, vector<1x1x16xi32>,
    %swap3A_69 = vector.shape_cast %swap3A_68 : vector<1x1x16xi32> to vector<16xi32>
    %swap3A_70 = vector.shape_cast %shift_right_logical3A_62 : vector<16xi32> to vector<1x1x16xi32>
    tpu.vector_store %arg7[%swap3A_65, %swap3A_66, %swap3A_67], %swap3A_70 {strides = array<i32>} : memref<2x2x128xi32, #tpu.memory_space<vmem>>, vector<1x1x16xi32>,
    %get3A_71 = arith.constant 0 : i32
    %get3A_72 = arith.index_cast %get3A_71 : i32 to index
    %get3A_73 = arith.constant 32 : index
    %get3A_74 = tpu.vector_load %arg6[%get3A_72, %get3A_73] {strides = array<i32>} : memref<80x128xi32, #tpu.memory_space<vmem>>, vector<1x16xi32>,
    %get3A_75 = vector.shape_cast %get3A_74 : vector<1x16xi32> to vector<16xi32>
    %and3A_76 = arith.constant 65535 : i32
    %and3A_77 = vector.broadcast %and3A_76 : i32 to vector<16xi32>
    %and3A_78 = arith.andi %get3A_75, %and3A_77 : vector<16xi32>
    %swap3A_79 = arith.constant 0 : i32
    %swap3A_80 = arith.constant 0 : i32
    %swap3A_81 = arith.index_cast %swap3A_79 : i32 to index
    %swap3A_82 = arith.index_cast %swap3A_80 : i32 to index
    %swap3A_83 = arith.constant 32 : index
    %swap3A_84 = tpu.vector_load %arg7[%swap3A_81, %swap3A_82, %swap3A_83] {strides = array<i32>} : memref<2x2x128xi32, #tpu.memory_space<vmem>>, vector<1x1x16xi32>,
    %swap3A_85 = vector.shape_cast %swap3A_84 : vector<1x1x16xi32> to vector<16xi32>
    %swap3A_86 = vector.shape_cast %and3A_78 : vector<16xi32> to vector<1x1x16xi32>
    tpu.vector_store %arg7[%swap3A_81, %swap3A_82, %swap3A_83], %swap3A_86 {strides = array<i32>} : memref<2x2x128xi32, #tpu.memory_space<vmem>>, vector<1x1x16xi32>,
    %shift_right_logical3A_87 = arith.constant 16 : i32
    %shift_right_logical3A_88 = vector.broadcast %shift_right_logical3A_87 : i32 to vector<16xi32>
    %shift_right_logical3A_89 = arith.shrui %get3A_75, %shift_right_logical3A_88 : vector<16xi32>
    %swap3A_90 = arith.constant 0 : i32
    %swap3A_91 = arith.constant 1 : i32
    %swap3A_92 = arith.index_cast %swap3A_90 : i32 to index
    %swap3A_93 = arith.index_cast %swap3A_91 : i32 to index
    %swap3A_94 = arith.constant 32 : index
    %swap3A_95 = tpu.vector_load %arg7[%swap3A_92, %swap3A_93, %swap3A_94] {strides = array<i32>} : memref<2x2x128xi32, #tpu.memory_space<vmem>>, vector<1x1x16xi32>,
    %swap3A_96 = vector.shape_cast %swap3A_95 : vector<1x1x16xi32> to vector<16xi32>
    %swap3A_97 = vector.shape_cast %shift_right_logical3A_89 : vector<16xi32> to vector<1x1x16xi32>
    tpu.vector_store %arg7[%swap3A_92, %swap3A_93, %swap3A_94], %swap3A_97 {strides = array<i32>} : memref<2x2x128xi32, #tpu.memory_space<vmem>>, vector<1x1x16xi32>,
    %get3A_98 = arith.constant 0 : i32
    %get3A_99 = arith.index_cast %get3A_98 : i32 to index
    %get3A_100 = arith.constant 48 : index
    %get3A_101 = tpu.vector_load %arg6[%get3A_99, %get3A_100] {strides = array<i32>} : memref<80x128xi32, #tpu.memory_space<vmem>>, vector<1x16xi32>,
    %get3A_102 = vector.shape_cast %get3A_101 : vector<1x16xi32> to vector<16xi32>
    %and3A_103 = arith.constant 65535 : i32
    %and3A_104 = vector.broadcast %and3A_103 : i32 to vector<16xi32>
    %and3A_105 = arith.andi %get3A_102, %and3A_104 : vector<16xi32>
    %swap3A_106 = arith.constant 0 : i32
    %swap3A_107 = arith.constant 0 : i32
    %swap3A_108 = arith.index_cast %swap3A_106 : i32 to index
    %swap3A_109 = arith.index_cast %swap3A_107 : i32 to index
    %swap3A_110 = arith.constant 48 : index
    %swap3A_111 = tpu.vector_load %arg7[%swap3A_108, %swap3A_109, %swap3A_110] {strides = array<i32>} : memref<2x2x128xi32, #tpu.memory_space<vmem>>, vector<1x1x16xi32>,
    %swap3A_112 = vector.shape_cast %swap3A_111 : vector<1x1x16xi32> to vector<16xi32>
    %swap3A_113 = vector.shape_cast %and3A_105 : vector<16xi32> to vector<1x1x16xi32>
    tpu.vector_store %arg7[%swap3A_108, %swap3A_109, %swap3A_110], %swap3A_113 {strides = array<i32>} : memref<2x2x128xi32, #tpu.memory_space<vmem>>, vector<1x1x16xi32>,
    %shift_right_logical3A_114 = arith.constant 16 : i32
    %shift_right_logical3A_115 = vector.broadcast %shift_right_logical3A_114 : i32 to vector<16xi32>
    %shift_right_logical3A_116 = arith.shrui %get3A_102, %shift_right_logical3A_115 : vector<16xi32>
    %swap3A_117 = arith.constant 0 : i32
    %swap3A_118 = arith.constant 1 : i32
    %swap3A_119 = arith.index_cast %swap3A_117 : i32 to index
    %swap3A_120 = arith.index_cast %swap3A_118 : i32 to index
    %swap3A_121 = arith.constant 48 : index
    %swap3A_122 = tpu.vector_load %arg7[%swap3A_119, %swap3A_120, %swap3A_121] {strides = array<i32>} : memref<2x2x128xi32, #tpu.memory_space<vmem>>, vector<1x1x16xi32>,
    %swap3A_123 = vector.shape_cast %swap3A_122 : vector<1x1x16xi32> to vector<16xi32>
    %swap3A_124 = vector.shape_cast %shift_right_logical3A_116 : vector<16xi32> to vector<1x1x16xi32>
    tpu.vector_store %arg7[%swap3A_119, %swap3A_120, %swap3A_121], %swap3A_124 {strides = array<i32>} : memref<2x2x128xi32, #tpu.memory_space<vmem>>, vector<1x1x16xi32>,
    %get3A_125 = arith.constant 0 : i32
    %get3A_126 = arith.index_cast %get3A_125 : i32 to index
    %get3A_127 = arith.constant 64 : index
    %get3A_128 = tpu.vector_load %arg6[%get3A_126, %get3A_127] {strides = array<i32>} : memref<80x128xi32, #tpu.memory_space<vmem>>, vector<1x16xi32>,
    %get3A_129 = vector.shape_cast %get3A_128 : vector<1x16xi32> to vector<16xi32>
    %and3A_130 = arith.constant 65535 : i32
    %and3A_131 = vector.broadcast %and3A_130 : i32 to vector<16xi32>
    %and3A_132 = arith.andi %get3A_129, %and3A_131 : vector<16xi32>
    %swap3A_133 = arith.constant 0 : i32
    %swap3A_134 = arith.constant 0 : i32
    %swap3A_135 = arith.index_cast %swap3A_133 : i32 to index
    %swap3A_136 = arith.index_cast %swap3A_134 : i32 to index
    %swap3A_137 = arith.constant 64 : index
    %swap3A_138 = tpu.vector_load %arg7[%swap3A_135, %swap3A_136, %swap3A_137] {strides = array<i32>} : memref<2x2x128xi32, #tpu.memory_space<vmem>>, vector<1x1x16xi32>,
    %swap3A_139 = vector.shape_cast %swap3A_138 : vector<1x1x16xi32> to vector<16xi32>
    %swap3A_140 = vector.shape_cast %and3A_132 : vector<16xi32> to vector<1x1x16xi32>
    tpu.vector_store %arg7[%swap3A_135, %swap3A_136, %swap3A_137], %swap3A_140 {strides = array<i32>} : memref<2x2x128xi32, #tpu.memory_space<vmem>>, vector<1x1x16xi32>,
    %shift_right_logical3A_141 = arith.constant 16 : i32
    %shift_right_logical3A_142 = vector.broadcast %shift_right_logical3A_141 : i32 to vector<16xi32>
    %shift_right_logical3A_143 = arith.shrui %get3A_129, %shift_right_logical3A_142 : vector<16xi32>
    %swap3A_144 = arith.constant 0 : i32
    %swap3A_145 = arith.constant 1 : i32
    %swap3A_146 = arith.index_cast %swap3A_144 : i32 to index
    %swap3A_147 = arith.index_cast %swap3A_145 : i32 to index
    %swap3A_148 = arith.constant 64 : index
    %swap3A_149 = tpu.vector_load %arg7[%swap3A_146, %swap3A_147, %swap3A_148] {strides = array<i32>} : memref<2x2x128xi32, #tpu.memory_space<vmem>>, vector<1x1x16xi32>,
    %swap3A_150 = vector.shape_cast %swap3A_149 : vector<1x1x16xi32> to vector<16xi32>
    %swap3A_151 = vector.shape_cast %shift_right_logical3A_143 : vector<16xi32> to vector<1x1x16xi32>
    tpu.vector_store %arg7[%swap3A_146, %swap3A_147, %swap3A_148], %swap3A_151 {strides = array<i32>} : memref<2x2x128xi32, #tpu.memory_space<vmem>>, vector<1x1x16xi32>,
    %get3A_152 = arith.constant 0 : i32
    %get3A_153 = arith.index_cast %get3A_152 : i32 to index
    %get3A_154 = arith.constant 80 : index
    %get3A_155 = tpu.vector_load %arg6[%get3A_153, %get3A_154] {strides = array<i32>} : memref<80x128xi32, #tpu.memory_space<vmem>>, vector<1x16xi32>,
    %get3A_156 = vector.shape_cast %get3A_155 : vector<1x16xi32> to vector<16xi32>
    %and3A_157 = arith.constant 65535 : i32
    %and3A_158 = vector.broadcast %and3A_157 : i32 to vector<16xi32>
    %and3A_159 = arith.andi %get3A_156, %and3A_158 : vector<16xi32>
    %swap3A_160 = arith.constant 0 : i32
    %swap3A_161 = arith.constant 0 : i32
    %swap3A_162 = arith.index_cast %swap3A_160 : i32 to index
    %swap3A_163 = arith.index_cast %swap3A_161 : i32 to index
    %swap3A_164 = arith.constant 80 : index
    %swap3A_165 = tpu.vector_load %arg7[%swap3A_162, %swap3A_163, %swap3A_164] {strides = array<i32>} : memref<2x2x128xi32, #tpu.memory_space<vmem>>, vector<1x1x16xi32>,
    %swap3A_166 = vector.shape_cast %swap3A_165 : vector<1x1x16xi32> to vector<16xi32>
    %swap3A_167 = vector.shape_cast %and3A_159 : vector<16xi32> to vector<1x1x16xi32>
    tpu.vector_store %arg7[%swap3A_162, %swap3A_163, %swap3A_164], %swap3A_167 {strides = array<i32>} : memref<2x2x128xi32, #tpu.memory_space<vmem>>, vector<1x1x16xi32>,
    %shift_right_logical3A_168 = arith.constant 16 : i32
    %shift_right_logical3A_169 = vector.broadcast %shift_right_logical3A_168 : i32 to vector<16xi32>
    %shift_right_logical3A_170 = arith.shrui %get3A_156, %shift_right_logical3A_169 : vector<16xi32>
    %swap3A_171 = arith.constant 0 : i32
    %swap3A_172 = arith.constant 1 : i32
    %swap3A_173 = arith.index_cast %swap3A_171 : i32 to index
    %swap3A_174 = arith.index_cast %swap3A_172 : i32 to index
    %swap3A_175 = arith.constant 80 : index
    %swap3A_176 = tpu.vector_load %arg7[%swap3A_173, %swap3A_174, %swap3A_175] {strides = array<i32>} : memref<2x2x128xi32, #tpu.memory_space<vmem>>, vector<1x1x16xi32>,
    %swap3A_177 = vector.shape_cast %swap3A_176 : vector<1x1x16xi32> to vector<16xi32>
    %swap3A_178 = vector.shape_cast %shift_right_logical3A_170 : vector<16xi32> to vector<1x1x16xi32>
    tpu.vector_store %arg7[%swap3A_173, %swap3A_174, %swap3A_175], %swap3A_178 {strides = array<i32>} : memref<2x2x128xi32, #tpu.memory_space<vmem>>, vector<1x1x16xi32>,
    %get3A_179 = arith.constant 0 : i32
    %get3A_180 = arith.index_cast %get3A_179 : i32 to index
    %get3A_181 = arith.constant 96 : index
    %get3A_182 = tpu.vector_load %arg6[%get3A_180, %get3A_181] {strides = array<i32>} : memref<80x128xi32, #tpu.memory_space<vmem>>, vector<1x16xi32>,
    %get3A_183 = vector.shape_cast %get3A_182 : vector<1x16xi32> to vector<16xi32>
    %and3A_184 = arith.constant 65535 : i32
    %and3A_185 = vector.broadcast %and3A_184 : i32 to vector<16xi32>
    %and3A_186 = arith.andi %get3A_183, %and3A_185 : vector<16xi32>
    %swap3A_187 = arith.constant 0 : i32
    %swap3A_188 = arith.constant 0 : i32
    %swap3A_189 = arith.index_cast %swap3A_187 : i32 to index
    %swap3A_190 = arith.index_cast %swap3A_188 : i32 to index
    %swap3A_191 = arith.constant 96 : index
    %swap3A_192 = tpu.vector_load %arg7[%swap3A_189, %swap3A_190, %swap3A_191] {strides = array<i32>} : memref<2x2x128xi32, #tpu.memory_space<vmem>>, vector<1x1x16xi32>,
    %swap3A_193 = vector.shape_cast %swap3A_192 : vector<1x1x16xi32> to vector<16xi32>
    %swap3A_194 = vector.shape_cast %and3A_186 : vector<16xi32> to vector<1x1x16xi32>
    tpu.vector_store %arg7[%swap3A_189, %swap3A_190, %swap3A_191], %swap3A_194 {strides = array<i32>} : memref<2x2x128xi32, #tpu.memory_space<vmem>>, vector<1x1x16xi32>,
    %shift_right_logical3A_195 = arith.constant 16 : i32
    %shift_right_logical3A_196 = vector.broadcast %shift_right_logical3A_195 : i32 to vector<16xi32>
    %shift_right_logical3A_197 = arith.shrui %get3A_183, %shift_right_logical3A_196 : vector<16xi32>
    %swap3A_198 = arith.constant 0 : i32
    %swap3A_199 = arith.constant 1 : i32
    %swap3A_200 = arith.index_cast %swap3A_198 : i32 to index
    %swap3A_201 = arith.index_cast %swap3A_199 : i32 to index
    %swap3A_202 = arith.constant 96 : index
    %swap3A_203 = tpu.vector_load %arg7[%swap3A_200, %swap3A_201, %swap3A_202] {strides = array<i32>} : memref<2x2x128xi32, #tpu.memory_space<vmem>>, vector<1x1x16xi32>,
    %swap3A_204 = vector.shape_cast %swap3A_203 : vector<1x1x16xi32> to vector<16xi32>
    %swap3A_205 = vector.shape_cast %shift_right_logical3A_197 : vector<16xi32> to vector<1x1x16xi32>
    tpu.vector_store %arg7[%swap3A_200, %swap3A_201, %swap3A_202], %swap3A_205 {strides = array<i32>} : memref<2x2x128xi32, #tpu.memory_space<vmem>>, vector<1x1x16xi32>,
    %get3A_206 = arith.constant 0 : i32
    %get3A_207 = arith.index_cast %get3A_206 : i32 to index
    %get3A_208 = arith.constant 112 : index
    %get3A_209 = tpu.vector_load %arg6[%get3A_207, %get3A_208] {strides = array<i32>} : memref<80x128xi32, #tpu.memory_space<vmem>>, vector<1x16xi32>,
    %get3A_210 = vector.shape_cast %get3A_209 : vector<1x16xi32> to vector<16xi32>
    %and3A_211 = arith.constant 65535 : i32
    %and3A_212 = vector.broadcast %and3A_211 : i32 to vector<16xi32>
    %and3A_213 = arith.andi %get3A_210, %and3A_212 : vector<16xi32>
    %swap3A_214 = arith.constant 0 : i32
    %swap3A_215 = arith.constant 0 : i32
    %swap3A_216 = arith.index_cast %swap3A_214 : i32 to index
    %swap3A_217 = arith.index_cast %swap3A_215 : i32 to index
    %swap3A_218 = arith.constant 112 : index
    %swap3A_219 = tpu.vector_load %arg7[%swap3A_216, %swap3A_217, %swap3A_218] {strides = array<i32>} : memref<2x2x128xi32, #tpu.memory_space<vmem>>, vector<1x1x16xi32>,
    %swap3A_220 = vector.shape_cast %swap3A_219 : vector<1x1x16xi32> to vector<16xi32>
    %swap3A_221 = vector.shape_cast %and3A_213 : vector<16xi32> to vector<1x1x16xi32>
    tpu.vector_store %arg7[%swap3A_216, %swap3A_217, %swap3A_218], %swap3A_221 {strides = array<i32>} : memref<2x2x128xi32, #tpu.memory_space<vmem>>, vector<1x1x16xi32>,
    %shift_right_logical3A_222 = arith.constant 16 : i32
    %shift_right_logical3A_223 = vector.broadcast %shift_right_logical3A_222 : i32 to vector<16xi32>
    %shift_right_logical3A_224 = arith.shrui %get3A_210, %shift_right_logical3A_223 : vector<16xi32>
    %swap3A_225 = arith.constant 0 : i32
    %swap3A_226 = arith.constant 1 : i32
    %swap3A_227 = arith.index_cast %swap3A_225 : i32 to index
    %swap3A_228 = arith.index_cast %swap3A_226 : i32 to index
    %swap3A_229 = arith.constant 112 : index
    %swap3A_230 = tpu.vector_load %arg7[%swap3A_227, %swap3A_228, %swap3A_229] {strides = array<i32>} : memref<2x2x128xi32, #tpu.memory_space<vmem>>, vector<1x1x16xi32>,
    %swap3A_231 = vector.shape_cast %swap3A_230 : vector<1x1x16xi32> to vector<16xi32>
    %swap3A_232 = vector.shape_cast %shift_right_logical3A_224 : vector<16xi32> to vector<1x1x16xi32>
    tpu.vector_store %arg7[%swap3A_227, %swap3A_228, %swap3A_229], %swap3A_232 {strides = array<i32>} : memref<2x2x128xi32, #tpu.memory_space<vmem>>, vector<1x1x16xi32>,
    %dma_start3A = arith.constant 0 : i32
    %dma_start3A_233 = arith.constant 0 : i32
    %dma_start3A_234 = arith.constant 0 : i32
    %dma_start3A_235 = tpu.memref_slice %arg7[%dma_start3A, %dma_start3A_233, %dma_start3A_234] : memref<2x2x128xi32, #tpu.memory_space<vmem>> -> memref<1x1x128xi32, #tpu.memory_space<vmem>>
    %dma_start3A_236 = tpu.memref_squeeze %dma_start3A_235 : memref<1x1x128xi32, #tpu.memory_space<vmem>> -> memref<128xi32, #tpu.memory_space<vmem>>
    %dma_start3A_237 = arith.constant 0 : i32
    %dma_start3A_238 = arith.constant 0 : i32
    %dma_start3A_239 = tpu.memref_slice %arg2[%dma_start3A_237, %dma_start3A_238] : memref<10000x128xf32, #tpu.memory_space<hbm>> -> memref<10000x128xf32, #tpu.memory_space<hbm>>
    tpu.enqueue_indirect_dma source(%dma_start3A_239 : memref<10000x128xf32, #tpu.memory_space<hbm>>) target(%arg8 : memref<128x128xf32, #tpu.memory_space<vmem>>) offsets(%dma_start3A_236 : memref<128xi32, #tpu.memory_space<vmem>>) semaphore(%arg10 : memref<!tpu.dma_semaphore, #tpu.memory_space<semaphore_mem>>)
    %scan3A = arith.constant 0 : i32
    %scan3A_240 = arith.constant 0 : i32
    %scan3A_241 = arith.constant 40 : i32
    %scan3A_242 = arith.addi %scan3A_240, %scan3A_241 : i32
    %scan3A_243 = arith.constant 1 : i32
    scf.for %scan3A_250 = %scan3A_240 to %scan3A_242 step %scan3A_243  : i32 {
      %mul3A_251 = arith.constant 2 : i32
      %mul3A_252 = arith.muli %mul3A_251, %scan3A_250 : i32
      %add3A_253 = arith.constant 1 : i32
      %add3A_254 = arith.addi %mul3A_252, %add3A_253 : i32
      %get3A_255 = arith.index_cast %add3A_254 : i32 to index
      %get3A_256 = arith.constant 0 : index
      %get3A_257 = tpu.vector_load %arg6[%get3A_255, %get3A_256] {strides = array<i32>} : memref<80x128xi32, #tpu.memory_space<vmem>>, vector<1x16xi32>,
      %get3A_258 = vector.shape_cast %get3A_257 : vector<1x16xi32> to vector<16xi32>
      %and3A_259 = arith.constant 65535 : i32
      %and3A_260 = vector.broadcast %and3A_259 : i32 to vector<16xi32>
      %and3A_261 = arith.andi %get3A_258, %and3A_260 : vector<16xi32>
      %swap3A_262 = arith.constant 1 : i32
      %swap3A_263 = arith.constant 0 : i32
      %swap3A_264 = arith.index_cast %swap3A_262 : i32 to index
      %swap3A_265 = arith.index_cast %swap3A_263 : i32 to index
      %swap3A_266 = arith.constant 0 : index
      %swap3A_267 = tpu.vector_load %arg7[%swap3A_264, %swap3A_265, %swap3A_266] {strides = array<i32>} : memref<2x2x128xi32, #tpu.memory_space<vmem>>, vector<1x1x16xi32>,
      %swap3A_268 = vector.shape_cast %swap3A_267 : vector<1x1x16xi32> to vector<16xi32>
      %swap3A_269 = vector.shape_cast %and3A_261 : vector<16xi32> to vector<1x1x16xi32>
      tpu.vector_store %arg7[%swap3A_264, %swap3A_265, %swap3A_266], %swap3A_269 {strides = array<i32>} : memref<2x2x128xi32, #tpu.memory_space<vmem>>, vector<1x1x16xi32>,
      %shift_right_logical3A_270 = arith.constant 16 : i32
      %shift_right_logical3A_271 = vector.broadcast %shift_right_logical3A_270 : i32 to vector<16xi32>
      %shift_right_logical3A_272 = arith.shrui %get3A_258, %shift_right_logical3A_271 : vector<16xi32>
      %swap3A_273 = arith.constant 1 : i32
      %swap3A_274 = arith.constant 1 : i32
      %swap3A_275 = arith.index_cast %swap3A_273 : i32 to index
      %swap3A_276 = arith.index_cast %swap3A_274 : i32 to index
      %swap3A_277 = arith.constant 0 : index
      %swap3A_278 = tpu.vector_load %arg7[%swap3A_275, %swap3A_276, %swap3A_277] {strides = array<i32>} : memref<2x2x128xi32, #tpu.memory_space<vmem>>, vector<1x1x16xi32>,
      %swap3A_279 = vector.shape_cast %swap3A_278 : vector<1x1x16xi32> to vector<16xi32>
      %swap3A_280 = vector.shape_cast %shift_right_logical3A_272 : vector<16xi32> to vector<1x1x16xi32>
      tpu.vector_store %arg7[%swap3A_275, %swap3A_276, %swap3A_277], %swap3A_280 {strides = array<i32>} : memref<2x2x128xi32, #tpu.memory_space<vmem>>, vector<1x1x16xi32>,
      %get3A_281 = arith.index_cast %add3A_254 : i32 to index
      %get3A_282 = arith.constant 16 : index
      %get3A_283 = tpu.vector_load %arg6[%get3A_281, %get3A_282] {strides = array<i32>} : memref<80x128xi32, #tpu.memory_space<vmem>>, vector<1x16xi32>,
      %get3A_284 = vector.shape_cast %get3A_283 : vector<1x16xi32> to vector<16xi32>
      %and3A_285 = arith.constant 65535 : i32
      %and3A_286 = vector.broadcast %and3A_285 : i32 to vector<16xi32>
      %and3A_287 = arith.andi %get3A_284, %and3A_286 : vector<16xi32>
      %swap3A_288 = arith.constant 1 : i32
      %swap3A_289 = arith.constant 0 : i32
      %swap3A_290 = arith.index_cast %swap3A_288 : i32 to index
      %swap3A_291 = arith.index_cast %swap3A_289 : i32 to index
      %swap3A_292 = arith.constant 16 : index
      %swap3A_293 = tpu.vector_load %arg7[%swap3A_290, %swap3A_291, %swap3A_292] {strides = array<i32>} : memref<2x2x128xi32, #tpu.memory_space<vmem>>, vector<1x1x16xi32>,
      %swap3A_294 = vector.shape_cast %swap3A_293 : vector<1x1x16xi32> to vector<16xi32>
      %swap3A_295 = vector.shape_cast %and3A_287 : vector<16xi32> to vector<1x1x16xi32>
      tpu.vector_store %arg7[%swap3A_290, %swap3A_291, %swap3A_292], %swap3A_295 {strides = array<i32>} : memref<2x2x128xi32, #tpu.memory_space<vmem>>, vector<1x1x16xi32>,
      %shift_right_logical3A_296 = arith.constant 16 : i32
      %shift_right_logical3A_297 = vector.broadcast %shift_right_logical3A_296 : i32 to vector<16xi32>
      %shift_right_logical3A_298 = arith.shrui %get3A_284, %shift_right_logical3A_297 : vector<16xi32>
      %swap3A_299 = arith.constant 1 : i32
      %swap3A_300 = arith.constant 1 : i32
      %swap3A_301 = arith.index_cast %swap3A_299 : i32 to index
      %swap3A_302 = arith.index_cast %swap3A_300 : i32 to index
      %swap3A_303 = arith.constant 16 : index
      %swap3A_304 = tpu.vector_load %arg7[%swap3A_301, %swap3A_302, %swap3A_303] {strides = array<i32>} : memref<2x2x128xi32, #tpu.memory_space<vmem>>, vector<1x1x16xi32>,
      %swap3A_305 = vector.shape_cast %swap3A_304 : vector<1x1x16xi32> to vector<16xi32>
      %swap3A_306 = vector.shape_cast %shift_right_logical3A_298 : vector<16xi32> to vector<1x1x16xi32>
      tpu.vector_store %arg7[%swap3A_301, %swap3A_302, %swap3A_303], %swap3A_306 {strides = array<i32>} : memref<2x2x128xi32, #tpu.memory_space<vmem>>, vector<1x1x16xi32>,
      %get3A_307 = arith.index_cast %add3A_254 : i32 to index
      %get3A_308 = arith.constant 32 : index
      %get3A_309 = tpu.vector_load %arg6[%get3A_307, %get3A_308] {strides = array<i32>} : memref<80x128xi32, #tpu.memory_space<vmem>>, vector<1x16xi32>,
      %get3A_310 = vector.shape_cast %get3A_309 : vector<1x16xi32> to vector<16xi32>
      %and3A_311 = arith.constant 65535 : i32
      %and3A_312 = vector.broadcast %and3A_311 : i32 to vector<16xi32>
      %and3A_313 = arith.andi %get3A_310, %and3A_312 : vector<16xi32>
      %swap3A_314 = arith.constant 1 : i32
      %swap3A_315 = arith.constant 0 : i32
      %swap3A_316 = arith.index_cast %swap3A_314 : i32 to index
      %swap3A_317 = arith.index_cast %swap3A_315 : i32 to index
      %swap3A_318 = arith.constant 32 : index
      %swap3A_319 = tpu.vector_load %arg7[%swap3A_316, %swap3A_317, %swap3A_318] {strides = array<i32>} : memref<2x2x128xi32, #tpu.memory_space<vmem>>, vector<1x1x16xi32>,
      %swap3A_320 = vector.shape_cast %swap3A_319 : vector<1x1x16xi32> to vector<16xi32>
      %swap3A_321 = vector.shape_cast %and3A_313 : vector<16xi32> to vector<1x1x16xi32>
      tpu.vector_store %arg7[%swap3A_316, %swap3A_317, %swap3A_318], %swap3A_321 {strides = array<i32>} : memref<2x2x128xi32, #tpu.memory_space<vmem>>, vector<1x1x16xi32>,
      %shift_right_logical3A_322 = arith.constant 16 : i32
      %shift_right_logical3A_323 = vector.broadcast %shift_right_logical3A_322 : i32 to vector<16xi32>
      %shift_right_logical3A_324 = arith.shrui %get3A_310, %shift_right_logical3A_323 : vector<16xi32>
      %swap3A_325 = arith.constant 1 : i32
      %swap3A_326 = arith.constant 1 : i32
      %swap3A_327 = arith.index_cast %swap3A_325 : i32 to index
      %swap3A_328 = arith.index_cast %swap3A_326 : i32 to index
      %swap3A_329 = arith.constant 32 : index
      %swap3A_330 = tpu.vector_load %arg7[%swap3A_327, %swap3A_328, %swap3A_329] {strides = array<i32>} : memref<2x2x128xi32, #tpu.memory_space<vmem>>, vector<1x1x16xi32>,
      %swap3A_331 = vector.shape_cast %swap3A_330 : vector<1x1x16xi32> to vector<16xi32>
      %swap3A_332 = vector.shape_cast %shift_right_logical3A_324 : vector<16xi32> to vector<1x1x16xi32>
      tpu.vector_store %arg7[%swap3A_327, %swap3A_328, %swap3A_329], %swap3A_332 {strides = array<i32>} : memref<2x2x128xi32, #tpu.memory_space<vmem>>, vector<1x1x16xi32>,
      %get3A_333 = arith.index_cast %add3A_254 : i32 to index
      %get3A_334 = arith.constant 48 : index
      %get3A_335 = tpu.vector_load %arg6[%get3A_333, %get3A_334] {strides = array<i32>} : memref<80x128xi32, #tpu.memory_space<vmem>>, vector<1x16xi32>,
      %get3A_336 = vector.shape_cast %get3A_335 : vector<1x16xi32> to vector<16xi32>
      %and3A_337 = arith.constant 65535 : i32
      %and3A_338 = vector.broadcast %and3A_337 : i32 to vector<16xi32>
      %and3A_339 = arith.andi %get3A_336, %and3A_338 : vector<16xi32>
      %swap3A_340 = arith.constant 1 : i32
      %swap3A_341 = arith.constant 0 : i32
      %swap3A_342 = arith.index_cast %swap3A_340 : i32 to index
      %swap3A_343 = arith.index_cast %swap3A_341 : i32 to index
      %swap3A_344 = arith.constant 48 : index
      %swap3A_345 = tpu.vector_load %arg7[%swap3A_342, %swap3A_343, %swap3A_344] {strides = array<i32>} : memref<2x2x128xi32, #tpu.memory_space<vmem>>, vector<1x1x16xi32>,
      %swap3A_346 = vector.shape_cast %swap3A_345 : vector<1x1x16xi32> to vector<16xi32>
      %swap3A_347 = vector.shape_cast %and3A_339 : vector<16xi32> to vector<1x1x16xi32>
      tpu.vector_store %arg7[%swap3A_342, %swap3A_343, %swap3A_344], %swap3A_347 {strides = array<i32>} : memref<2x2x128xi32, #tpu.memory_space<vmem>>, vector<1x1x16xi32>,
      %shift_right_logical3A_348 = arith.constant 16 : i32
      %shift_right_logical3A_349 = vector.broadcast %shift_right_logical3A_348 : i32 to vector<16xi32>
      %shift_right_logical3A_350 = arith.shrui %get3A_336, %shift_right_logical3A_349 : vector<16xi32>
      %swap3A_351 = arith.constant 1 : i32
      %swap3A_352 = arith.constant 1 : i32
      %swap3A_353 = arith.index_cast %swap3A_351 : i32 to index
      %swap3A_354 = arith.index_cast %swap3A_352 : i32 to index
      %swap3A_355 = arith.constant 48 : index
      %swap3A_356 = tpu.vector_load %arg7[%swap3A_353, %swap3A_354, %swap3A_355] {strides = array<i32>} : memref<2x2x128xi32, #tpu.memory_space<vmem>>, vector<1x1x16xi32>,
      %swap3A_357 = vector.shape_cast %swap3A_356 : vector<1x1x16xi32> to vector<16xi32>
      %swap3A_358 = vector.shape_cast %shift_right_logical3A_350 : vector<16xi32> to vector<1x1x16xi32>
      tpu.vector_store %arg7[%swap3A_353, %swap3A_354, %swap3A_355], %swap3A_358 {strides = array<i32>} : memref<2x2x128xi32, #tpu.memory_space<vmem>>, vector<1x1x16xi32>,
      %get3A_359 = arith.index_cast %add3A_254 : i32 to index
      %get3A_360 = arith.constant 64 : index
      %get3A_361 = tpu.vector_load %arg6[%get3A_359, %get3A_360] {strides = array<i32>} : memref<80x128xi32, #tpu.memory_space<vmem>>, vector<1x16xi32>,
      %get3A_362 = vector.shape_cast %get3A_361 : vector<1x16xi32> to vector<16xi32>
      %and3A_363 = arith.constant 65535 : i32
      %and3A_364 = vector.broadcast %and3A_363 : i32 to vector<16xi32>
      %and3A_365 = arith.andi %get3A_362, %and3A_364 : vector<16xi32>
      %swap3A_366 = arith.constant 1 : i32
      %swap3A_367 = arith.constant 0 : i32
      %swap3A_368 = arith.index_cast %swap3A_366 : i32 to index
      %swap3A_369 = arith.index_cast %swap3A_367 : i32 to index
      %swap3A_370 = arith.constant 64 : index
      %swap3A_371 = tpu.vector_load %arg7[%swap3A_368, %swap3A_369, %swap3A_370] {strides = array<i32>} : memref<2x2x128xi32, #tpu.memory_space<vmem>>, vector<1x1x16xi32>,
      %swap3A_372 = vector.shape_cast %swap3A_371 : vector<1x1x16xi32> to vector<16xi32>
      %swap3A_373 = vector.shape_cast %and3A_365 : vector<16xi32> to vector<1x1x16xi32>
      tpu.vector_store %arg7[%swap3A_368, %swap3A_369, %swap3A_370], %swap3A_373 {strides = array<i32>} : memref<2x2x128xi32, #tpu.memory_space<vmem>>, vector<1x1x16xi32>,
      %shift_right_logical3A_374 = arith.constant 16 : i32
      %shift_right_logical3A_375 = vector.broadcast %shift_right_logical3A_374 : i32 to vector<16xi32>
      %shift_right_logical3A_376 = arith.shrui %get3A_362, %shift_right_logical3A_375 : vector<16xi32>
      %swap3A_377 = arith.constant 1 : i32
      %swap3A_378 = arith.constant 1 : i32
      %swap3A_379 = arith.index_cast %swap3A_377 : i32 to index
      %swap3A_380 = arith.index_cast %swap3A_378 : i32 to index
      %swap3A_381 = arith.constant 64 : index
      %swap3A_382 = tpu.vector_load %arg7[%swap3A_379, %swap3A_380, %swap3A_381] {strides = array<i32>} : memref<2x2x128xi32, #tpu.memory_space<vmem>>, vector<1x1x16xi32>,
      %swap3A_383 = vector.shape_cast %swap3A_382 : vector<1x1x16xi32> to vector<16xi32>
      %swap3A_384 = vector.shape_cast %shift_right_logical3A_376 : vector<16xi32> to vector<1x1x16xi32>
      tpu.vector_store %arg7[%swap3A_379, %swap3A_380, %swap3A_381], %swap3A_384 {strides = array<i32>} : memref<2x2x128xi32, #tpu.memory_space<vmem>>, vector<1x1x16xi32>,
      %get3A_385 = arith.index_cast %add3A_254 : i32 to index
      %get3A_386 = arith.constant 80 : index
      %get3A_387 = tpu.vector_load %arg6[%get3A_385, %get3A_386] {strides = array<i32>} : memref<80x128xi32, #tpu.memory_space<vmem>>, vector<1x16xi32>,
      %get3A_388 = vector.shape_cast %get3A_387 : vector<1x16xi32> to vector<16xi32>
      %and3A_389 = arith.constant 65535 : i32
      %and3A_390 = vector.broadcast %and3A_389 : i32 to vector<16xi32>
      %and3A_391 = arith.andi %get3A_388, %and3A_390 : vector<16xi32>
      %swap3A_392 = arith.constant 1 : i32
      %swap3A_393 = arith.constant 0 : i32
      %swap3A_394 = arith.index_cast %swap3A_392 : i32 to index
      %swap3A_395 = arith.index_cast %swap3A_393 : i32 to index
      %swap3A_396 = arith.constant 80 : index
      %swap3A_397 = tpu.vector_load %arg7[%swap3A_394, %swap3A_395, %swap3A_396] {strides = array<i32>} : memref<2x2x128xi32, #tpu.memory_space<vmem>>, vector<1x1x16xi32>,
      %swap3A_398 = vector.shape_cast %swap3A_397 : vector<1x1x16xi32> to vector<16xi32>
      %swap3A_399 = vector.shape_cast %and3A_391 : vector<16xi32> to vector<1x1x16xi32>
      tpu.vector_store %arg7[%swap3A_394, %swap3A_395, %swap3A_396], %swap3A_399 {strides = array<i32>} : memref<2x2x128xi32, #tpu.memory_space<vmem>>, vector<1x1x16xi32>,
      %shift_right_logical3A_400 = arith.constant 16 : i32
      %shift_right_logical3A_401 = vector.broadcast %shift_right_logical3A_400 : i32 to vector<16xi32>
      %shift_right_logical3A_402 = arith.shrui %get3A_388, %shift_right_logical3A_401 : vector<16xi32>
      %swap3A_403 = arith.constant 1 : i32
      %swap3A_404 = arith.constant 1 : i32
      %swap3A_405 = arith.index_cast %swap3A_403 : i32 to index
      %swap3A_406 = arith.index_cast %swap3A_404 : i32 to index
      %swap3A_407 = arith.constant 80 : index
      %swap3A_408 = tpu.vector_load %arg7[%swap3A_405, %swap3A_406, %swap3A_407] {strides = array<i32>} : memref<2x2x128xi32, #tpu.memory_space<vmem>>, vector<1x1x16xi32>,
      %swap3A_409 = vector.shape_cast %swap3A_408 : vector<1x1x16xi32> to vector<16xi32>
      %swap3A_410 = vector.shape_cast %shift_right_logical3A_402 : vector<16xi32> to vector<1x1x16xi32>
      tpu.vector_store %arg7[%swap3A_405, %swap3A_406, %swap3A_407], %swap3A_410 {strides = array<i32>} : memref<2x2x128xi32, #tpu.memory_space<vmem>>, vector<1x1x16xi32>,
      %get3A_411 = arith.index_cast %add3A_254 : i32 to index
      %get3A_412 = arith.constant 96 : index
      %get3A_413 = tpu.vector_load %arg6[%get3A_411, %get3A_412] {strides = array<i32>} : memref<80x128xi32, #tpu.memory_space<vmem>>, vector<1x16xi32>,
      %get3A_414 = vector.shape_cast %get3A_413 : vector<1x16xi32> to vector<16xi32>
      %and3A_415 = arith.constant 65535 : i32
      %and3A_416 = vector.broadcast %and3A_415 : i32 to vector<16xi32>
      %and3A_417 = arith.andi %get3A_414, %and3A_416 : vector<16xi32>
      %swap3A_418 = arith.constant 1 : i32
      %swap3A_419 = arith.constant 0 : i32
      %swap3A_420 = arith.index_cast %swap3A_418 : i32 to index
      %swap3A_421 = arith.index_cast %swap3A_419 : i32 to index
      %swap3A_422 = arith.constant 96 : index
      %swap3A_423 = tpu.vector_load %arg7[%swap3A_420, %swap3A_421, %swap3A_422] {strides = array<i32>} : memref<2x2x128xi32, #tpu.memory_space<vmem>>, vector<1x1x16xi32>,
      %swap3A_424 = vector.shape_cast %swap3A_423 : vector<1x1x16xi32> to vector<16xi32>
      %swap3A_425 = vector.shape_cast %and3A_417 : vector<16xi32> to vector<1x1x16xi32>
      tpu.vector_store %arg7[%swap3A_420, %swap3A_421, %swap3A_422], %swap3A_425 {strides = array<i32>} : memref<2x2x128xi32, #tpu.memory_space<vmem>>, vector<1x1x16xi32>,
      %shift_right_logical3A_426 = arith.constant 16 : i32
      %shift_right_logical3A_427 = vector.broadcast %shift_right_logical3A_426 : i32 to vector<16xi32>
      %shift_right_logical3A_428 = arith.shrui %get3A_414, %shift_right_logical3A_427 : vector<16xi32>
      %swap3A_429 = arith.constant 1 : i32
      %swap3A_430 = arith.constant 1 : i32
      %swap3A_431 = arith.index_cast %swap3A_429 : i32 to index
      %swap3A_432 = arith.index_cast %swap3A_430 : i32 to index
      %swap3A_433 = arith.constant 96 : index
      %swap3A_434 = tpu.vector_load %arg7[%swap3A_431, %swap3A_432, %swap3A_433] {strides = array<i32>} : memref<2x2x128xi32, #tpu.memory_space<vmem>>, vector<1x1x16xi32>,
      %swap3A_435 = vector.shape_cast %swap3A_434 : vector<1x1x16xi32> to vector<16xi32>
      %swap3A_436 = vector.shape_cast %shift_right_logical3A_428 : vector<16xi32> to vector<1x1x16xi32>
      tpu.vector_store %arg7[%swap3A_431, %swap3A_432, %swap3A_433], %swap3A_436 {strides = array<i32>} : memref<2x2x128xi32, #tpu.memory_space<vmem>>, vector<1x1x16xi32>,
      %get3A_437 = arith.index_cast %add3A_254 : i32 to index
      %get3A_438 = arith.constant 112 : index
      %get3A_439 = tpu.vector_load %arg6[%get3A_437, %get3A_438] {strides = array<i32>} : memref<80x128xi32, #tpu.memory_space<vmem>>, vector<1x16xi32>,
      %get3A_440 = vector.shape_cast %get3A_439 : vector<1x16xi32> to vector<16xi32>
      %and3A_441 = arith.constant 65535 : i32
      %and3A_442 = vector.broadcast %and3A_441 : i32 to vector<16xi32>
      %and3A_443 = arith.andi %get3A_440, %and3A_442 : vector<16xi32>
      %swap3A_444 = arith.constant 1 : i32
      %swap3A_445 = arith.constant 0 : i32
      %swap3A_446 = arith.index_cast %swap3A_444 : i32 to index
      %swap3A_447 = arith.index_cast %swap3A_445 : i32 to index
      %swap3A_448 = arith.constant 112 : index
      %swap3A_449 = tpu.vector_load %arg7[%swap3A_446, %swap3A_447, %swap3A_448] {strides = array<i32>} : memref<2x2x128xi32, #tpu.memory_space<vmem>>, vector<1x1x16xi32>,
      %swap3A_450 = vector.shape_cast %swap3A_449 : vector<1x1x16xi32> to vector<16xi32>
      %swap3A_451 = vector.shape_cast %and3A_443 : vector<16xi32> to vector<1x1x16xi32>
      tpu.vector_store %arg7[%swap3A_446, %swap3A_447, %swap3A_448], %swap3A_451 {strides = array<i32>} : memref<2x2x128xi32, #tpu.memory_space<vmem>>, vector<1x1x16xi32>,
      %shift_right_logical3A_452 = arith.constant 16 : i32
      %shift_right_logical3A_453 = vector.broadcast %shift_right_logical3A_452 : i32 to vector<16xi32>
      %shift_right_logical3A_454 = arith.shrui %get3A_440, %shift_right_logical3A_453 : vector<16xi32>
      %swap3A_455 = arith.constant 1 : i32
      %swap3A_456 = arith.constant 1 : i32
      %swap3A_457 = arith.index_cast %swap3A_455 : i32 to index
      %swap3A_458 = arith.index_cast %swap3A_456 : i32 to index
      %swap3A_459 = arith.constant 112 : index
      %swap3A_460 = tpu.vector_load %arg7[%swap3A_457, %swap3A_458, %swap3A_459] {strides = array<i32>} : memref<2x2x128xi32, #tpu.memory_space<vmem>>, vector<1x1x16xi32>,
      %swap3A_461 = vector.shape_cast %swap3A_460 : vector<1x1x16xi32> to vector<16xi32>
      %swap3A_462 = vector.shape_cast %shift_right_logical3A_454 : vector<16xi32> to vector<1x1x16xi32>
      tpu.vector_store %arg7[%swap3A_457, %swap3A_458, %swap3A_459], %swap3A_462 {strides = array<i32>} : memref<2x2x128xi32, #tpu.memory_space<vmem>>, vector<1x1x16xi32>,
      %dma_start3A_463 = arith.constant 1 : i32
      %dma_start3A_464 = arith.constant 0 : i32
      %dma_start3A_465 = arith.constant 0 : i32
      %dma_start3A_466 = tpu.memref_slice %arg7[%dma_start3A_463, %dma_start3A_464, %dma_start3A_465] : memref<2x2x128xi32, #tpu.memory_space<vmem>> -> memref<1x1x128xi32, #tpu.memory_space<vmem>>
      %dma_start3A_467 = tpu.memref_squeeze %dma_start3A_466 : memref<1x1x128xi32, #tpu.memory_space<vmem>> -> memref<128xi32, #tpu.memory_space<vmem>>
      %dma_start3A_468 = arith.constant 0 : i32
      %dma_start3A_469 = arith.constant 0 : i32
      %dma_start3A_470 = tpu.memref_slice %arg2[%dma_start3A_468, %dma_start3A_469] : memref<10000x128xf32, #tpu.memory_space<hbm>> -> memref<10000x128xf32, #tpu.memory_space<hbm>>
      tpu.enqueue_indirect_dma source(%dma_start3A_470 : memref<10000x128xf32, #tpu.memory_space<hbm>>) target(%arg9 : memref<128x128xf32, #tpu.memory_space<vmem>>) offsets(%dma_start3A_467 : memref<128xi32, #tpu.memory_space<vmem>>) semaphore(%arg11 : memref<!tpu.dma_semaphore, #tpu.memory_space<semaphore_mem>>)
      %dma_wait3A = arith.constant 0 : i32
      %dma_wait3A_471 = arith.constant 0 : i32
      %dma_wait3A_472 = arith.constant 0 : i32
      %dma_wait3A_473 = tpu.memref_slice %arg7[%dma_wait3A, %dma_wait3A_471, %dma_wait3A_472] : memref<2x2x128xi32, #tpu.memory_space<vmem>> -> memref<1x1x128xi32, #tpu.memory_space<vmem>>
      %dma_wait3A_474 = tpu.memref_squeeze %dma_wait3A_473 : memref<1x1x128xi32, #tpu.memory_space<vmem>> -> memref<128xi32, #tpu.memory_space<vmem>>
      %dma_wait3A_475 = arith.constant 0 : i32
      %dma_wait3A_476 = arith.constant 0 : i32
      %dma_wait3A_477 = tpu.memref_slice %arg2[%dma_wait3A_475, %dma_wait3A_476] : memref<10000x128xf32, #tpu.memory_space<hbm>> -> memref<10000x128xf32, #tpu.memory_space<hbm>>
      tpu.wait_indirect_dma semaphore(%arg10 : memref<!tpu.dma_semaphore, #tpu.memory_space<semaphore_mem>>) src(%dma_wait3A_477 : memref<10000x128xf32, #tpu.memory_space<hbm>>) dst(%arg8 : memref<128x128xf32, #tpu.memory_space<vmem>>)
      %run_scoped3A = arith.constant 0 : i32
      %run_scoped3A_478 = arith.constant 1 : i32
      "tpu.region"() ({
        %run_scoped3A_491 = tpu.sem_alloc : memref<!tpu.dma_semaphore, #tpu.memory_space<semaphore_mem>>
        %dma_start3A_492 = arith.constant 0 : i32
        %dma_start3A_493 = tpu.memref_slice %arg7[%run_scoped3A, %run_scoped3A_478, %dma_start3A_492] : memref<2x2x128xi32, #tpu.memory_space<vmem>> -> memref<1x1x128xi32, #tpu.memory_space<vmem>>
        %dma_start3A_494 = tpu.memref_squeeze %dma_start3A_493 : memref<1x1x128xi32, #tpu.memory_space<vmem>> -> memref<128xi32, #tpu.memory_space<vmem>>
        %dma_start3A_495 = arith.constant 0 : i32
        %dma_start3A_496 = arith.constant 0 : i32
        %dma_start3A_497 = tpu.memref_slice %arg12[%dma_start3A_495, %dma_start3A_496] : memref<10240x128xf32, #tpu.memory_space<vmem_shared>> -> memref<10240x128xf32, #tpu.memory_space<vmem_shared>>
        tpu.enqueue_indirect_dma source(%arg8 : memref<128x128xf32, #tpu.memory_space<vmem>>) target(%dma_start3A_497 : memref<10240x128xf32, #tpu.memory_space<vmem_shared>>) offsets(%dma_start3A_494 : memref<128xi32, #tpu.memory_space<vmem>>) semaphore(%run_scoped3A_491 : memref<!tpu.dma_semaphore, #tpu.memory_space<semaphore_mem>>) {add = true}
        %dma_wait3A_498 = arith.constant 0 : i32
        %dma_wait3A_499 = tpu.memref_slice %arg7[%run_scoped3A, %run_scoped3A_478, %dma_wait3A_498] : memref<2x2x128xi32, #tpu.memory_space<vmem>> -> memref<1x1x128xi32, #tpu.memory_space<vmem>>
        %dma_wait3A_500 = tpu.memref_squeeze %dma_wait3A_499 : memref<1x1x128xi32, #tpu.memory_space<vmem>> -> memref<128xi32, #tpu.memory_space<vmem>>
        %dma_wait3A_501 = arith.constant 0 : i32
        %dma_wait3A_502 = arith.constant 0 : i32
        %dma_wait3A_503 = tpu.memref_slice %arg12[%dma_wait3A_501, %dma_wait3A_502] : memref<10240x128xf32, #tpu.memory_space<vmem_shared>> -> memref<10240x128xf32, #tpu.memory_space<vmem_shared>>
        tpu.wait_indirect_dma semaphore(%run_scoped3A_491 : memref<!tpu.dma_semaphore, #tpu.memory_space<semaphore_mem>>) src(%arg8 : memref<128x128xf32, #tpu.memory_space<vmem>>) dst(%dma_wait3A_503 : memref<10240x128xf32, #tpu.memory_space<vmem_shared>>)
        tpu.yield
      }) : () -> ()
      %lt3A = arith.constant 39 : i32
      %lt3A_479 = arith.cmpi slt, %scan3A_250, %lt3A : i32
      %convert_element_type3A = arith.extui %lt3A_479 : i1 to i32
      %cond3A = arith.constant 0 : i32
      %cond3A_480 = arith.cmpi ne, %convert_element_type3A, %cond3A : i32
      scf.if %cond3A_480 {
        %add3A_491 = arith.constant 2 : i32
        %add3A_492 = arith.addi %mul3A_252, %add3A_491 : i32
        %get3A_493 = arith.index_cast %add3A_492 : i32 to index
        %get3A_494 = arith.constant 0 : index
        %get3A_495 = tpu.vector_load %arg6[%get3A_493, %get3A_494] {strides = array<i32>} : memref<80x128xi32, #tpu.memory_space<vmem>>, vector<1x16xi32>,
        %get3A_496 = vector.shape_cast %get3A_495 : vector<1x16xi32> to vector<16xi32>
        %and3A_497 = arith.constant 65535 : i32
        %and3A_498 = vector.broadcast %and3A_497 : i32 to vector<16xi32>
        %and3A_499 = arith.andi %get3A_496, %and3A_498 : vector<16xi32>
        %swap3A_500 = arith.constant 0 : i32
        %swap3A_501 = arith.constant 0 : i32
        %swap3A_502 = arith.index_cast %swap3A_500 : i32 to index
        %swap3A_503 = arith.index_cast %swap3A_501 : i32 to index
        %swap3A_504 = arith.constant 0 : index
        %swap3A_505 = tpu.vector_load %arg7[%swap3A_502, %swap3A_503, %swap3A_504] {strides = array<i32>} : memref<2x2x128xi32, #tpu.memory_space<vmem>>, vector<1x1x16xi32>,
        %swap3A_506 = vector.shape_cast %swap3A_505 : vector<1x1x16xi32> to vector<16xi32>
        %swap3A_507 = vector.shape_cast %and3A_499 : vector<16xi32> to vector<1x1x16xi32>
        tpu.vector_store %arg7[%swap3A_502, %swap3A_503, %swap3A_504], %swap3A_507 {strides = array<i32>} : memref<2x2x128xi32, #tpu.memory_space<vmem>>, vector<1x1x16xi32>,
        %shift_right_logical3A_508 = arith.constant 16 : i32
        %shift_right_logical3A_509 = vector.broadcast %shift_right_logical3A_508 : i32 to vector<16xi32>
        %shift_right_logical3A_510 = arith.shrui %get3A_496, %shift_right_logical3A_509 : vector<16xi32>
        %swap3A_511 = arith.constant 0 : i32
        %swap3A_512 = arith.constant 1 : i32
        %swap3A_513 = arith.index_cast %swap3A_511 : i32 to index
        %swap3A_514 = arith.index_cast %swap3A_512 : i32 to index
        %swap3A_515 = arith.constant 0 : index
        %swap3A_516 = tpu.vector_load %arg7[%swap3A_513, %swap3A_514, %swap3A_515] {strides = array<i32>} : memref<2x2x128xi32, #tpu.memory_space<vmem>>, vector<1x1x16xi32>,
        %swap3A_517 = vector.shape_cast %swap3A_516 : vector<1x1x16xi32> to vector<16xi32>
        %swap3A_518 = vector.shape_cast %shift_right_logical3A_510 : vector<16xi32> to vector<1x1x16xi32>
        tpu.vector_store %arg7[%swap3A_513, %swap3A_514, %swap3A_515], %swap3A_518 {strides = array<i32>} : memref<2x2x128xi32, #tpu.memory_space<vmem>>, vector<1x1x16xi32>,
        %get3A_519 = arith.index_cast %add3A_492 : i32 to index
        %get3A_520 = arith.constant 16 : index
        %get3A_521 = tpu.vector_load %arg6[%get3A_519, %get3A_520] {strides = array<i32>} : memref<80x128xi32, #tpu.memory_space<vmem>>, vector<1x16xi32>,
        %get3A_522 = vector.shape_cast %get3A_521 : vector<1x16xi32> to vector<16xi32>
        %and3A_523 = arith.constant 65535 : i32
        %and3A_524 = vector.broadcast %and3A_523 : i32 to vector<16xi32>
        %and3A_525 = arith.andi %get3A_522, %and3A_524 : vector<16xi32>
        %swap3A_526 = arith.constant 0 : i32
        %swap3A_527 = arith.constant 0 : i32
        %swap3A_528 = arith.index_cast %swap3A_526 : i32 to index
        %swap3A_529 = arith.index_cast %swap3A_527 : i32 to index
        %swap3A_530 = arith.constant 16 : index
        %swap3A_531 = tpu.vector_load %arg7[%swap3A_528, %swap3A_529, %swap3A_530] {strides = array<i32>} : memref<2x2x128xi32, #tpu.memory_space<vmem>>, vector<1x1x16xi32>,
        %swap3A_532 = vector.shape_cast %swap3A_531 : vector<1x1x16xi32> to vector<16xi32>
        %swap3A_533 = vector.shape_cast %and3A_525 : vector<16xi32> to vector<1x1x16xi32>
        tpu.vector_store %arg7[%swap3A_528, %swap3A_529, %swap3A_530], %swap3A_533 {strides = array<i32>} : memref<2x2x128xi32, #tpu.memory_space<vmem>>, vector<1x1x16xi32>,
        %shift_right_logical3A_534 = arith.constant 16 : i32
        %shift_right_logical3A_535 = vector.broadcast %shift_right_logical3A_534 : i32 to vector<16xi32>
        %shift_right_logical3A_536 = arith.shrui %get3A_522, %shift_right_logical3A_535 : vector<16xi32>
        %swap3A_537 = arith.constant 0 : i32
        %swap3A_538 = arith.constant 1 : i32
        %swap3A_539 = arith.index_cast %swap3A_537 : i32 to index
        %swap3A_540 = arith.index_cast %swap3A_538 : i32 to index
        %swap3A_541 = arith.constant 16 : index
        %swap3A_542 = tpu.vector_load %arg7[%swap3A_539, %swap3A_540, %swap3A_541] {strides = array<i32>} : memref<2x2x128xi32, #tpu.memory_space<vmem>>, vector<1x1x16xi32>,
        %swap3A_543 = vector.shape_cast %swap3A_542 : vector<1x1x16xi32> to vector<16xi32>
        %swap3A_544 = vector.shape_cast %shift_right_logical3A_536 : vector<16xi32> to vector<1x1x16xi32>
        tpu.vector_store %arg7[%swap3A_539, %swap3A_540, %swap3A_541], %swap3A_544 {strides = array<i32>} : memref<2x2x128xi32, #tpu.memory_space<vmem>>, vector<1x1x16xi32>,
        %get3A_545 = arith.index_cast %add3A_492 : i32 to index
        %get3A_546 = arith.constant 32 : index
        %get3A_547 = tpu.vector_load %arg6[%get3A_545, %get3A_546] {strides = array<i32>} : memref<80x128xi32, #tpu.memory_space<vmem>>, vector<1x16xi32>,
        %get3A_548 = vector.shape_cast %get3A_547 : vector<1x16xi32> to vector<16xi32>
        %and3A_549 = arith.constant 65535 : i32
        %and3A_550 = vector.broadcast %and3A_549 : i32 to vector<16xi32>
        %and3A_551 = arith.andi %get3A_548, %and3A_550 : vector<16xi32>
        %swap3A_552 = arith.constant 0 : i32
        %swap3A_553 = arith.constant 0 : i32
        %swap3A_554 = arith.index_cast %swap3A_552 : i32 to index
        %swap3A_555 = arith.index_cast %swap3A_553 : i32 to index
        %swap3A_556 = arith.constant 32 : index
        %swap3A_557 = tpu.vector_load %arg7[%swap3A_554, %swap3A_555, %swap3A_556] {strides = array<i32>} : memref<2x2x128xi32, #tpu.memory_space<vmem>>, vector<1x1x16xi32>,
        %swap3A_558 = vector.shape_cast %swap3A_557 : vector<1x1x16xi32> to vector<16xi32>
        %swap3A_559 = vector.shape_cast %and3A_551 : vector<16xi32> to vector<1x1x16xi32>
        tpu.vector_store %arg7[%swap3A_554, %swap3A_555, %swap3A_556], %swap3A_559 {strides = array<i32>} : memref<2x2x128xi32, #tpu.memory_space<vmem>>, vector<1x1x16xi32>,
        %shift_right_logical3A_560 = arith.constant 16 : i32
        %shift_right_logical3A_561 = vector.broadcast %shift_right_logical3A_560 : i32 to vector<16xi32>
        %shift_right_logical3A_562 = arith.shrui %get3A_548, %shift_right_logical3A_561 : vector<16xi32>
        %swap3A_563 = arith.constant 0 : i32
        %swap3A_564 = arith.constant 1 : i32
        %swap3A_565 = arith.index_cast %swap3A_563 : i32 to index
        %swap3A_566 = arith.index_cast %swap3A_564 : i32 to index
        %swap3A_567 = arith.constant 32 : index
        %swap3A_568 = tpu.vector_load %arg7[%swap3A_565, %swap3A_566, %swap3A_567] {strides = array<i32>} : memref<2x2x128xi32, #tpu.memory_space<vmem>>, vector<1x1x16xi32>,
        %swap3A_569 = vector.shape_cast %swap3A_568 : vector<1x1x16xi32> to vector<16xi32>
        %swap3A_570 = vector.shape_cast %shift_right_logical3A_562 : vector<16xi32> to vector<1x1x16xi32>
        tpu.vector_store %arg7[%swap3A_565, %swap3A_566, %swap3A_567], %swap3A_570 {strides = array<i32>} : memref<2x2x128xi32, #tpu.memory_space<vmem>>, vector<1x1x16xi32>,
        %get3A_571 = arith.index_cast %add3A_492 : i32 to index
        %get3A_572 = arith.constant 48 : index
        %get3A_573 = tpu.vector_load %arg6[%get3A_571, %get3A_572] {strides = array<i32>} : memref<80x128xi32, #tpu.memory_space<vmem>>, vector<1x16xi32>,
        %get3A_574 = vector.shape_cast %get3A_573 : vector<1x16xi32> to vector<16xi32>
        %and3A_575 = arith.constant 65535 : i32
        %and3A_576 = vector.broadcast %and3A_575 : i32 to vector<16xi32>
        %and3A_577 = arith.andi %get3A_574, %and3A_576 : vector<16xi32>
        %swap3A_578 = arith.constant 0 : i32
        %swap3A_579 = arith.constant 0 : i32
        %swap3A_580 = arith.index_cast %swap3A_578 : i32 to index
        %swap3A_581 = arith.index_cast %swap3A_579 : i32 to index
        %swap3A_582 = arith.constant 48 : index
        %swap3A_583 = tpu.vector_load %arg7[%swap3A_580, %swap3A_581, %swap3A_582] {strides = array<i32>} : memref<2x2x128xi32, #tpu.memory_space<vmem>>, vector<1x1x16xi32>,
        %swap3A_584 = vector.shape_cast %swap3A_583 : vector<1x1x16xi32> to vector<16xi32>
        %swap3A_585 = vector.shape_cast %and3A_577 : vector<16xi32> to vector<1x1x16xi32>
        tpu.vector_store %arg7[%swap3A_580, %swap3A_581, %swap3A_582], %swap3A_585 {strides = array<i32>} : memref<2x2x128xi32, #tpu.memory_space<vmem>>, vector<1x1x16xi32>,
        %shift_right_logical3A_586 = arith.constant 16 : i32
        %shift_right_logical3A_587 = vector.broadcast %shift_right_logical3A_586 : i32 to vector<16xi32>
        %shift_right_logical3A_588 = arith.shrui %get3A_574, %shift_right_logical3A_587 : vector<16xi32>
        %swap3A_589 = arith.constant 0 : i32
        %swap3A_590 = arith.constant 1 : i32
        %swap3A_591 = arith.index_cast %swap3A_589 : i32 to index
        %swap3A_592 = arith.index_cast %swap3A_590 : i32 to index
        %swap3A_593 = arith.constant 48 : index
        %swap3A_594 = tpu.vector_load %arg7[%swap3A_591, %swap3A_592, %swap3A_593] {strides = array<i32>} : memref<2x2x128xi32, #tpu.memory_space<vmem>>, vector<1x1x16xi32>,
        %swap3A_595 = vector.shape_cast %swap3A_594 : vector<1x1x16xi32> to vector<16xi32>
        %swap3A_596 = vector.shape_cast %shift_right_logical3A_588 : vector<16xi32> to vector<1x1x16xi32>
        tpu.vector_store %arg7[%swap3A_591, %swap3A_592, %swap3A_593], %swap3A_596 {strides = array<i32>} : memref<2x2x128xi32, #tpu.memory_space<vmem>>, vector<1x1x16xi32>,
        %get3A_597 = arith.index_cast %add3A_492 : i32 to index
        %get3A_598 = arith.constant 64 : index
        %get3A_599 = tpu.vector_load %arg6[%get3A_597, %get3A_598] {strides = array<i32>} : memref<80x128xi32, #tpu.memory_space<vmem>>, vector<1x16xi32>,
        %get3A_600 = vector.shape_cast %get3A_599 : vector<1x16xi32> to vector<16xi32>
        %and3A_601 = arith.constant 65535 : i32
        %and3A_602 = vector.broadcast %and3A_601 : i32 to vector<16xi32>
        %and3A_603 = arith.andi %get3A_600, %and3A_602 : vector<16xi32>
        %swap3A_604 = arith.constant 0 : i32
        %swap3A_605 = arith.constant 0 : i32
        %swap3A_606 = arith.index_cast %swap3A_604 : i32 to index
        %swap3A_607 = arith.index_cast %swap3A_605 : i32 to index
        %swap3A_608 = arith.constant 64 : index
        %swap3A_609 = tpu.vector_load %arg7[%swap3A_606, %swap3A_607, %swap3A_608] {strides = array<i32>} : memref<2x2x128xi32, #tpu.memory_space<vmem>>, vector<1x1x16xi32>,
        %swap3A_610 = vector.shape_cast %swap3A_609 : vector<1x1x16xi32> to vector<16xi32>
        %swap3A_611 = vector.shape_cast %and3A_603 : vector<16xi32> to vector<1x1x16xi32>
        tpu.vector_store %arg7[%swap3A_606, %swap3A_607, %swap3A_608], %swap3A_611 {strides = array<i32>} : memref<2x2x128xi32, #tpu.memory_space<vmem>>, vector<1x1x16xi32>,
        %shift_right_logical3A_612 = arith.constant 16 : i32
        %shift_right_logical3A_613 = vector.broadcast %shift_right_logical3A_612 : i32 to vector<16xi32>
        %shift_right_logical3A_614 = arith.shrui %get3A_600, %shift_right_logical3A_613 : vector<16xi32>
        %swap3A_615 = arith.constant 0 : i32
        %swap3A_616 = arith.constant 1 : i32
        %swap3A_617 = arith.index_cast %swap3A_615 : i32 to index
        %swap3A_618 = arith.index_cast %swap3A_616 : i32 to index
        %swap3A_619 = arith.constant 64 : index
        %swap3A_620 = tpu.vector_load %arg7[%swap3A_617, %swap3A_618, %swap3A_619] {strides = array<i32>} : memref<2x2x128xi32, #tpu.memory_space<vmem>>, vector<1x1x16xi32>,
        %swap3A_621 = vector.shape_cast %swap3A_620 : vector<1x1x16xi32> to vector<16xi32>
        %swap3A_622 = vector.shape_cast %shift_right_logical3A_614 : vector<16xi32> to vector<1x1x16xi32>
        tpu.vector_store %arg7[%swap3A_617, %swap3A_618, %swap3A_619], %swap3A_622 {strides = array<i32>} : memref<2x2x128xi32, #tpu.memory_space<vmem>>, vector<1x1x16xi32>,
        %get3A_623 = arith.index_cast %add3A_492 : i32 to index
        %get3A_624 = arith.constant 80 : index
        %get3A_625 = tpu.vector_load %arg6[%get3A_623, %get3A_624] {strides = array<i32>} : memref<80x128xi32, #tpu.memory_space<vmem>>, vector<1x16xi32>,
        %get3A_626 = vector.shape_cast %get3A_625 : vector<1x16xi32> to vector<16xi32>
        %and3A_627 = arith.constant 65535 : i32
        %and3A_628 = vector.broadcast %and3A_627 : i32 to vector<16xi32>
        %and3A_629 = arith.andi %get3A_626, %and3A_628 : vector<16xi32>
        %swap3A_630 = arith.constant 0 : i32
        %swap3A_631 = arith.constant 0 : i32
        %swap3A_632 = arith.index_cast %swap3A_630 : i32 to index
        %swap3A_633 = arith.index_cast %swap3A_631 : i32 to index
        %swap3A_634 = arith.constant 80 : index
        %swap3A_635 = tpu.vector_load %arg7[%swap3A_632, %swap3A_633, %swap3A_634] {strides = array<i32>} : memref<2x2x128xi32, #tpu.memory_space<vmem>>, vector<1x1x16xi32>,
        %swap3A_636 = vector.shape_cast %swap3A_635 : vector<1x1x16xi32> to vector<16xi32>
        %swap3A_637 = vector.shape_cast %and3A_629 : vector<16xi32> to vector<1x1x16xi32>
        tpu.vector_store %arg7[%swap3A_632, %swap3A_633, %swap3A_634], %swap3A_637 {strides = array<i32>} : memref<2x2x128xi32, #tpu.memory_space<vmem>>, vector<1x1x16xi32>,
        %shift_right_logical3A_638 = arith.constant 16 : i32
        %shift_right_logical3A_639 = vector.broadcast %shift_right_logical3A_638 : i32 to vector<16xi32>
        %shift_right_logical3A_640 = arith.shrui %get3A_626, %shift_right_logical3A_639 : vector<16xi32>
        %swap3A_641 = arith.constant 0 : i32
        %swap3A_642 = arith.constant 1 : i32
        %swap3A_643 = arith.index_cast %swap3A_641 : i32 to index
        %swap3A_644 = arith.index_cast %swap3A_642 : i32 to index
        %swap3A_645 = arith.constant 80 : index
        %swap3A_646 = tpu.vector_load %arg7[%swap3A_643, %swap3A_644, %swap3A_645] {strides = array<i32>} : memref<2x2x128xi32, #tpu.memory_space<vmem>>, vector<1x1x16xi32>,
        %swap3A_647 = vector.shape_cast %swap3A_646 : vector<1x1x16xi32> to vector<16xi32>
        %swap3A_648 = vector.shape_cast %shift_right_logical3A_640 : vector<16xi32> to vector<1x1x16xi32>
        tpu.vector_store %arg7[%swap3A_643, %swap3A_644, %swap3A_645], %swap3A_648 {strides = array<i32>} : memref<2x2x128xi32, #tpu.memory_space<vmem>>, vector<1x1x16xi32>,
        %get3A_649 = arith.index_cast %add3A_492 : i32 to index
        %get3A_650 = arith.constant 96 : index
        %get3A_651 = tpu.vector_load %arg6[%get3A_649, %get3A_650] {strides = array<i32>} : memref<80x128xi32, #tpu.memory_space<vmem>>, vector<1x16xi32>,
        %get3A_652 = vector.shape_cast %get3A_651 : vector<1x16xi32> to vector<16xi32>
        %and3A_653 = arith.constant 65535 : i32
        %and3A_654 = vector.broadcast %and3A_653 : i32 to vector<16xi32>
        %and3A_655 = arith.andi %get3A_652, %and3A_654 : vector<16xi32>
        %swap3A_656 = arith.constant 0 : i32
        %swap3A_657 = arith.constant 0 : i32
        %swap3A_658 = arith.index_cast %swap3A_656 : i32 to index
        %swap3A_659 = arith.index_cast %swap3A_657 : i32 to index
        %swap3A_660 = arith.constant 96 : index
        %swap3A_661 = tpu.vector_load %arg7[%swap3A_658, %swap3A_659, %swap3A_660] {strides = array<i32>} : memref<2x2x128xi32, #tpu.memory_space<vmem>>, vector<1x1x16xi32>,
        %swap3A_662 = vector.shape_cast %swap3A_661 : vector<1x1x16xi32> to vector<16xi32>
        %swap3A_663 = vector.shape_cast %and3A_655 : vector<16xi32> to vector<1x1x16xi32>
        tpu.vector_store %arg7[%swap3A_658, %swap3A_659, %swap3A_660], %swap3A_663 {strides = array<i32>} : memref<2x2x128xi32, #tpu.memory_space<vmem>>, vector<1x1x16xi32>,
        %shift_right_logical3A_664 = arith.constant 16 : i32
        %shift_right_logical3A_665 = vector.broadcast %shift_right_logical3A_664 : i32 to vector<16xi32>
        %shift_right_logical3A_666 = arith.shrui %get3A_652, %shift_right_logical3A_665 : vector<16xi32>
        %swap3A_667 = arith.constant 0 : i32
        %swap3A_668 = arith.constant 1 : i32
        %swap3A_669 = arith.index_cast %swap3A_667 : i32 to index
        %swap3A_670 = arith.index_cast %swap3A_668 : i32 to index
        %swap3A_671 = arith.constant 96 : index
        %swap3A_672 = tpu.vector_load %arg7[%swap3A_669, %swap3A_670, %swap3A_671] {strides = array<i32>} : memref<2x2x128xi32, #tpu.memory_space<vmem>>, vector<1x1x16xi32>,
        %swap3A_673 = vector.shape_cast %swap3A_672 : vector<1x1x16xi32> to vector<16xi32>
        %swap3A_674 = vector.shape_cast %shift_right_logical3A_666 : vector<16xi32> to vector<1x1x16xi32>
        tpu.vector_store %arg7[%swap3A_669, %swap3A_670, %swap3A_671], %swap3A_674 {strides = array<i32>} : memref<2x2x128xi32, #tpu.memory_space<vmem>>, vector<1x1x16xi32>,
        %get3A_675 = arith.index_cast %add3A_492 : i32 to index
        %get3A_676 = arith.constant 112 : index
        %get3A_677 = tpu.vector_load %arg6[%get3A_675, %get3A_676] {strides = array<i32>} : memref<80x128xi32, #tpu.memory_space<vmem>>, vector<1x16xi32>,
        %get3A_678 = vector.shape_cast %get3A_677 : vector<1x16xi32> to vector<16xi32>
        %and3A_679 = arith.constant 65535 : i32
        %and3A_680 = vector.broadcast %and3A_679 : i32 to vector<16xi32>
        %and3A_681 = arith.andi %get3A_678, %and3A_680 : vector<16xi32>
        %swap3A_682 = arith.constant 0 : i32
        %swap3A_683 = arith.constant 0 : i32
        %swap3A_684 = arith.index_cast %swap3A_682 : i32 to index
        %swap3A_685 = arith.index_cast %swap3A_683 : i32 to index
        %swap3A_686 = arith.constant 112 : index
        %swap3A_687 = tpu.vector_load %arg7[%swap3A_684, %swap3A_685, %swap3A_686] {strides = array<i32>} : memref<2x2x128xi32, #tpu.memory_space<vmem>>, vector<1x1x16xi32>,
        %swap3A_688 = vector.shape_cast %swap3A_687 : vector<1x1x16xi32> to vector<16xi32>
        %swap3A_689 = vector.shape_cast %and3A_681 : vector<16xi32> to vector<1x1x16xi32>
        tpu.vector_store %arg7[%swap3A_684, %swap3A_685, %swap3A_686], %swap3A_689 {strides = array<i32>} : memref<2x2x128xi32, #tpu.memory_space<vmem>>, vector<1x1x16xi32>,
        %shift_right_logical3A_690 = arith.constant 16 : i32
        %shift_right_logical3A_691 = vector.broadcast %shift_right_logical3A_690 : i32 to vector<16xi32>
        %shift_right_logical3A_692 = arith.shrui %get3A_678, %shift_right_logical3A_691 : vector<16xi32>
        %swap3A_693 = arith.constant 0 : i32
        %swap3A_694 = arith.constant 1 : i32
        %swap3A_695 = arith.index_cast %swap3A_693 : i32 to index
        %swap3A_696 = arith.index_cast %swap3A_694 : i32 to index
        %swap3A_697 = arith.constant 112 : index
        %swap3A_698 = tpu.vector_load %arg7[%swap3A_695, %swap3A_696, %swap3A_697] {strides = array<i32>} : memref<2x2x128xi32, #tpu.memory_space<vmem>>, vector<1x1x16xi32>,
        %swap3A_699 = vector.shape_cast %swap3A_698 : vector<1x1x16xi32> to vector<16xi32>
        %swap3A_700 = vector.shape_cast %shift_right_logical3A_692 : vector<16xi32> to vector<1x1x16xi32>
        tpu.vector_store %arg7[%swap3A_695, %swap3A_696, %swap3A_697], %swap3A_700 {strides = array<i32>} : memref<2x2x128xi32, #tpu.memory_space<vmem>>, vector<1x1x16xi32>,
        %dma_start3A_701 = arith.constant 0 : i32
        %dma_start3A_702 = arith.constant 0 : i32
        %dma_start3A_703 = arith.constant 0 : i32
        %dma_start3A_704 = tpu.memref_slice %arg7[%dma_start3A_701, %dma_start3A_702, %dma_start3A_703] : memref<2x2x128xi32, #tpu.memory_space<vmem>> -> memref<1x1x128xi32, #tpu.memory_space<vmem>>
        %dma_start3A_705 = tpu.memref_squeeze %dma_start3A_704 : memref<1x1x128xi32, #tpu.memory_space<vmem>> -> memref<128xi32, #tpu.memory_space<vmem>>
        %dma_start3A_706 = arith.constant 0 : i32
        %dma_start3A_707 = arith.constant 0 : i32
        %dma_start3A_708 = tpu.memref_slice %arg2[%dma_start3A_706, %dma_start3A_707] : memref<10000x128xf32, #tpu.memory_space<hbm>> -> memref<10000x128xf32, #tpu.memory_space<hbm>>
        tpu.enqueue_indirect_dma source(%dma_start3A_708 : memref<10000x128xf32, #tpu.memory_space<hbm>>) target(%arg8 : memref<128x128xf32, #tpu.memory_space<vmem>>) offsets(%dma_start3A_705 : memref<128xi32, #tpu.memory_space<vmem>>) semaphore(%arg10 : memref<!tpu.dma_semaphore, #tpu.memory_space<semaphore_mem>>)
      } else {
      }
      %dma_wait3A_481 = arith.constant 1 : i32
      %dma_wait3A_482 = arith.constant 0 : i32
      %dma_wait3A_483 = arith.constant 0 : i32
      %dma_wait3A_484 = tpu.memref_slice %arg7[%dma_wait3A_481, %dma_wait3A_482, %dma_wait3A_483] : memref<2x2x128xi32, #tpu.memory_space<vmem>> -> memref<1x1x128xi32, #tpu.memory_space<vmem>>
      %dma_wait3A_485 = tpu.memref_squeeze %dma_wait3A_484 : memref<1x1x128xi32, #tpu.memory_space<vmem>> -> memref<128xi32, #tpu.memory_space<vmem>>
      %dma_wait3A_486 = arith.constant 0 : i32
      %dma_wait3A_487 = arith.constant 0 : i32
      %dma_wait3A_488 = tpu.memref_slice %arg2[%dma_wait3A_486, %dma_wait3A_487] : memref<10000x128xf32, #tpu.memory_space<hbm>> -> memref<10000x128xf32, #tpu.memory_space<hbm>>
      tpu.wait_indirect_dma semaphore(%arg11 : memref<!tpu.dma_semaphore, #tpu.memory_space<semaphore_mem>>) src(%dma_wait3A_488 : memref<10000x128xf32, #tpu.memory_space<hbm>>) dst(%arg9 : memref<128x128xf32, #tpu.memory_space<vmem>>)
      %run_scoped3A_489 = arith.constant 1 : i32
      %run_scoped3A_490 = arith.constant 1 : i32
      "tpu.region"() ({
        %run_scoped3A_491 = tpu.sem_alloc : memref<!tpu.dma_semaphore, #tpu.memory_space<semaphore_mem>>
        %dma_start3A_492 = arith.constant 0 : i32
        %dma_start3A_493 = tpu.memref_slice %arg7[%run_scoped3A_489, %run_scoped3A_490, %dma_start3A_492] : memref<2x2x128xi32, #tpu.memory_space<vmem>> -> memref<1x1x128xi32, #tpu.memory_space<vmem>>
        %dma_start3A_494 = tpu.memref_squeeze %dma_start3A_493 : memref<1x1x128xi32, #tpu.memory_space<vmem>> -> memref<128xi32, #tpu.memory_space<vmem>>
        %dma_start3A_495 = arith.constant 0 : i32
        %dma_start3A_496 = arith.constant 0 : i32
        %dma_start3A_497 = tpu.memref_slice %arg12[%dma_start3A_495, %dma_start3A_496] : memref<10240x128xf32, #tpu.memory_space<vmem_shared>> -> memref<10240x128xf32, #tpu.memory_space<vmem_shared>>
        tpu.enqueue_indirect_dma source(%arg9 : memref<128x128xf32, #tpu.memory_space<vmem>>) target(%dma_start3A_497 : memref<10240x128xf32, #tpu.memory_space<vmem_shared>>) offsets(%dma_start3A_494 : memref<128xi32, #tpu.memory_space<vmem>>) semaphore(%run_scoped3A_491 : memref<!tpu.dma_semaphore, #tpu.memory_space<semaphore_mem>>) {add = true}
        %dma_wait3A_498 = arith.constant 0 : i32
        %dma_wait3A_499 = tpu.memref_slice %arg7[%run_scoped3A_489, %run_scoped3A_490, %dma_wait3A_498] : memref<2x2x128xi32, #tpu.memory_space<vmem>> -> memref<1x1x128xi32, #tpu.memory_space<vmem>>
        %dma_wait3A_500 = tpu.memref_squeeze %dma_wait3A_499 : memref<1x1x128xi32, #tpu.memory_space<vmem>> -> memref<128xi32, #tpu.memory_space<vmem>>
        %dma_wait3A_501 = arith.constant 0 : i32
        %dma_wait3A_502 = arith.constant 0 : i32
        %dma_wait3A_503 = tpu.memref_slice %arg12[%dma_wait3A_501, %dma_wait3A_502] : memref<10240x128xf32, #tpu.memory_space<vmem_shared>> -> memref<10240x128xf32, #tpu.memory_space<vmem_shared>>
        tpu.wait_indirect_dma semaphore(%run_scoped3A_491 : memref<!tpu.dma_semaphore, #tpu.memory_space<semaphore_mem>>) src(%arg9 : memref<128x128xf32, #tpu.memory_space<vmem>>) dst(%dma_wait3A_503 : memref<10240x128xf32, #tpu.memory_space<vmem_shared>>)
        tpu.yield
      }) : () -> ()
    }
    %scan3A_244 = arith.constant 40 : i32
    %barrier3A_245 = arith.constant 0 : index
    tpu.barrier barrier_id(%barrier3A_245)
    %mul3A_246 = arith.constant 640 : i32
    %mul3A_247 = arith.muli %arg1, %mul3A_246 : i32
    %mul3A_248 = arith.constant 640 : i32
    %mul3A_249 = arith.muli %arg1, %mul3A_248 : i32
    "tpu.region"() ({
      %run_scoped3A = tpu.sem_alloc : memref<!tpu.dma_semaphore, #tpu.memory_space<semaphore_mem>>
      %dma_start3A_250 = arith.constant 0 : i32
      %dma_start3A_251 = tpu.memref_slice %arg5[%arg0, %mul3A_249, %dma_start3A_250] : memref<2x10240x128xf32, #tpu.memory_space<hbm>> -> memref<1x640x128xf32, #tpu.memory_space<hbm>>
      %dma_start3A_252 = tpu.memref_squeeze %dma_start3A_251 : memref<1x640x128xf32, #tpu.memory_space<hbm>> -> memref<640x128xf32, #tpu.memory_space<hbm>>
      %dma_start3A_253 = arith.constant 0 : i32
      %dma_start3A_254 = tpu.memref_slice %arg12[%mul3A_247, %dma_start3A_253] : memref<10240x128xf32, #tpu.memory_space<vmem_shared>> -> memref<640x128xf32, #tpu.memory_space<vmem_shared>>
      tpu.enqueue_dma source(%dma_start3A_254 : memref<640x128xf32, #tpu.memory_space<vmem_shared>>) target(%dma_start3A_252 : memref<640x128xf32, #tpu.memory_space<hbm>>) target_semaphore(%run_scoped3A : memref<!tpu.dma_semaphore, #tpu.memory_space<semaphore_mem>>)
      %dma_wait3A = arith.constant 0 : i32
      %dma_wait3A_255 = tpu.memref_slice %arg5[%arg0, %mul3A_249, %dma_wait3A] : memref<2x10240x128xf32, #tpu.memory_space<hbm>> -> memref<1x640x128xf32, #tpu.memory_space<hbm>>
      %dma_wait3A_256 = tpu.memref_squeeze %dma_wait3A_255 : memref<1x640x128xf32, #tpu.memory_space<hbm>> -> memref<640x128xf32, #tpu.memory_space<hbm>>
      %dma_wait3A_257 = arith.constant 0 : i32
      %dma_wait3A_258 = tpu.memref_slice %arg12[%mul3A_247, %dma_wait3A_257] : memref<10240x128xf32, #tpu.memory_space<vmem_shared>> -> memref<640x128xf32, #tpu.memory_space<vmem_shared>>
      tpu.wait_dma2 semaphore(%run_scoped3A : memref<!tpu.dma_semaphore, #tpu.memory_space<semaphore_mem>>) src(%dma_wait3A_258 : memref<640x128xf32, #tpu.memory_space<vmem_shared>>) dst(%dma_wait3A_256 : memref<640x128xf32, #tpu.memory_space<hbm>>)
      tpu.yield
    }) : () -> ()
    return
  }
}

#map = affine_map<(d0, d1) -> (0, 0)>
#map1 = affine_map<(d0, d1) -> (0, 0, 0)>
module attributes {stable_mosaic.version = 14 : i64} {
  func.func @_sc_agg_body(%arg0: i32, %arg1: i32, %arg2: memref<10000x128xf32, #tpu.memory_space<hbm>>, %arg3: memref<32x80x128xi32, #tpu.memory_space<hbm>>, %arg4: memref<128x128xf32, #tpu.memory_space<hbm>>, %arg5: memref<2x10240x128xf32, #tpu.memory_space<hbm>>, %arg6: memref<80x128xi32, #tpu.memory_space<vmem>>, %arg7: memref<2x2x128xi32, #tpu.memory_space<vmem>>, %arg8: memref<128x128xf32, #tpu.memory_space<vmem>>, %arg9: memref<128x128xf32, #tpu.memory_space<vmem>>, %arg10: memref<!tpu.dma_semaphore, #tpu.memory_space<semaphore_mem>>, %arg11: memref<!tpu.dma_semaphore, #tpu.memory_space<semaphore_mem>>, %arg12: memref<10240x128xf32, #tpu.memory_space<vmem_shared>>) attributes {dimension_semantics = [#tpu.dimension_semantics<core_parallel>, #tpu.dimension_semantics<subcore_parallel>], iteration_bounds = array<i64: 2, 16>, scalar_prefetch = 0 : i64, scratch_operands = 7 : i64, tpu.core_type = #tpu.core_type<sc_vector_subcore>, window_params = [{transform_indices = #map}, {transform_indices = #map1}, {transform_indices = #map}, {transform_indices = #map1}]} {
    %mul3A = arith.constant 16 : i32
    %mul3A_0 = arith.muli %arg0, %mul3A : i32
    %add3A = arith.addi %mul3A_0, %arg1 : i32
    "tpu.region"() ({
      %run_scoped3A = tpu.sem_alloc : memref<!tpu.dma_semaphore, #tpu.memory_space<semaphore_mem>>
      tpu.enqueue_dma source(%arg4 : memref<128x128xf32, #tpu.memory_space<hbm>>) target(%arg8 : memref<128x128xf32, #tpu.memory_space<vmem>>) target_semaphore(%run_scoped3A : memref<!tpu.dma_semaphore, #tpu.memory_space<semaphore_mem>>)
      tpu.wait_dma2 semaphore(%run_scoped3A : memref<!tpu.dma_semaphore, #tpu.memory_space<semaphore_mem>>) src(%arg4 : memref<128x128xf32, #tpu.memory_space<hbm>>) dst(%arg8 : memref<128x128xf32, #tpu.memory_space<vmem>>)
      tpu.yield
    }) : () -> ()
    %mul3A_1 = arith.constant 640 : i32
    %mul3A_2 = arith.muli %arg1, %mul3A_1 : i32
    %add3A_3 = arith.constant 0 : i32
    %add3A_4 = arith.addi %mul3A_2, %add3A_3 : i32
    "tpu.region"() ({
      %run_scoped3A = tpu.sem_alloc : memref<!tpu.dma_semaphore, #tpu.memory_space<semaphore_mem>>
      %dma_start3A_250 = arith.constant 0 : i32
      %dma_start3A_251 = tpu.memref_slice %arg12[%add3A_4, %dma_start3A_250] : memref<10240x128xf32, #tpu.memory_space<vmem_shared>> -> memref<128x128xf32, #tpu.memory_space<vmem_shared>>
      %dma_start3A_252 = arith.constant 0 : i32
      %dma_start3A_253 = tpu.memref_slice %arg12[%add3A_4, %dma_start3A_252] : memref<10240x128xf32, #tpu.memory_space<vmem_shared>> -> memref<128x128xf32, #tpu.memory_space<vmem_shared>>
      tpu.enqueue_dma source(%arg8 : memref<128x128xf32, #tpu.memory_space<vmem>>) target(%dma_start3A_253 : memref<128x128xf32, #tpu.memory_space<vmem_shared>>) target_semaphore(%run_scoped3A : memref<!tpu.dma_semaphore, #tpu.memory_space<semaphore_mem>>)
      %dma_wait3A = arith.constant 0 : i32
      %dma_wait3A_254 = tpu.memref_slice %arg12[%add3A_4, %dma_wait3A] : memref<10240x128xf32, #tpu.memory_space<vmem_shared>> -> memref<128x128xf32, #tpu.memory_space<vmem_shared>>
      %dma_wait3A_255 = arith.constant 0 : i32
      %dma_wait3A_256 = tpu.memref_slice %arg12[%add3A_4, %dma_wait3A_255] : memref<10240x128xf32, #tpu.memory_space<vmem_shared>> -> memref<128x128xf32, #tpu.memory_space<vmem_shared>>
      tpu.wait_dma2 semaphore(%run_scoped3A : memref<!tpu.dma_semaphore, #tpu.memory_space<semaphore_mem>>) src(%arg8 : memref<128x128xf32, #tpu.memory_space<vmem>>) dst(%dma_wait3A_256 : memref<128x128xf32, #tpu.memory_space<vmem_shared>>)
      tpu.yield
    }) : () -> ()
    %mul3A_5 = arith.constant 640 : i32
    %mul3A_6 = arith.muli %arg1, %mul3A_5 : i32
    %add3A_7 = arith.constant 128 : i32
    %add3A_8 = arith.addi %mul3A_6, %add3A_7 : i32
    "tpu.region"() ({
      %run_scoped3A = tpu.sem_alloc : memref<!tpu.dma_semaphore, #tpu.memory_space<semaphore_mem>>
      %dma_start3A_250 = arith.constant 0 : i32
      %dma_start3A_251 = tpu.memref_slice %arg12[%add3A_8, %dma_start3A_250] : memref<10240x128xf32, #tpu.memory_space<vmem_shared>> -> memref<128x128xf32, #tpu.memory_space<vmem_shared>>
      %dma_start3A_252 = arith.constant 0 : i32
      %dma_start3A_253 = tpu.memref_slice %arg12[%add3A_8, %dma_start3A_252] : memref<10240x128xf32, #tpu.memory_space<vmem_shared>> -> memref<128x128xf32, #tpu.memory_space<vmem_shared>>
      tpu.enqueue_dma source(%arg8 : memref<128x128xf32, #tpu.memory_space<vmem>>) target(%dma_start3A_253 : memref<128x128xf32, #tpu.memory_space<vmem_shared>>) target_semaphore(%run_scoped3A : memref<!tpu.dma_semaphore, #tpu.memory_space<semaphore_mem>>)
      %dma_wait3A = arith.constant 0 : i32
      %dma_wait3A_254 = tpu.memref_slice %arg12[%add3A_8, %dma_wait3A] : memref<10240x128xf32, #tpu.memory_space<vmem_shared>> -> memref<128x128xf32, #tpu.memory_space<vmem_shared>>
      %dma_wait3A_255 = arith.constant 0 : i32
      %dma_wait3A_256 = tpu.memref_slice %arg12[%add3A_8, %dma_wait3A_255] : memref<10240x128xf32, #tpu.memory_space<vmem_shared>> -> memref<128x128xf32, #tpu.memory_space<vmem_shared>>
      tpu.wait_dma2 semaphore(%run_scoped3A : memref<!tpu.dma_semaphore, #tpu.memory_space<semaphore_mem>>) src(%arg8 : memref<128x128xf32, #tpu.memory_space<vmem>>) dst(%dma_wait3A_256 : memref<128x128xf32, #tpu.memory_space<vmem_shared>>)
      tpu.yield
    }) : () -> ()
    %mul3A_9 = arith.constant 640 : i32
    %mul3A_10 = arith.muli %arg1, %mul3A_9 : i32
    %add3A_11 = arith.constant 256 : i32
    %add3A_12 = arith.addi %mul3A_10, %add3A_11 : i32
    "tpu.region"() ({
      %run_scoped3A = tpu.sem_alloc : memref<!tpu.dma_semaphore, #tpu.memory_space<semaphore_mem>>
      %dma_start3A_250 = arith.constant 0 : i32
      %dma_start3A_251 = tpu.memref_slice %arg12[%add3A_12, %dma_start3A_250] : memref<10240x128xf32, #tpu.memory_space<vmem_shared>> -> memref<128x128xf32, #tpu.memory_space<vmem_shared>>
      %dma_start3A_252 = arith.constant 0 : i32
      %dma_start3A_253 = tpu.memref_slice %arg12[%add3A_12, %dma_start3A_252] : memref<10240x128xf32, #tpu.memory_space<vmem_shared>> -> memref<128x128xf32, #tpu.memory_space<vmem_shared>>
      tpu.enqueue_dma source(%arg8 : memref<128x128xf32, #tpu.memory_space<vmem>>) target(%dma_start3A_253 : memref<128x128xf32, #tpu.memory_space<vmem_shared>>) target_semaphore(%run_scoped3A : memref<!tpu.dma_semaphore, #tpu.memory_space<semaphore_mem>>)
      %dma_wait3A = arith.constant 0 : i32
      %dma_wait3A_254 = tpu.memref_slice %arg12[%add3A_12, %dma_wait3A] : memref<10240x128xf32, #tpu.memory_space<vmem_shared>> -> memref<128x128xf32, #tpu.memory_space<vmem_shared>>
      %dma_wait3A_255 = arith.constant 0 : i32
      %dma_wait3A_256 = tpu.memref_slice %arg12[%add3A_12, %dma_wait3A_255] : memref<10240x128xf32, #tpu.memory_space<vmem_shared>> -> memref<128x128xf32, #tpu.memory_space<vmem_shared>>
      tpu.wait_dma2 semaphore(%run_scoped3A : memref<!tpu.dma_semaphore, #tpu.memory_space<semaphore_mem>>) src(%arg8 : memref<128x128xf32, #tpu.memory_space<vmem>>) dst(%dma_wait3A_256 : memref<128x128xf32, #tpu.memory_space<vmem_shared>>)
      tpu.yield
    }) : () -> ()
    %mul3A_13 = arith.constant 640 : i32
    %mul3A_14 = arith.muli %arg1, %mul3A_13 : i32
    %add3A_15 = arith.constant 384 : i32
    %add3A_16 = arith.addi %mul3A_14, %add3A_15 : i32
    "tpu.region"() ({
      %run_scoped3A = tpu.sem_alloc : memref<!tpu.dma_semaphore, #tpu.memory_space<semaphore_mem>>
      %dma_start3A_250 = arith.constant 0 : i32
      %dma_start3A_251 = tpu.memref_slice %arg12[%add3A_16, %dma_start3A_250] : memref<10240x128xf32, #tpu.memory_space<vmem_shared>> -> memref<128x128xf32, #tpu.memory_space<vmem_shared>>
      %dma_start3A_252 = arith.constant 0 : i32
      %dma_start3A_253 = tpu.memref_slice %arg12[%add3A_16, %dma_start3A_252] : memref<10240x128xf32, #tpu.memory_space<vmem_shared>> -> memref<128x128xf32, #tpu.memory_space<vmem_shared>>
      tpu.enqueue_dma source(%arg8 : memref<128x128xf32, #tpu.memory_space<vmem>>) target(%dma_start3A_253 : memref<128x128xf32, #tpu.memory_space<vmem_shared>>) target_semaphore(%run_scoped3A : memref<!tpu.dma_semaphore, #tpu.memory_space<semaphore_mem>>)
      %dma_wait3A = arith.constant 0 : i32
      %dma_wait3A_254 = tpu.memref_slice %arg12[%add3A_16, %dma_wait3A] : memref<10240x128xf32, #tpu.memory_space<vmem_shared>> -> memref<128x128xf32, #tpu.memory_space<vmem_shared>>
      %dma_wait3A_255 = arith.constant 0 : i32
      %dma_wait3A_256 = tpu.memref_slice %arg12[%add3A_16, %dma_wait3A_255] : memref<10240x128xf32, #tpu.memory_space<vmem_shared>> -> memref<128x128xf32, #tpu.memory_space<vmem_shared>>
      tpu.wait_dma2 semaphore(%run_scoped3A : memref<!tpu.dma_semaphore, #tpu.memory_space<semaphore_mem>>) src(%arg8 : memref<128x128xf32, #tpu.memory_space<vmem>>) dst(%dma_wait3A_256 : memref<128x128xf32, #tpu.memory_space<vmem_shared>>)
      tpu.yield
    }) : () -> ()
    %mul3A_17 = arith.constant 640 : i32
    %mul3A_18 = arith.muli %arg1, %mul3A_17 : i32
    %add3A_19 = arith.constant 512 : i32
    %add3A_20 = arith.addi %mul3A_18, %add3A_19 : i32
    "tpu.region"() ({
      %run_scoped3A = tpu.sem_alloc : memref<!tpu.dma_semaphore, #tpu.memory_space<semaphore_mem>>
      %dma_start3A_250 = arith.constant 0 : i32
      %dma_start3A_251 = tpu.memref_slice %arg12[%add3A_20, %dma_start3A_250] : memref<10240x128xf32, #tpu.memory_space<vmem_shared>> -> memref<128x128xf32, #tpu.memory_space<vmem_shared>>
      %dma_start3A_252 = arith.constant 0 : i32
      %dma_start3A_253 = tpu.memref_slice %arg12[%add3A_20, %dma_start3A_252] : memref<10240x128xf32, #tpu.memory_space<vmem_shared>> -> memref<128x128xf32, #tpu.memory_space<vmem_shared>>
      tpu.enqueue_dma source(%arg8 : memref<128x128xf32, #tpu.memory_space<vmem>>) target(%dma_start3A_253 : memref<128x128xf32, #tpu.memory_space<vmem_shared>>) target_semaphore(%run_scoped3A : memref<!tpu.dma_semaphore, #tpu.memory_space<semaphore_mem>>)
      %dma_wait3A = arith.constant 0 : i32
      %dma_wait3A_254 = tpu.memref_slice %arg12[%add3A_20, %dma_wait3A] : memref<10240x128xf32, #tpu.memory_space<vmem_shared>> -> memref<128x128xf32, #tpu.memory_space<vmem_shared>>
      %dma_wait3A_255 = arith.constant 0 : i32
      %dma_wait3A_256 = tpu.memref_slice %arg12[%add3A_20, %dma_wait3A_255] : memref<10240x128xf32, #tpu.memory_space<vmem_shared>> -> memref<128x128xf32, #tpu.memory_space<vmem_shared>>
      tpu.wait_dma2 semaphore(%run_scoped3A : memref<!tpu.dma_semaphore, #tpu.memory_space<semaphore_mem>>) src(%arg8 : memref<128x128xf32, #tpu.memory_space<vmem>>) dst(%dma_wait3A_256 : memref<128x128xf32, #tpu.memory_space<vmem_shared>>)
      tpu.yield
    }) : () -> ()
    "tpu.region"() ({
      %run_scoped3A = tpu.sem_alloc : memref<!tpu.dma_semaphore, #tpu.memory_space<semaphore_mem>>
      %dma_start3A_250 = arith.constant 0 : i32
      %dma_start3A_251 = arith.constant 0 : i32
      %dma_start3A_252 = tpu.memref_slice %arg3[%add3A, %dma_start3A_250, %dma_start3A_251] : memref<32x80x128xi32, #tpu.memory_space<hbm>> -> memref<1x80x128xi32, #tpu.memory_space<hbm>>
      %dma_start3A_253 = tpu.memref_squeeze %dma_start3A_252 : memref<1x80x128xi32, #tpu.memory_space<hbm>> -> memref<80x128xi32, #tpu.memory_space<hbm>>
      %dma_start3A_254 = arith.constant 0 : i32
      %dma_start3A_255 = arith.constant 0 : i32
      %dma_start3A_256 = tpu.memref_slice %arg3[%add3A, %dma_start3A_254, %dma_start3A_255] : memref<32x80x128xi32, #tpu.memory_space<hbm>> -> memref<1x80x128xi32, #tpu.memory_space<hbm>>
      %dma_start3A_257 = tpu.memref_squeeze %dma_start3A_256 : memref<1x80x128xi32, #tpu.memory_space<hbm>> -> memref<80x128xi32, #tpu.memory_space<hbm>>
      tpu.enqueue_dma source(%dma_start3A_257 : memref<80x128xi32, #tpu.memory_space<hbm>>) target(%arg6 : memref<80x128xi32, #tpu.memory_space<vmem>>) target_semaphore(%run_scoped3A : memref<!tpu.dma_semaphore, #tpu.memory_space<semaphore_mem>>)
      %dma_wait3A = arith.constant 0 : i32
      %dma_wait3A_258 = arith.constant 0 : i32
      %dma_wait3A_259 = tpu.memref_slice %arg3[%add3A, %dma_wait3A, %dma_wait3A_258] : memref<32x80x128xi32, #tpu.memory_space<hbm>> -> memref<1x80x128xi32, #tpu.memory_space<hbm>>
      %dma_wait3A_260 = tpu.memref_squeeze %dma_wait3A_259 : memref<1x80x128xi32, #tpu.memory_space<hbm>> -> memref<80x128xi32, #tpu.memory_space<hbm>>
      %dma_wait3A_261 = arith.constant 0 : i32
      %dma_wait3A_262 = arith.constant 0 : i32
      %dma_wait3A_263 = tpu.memref_slice %arg3[%add3A, %dma_wait3A_261, %dma_wait3A_262] : memref<32x80x128xi32, #tpu.memory_space<hbm>> -> memref<1x80x128xi32, #tpu.memory_space<hbm>>
      %dma_wait3A_264 = tpu.memref_squeeze %dma_wait3A_263 : memref<1x80x128xi32, #tpu.memory_space<hbm>> -> memref<80x128xi32, #tpu.memory_space<hbm>>
      tpu.wait_dma2 semaphore(%run_scoped3A : memref<!tpu.dma_semaphore, #tpu.memory_space<semaphore_mem>>) src(%dma_wait3A_264 : memref<80x128xi32, #tpu.memory_space<hbm>>) dst(%arg6 : memref<80x128xi32, #tpu.memory_space<vmem>>)
      tpu.yield
    }) : () -> ()
    %barrier3A = arith.constant 0 : index
    tpu.barrier barrier_id(%barrier3A)
    %get3A = arith.constant 0 : i32
    %get3A_21 = arith.index_cast %get3A : i32 to index
    %get3A_22 = arith.constant 0 : index
    %get3A_23 = tpu.vector_load %arg6[%get3A_21, %get3A_22] {strides = array<i32>} : memref<80x128xi32, #tpu.memory_space<vmem>>, vector<1x16xi32>,
    %get3A_24 = vector.shape_cast %get3A_23 : vector<1x16xi32> to vector<16xi32>
    %and3A = arith.constant 65535 : i32
    %and3A_25 = vector.broadcast %and3A : i32 to vector<16xi32>
    %and3A_26 = arith.andi %get3A_24, %and3A_25 : vector<16xi32>
    %swap3A = arith.constant 0 : i32
    %swap3A_27 = arith.constant 0 : i32
    %swap3A_28 = arith.index_cast %swap3A : i32 to index
    %swap3A_29 = arith.index_cast %swap3A_27 : i32 to index
    %swap3A_30 = arith.constant 0 : index
    %swap3A_31 = tpu.vector_load %arg7[%swap3A_28, %swap3A_29, %swap3A_30] {strides = array<i32>} : memref<2x2x128xi32, #tpu.memory_space<vmem>>, vector<1x1x16xi32>,
    %swap3A_32 = vector.shape_cast %swap3A_31 : vector<1x1x16xi32> to vector<16xi32>
    %swap3A_33 = vector.shape_cast %and3A_26 : vector<16xi32> to vector<1x1x16xi32>
    tpu.vector_store %arg7[%swap3A_28, %swap3A_29, %swap3A_30], %swap3A_33 {strides = array<i32>} : memref<2x2x128xi32, #tpu.memory_space<vmem>>, vector<1x1x16xi32>,
    %shift_right_logical3A = arith.constant 16 : i32
    %shift_right_logical3A_34 = vector.broadcast %shift_right_logical3A : i32 to vector<16xi32>
    %shift_right_logical3A_35 = arith.shrui %get3A_24, %shift_right_logical3A_34 : vector<16xi32>
    %swap3A_36 = arith.constant 0 : i32
    %swap3A_37 = arith.constant 1 : i32
    %swap3A_38 = arith.index_cast %swap3A_36 : i32 to index
    %swap3A_39 = arith.index_cast %swap3A_37 : i32 to index
    %swap3A_40 = arith.constant 0 : index
    %swap3A_41 = tpu.vector_load %arg7[%swap3A_38, %swap3A_39, %swap3A_40] {strides = array<i32>} : memref<2x2x128xi32, #tpu.memory_space<vmem>>, vector<1x1x16xi32>,
    %swap3A_42 = vector.shape_cast %swap3A_41 : vector<1x1x16xi32> to vector<16xi32>
    %swap3A_43 = vector.shape_cast %shift_right_logical3A_35 : vector<16xi32> to vector<1x1x16xi32>
    tpu.vector_store %arg7[%swap3A_38, %swap3A_39, %swap3A_40], %swap3A_43 {strides = array<i32>} : memref<2x2x128xi32, #tpu.memory_space<vmem>>, vector<1x1x16xi32>,
    %get3A_44 = arith.constant 0 : i32
    %get3A_45 = arith.index_cast %get3A_44 : i32 to index
    %get3A_46 = arith.constant 16 : index
    %get3A_47 = tpu.vector_load %arg6[%get3A_45, %get3A_46] {strides = array<i32>} : memref<80x128xi32, #tpu.memory_space<vmem>>, vector<1x16xi32>,
    %get3A_48 = vector.shape_cast %get3A_47 : vector<1x16xi32> to vector<16xi32>
    %and3A_49 = arith.constant 65535 : i32
    %and3A_50 = vector.broadcast %and3A_49 : i32 to vector<16xi32>
    %and3A_51 = arith.andi %get3A_48, %and3A_50 : vector<16xi32>
    %swap3A_52 = arith.constant 0 : i32
    %swap3A_53 = arith.constant 0 : i32
    %swap3A_54 = arith.index_cast %swap3A_52 : i32 to index
    %swap3A_55 = arith.index_cast %swap3A_53 : i32 to index
    %swap3A_56 = arith.constant 16 : index
    %swap3A_57 = tpu.vector_load %arg7[%swap3A_54, %swap3A_55, %swap3A_56] {strides = array<i32>} : memref<2x2x128xi32, #tpu.memory_space<vmem>>, vector<1x1x16xi32>,
    %swap3A_58 = vector.shape_cast %swap3A_57 : vector<1x1x16xi32> to vector<16xi32>
    %swap3A_59 = vector.shape_cast %and3A_51 : vector<16xi32> to vector<1x1x16xi32>
    tpu.vector_store %arg7[%swap3A_54, %swap3A_55, %swap3A_56], %swap3A_59 {strides = array<i32>} : memref<2x2x128xi32, #tpu.memory_space<vmem>>, vector<1x1x16xi32>,
    %shift_right_logical3A_60 = arith.constant 16 : i32
    %shift_right_logical3A_61 = vector.broadcast %shift_right_logical3A_60 : i32 to vector<16xi32>
    %shift_right_logical3A_62 = arith.shrui %get3A_48, %shift_right_logical3A_61 : vector<16xi32>
    %swap3A_63 = arith.constant 0 : i32
    %swap3A_64 = arith.constant 1 : i32
    %swap3A_65 = arith.index_cast %swap3A_63 : i32 to index
    %swap3A_66 = arith.index_cast %swap3A_64 : i32 to index
    %swap3A_67 = arith.constant 16 : index
    %swap3A_68 = tpu.vector_load %arg7[%swap3A_65, %swap3A_66, %swap3A_67] {strides = array<i32>} : memref<2x2x128xi32, #tpu.memory_space<vmem>>, vector<1x1x16xi32>,
    %swap3A_69 = vector.shape_cast %swap3A_68 : vector<1x1x16xi32> to vector<16xi32>
    %swap3A_70 = vector.shape_cast %shift_right_logical3A_62 : vector<16xi32> to vector<1x1x16xi32>
    tpu.vector_store %arg7[%swap3A_65, %swap3A_66, %swap3A_67], %swap3A_70 {strides = array<i32>} : memref<2x2x128xi32, #tpu.memory_space<vmem>>, vector<1x1x16xi32>,
    %get3A_71 = arith.constant 0 : i32
    %get3A_72 = arith.index_cast %get3A_71 : i32 to index
    %get3A_73 = arith.constant 32 : index
    %get3A_74 = tpu.vector_load %arg6[%get3A_72, %get3A_73] {strides = array<i32>} : memref<80x128xi32, #tpu.memory_space<vmem>>, vector<1x16xi32>,
    %get3A_75 = vector.shape_cast %get3A_74 : vector<1x16xi32> to vector<16xi32>
    %and3A_76 = arith.constant 65535 : i32
    %and3A_77 = vector.broadcast %and3A_76 : i32 to vector<16xi32>
    %and3A_78 = arith.andi %get3A_75, %and3A_77 : vector<16xi32>
    %swap3A_79 = arith.constant 0 : i32
    %swap3A_80 = arith.constant 0 : i32
    %swap3A_81 = arith.index_cast %swap3A_79 : i32 to index
    %swap3A_82 = arith.index_cast %swap3A_80 : i32 to index
    %swap3A_83 = arith.constant 32 : index
    %swap3A_84 = tpu.vector_load %arg7[%swap3A_81, %swap3A_82, %swap3A_83] {strides = array<i32>} : memref<2x2x128xi32, #tpu.memory_space<vmem>>, vector<1x1x16xi32>,
    %swap3A_85 = vector.shape_cast %swap3A_84 : vector<1x1x16xi32> to vector<16xi32>
    %swap3A_86 = vector.shape_cast %and3A_78 : vector<16xi32> to vector<1x1x16xi32>
    tpu.vector_store %arg7[%swap3A_81, %swap3A_82, %swap3A_83], %swap3A_86 {strides = array<i32>} : memref<2x2x128xi32, #tpu.memory_space<vmem>>, vector<1x1x16xi32>,
    %shift_right_logical3A_87 = arith.constant 16 : i32
    %shift_right_logical3A_88 = vector.broadcast %shift_right_logical3A_87 : i32 to vector<16xi32>
    %shift_right_logical3A_89 = arith.shrui %get3A_75, %shift_right_logical3A_88 : vector<16xi32>
    %swap3A_90 = arith.constant 0 : i32
    %swap3A_91 = arith.constant 1 : i32
    %swap3A_92 = arith.index_cast %swap3A_90 : i32 to index
    %swap3A_93 = arith.index_cast %swap3A_91 : i32 to index
    %swap3A_94 = arith.constant 32 : index
    %swap3A_95 = tpu.vector_load %arg7[%swap3A_92, %swap3A_93, %swap3A_94] {strides = array<i32>} : memref<2x2x128xi32, #tpu.memory_space<vmem>>, vector<1x1x16xi32>,
    %swap3A_96 = vector.shape_cast %swap3A_95 : vector<1x1x16xi32> to vector<16xi32>
    %swap3A_97 = vector.shape_cast %shift_right_logical3A_89 : vector<16xi32> to vector<1x1x16xi32>
    tpu.vector_store %arg7[%swap3A_92, %swap3A_93, %swap3A_94], %swap3A_97 {strides = array<i32>} : memref<2x2x128xi32, #tpu.memory_space<vmem>>, vector<1x1x16xi32>,
    %get3A_98 = arith.constant 0 : i32
    %get3A_99 = arith.index_cast %get3A_98 : i32 to index
    %get3A_100 = arith.constant 48 : index
    %get3A_101 = tpu.vector_load %arg6[%get3A_99, %get3A_100] {strides = array<i32>} : memref<80x128xi32, #tpu.memory_space<vmem>>, vector<1x16xi32>,
    %get3A_102 = vector.shape_cast %get3A_101 : vector<1x16xi32> to vector<16xi32>
    %and3A_103 = arith.constant 65535 : i32
    %and3A_104 = vector.broadcast %and3A_103 : i32 to vector<16xi32>
    %and3A_105 = arith.andi %get3A_102, %and3A_104 : vector<16xi32>
    %swap3A_106 = arith.constant 0 : i32
    %swap3A_107 = arith.constant 0 : i32
    %swap3A_108 = arith.index_cast %swap3A_106 : i32 to index
    %swap3A_109 = arith.index_cast %swap3A_107 : i32 to index
    %swap3A_110 = arith.constant 48 : index
    %swap3A_111 = tpu.vector_load %arg7[%swap3A_108, %swap3A_109, %swap3A_110] {strides = array<i32>} : memref<2x2x128xi32, #tpu.memory_space<vmem>>, vector<1x1x16xi32>,
    %swap3A_112 = vector.shape_cast %swap3A_111 : vector<1x1x16xi32> to vector<16xi32>
    %swap3A_113 = vector.shape_cast %and3A_105 : vector<16xi32> to vector<1x1x16xi32>
    tpu.vector_store %arg7[%swap3A_108, %swap3A_109, %swap3A_110], %swap3A_113 {strides = array<i32>} : memref<2x2x128xi32, #tpu.memory_space<vmem>>, vector<1x1x16xi32>,
    %shift_right_logical3A_114 = arith.constant 16 : i32
    %shift_right_logical3A_115 = vector.broadcast %shift_right_logical3A_114 : i32 to vector<16xi32>
    %shift_right_logical3A_116 = arith.shrui %get3A_102, %shift_right_logical3A_115 : vector<16xi32>
    %swap3A_117 = arith.constant 0 : i32
    %swap3A_118 = arith.constant 1 : i32
    %swap3A_119 = arith.index_cast %swap3A_117 : i32 to index
    %swap3A_120 = arith.index_cast %swap3A_118 : i32 to index
    %swap3A_121 = arith.constant 48 : index
    %swap3A_122 = tpu.vector_load %arg7[%swap3A_119, %swap3A_120, %swap3A_121] {strides = array<i32>} : memref<2x2x128xi32, #tpu.memory_space<vmem>>, vector<1x1x16xi32>,
    %swap3A_123 = vector.shape_cast %swap3A_122 : vector<1x1x16xi32> to vector<16xi32>
    %swap3A_124 = vector.shape_cast %shift_right_logical3A_116 : vector<16xi32> to vector<1x1x16xi32>
    tpu.vector_store %arg7[%swap3A_119, %swap3A_120, %swap3A_121], %swap3A_124 {strides = array<i32>} : memref<2x2x128xi32, #tpu.memory_space<vmem>>, vector<1x1x16xi32>,
    %get3A_125 = arith.constant 0 : i32
    %get3A_126 = arith.index_cast %get3A_125 : i32 to index
    %get3A_127 = arith.constant 64 : index
    %get3A_128 = tpu.vector_load %arg6[%get3A_126, %get3A_127] {strides = array<i32>} : memref<80x128xi32, #tpu.memory_space<vmem>>, vector<1x16xi32>,
    %get3A_129 = vector.shape_cast %get3A_128 : vector<1x16xi32> to vector<16xi32>
    %and3A_130 = arith.constant 65535 : i32
    %and3A_131 = vector.broadcast %and3A_130 : i32 to vector<16xi32>
    %and3A_132 = arith.andi %get3A_129, %and3A_131 : vector<16xi32>
    %swap3A_133 = arith.constant 0 : i32
    %swap3A_134 = arith.constant 0 : i32
    %swap3A_135 = arith.index_cast %swap3A_133 : i32 to index
    %swap3A_136 = arith.index_cast %swap3A_134 : i32 to index
    %swap3A_137 = arith.constant 64 : index
    %swap3A_138 = tpu.vector_load %arg7[%swap3A_135, %swap3A_136, %swap3A_137] {strides = array<i32>} : memref<2x2x128xi32, #tpu.memory_space<vmem>>, vector<1x1x16xi32>,
    %swap3A_139 = vector.shape_cast %swap3A_138 : vector<1x1x16xi32> to vector<16xi32>
    %swap3A_140 = vector.shape_cast %and3A_132 : vector<16xi32> to vector<1x1x16xi32>
    tpu.vector_store %arg7[%swap3A_135, %swap3A_136, %swap3A_137], %swap3A_140 {strides = array<i32>} : memref<2x2x128xi32, #tpu.memory_space<vmem>>, vector<1x1x16xi32>,
    %shift_right_logical3A_141 = arith.constant 16 : i32
    %shift_right_logical3A_142 = vector.broadcast %shift_right_logical3A_141 : i32 to vector<16xi32>
    %shift_right_logical3A_143 = arith.shrui %get3A_129, %shift_right_logical3A_142 : vector<16xi32>
    %swap3A_144 = arith.constant 0 : i32
    %swap3A_145 = arith.constant 1 : i32
    %swap3A_146 = arith.index_cast %swap3A_144 : i32 to index
    %swap3A_147 = arith.index_cast %swap3A_145 : i32 to index
    %swap3A_148 = arith.constant 64 : index
    %swap3A_149 = tpu.vector_load %arg7[%swap3A_146, %swap3A_147, %swap3A_148] {strides = array<i32>} : memref<2x2x128xi32, #tpu.memory_space<vmem>>, vector<1x1x16xi32>,
    %swap3A_150 = vector.shape_cast %swap3A_149 : vector<1x1x16xi32> to vector<16xi32>
    %swap3A_151 = vector.shape_cast %shift_right_logical3A_143 : vector<16xi32> to vector<1x1x16xi32>
    tpu.vector_store %arg7[%swap3A_146, %swap3A_147, %swap3A_148], %swap3A_151 {strides = array<i32>} : memref<2x2x128xi32, #tpu.memory_space<vmem>>, vector<1x1x16xi32>,
    %get3A_152 = arith.constant 0 : i32
    %get3A_153 = arith.index_cast %get3A_152 : i32 to index
    %get3A_154 = arith.constant 80 : index
    %get3A_155 = tpu.vector_load %arg6[%get3A_153, %get3A_154] {strides = array<i32>} : memref<80x128xi32, #tpu.memory_space<vmem>>, vector<1x16xi32>,
    %get3A_156 = vector.shape_cast %get3A_155 : vector<1x16xi32> to vector<16xi32>
    %and3A_157 = arith.constant 65535 : i32
    %and3A_158 = vector.broadcast %and3A_157 : i32 to vector<16xi32>
    %and3A_159 = arith.andi %get3A_156, %and3A_158 : vector<16xi32>
    %swap3A_160 = arith.constant 0 : i32
    %swap3A_161 = arith.constant 0 : i32
    %swap3A_162 = arith.index_cast %swap3A_160 : i32 to index
    %swap3A_163 = arith.index_cast %swap3A_161 : i32 to index
    %swap3A_164 = arith.constant 80 : index
    %swap3A_165 = tpu.vector_load %arg7[%swap3A_162, %swap3A_163, %swap3A_164] {strides = array<i32>} : memref<2x2x128xi32, #tpu.memory_space<vmem>>, vector<1x1x16xi32>,
    %swap3A_166 = vector.shape_cast %swap3A_165 : vector<1x1x16xi32> to vector<16xi32>
    %swap3A_167 = vector.shape_cast %and3A_159 : vector<16xi32> to vector<1x1x16xi32>
    tpu.vector_store %arg7[%swap3A_162, %swap3A_163, %swap3A_164], %swap3A_167 {strides = array<i32>} : memref<2x2x128xi32, #tpu.memory_space<vmem>>, vector<1x1x16xi32>,
    %shift_right_logical3A_168 = arith.constant 16 : i32
    %shift_right_logical3A_169 = vector.broadcast %shift_right_logical3A_168 : i32 to vector<16xi32>
    %shift_right_logical3A_170 = arith.shrui %get3A_156, %shift_right_logical3A_169 : vector<16xi32>
    %swap3A_171 = arith.constant 0 : i32
    %swap3A_172 = arith.constant 1 : i32
    %swap3A_173 = arith.index_cast %swap3A_171 : i32 to index
    %swap3A_174 = arith.index_cast %swap3A_172 : i32 to index
    %swap3A_175 = arith.constant 80 : index
    %swap3A_176 = tpu.vector_load %arg7[%swap3A_173, %swap3A_174, %swap3A_175] {strides = array<i32>} : memref<2x2x128xi32, #tpu.memory_space<vmem>>, vector<1x1x16xi32>,
    %swap3A_177 = vector.shape_cast %swap3A_176 : vector<1x1x16xi32> to vector<16xi32>
    %swap3A_178 = vector.shape_cast %shift_right_logical3A_170 : vector<16xi32> to vector<1x1x16xi32>
    tpu.vector_store %arg7[%swap3A_173, %swap3A_174, %swap3A_175], %swap3A_178 {strides = array<i32>} : memref<2x2x128xi32, #tpu.memory_space<vmem>>, vector<1x1x16xi32>,
    %get3A_179 = arith.constant 0 : i32
    %get3A_180 = arith.index_cast %get3A_179 : i32 to index
    %get3A_181 = arith.constant 96 : index
    %get3A_182 = tpu.vector_load %arg6[%get3A_180, %get3A_181] {strides = array<i32>} : memref<80x128xi32, #tpu.memory_space<vmem>>, vector<1x16xi32>,
    %get3A_183 = vector.shape_cast %get3A_182 : vector<1x16xi32> to vector<16xi32>
    %and3A_184 = arith.constant 65535 : i32
    %and3A_185 = vector.broadcast %and3A_184 : i32 to vector<16xi32>
    %and3A_186 = arith.andi %get3A_183, %and3A_185 : vector<16xi32>
    %swap3A_187 = arith.constant 0 : i32
    %swap3A_188 = arith.constant 0 : i32
    %swap3A_189 = arith.index_cast %swap3A_187 : i32 to index
    %swap3A_190 = arith.index_cast %swap3A_188 : i32 to index
    %swap3A_191 = arith.constant 96 : index
    %swap3A_192 = tpu.vector_load %arg7[%swap3A_189, %swap3A_190, %swap3A_191] {strides = array<i32>} : memref<2x2x128xi32, #tpu.memory_space<vmem>>, vector<1x1x16xi32>,
    %swap3A_193 = vector.shape_cast %swap3A_192 : vector<1x1x16xi32> to vector<16xi32>
    %swap3A_194 = vector.shape_cast %and3A_186 : vector<16xi32> to vector<1x1x16xi32>
    tpu.vector_store %arg7[%swap3A_189, %swap3A_190, %swap3A_191], %swap3A_194 {strides = array<i32>} : memref<2x2x128xi32, #tpu.memory_space<vmem>>, vector<1x1x16xi32>,
    %shift_right_logical3A_195 = arith.constant 16 : i32
    %shift_right_logical3A_196 = vector.broadcast %shift_right_logical3A_195 : i32 to vector<16xi32>
    %shift_right_logical3A_197 = arith.shrui %get3A_183, %shift_right_logical3A_196 : vector<16xi32>
    %swap3A_198 = arith.constant 0 : i32
    %swap3A_199 = arith.constant 1 : i32
    %swap3A_200 = arith.index_cast %swap3A_198 : i32 to index
    %swap3A_201 = arith.index_cast %swap3A_199 : i32 to index
    %swap3A_202 = arith.constant 96 : index
    %swap3A_203 = tpu.vector_load %arg7[%swap3A_200, %swap3A_201, %swap3A_202] {strides = array<i32>} : memref<2x2x128xi32, #tpu.memory_space<vmem>>, vector<1x1x16xi32>,
    %swap3A_204 = vector.shape_cast %swap3A_203 : vector<1x1x16xi32> to vector<16xi32>
    %swap3A_205 = vector.shape_cast %shift_right_logical3A_197 : vector<16xi32> to vector<1x1x16xi32>
    tpu.vector_store %arg7[%swap3A_200, %swap3A_201, %swap3A_202], %swap3A_205 {strides = array<i32>} : memref<2x2x128xi32, #tpu.memory_space<vmem>>, vector<1x1x16xi32>,
    %get3A_206 = arith.constant 0 : i32
    %get3A_207 = arith.index_cast %get3A_206 : i32 to index
    %get3A_208 = arith.constant 112 : index
    %get3A_209 = tpu.vector_load %arg6[%get3A_207, %get3A_208] {strides = array<i32>} : memref<80x128xi32, #tpu.memory_space<vmem>>, vector<1x16xi32>,
    %get3A_210 = vector.shape_cast %get3A_209 : vector<1x16xi32> to vector<16xi32>
    %and3A_211 = arith.constant 65535 : i32
    %and3A_212 = vector.broadcast %and3A_211 : i32 to vector<16xi32>
    %and3A_213 = arith.andi %get3A_210, %and3A_212 : vector<16xi32>
    %swap3A_214 = arith.constant 0 : i32
    %swap3A_215 = arith.constant 0 : i32
    %swap3A_216 = arith.index_cast %swap3A_214 : i32 to index
    %swap3A_217 = arith.index_cast %swap3A_215 : i32 to index
    %swap3A_218 = arith.constant 112 : index
    %swap3A_219 = tpu.vector_load %arg7[%swap3A_216, %swap3A_217, %swap3A_218] {strides = array<i32>} : memref<2x2x128xi32, #tpu.memory_space<vmem>>, vector<1x1x16xi32>,
    %swap3A_220 = vector.shape_cast %swap3A_219 : vector<1x1x16xi32> to vector<16xi32>
    %swap3A_221 = vector.shape_cast %and3A_213 : vector<16xi32> to vector<1x1x16xi32>
    tpu.vector_store %arg7[%swap3A_216, %swap3A_217, %swap3A_218], %swap3A_221 {strides = array<i32>} : memref<2x2x128xi32, #tpu.memory_space<vmem>>, vector<1x1x16xi32>,
    %shift_right_logical3A_222 = arith.constant 16 : i32
    %shift_right_logical3A_223 = vector.broadcast %shift_right_logical3A_222 : i32 to vector<16xi32>
    %shift_right_logical3A_224 = arith.shrui %get3A_210, %shift_right_logical3A_223 : vector<16xi32>
    %swap3A_225 = arith.constant 0 : i32
    %swap3A_226 = arith.constant 1 : i32
    %swap3A_227 = arith.index_cast %swap3A_225 : i32 to index
    %swap3A_228 = arith.index_cast %swap3A_226 : i32 to index
    %swap3A_229 = arith.constant 112 : index
    %swap3A_230 = tpu.vector_load %arg7[%swap3A_227, %swap3A_228, %swap3A_229] {strides = array<i32>} : memref<2x2x128xi32, #tpu.memory_space<vmem>>, vector<1x1x16xi32>,
    %swap3A_231 = vector.shape_cast %swap3A_230 : vector<1x1x16xi32> to vector<16xi32>
    %swap3A_232 = vector.shape_cast %shift_right_logical3A_224 : vector<16xi32> to vector<1x1x16xi32>
    tpu.vector_store %arg7[%swap3A_227, %swap3A_228, %swap3A_229], %swap3A_232 {strides = array<i32>} : memref<2x2x128xi32, #tpu.memory_space<vmem>>, vector<1x1x16xi32>,
    %dma_start3A = arith.constant 0 : i32
    %dma_start3A_233 = arith.constant 0 : i32
    %dma_start3A_234 = arith.constant 0 : i32
    %dma_start3A_235 = tpu.memref_slice %arg7[%dma_start3A, %dma_start3A_233, %dma_start3A_234] : memref<2x2x128xi32, #tpu.memory_space<vmem>> -> memref<1x1x128xi32, #tpu.memory_space<vmem>>
    %dma_start3A_236 = tpu.memref_squeeze %dma_start3A_235 : memref<1x1x128xi32, #tpu.memory_space<vmem>> -> memref<128xi32, #tpu.memory_space<vmem>>
    %dma_start3A_237 = arith.constant 0 : i32
    %dma_start3A_238 = arith.constant 0 : i32
    %dma_start3A_239 = tpu.memref_slice %arg2[%dma_start3A_237, %dma_start3A_238] : memref<10000x128xf32, #tpu.memory_space<hbm>> -> memref<10000x128xf32, #tpu.memory_space<hbm>>
    tpu.enqueue_indirect_dma source(%dma_start3A_239 : memref<10000x128xf32, #tpu.memory_space<hbm>>) target(%arg8 : memref<128x128xf32, #tpu.memory_space<vmem>>) offsets(%dma_start3A_236 : memref<128xi32, #tpu.memory_space<vmem>>) semaphore(%arg10 : memref<!tpu.dma_semaphore, #tpu.memory_space<semaphore_mem>>)
    %scan3A = arith.constant 0 : i32
    %scan3A_240 = arith.constant 0 : i32
    %scan3A_241 = arith.constant 40 : i32
    %scan3A_242 = arith.addi %scan3A_240, %scan3A_241 : i32
    %scan3A_243 = arith.constant 1 : i32
    scf.for %scan3A_250 = %scan3A_240 to %scan3A_242 step %scan3A_243  : i32 {
      %mul3A_251 = arith.constant 2 : i32
      %mul3A_252 = arith.muli %mul3A_251, %scan3A_250 : i32
      %add3A_253 = arith.constant 1 : i32
      %add3A_254 = arith.addi %mul3A_252, %add3A_253 : i32
      %get3A_255 = arith.index_cast %add3A_254 : i32 to index
      %get3A_256 = arith.constant 0 : index
      %get3A_257 = tpu.vector_load %arg6[%get3A_255, %get3A_256] {strides = array<i32>} : memref<80x128xi32, #tpu.memory_space<vmem>>, vector<1x16xi32>,
      %get3A_258 = vector.shape_cast %get3A_257 : vector<1x16xi32> to vector<16xi32>
      %and3A_259 = arith.constant 65535 : i32
      %and3A_260 = vector.broadcast %and3A_259 : i32 to vector<16xi32>
      %and3A_261 = arith.andi %get3A_258, %and3A_260 : vector<16xi32>
      %swap3A_262 = arith.constant 1 : i32
      %swap3A_263 = arith.constant 0 : i32
      %swap3A_264 = arith.index_cast %swap3A_262 : i32 to index
      %swap3A_265 = arith.index_cast %swap3A_263 : i32 to index
      %swap3A_266 = arith.constant 0 : index
      %swap3A_267 = tpu.vector_load %arg7[%swap3A_264, %swap3A_265, %swap3A_266] {strides = array<i32>} : memref<2x2x128xi32, #tpu.memory_space<vmem>>, vector<1x1x16xi32>,
      %swap3A_268 = vector.shape_cast %swap3A_267 : vector<1x1x16xi32> to vector<16xi32>
      %swap3A_269 = vector.shape_cast %and3A_261 : vector<16xi32> to vector<1x1x16xi32>
      tpu.vector_store %arg7[%swap3A_264, %swap3A_265, %swap3A_266], %swap3A_269 {strides = array<i32>} : memref<2x2x128xi32, #tpu.memory_space<vmem>>, vector<1x1x16xi32>,
      %shift_right_logical3A_270 = arith.constant 16 : i32
      %shift_right_logical3A_271 = vector.broadcast %shift_right_logical3A_270 : i32 to vector<16xi32>
      %shift_right_logical3A_272 = arith.shrui %get3A_258, %shift_right_logical3A_271 : vector<16xi32>
      %swap3A_273 = arith.constant 1 : i32
      %swap3A_274 = arith.constant 1 : i32
      %swap3A_275 = arith.index_cast %swap3A_273 : i32 to index
      %swap3A_276 = arith.index_cast %swap3A_274 : i32 to index
      %swap3A_277 = arith.constant 0 : index
      %swap3A_278 = tpu.vector_load %arg7[%swap3A_275, %swap3A_276, %swap3A_277] {strides = array<i32>} : memref<2x2x128xi32, #tpu.memory_space<vmem>>, vector<1x1x16xi32>,
      %swap3A_279 = vector.shape_cast %swap3A_278 : vector<1x1x16xi32> to vector<16xi32>
      %swap3A_280 = vector.shape_cast %shift_right_logical3A_272 : vector<16xi32> to vector<1x1x16xi32>
      tpu.vector_store %arg7[%swap3A_275, %swap3A_276, %swap3A_277], %swap3A_280 {strides = array<i32>} : memref<2x2x128xi32, #tpu.memory_space<vmem>>, vector<1x1x16xi32>,
      %get3A_281 = arith.index_cast %add3A_254 : i32 to index
      %get3A_282 = arith.constant 16 : index
      %get3A_283 = tpu.vector_load %arg6[%get3A_281, %get3A_282] {strides = array<i32>} : memref<80x128xi32, #tpu.memory_space<vmem>>, vector<1x16xi32>,
      %get3A_284 = vector.shape_cast %get3A_283 : vector<1x16xi32> to vector<16xi32>
      %and3A_285 = arith.constant 65535 : i32
      %and3A_286 = vector.broadcast %and3A_285 : i32 to vector<16xi32>
      %and3A_287 = arith.andi %get3A_284, %and3A_286 : vector<16xi32>
      %swap3A_288 = arith.constant 1 : i32
      %swap3A_289 = arith.constant 0 : i32
      %swap3A_290 = arith.index_cast %swap3A_288 : i32 to index
      %swap3A_291 = arith.index_cast %swap3A_289 : i32 to index
      %swap3A_292 = arith.constant 16 : index
      %swap3A_293 = tpu.vector_load %arg7[%swap3A_290, %swap3A_291, %swap3A_292] {strides = array<i32>} : memref<2x2x128xi32, #tpu.memory_space<vmem>>, vector<1x1x16xi32>,
      %swap3A_294 = vector.shape_cast %swap3A_293 : vector<1x1x16xi32> to vector<16xi32>
      %swap3A_295 = vector.shape_cast %and3A_287 : vector<16xi32> to vector<1x1x16xi32>
      tpu.vector_store %arg7[%swap3A_290, %swap3A_291, %swap3A_292], %swap3A_295 {strides = array<i32>} : memref<2x2x128xi32, #tpu.memory_space<vmem>>, vector<1x1x16xi32>,
      %shift_right_logical3A_296 = arith.constant 16 : i32
      %shift_right_logical3A_297 = vector.broadcast %shift_right_logical3A_296 : i32 to vector<16xi32>
      %shift_right_logical3A_298 = arith.shrui %get3A_284, %shift_right_logical3A_297 : vector<16xi32>
      %swap3A_299 = arith.constant 1 : i32
      %swap3A_300 = arith.constant 1 : i32
      %swap3A_301 = arith.index_cast %swap3A_299 : i32 to index
      %swap3A_302 = arith.index_cast %swap3A_300 : i32 to index
      %swap3A_303 = arith.constant 16 : index
      %swap3A_304 = tpu.vector_load %arg7[%swap3A_301, %swap3A_302, %swap3A_303] {strides = array<i32>} : memref<2x2x128xi32, #tpu.memory_space<vmem>>, vector<1x1x16xi32>,
      %swap3A_305 = vector.shape_cast %swap3A_304 : vector<1x1x16xi32> to vector<16xi32>
      %swap3A_306 = vector.shape_cast %shift_right_logical3A_298 : vector<16xi32> to vector<1x1x16xi32>
      tpu.vector_store %arg7[%swap3A_301, %swap3A_302, %swap3A_303], %swap3A_306 {strides = array<i32>} : memref<2x2x128xi32, #tpu.memory_space<vmem>>, vector<1x1x16xi32>,
      %get3A_307 = arith.index_cast %add3A_254 : i32 to index
      %get3A_308 = arith.constant 32 : index
      %get3A_309 = tpu.vector_load %arg6[%get3A_307, %get3A_308] {strides = array<i32>} : memref<80x128xi32, #tpu.memory_space<vmem>>, vector<1x16xi32>,
      %get3A_310 = vector.shape_cast %get3A_309 : vector<1x16xi32> to vector<16xi32>
      %and3A_311 = arith.constant 65535 : i32
      %and3A_312 = vector.broadcast %and3A_311 : i32 to vector<16xi32>
      %and3A_313 = arith.andi %get3A_310, %and3A_312 : vector<16xi32>
      %swap3A_314 = arith.constant 1 : i32
      %swap3A_315 = arith.constant 0 : i32
      %swap3A_316 = arith.index_cast %swap3A_314 : i32 to index
      %swap3A_317 = arith.index_cast %swap3A_315 : i32 to index
      %swap3A_318 = arith.constant 32 : index
      %swap3A_319 = tpu.vector_load %arg7[%swap3A_316, %swap3A_317, %swap3A_318] {strides = array<i32>} : memref<2x2x128xi32, #tpu.memory_space<vmem>>, vector<1x1x16xi32>,
      %swap3A_320 = vector.shape_cast %swap3A_319 : vector<1x1x16xi32> to vector<16xi32>
      %swap3A_321 = vector.shape_cast %and3A_313 : vector<16xi32> to vector<1x1x16xi32>
      tpu.vector_store %arg7[%swap3A_316, %swap3A_317, %swap3A_318], %swap3A_321 {strides = array<i32>} : memref<2x2x128xi32, #tpu.memory_space<vmem>>, vector<1x1x16xi32>,
      %shift_right_logical3A_322 = arith.constant 16 : i32
      %shift_right_logical3A_323 = vector.broadcast %shift_right_logical3A_322 : i32 to vector<16xi32>
      %shift_right_logical3A_324 = arith.shrui %get3A_310, %shift_right_logical3A_323 : vector<16xi32>
      %swap3A_325 = arith.constant 1 : i32
      %swap3A_326 = arith.constant 1 : i32
      %swap3A_327 = arith.index_cast %swap3A_325 : i32 to index
      %swap3A_328 = arith.index_cast %swap3A_326 : i32 to index
      %swap3A_329 = arith.constant 32 : index
      %swap3A_330 = tpu.vector_load %arg7[%swap3A_327, %swap3A_328, %swap3A_329] {strides = array<i32>} : memref<2x2x128xi32, #tpu.memory_space<vmem>>, vector<1x1x16xi32>,
      %swap3A_331 = vector.shape_cast %swap3A_330 : vector<1x1x16xi32> to vector<16xi32>
      %swap3A_332 = vector.shape_cast %shift_right_logical3A_324 : vector<16xi32> to vector<1x1x16xi32>
      tpu.vector_store %arg7[%swap3A_327, %swap3A_328, %swap3A_329], %swap3A_332 {strides = array<i32>} : memref<2x2x128xi32, #tpu.memory_space<vmem>>, vector<1x1x16xi32>,
      %get3A_333 = arith.index_cast %add3A_254 : i32 to index
      %get3A_334 = arith.constant 48 : index
      %get3A_335 = tpu.vector_load %arg6[%get3A_333, %get3A_334] {strides = array<i32>} : memref<80x128xi32, #tpu.memory_space<vmem>>, vector<1x16xi32>,
      %get3A_336 = vector.shape_cast %get3A_335 : vector<1x16xi32> to vector<16xi32>
      %and3A_337 = arith.constant 65535 : i32
      %and3A_338 = vector.broadcast %and3A_337 : i32 to vector<16xi32>
      %and3A_339 = arith.andi %get3A_336, %and3A_338 : vector<16xi32>
      %swap3A_340 = arith.constant 1 : i32
      %swap3A_341 = arith.constant 0 : i32
      %swap3A_342 = arith.index_cast %swap3A_340 : i32 to index
      %swap3A_343 = arith.index_cast %swap3A_341 : i32 to index
      %swap3A_344 = arith.constant 48 : index
      %swap3A_345 = tpu.vector_load %arg7[%swap3A_342, %swap3A_343, %swap3A_344] {strides = array<i32>} : memref<2x2x128xi32, #tpu.memory_space<vmem>>, vector<1x1x16xi32>,
      %swap3A_346 = vector.shape_cast %swap3A_345 : vector<1x1x16xi32> to vector<16xi32>
      %swap3A_347 = vector.shape_cast %and3A_339 : vector<16xi32> to vector<1x1x16xi32>
      tpu.vector_store %arg7[%swap3A_342, %swap3A_343, %swap3A_344], %swap3A_347 {strides = array<i32>} : memref<2x2x128xi32, #tpu.memory_space<vmem>>, vector<1x1x16xi32>,
      %shift_right_logical3A_348 = arith.constant 16 : i32
      %shift_right_logical3A_349 = vector.broadcast %shift_right_logical3A_348 : i32 to vector<16xi32>
      %shift_right_logical3A_350 = arith.shrui %get3A_336, %shift_right_logical3A_349 : vector<16xi32>
      %swap3A_351 = arith.constant 1 : i32
      %swap3A_352 = arith.constant 1 : i32
      %swap3A_353 = arith.index_cast %swap3A_351 : i32 to index
      %swap3A_354 = arith.index_cast %swap3A_352 : i32 to index
      %swap3A_355 = arith.constant 48 : index
      %swap3A_356 = tpu.vector_load %arg7[%swap3A_353, %swap3A_354, %swap3A_355] {strides = array<i32>} : memref<2x2x128xi32, #tpu.memory_space<vmem>>, vector<1x1x16xi32>,
      %swap3A_357 = vector.shape_cast %swap3A_356 : vector<1x1x16xi32> to vector<16xi32>
      %swap3A_358 = vector.shape_cast %shift_right_logical3A_350 : vector<16xi32> to vector<1x1x16xi32>
      tpu.vector_store %arg7[%swap3A_353, %swap3A_354, %swap3A_355], %swap3A_358 {strides = array<i32>} : memref<2x2x128xi32, #tpu.memory_space<vmem>>, vector<1x1x16xi32>,
      %get3A_359 = arith.index_cast %add3A_254 : i32 to index
      %get3A_360 = arith.constant 64 : index
      %get3A_361 = tpu.vector_load %arg6[%get3A_359, %get3A_360] {strides = array<i32>} : memref<80x128xi32, #tpu.memory_space<vmem>>, vector<1x16xi32>,
      %get3A_362 = vector.shape_cast %get3A_361 : vector<1x16xi32> to vector<16xi32>
      %and3A_363 = arith.constant 65535 : i32
      %and3A_364 = vector.broadcast %and3A_363 : i32 to vector<16xi32>
      %and3A_365 = arith.andi %get3A_362, %and3A_364 : vector<16xi32>
      %swap3A_366 = arith.constant 1 : i32
      %swap3A_367 = arith.constant 0 : i32
      %swap3A_368 = arith.index_cast %swap3A_366 : i32 to index
      %swap3A_369 = arith.index_cast %swap3A_367 : i32 to index
      %swap3A_370 = arith.constant 64 : index
      %swap3A_371 = tpu.vector_load %arg7[%swap3A_368, %swap3A_369, %swap3A_370] {strides = array<i32>} : memref<2x2x128xi32, #tpu.memory_space<vmem>>, vector<1x1x16xi32>,
      %swap3A_372 = vector.shape_cast %swap3A_371 : vector<1x1x16xi32> to vector<16xi32>
      %swap3A_373 = vector.shape_cast %and3A_365 : vector<16xi32> to vector<1x1x16xi32>
      tpu.vector_store %arg7[%swap3A_368, %swap3A_369, %swap3A_370], %swap3A_373 {strides = array<i32>} : memref<2x2x128xi32, #tpu.memory_space<vmem>>, vector<1x1x16xi32>,
      %shift_right_logical3A_374 = arith.constant 16 : i32
      %shift_right_logical3A_375 = vector.broadcast %shift_right_logical3A_374 : i32 to vector<16xi32>
      %shift_right_logical3A_376 = arith.shrui %get3A_362, %shift_right_logical3A_375 : vector<16xi32>
      %swap3A_377 = arith.constant 1 : i32
      %swap3A_378 = arith.constant 1 : i32
      %swap3A_379 = arith.index_cast %swap3A_377 : i32 to index
      %swap3A_380 = arith.index_cast %swap3A_378 : i32 to index
      %swap3A_381 = arith.constant 64 : index
      %swap3A_382 = tpu.vector_load %arg7[%swap3A_379, %swap3A_380, %swap3A_381] {strides = array<i32>} : memref<2x2x128xi32, #tpu.memory_space<vmem>>, vector<1x1x16xi32>,
      %swap3A_383 = vector.shape_cast %swap3A_382 : vector<1x1x16xi32> to vector<16xi32>
      %swap3A_384 = vector.shape_cast %shift_right_logical3A_376 : vector<16xi32> to vector<1x1x16xi32>
      tpu.vector_store %arg7[%swap3A_379, %swap3A_380, %swap3A_381], %swap3A_384 {strides = array<i32>} : memref<2x2x128xi32, #tpu.memory_space<vmem>>, vector<1x1x16xi32>,
      %get3A_385 = arith.index_cast %add3A_254 : i32 to index
      %get3A_386 = arith.constant 80 : index
      %get3A_387 = tpu.vector_load %arg6[%get3A_385, %get3A_386] {strides = array<i32>} : memref<80x128xi32, #tpu.memory_space<vmem>>, vector<1x16xi32>,
      %get3A_388 = vector.shape_cast %get3A_387 : vector<1x16xi32> to vector<16xi32>
      %and3A_389 = arith.constant 65535 : i32
      %and3A_390 = vector.broadcast %and3A_389 : i32 to vector<16xi32>
      %and3A_391 = arith.andi %get3A_388, %and3A_390 : vector<16xi32>
      %swap3A_392 = arith.constant 1 : i32
      %swap3A_393 = arith.constant 0 : i32
      %swap3A_394 = arith.index_cast %swap3A_392 : i32 to index
      %swap3A_395 = arith.index_cast %swap3A_393 : i32 to index
      %swap3A_396 = arith.constant 80 : index
      %swap3A_397 = tpu.vector_load %arg7[%swap3A_394, %swap3A_395, %swap3A_396] {strides = array<i32>} : memref<2x2x128xi32, #tpu.memory_space<vmem>>, vector<1x1x16xi32>,
      %swap3A_398 = vector.shape_cast %swap3A_397 : vector<1x1x16xi32> to vector<16xi32>
      %swap3A_399 = vector.shape_cast %and3A_391 : vector<16xi32> to vector<1x1x16xi32>
      tpu.vector_store %arg7[%swap3A_394, %swap3A_395, %swap3A_396], %swap3A_399 {strides = array<i32>} : memref<2x2x128xi32, #tpu.memory_space<vmem>>, vector<1x1x16xi32>,
      %shift_right_logical3A_400 = arith.constant 16 : i32
      %shift_right_logical3A_401 = vector.broadcast %shift_right_logical3A_400 : i32 to vector<16xi32>
      %shift_right_logical3A_402 = arith.shrui %get3A_388, %shift_right_logical3A_401 : vector<16xi32>
      %swap3A_403 = arith.constant 1 : i32
      %swap3A_404 = arith.constant 1 : i32
      %swap3A_405 = arith.index_cast %swap3A_403 : i32 to index
      %swap3A_406 = arith.index_cast %swap3A_404 : i32 to index
      %swap3A_407 = arith.constant 80 : index
      %swap3A_408 = tpu.vector_load %arg7[%swap3A_405, %swap3A_406, %swap3A_407] {strides = array<i32>} : memref<2x2x128xi32, #tpu.memory_space<vmem>>, vector<1x1x16xi32>,
      %swap3A_409 = vector.shape_cast %swap3A_408 : vector<1x1x16xi32> to vector<16xi32>
      %swap3A_410 = vector.shape_cast %shift_right_logical3A_402 : vector<16xi32> to vector<1x1x16xi32>
      tpu.vector_store %arg7[%swap3A_405, %swap3A_406, %swap3A_407], %swap3A_410 {strides = array<i32>} : memref<2x2x128xi32, #tpu.memory_space<vmem>>, vector<1x1x16xi32>,
      %get3A_411 = arith.index_cast %add3A_254 : i32 to index
      %get3A_412 = arith.constant 96 : index
      %get3A_413 = tpu.vector_load %arg6[%get3A_411, %get3A_412] {strides = array<i32>} : memref<80x128xi32, #tpu.memory_space<vmem>>, vector<1x16xi32>,
      %get3A_414 = vector.shape_cast %get3A_413 : vector<1x16xi32> to vector<16xi32>
      %and3A_415 = arith.constant 65535 : i32
      %and3A_416 = vector.broadcast %and3A_415 : i32 to vector<16xi32>
      %and3A_417 = arith.andi %get3A_414, %and3A_416 : vector<16xi32>
      %swap3A_418 = arith.constant 1 : i32
      %swap3A_419 = arith.constant 0 : i32
      %swap3A_420 = arith.index_cast %swap3A_418 : i32 to index
      %swap3A_421 = arith.index_cast %swap3A_419 : i32 to index
      %swap3A_422 = arith.constant 96 : index
      %swap3A_423 = tpu.vector_load %arg7[%swap3A_420, %swap3A_421, %swap3A_422] {strides = array<i32>} : memref<2x2x128xi32, #tpu.memory_space<vmem>>, vector<1x1x16xi32>,
      %swap3A_424 = vector.shape_cast %swap3A_423 : vector<1x1x16xi32> to vector<16xi32>
      %swap3A_425 = vector.shape_cast %and3A_417 : vector<16xi32> to vector<1x1x16xi32>
      tpu.vector_store %arg7[%swap3A_420, %swap3A_421, %swap3A_422], %swap3A_425 {strides = array<i32>} : memref<2x2x128xi32, #tpu.memory_space<vmem>>, vector<1x1x16xi32>,
      %shift_right_logical3A_426 = arith.constant 16 : i32
      %shift_right_logical3A_427 = vector.broadcast %shift_right_logical3A_426 : i32 to vector<16xi32>
      %shift_right_logical3A_428 = arith.shrui %get3A_414, %shift_right_logical3A_427 : vector<16xi32>
      %swap3A_429 = arith.constant 1 : i32
      %swap3A_430 = arith.constant 1 : i32
      %swap3A_431 = arith.index_cast %swap3A_429 : i32 to index
      %swap3A_432 = arith.index_cast %swap3A_430 : i32 to index
      %swap3A_433 = arith.constant 96 : index
      %swap3A_434 = tpu.vector_load %arg7[%swap3A_431, %swap3A_432, %swap3A_433] {strides = array<i32>} : memref<2x2x128xi32, #tpu.memory_space<vmem>>, vector<1x1x16xi32>,
      %swap3A_435 = vector.shape_cast %swap3A_434 : vector<1x1x16xi32> to vector<16xi32>
      %swap3A_436 = vector.shape_cast %shift_right_logical3A_428 : vector<16xi32> to vector<1x1x16xi32>
      tpu.vector_store %arg7[%swap3A_431, %swap3A_432, %swap3A_433], %swap3A_436 {strides = array<i32>} : memref<2x2x128xi32, #tpu.memory_space<vmem>>, vector<1x1x16xi32>,
      %get3A_437 = arith.index_cast %add3A_254 : i32 to index
      %get3A_438 = arith.constant 112 : index
      %get3A_439 = tpu.vector_load %arg6[%get3A_437, %get3A_438] {strides = array<i32>} : memref<80x128xi32, #tpu.memory_space<vmem>>, vector<1x16xi32>,
      %get3A_440 = vector.shape_cast %get3A_439 : vector<1x16xi32> to vector<16xi32>
      %and3A_441 = arith.constant 65535 : i32
      %and3A_442 = vector.broadcast %and3A_441 : i32 to vector<16xi32>
      %and3A_443 = arith.andi %get3A_440, %and3A_442 : vector<16xi32>
      %swap3A_444 = arith.constant 1 : i32
      %swap3A_445 = arith.constant 0 : i32
      %swap3A_446 = arith.index_cast %swap3A_444 : i32 to index
      %swap3A_447 = arith.index_cast %swap3A_445 : i32 to index
      %swap3A_448 = arith.constant 112 : index
      %swap3A_449 = tpu.vector_load %arg7[%swap3A_446, %swap3A_447, %swap3A_448] {strides = array<i32>} : memref<2x2x128xi32, #tpu.memory_space<vmem>>, vector<1x1x16xi32>,
      %swap3A_450 = vector.shape_cast %swap3A_449 : vector<1x1x16xi32> to vector<16xi32>
      %swap3A_451 = vector.shape_cast %and3A_443 : vector<16xi32> to vector<1x1x16xi32>
      tpu.vector_store %arg7[%swap3A_446, %swap3A_447, %swap3A_448], %swap3A_451 {strides = array<i32>} : memref<2x2x128xi32, #tpu.memory_space<vmem>>, vector<1x1x16xi32>,
      %shift_right_logical3A_452 = arith.constant 16 : i32
      %shift_right_logical3A_453 = vector.broadcast %shift_right_logical3A_452 : i32 to vector<16xi32>
      %shift_right_logical3A_454 = arith.shrui %get3A_440, %shift_right_logical3A_453 : vector<16xi32>
      %swap3A_455 = arith.constant 1 : i32
      %swap3A_456 = arith.constant 1 : i32
      %swap3A_457 = arith.index_cast %swap3A_455 : i32 to index
      %swap3A_458 = arith.index_cast %swap3A_456 : i32 to index
      %swap3A_459 = arith.constant 112 : index
      %swap3A_460 = tpu.vector_load %arg7[%swap3A_457, %swap3A_458, %swap3A_459] {strides = array<i32>} : memref<2x2x128xi32, #tpu.memory_space<vmem>>, vector<1x1x16xi32>,
      %swap3A_461 = vector.shape_cast %swap3A_460 : vector<1x1x16xi32> to vector<16xi32>
      %swap3A_462 = vector.shape_cast %shift_right_logical3A_454 : vector<16xi32> to vector<1x1x16xi32>
      tpu.vector_store %arg7[%swap3A_457, %swap3A_458, %swap3A_459], %swap3A_462 {strides = array<i32>} : memref<2x2x128xi32, #tpu.memory_space<vmem>>, vector<1x1x16xi32>,
      %dma_start3A_463 = arith.constant 1 : i32
      %dma_start3A_464 = arith.constant 0 : i32
      %dma_start3A_465 = arith.constant 0 : i32
      %dma_start3A_466 = tpu.memref_slice %arg7[%dma_start3A_463, %dma_start3A_464, %dma_start3A_465] : memref<2x2x128xi32, #tpu.memory_space<vmem>> -> memref<1x1x128xi32, #tpu.memory_space<vmem>>
      %dma_start3A_467 = tpu.memref_squeeze %dma_start3A_466 : memref<1x1x128xi32, #tpu.memory_space<vmem>> -> memref<128xi32, #tpu.memory_space<vmem>>
      %dma_start3A_468 = arith.constant 0 : i32
      %dma_start3A_469 = arith.constant 0 : i32
      %dma_start3A_470 = tpu.memref_slice %arg2[%dma_start3A_468, %dma_start3A_469] : memref<10000x128xf32, #tpu.memory_space<hbm>> -> memref<10000x128xf32, #tpu.memory_space<hbm>>
      tpu.enqueue_indirect_dma source(%dma_start3A_470 : memref<10000x128xf32, #tpu.memory_space<hbm>>) target(%arg9 : memref<128x128xf32, #tpu.memory_space<vmem>>) offsets(%dma_start3A_467 : memref<128xi32, #tpu.memory_space<vmem>>) semaphore(%arg11 : memref<!tpu.dma_semaphore, #tpu.memory_space<semaphore_mem>>)
      %dma_wait3A = arith.constant 0 : i32
      %dma_wait3A_471 = arith.constant 0 : i32
      %dma_wait3A_472 = arith.constant 0 : i32
      %dma_wait3A_473 = tpu.memref_slice %arg7[%dma_wait3A, %dma_wait3A_471, %dma_wait3A_472] : memref<2x2x128xi32, #tpu.memory_space<vmem>> -> memref<1x1x128xi32, #tpu.memory_space<vmem>>
      %dma_wait3A_474 = tpu.memref_squeeze %dma_wait3A_473 : memref<1x1x128xi32, #tpu.memory_space<vmem>> -> memref<128xi32, #tpu.memory_space<vmem>>
      %dma_wait3A_475 = arith.constant 0 : i32
      %dma_wait3A_476 = arith.constant 0 : i32
      %dma_wait3A_477 = tpu.memref_slice %arg2[%dma_wait3A_475, %dma_wait3A_476] : memref<10000x128xf32, #tpu.memory_space<hbm>> -> memref<10000x128xf32, #tpu.memory_space<hbm>>
      tpu.wait_indirect_dma semaphore(%arg10 : memref<!tpu.dma_semaphore, #tpu.memory_space<semaphore_mem>>) src(%dma_wait3A_477 : memref<10000x128xf32, #tpu.memory_space<hbm>>) dst(%arg8 : memref<128x128xf32, #tpu.memory_space<vmem>>)
      %run_scoped3A = arith.constant 0 : i32
      %run_scoped3A_478 = arith.constant 1 : i32
      "tpu.region"() ({
        %run_scoped3A_491 = tpu.sem_alloc : memref<!tpu.dma_semaphore, #tpu.memory_space<semaphore_mem>>
        %dma_start3A_492 = arith.constant 0 : i32
        %dma_start3A_493 = tpu.memref_slice %arg7[%run_scoped3A, %run_scoped3A_478, %dma_start3A_492] : memref<2x2x128xi32, #tpu.memory_space<vmem>> -> memref<1x1x128xi32, #tpu.memory_space<vmem>>
        %dma_start3A_494 = tpu.memref_squeeze %dma_start3A_493 : memref<1x1x128xi32, #tpu.memory_space<vmem>> -> memref<128xi32, #tpu.memory_space<vmem>>
        %dma_start3A_495 = arith.constant 0 : i32
        %dma_start3A_496 = arith.constant 0 : i32
        %dma_start3A_497 = tpu.memref_slice %arg12[%dma_start3A_495, %dma_start3A_496] : memref<10240x128xf32, #tpu.memory_space<vmem_shared>> -> memref<10240x128xf32, #tpu.memory_space<vmem_shared>>
        tpu.enqueue_indirect_dma source(%arg8 : memref<128x128xf32, #tpu.memory_space<vmem>>) target(%dma_start3A_497 : memref<10240x128xf32, #tpu.memory_space<vmem_shared>>) offsets(%dma_start3A_494 : memref<128xi32, #tpu.memory_space<vmem>>) semaphore(%run_scoped3A_491 : memref<!tpu.dma_semaphore, #tpu.memory_space<semaphore_mem>>) {add = true}
        %dma_wait3A_498 = arith.constant 0 : i32
        %dma_wait3A_499 = tpu.memref_slice %arg7[%run_scoped3A, %run_scoped3A_478, %dma_wait3A_498] : memref<2x2x128xi32, #tpu.memory_space<vmem>> -> memref<1x1x128xi32, #tpu.memory_space<vmem>>
        %dma_wait3A_500 = tpu.memref_squeeze %dma_wait3A_499 : memref<1x1x128xi32, #tpu.memory_space<vmem>> -> memref<128xi32, #tpu.memory_space<vmem>>
        %dma_wait3A_501 = arith.constant 0 : i32
        %dma_wait3A_502 = arith.constant 0 : i32
        %dma_wait3A_503 = tpu.memref_slice %arg12[%dma_wait3A_501, %dma_wait3A_502] : memref<10240x128xf32, #tpu.memory_space<vmem_shared>> -> memref<10240x128xf32, #tpu.memory_space<vmem_shared>>
        tpu.wait_indirect_dma semaphore(%run_scoped3A_491 : memref<!tpu.dma_semaphore, #tpu.memory_space<semaphore_mem>>) src(%arg8 : memref<128x128xf32, #tpu.memory_space<vmem>>) dst(%dma_wait3A_503 : memref<10240x128xf32, #tpu.memory_space<vmem_shared>>)
        tpu.yield
      }) : () -> ()
      %lt3A = arith.constant 39 : i32
      %lt3A_479 = arith.cmpi slt, %scan3A_250, %lt3A : i32
      %convert_element_type3A = arith.extui %lt3A_479 : i1 to i32
      %cond3A = arith.constant 0 : i32
      %cond3A_480 = arith.cmpi ne, %convert_element_type3A, %cond3A : i32
      scf.if %cond3A_480 {
        %add3A_491 = arith.constant 2 : i32
        %add3A_492 = arith.addi %mul3A_252, %add3A_491 : i32
        %get3A_493 = arith.index_cast %add3A_492 : i32 to index
        %get3A_494 = arith.constant 0 : index
        %get3A_495 = tpu.vector_load %arg6[%get3A_493, %get3A_494] {strides = array<i32>} : memref<80x128xi32, #tpu.memory_space<vmem>>, vector<1x16xi32>,
        %get3A_496 = vector.shape_cast %get3A_495 : vector<1x16xi32> to vector<16xi32>
        %and3A_497 = arith.constant 65535 : i32
        %and3A_498 = vector.broadcast %and3A_497 : i32 to vector<16xi32>
        %and3A_499 = arith.andi %get3A_496, %and3A_498 : vector<16xi32>
        %swap3A_500 = arith.constant 0 : i32
        %swap3A_501 = arith.constant 0 : i32
        %swap3A_502 = arith.index_cast %swap3A_500 : i32 to index
        %swap3A_503 = arith.index_cast %swap3A_501 : i32 to index
        %swap3A_504 = arith.constant 0 : index
        %swap3A_505 = tpu.vector_load %arg7[%swap3A_502, %swap3A_503, %swap3A_504] {strides = array<i32>} : memref<2x2x128xi32, #tpu.memory_space<vmem>>, vector<1x1x16xi32>,
        %swap3A_506 = vector.shape_cast %swap3A_505 : vector<1x1x16xi32> to vector<16xi32>
        %swap3A_507 = vector.shape_cast %and3A_499 : vector<16xi32> to vector<1x1x16xi32>
        tpu.vector_store %arg7[%swap3A_502, %swap3A_503, %swap3A_504], %swap3A_507 {strides = array<i32>} : memref<2x2x128xi32, #tpu.memory_space<vmem>>, vector<1x1x16xi32>,
        %shift_right_logical3A_508 = arith.constant 16 : i32
        %shift_right_logical3A_509 = vector.broadcast %shift_right_logical3A_508 : i32 to vector<16xi32>
        %shift_right_logical3A_510 = arith.shrui %get3A_496, %shift_right_logical3A_509 : vector<16xi32>
        %swap3A_511 = arith.constant 0 : i32
        %swap3A_512 = arith.constant 1 : i32
        %swap3A_513 = arith.index_cast %swap3A_511 : i32 to index
        %swap3A_514 = arith.index_cast %swap3A_512 : i32 to index
        %swap3A_515 = arith.constant 0 : index
        %swap3A_516 = tpu.vector_load %arg7[%swap3A_513, %swap3A_514, %swap3A_515] {strides = array<i32>} : memref<2x2x128xi32, #tpu.memory_space<vmem>>, vector<1x1x16xi32>,
        %swap3A_517 = vector.shape_cast %swap3A_516 : vector<1x1x16xi32> to vector<16xi32>
        %swap3A_518 = vector.shape_cast %shift_right_logical3A_510 : vector<16xi32> to vector<1x1x16xi32>
        tpu.vector_store %arg7[%swap3A_513, %swap3A_514, %swap3A_515], %swap3A_518 {strides = array<i32>} : memref<2x2x128xi32, #tpu.memory_space<vmem>>, vector<1x1x16xi32>,
        %get3A_519 = arith.index_cast %add3A_492 : i32 to index
        %get3A_520 = arith.constant 16 : index
        %get3A_521 = tpu.vector_load %arg6[%get3A_519, %get3A_520] {strides = array<i32>} : memref<80x128xi32, #tpu.memory_space<vmem>>, vector<1x16xi32>,
        %get3A_522 = vector.shape_cast %get3A_521 : vector<1x16xi32> to vector<16xi32>
        %and3A_523 = arith.constant 65535 : i32
        %and3A_524 = vector.broadcast %and3A_523 : i32 to vector<16xi32>
        %and3A_525 = arith.andi %get3A_522, %and3A_524 : vector<16xi32>
        %swap3A_526 = arith.constant 0 : i32
        %swap3A_527 = arith.constant 0 : i32
        %swap3A_528 = arith.index_cast %swap3A_526 : i32 to index
        %swap3A_529 = arith.index_cast %swap3A_527 : i32 to index
        %swap3A_530 = arith.constant 16 : index
        %swap3A_531 = tpu.vector_load %arg7[%swap3A_528, %swap3A_529, %swap3A_530] {strides = array<i32>} : memref<2x2x128xi32, #tpu.memory_space<vmem>>, vector<1x1x16xi32>,
        %swap3A_532 = vector.shape_cast %swap3A_531 : vector<1x1x16xi32> to vector<16xi32>
        %swap3A_533 = vector.shape_cast %and3A_525 : vector<16xi32> to vector<1x1x16xi32>
        tpu.vector_store %arg7[%swap3A_528, %swap3A_529, %swap3A_530], %swap3A_533 {strides = array<i32>} : memref<2x2x128xi32, #tpu.memory_space<vmem>>, vector<1x1x16xi32>,
        %shift_right_logical3A_534 = arith.constant 16 : i32
        %shift_right_logical3A_535 = vector.broadcast %shift_right_logical3A_534 : i32 to vector<16xi32>
        %shift_right_logical3A_536 = arith.shrui %get3A_522, %shift_right_logical3A_535 : vector<16xi32>
        %swap3A_537 = arith.constant 0 : i32
        %swap3A_538 = arith.constant 1 : i32
        %swap3A_539 = arith.index_cast %swap3A_537 : i32 to index
        %swap3A_540 = arith.index_cast %swap3A_538 : i32 to index
        %swap3A_541 = arith.constant 16 : index
        %swap3A_542 = tpu.vector_load %arg7[%swap3A_539, %swap3A_540, %swap3A_541] {strides = array<i32>} : memref<2x2x128xi32, #tpu.memory_space<vmem>>, vector<1x1x16xi32>,
        %swap3A_543 = vector.shape_cast %swap3A_542 : vector<1x1x16xi32> to vector<16xi32>
        %swap3A_544 = vector.shape_cast %shift_right_logical3A_536 : vector<16xi32> to vector<1x1x16xi32>
        tpu.vector_store %arg7[%swap3A_539, %swap3A_540, %swap3A_541], %swap3A_544 {strides = array<i32>} : memref<2x2x128xi32, #tpu.memory_space<vmem>>, vector<1x1x16xi32>,
        %get3A_545 = arith.index_cast %add3A_492 : i32 to index
        %get3A_546 = arith.constant 32 : index
        %get3A_547 = tpu.vector_load %arg6[%get3A_545, %get3A_546] {strides = array<i32>} : memref<80x128xi32, #tpu.memory_space<vmem>>, vector<1x16xi32>,
        %get3A_548 = vector.shape_cast %get3A_547 : vector<1x16xi32> to vector<16xi32>
        %and3A_549 = arith.constant 65535 : i32
        %and3A_550 = vector.broadcast %and3A_549 : i32 to vector<16xi32>
        %and3A_551 = arith.andi %get3A_548, %and3A_550 : vector<16xi32>
        %swap3A_552 = arith.constant 0 : i32
        %swap3A_553 = arith.constant 0 : i32
        %swap3A_554 = arith.index_cast %swap3A_552 : i32 to index
        %swap3A_555 = arith.index_cast %swap3A_553 : i32 to index
        %swap3A_556 = arith.constant 32 : index
        %swap3A_557 = tpu.vector_load %arg7[%swap3A_554, %swap3A_555, %swap3A_556] {strides = array<i32>} : memref<2x2x128xi32, #tpu.memory_space<vmem>>, vector<1x1x16xi32>,
        %swap3A_558 = vector.shape_cast %swap3A_557 : vector<1x1x16xi32> to vector<16xi32>
        %swap3A_559 = vector.shape_cast %and3A_551 : vector<16xi32> to vector<1x1x16xi32>
        tpu.vector_store %arg7[%swap3A_554, %swap3A_555, %swap3A_556], %swap3A_559 {strides = array<i32>} : memref<2x2x128xi32, #tpu.memory_space<vmem>>, vector<1x1x16xi32>,
        %shift_right_logical3A_560 = arith.constant 16 : i32
        %shift_right_logical3A_561 = vector.broadcast %shift_right_logical3A_560 : i32 to vector<16xi32>
        %shift_right_logical3A_562 = arith.shrui %get3A_548, %shift_right_logical3A_561 : vector<16xi32>
        %swap3A_563 = arith.constant 0 : i32
        %swap3A_564 = arith.constant 1 : i32
        %swap3A_565 = arith.index_cast %swap3A_563 : i32 to index
        %swap3A_566 = arith.index_cast %swap3A_564 : i32 to index
        %swap3A_567 = arith.constant 32 : index
        %swap3A_568 = tpu.vector_load %arg7[%swap3A_565, %swap3A_566, %swap3A_567] {strides = array<i32>} : memref<2x2x128xi32, #tpu.memory_space<vmem>>, vector<1x1x16xi32>,
        %swap3A_569 = vector.shape_cast %swap3A_568 : vector<1x1x16xi32> to vector<16xi32>
        %swap3A_570 = vector.shape_cast %shift_right_logical3A_562 : vector<16xi32> to vector<1x1x16xi32>
        tpu.vector_store %arg7[%swap3A_565, %swap3A_566, %swap3A_567], %swap3A_570 {strides = array<i32>} : memref<2x2x128xi32, #tpu.memory_space<vmem>>, vector<1x1x16xi32>,
        %get3A_571 = arith.index_cast %add3A_492 : i32 to index
        %get3A_572 = arith.constant 48 : index
        %get3A_573 = tpu.vector_load %arg6[%get3A_571, %get3A_572] {strides = array<i32>} : memref<80x128xi32, #tpu.memory_space<vmem>>, vector<1x16xi32>,
        %get3A_574 = vector.shape_cast %get3A_573 : vector<1x16xi32> to vector<16xi32>
        %and3A_575 = arith.constant 65535 : i32
        %and3A_576 = vector.broadcast %and3A_575 : i32 to vector<16xi32>
        %and3A_577 = arith.andi %get3A_574, %and3A_576 : vector<16xi32>
        %swap3A_578 = arith.constant 0 : i32
        %swap3A_579 = arith.constant 0 : i32
        %swap3A_580 = arith.index_cast %swap3A_578 : i32 to index
        %swap3A_581 = arith.index_cast %swap3A_579 : i32 to index
        %swap3A_582 = arith.constant 48 : index
        %swap3A_583 = tpu.vector_load %arg7[%swap3A_580, %swap3A_581, %swap3A_582] {strides = array<i32>} : memref<2x2x128xi32, #tpu.memory_space<vmem>>, vector<1x1x16xi32>,
        %swap3A_584 = vector.shape_cast %swap3A_583 : vector<1x1x16xi32> to vector<16xi32>
        %swap3A_585 = vector.shape_cast %and3A_577 : vector<16xi32> to vector<1x1x16xi32>
        tpu.vector_store %arg7[%swap3A_580, %swap3A_581, %swap3A_582], %swap3A_585 {strides = array<i32>} : memref<2x2x128xi32, #tpu.memory_space<vmem>>, vector<1x1x16xi32>,
        %shift_right_logical3A_586 = arith.constant 16 : i32
        %shift_right_logical3A_587 = vector.broadcast %shift_right_logical3A_586 : i32 to vector<16xi32>
        %shift_right_logical3A_588 = arith.shrui %get3A_574, %shift_right_logical3A_587 : vector<16xi32>
        %swap3A_589 = arith.constant 0 : i32
        %swap3A_590 = arith.constant 1 : i32
        %swap3A_591 = arith.index_cast %swap3A_589 : i32 to index
        %swap3A_592 = arith.index_cast %swap3A_590 : i32 to index
        %swap3A_593 = arith.constant 48 : index
        %swap3A_594 = tpu.vector_load %arg7[%swap3A_591, %swap3A_592, %swap3A_593] {strides = array<i32>} : memref<2x2x128xi32, #tpu.memory_space<vmem>>, vector<1x1x16xi32>,
        %swap3A_595 = vector.shape_cast %swap3A_594 : vector<1x1x16xi32> to vector<16xi32>
        %swap3A_596 = vector.shape_cast %shift_right_logical3A_588 : vector<16xi32> to vector<1x1x16xi32>
        tpu.vector_store %arg7[%swap3A_591, %swap3A_592, %swap3A_593], %swap3A_596 {strides = array<i32>} : memref<2x2x128xi32, #tpu.memory_space<vmem>>, vector<1x1x16xi32>,
        %get3A_597 = arith.index_cast %add3A_492 : i32 to index
        %get3A_598 = arith.constant 64 : index
        %get3A_599 = tpu.vector_load %arg6[%get3A_597, %get3A_598] {strides = array<i32>} : memref<80x128xi32, #tpu.memory_space<vmem>>, vector<1x16xi32>,
        %get3A_600 = vector.shape_cast %get3A_599 : vector<1x16xi32> to vector<16xi32>
        %and3A_601 = arith.constant 65535 : i32
        %and3A_602 = vector.broadcast %and3A_601 : i32 to vector<16xi32>
        %and3A_603 = arith.andi %get3A_600, %and3A_602 : vector<16xi32>
        %swap3A_604 = arith.constant 0 : i32
        %swap3A_605 = arith.constant 0 : i32
        %swap3A_606 = arith.index_cast %swap3A_604 : i32 to index
        %swap3A_607 = arith.index_cast %swap3A_605 : i32 to index
        %swap3A_608 = arith.constant 64 : index
        %swap3A_609 = tpu.vector_load %arg7[%swap3A_606, %swap3A_607, %swap3A_608] {strides = array<i32>} : memref<2x2x128xi32, #tpu.memory_space<vmem>>, vector<1x1x16xi32>,
        %swap3A_610 = vector.shape_cast %swap3A_609 : vector<1x1x16xi32> to vector<16xi32>
        %swap3A_611 = vector.shape_cast %and3A_603 : vector<16xi32> to vector<1x1x16xi32>
        tpu.vector_store %arg7[%swap3A_606, %swap3A_607, %swap3A_608], %swap3A_611 {strides = array<i32>} : memref<2x2x128xi32, #tpu.memory_space<vmem>>, vector<1x1x16xi32>,
        %shift_right_logical3A_612 = arith.constant 16 : i32
        %shift_right_logical3A_613 = vector.broadcast %shift_right_logical3A_612 : i32 to vector<16xi32>
        %shift_right_logical3A_614 = arith.shrui %get3A_600, %shift_right_logical3A_613 : vector<16xi32>
        %swap3A_615 = arith.constant 0 : i32
        %swap3A_616 = arith.constant 1 : i32
        %swap3A_617 = arith.index_cast %swap3A_615 : i32 to index
        %swap3A_618 = arith.index_cast %swap3A_616 : i32 to index
        %swap3A_619 = arith.constant 64 : index
        %swap3A_620 = tpu.vector_load %arg7[%swap3A_617, %swap3A_618, %swap3A_619] {strides = array<i32>} : memref<2x2x128xi32, #tpu.memory_space<vmem>>, vector<1x1x16xi32>,
        %swap3A_621 = vector.shape_cast %swap3A_620 : vector<1x1x16xi32> to vector<16xi32>
        %swap3A_622 = vector.shape_cast %shift_right_logical3A_614 : vector<16xi32> to vector<1x1x16xi32>
        tpu.vector_store %arg7[%swap3A_617, %swap3A_618, %swap3A_619], %swap3A_622 {strides = array<i32>} : memref<2x2x128xi32, #tpu.memory_space<vmem>>, vector<1x1x16xi32>,
        %get3A_623 = arith.index_cast %add3A_492 : i32 to index
        %get3A_624 = arith.constant 80 : index
        %get3A_625 = tpu.vector_load %arg6[%get3A_623, %get3A_624] {strides = array<i32>} : memref<80x128xi32, #tpu.memory_space<vmem>>, vector<1x16xi32>,
        %get3A_626 = vector.shape_cast %get3A_625 : vector<1x16xi32> to vector<16xi32>
        %and3A_627 = arith.constant 65535 : i32
        %and3A_628 = vector.broadcast %and3A_627 : i32 to vector<16xi32>
        %and3A_629 = arith.andi %get3A_626, %and3A_628 : vector<16xi32>
        %swap3A_630 = arith.constant 0 : i32
        %swap3A_631 = arith.constant 0 : i32
        %swap3A_632 = arith.index_cast %swap3A_630 : i32 to index
        %swap3A_633 = arith.index_cast %swap3A_631 : i32 to index
        %swap3A_634 = arith.constant 80 : index
        %swap3A_635 = tpu.vector_load %arg7[%swap3A_632, %swap3A_633, %swap3A_634] {strides = array<i32>} : memref<2x2x128xi32, #tpu.memory_space<vmem>>, vector<1x1x16xi32>,
        %swap3A_636 = vector.shape_cast %swap3A_635 : vector<1x1x16xi32> to vector<16xi32>
        %swap3A_637 = vector.shape_cast %and3A_629 : vector<16xi32> to vector<1x1x16xi32>
        tpu.vector_store %arg7[%swap3A_632, %swap3A_633, %swap3A_634], %swap3A_637 {strides = array<i32>} : memref<2x2x128xi32, #tpu.memory_space<vmem>>, vector<1x1x16xi32>,
        %shift_right_logical3A_638 = arith.constant 16 : i32
        %shift_right_logical3A_639 = vector.broadcast %shift_right_logical3A_638 : i32 to vector<16xi32>
        %shift_right_logical3A_640 = arith.shrui %get3A_626, %shift_right_logical3A_639 : vector<16xi32>
        %swap3A_641 = arith.constant 0 : i32
        %swap3A_642 = arith.constant 1 : i32
        %swap3A_643 = arith.index_cast %swap3A_641 : i32 to index
        %swap3A_644 = arith.index_cast %swap3A_642 : i32 to index
        %swap3A_645 = arith.constant 80 : index
        %swap3A_646 = tpu.vector_load %arg7[%swap3A_643, %swap3A_644, %swap3A_645] {strides = array<i32>} : memref<2x2x128xi32, #tpu.memory_space<vmem>>, vector<1x1x16xi32>,
        %swap3A_647 = vector.shape_cast %swap3A_646 : vector<1x1x16xi32> to vector<16xi32>
        %swap3A_648 = vector.shape_cast %shift_right_logical3A_640 : vector<16xi32> to vector<1x1x16xi32>
        tpu.vector_store %arg7[%swap3A_643, %swap3A_644, %swap3A_645], %swap3A_648 {strides = array<i32>} : memref<2x2x128xi32, #tpu.memory_space<vmem>>, vector<1x1x16xi32>,
        %get3A_649 = arith.index_cast %add3A_492 : i32 to index
        %get3A_650 = arith.constant 96 : index
        %get3A_651 = tpu.vector_load %arg6[%get3A_649, %get3A_650] {strides = array<i32>} : memref<80x128xi32, #tpu.memory_space<vmem>>, vector<1x16xi32>,
        %get3A_652 = vector.shape_cast %get3A_651 : vector<1x16xi32> to vector<16xi32>
        %and3A_653 = arith.constant 65535 : i32
        %and3A_654 = vector.broadcast %and3A_653 : i32 to vector<16xi32>
        %and3A_655 = arith.andi %get3A_652, %and3A_654 : vector<16xi32>
        %swap3A_656 = arith.constant 0 : i32
        %swap3A_657 = arith.constant 0 : i32
        %swap3A_658 = arith.index_cast %swap3A_656 : i32 to index
        %swap3A_659 = arith.index_cast %swap3A_657 : i32 to index
        %swap3A_660 = arith.constant 96 : index
        %swap3A_661 = tpu.vector_load %arg7[%swap3A_658, %swap3A_659, %swap3A_660] {strides = array<i32>} : memref<2x2x128xi32, #tpu.memory_space<vmem>>, vector<1x1x16xi32>,
        %swap3A_662 = vector.shape_cast %swap3A_661 : vector<1x1x16xi32> to vector<16xi32>
        %swap3A_663 = vector.shape_cast %and3A_655 : vector<16xi32> to vector<1x1x16xi32>
        tpu.vector_store %arg7[%swap3A_658, %swap3A_659, %swap3A_660], %swap3A_663 {strides = array<i32>} : memref<2x2x128xi32, #tpu.memory_space<vmem>>, vector<1x1x16xi32>,
        %shift_right_logical3A_664 = arith.constant 16 : i32
        %shift_right_logical3A_665 = vector.broadcast %shift_right_logical3A_664 : i32 to vector<16xi32>
        %shift_right_logical3A_666 = arith.shrui %get3A_652, %shift_right_logical3A_665 : vector<16xi32>
        %swap3A_667 = arith.constant 0 : i32
        %swap3A_668 = arith.constant 1 : i32
        %swap3A_669 = arith.index_cast %swap3A_667 : i32 to index
        %swap3A_670 = arith.index_cast %swap3A_668 : i32 to index
        %swap3A_671 = arith.constant 96 : index
        %swap3A_672 = tpu.vector_load %arg7[%swap3A_669, %swap3A_670, %swap3A_671] {strides = array<i32>} : memref<2x2x128xi32, #tpu.memory_space<vmem>>, vector<1x1x16xi32>,
        %swap3A_673 = vector.shape_cast %swap3A_672 : vector<1x1x16xi32> to vector<16xi32>
        %swap3A_674 = vector.shape_cast %shift_right_logical3A_666 : vector<16xi32> to vector<1x1x16xi32>
        tpu.vector_store %arg7[%swap3A_669, %swap3A_670, %swap3A_671], %swap3A_674 {strides = array<i32>} : memref<2x2x128xi32, #tpu.memory_space<vmem>>, vector<1x1x16xi32>,
        %get3A_675 = arith.index_cast %add3A_492 : i32 to index
        %get3A_676 = arith.constant 112 : index
        %get3A_677 = tpu.vector_load %arg6[%get3A_675, %get3A_676] {strides = array<i32>} : memref<80x128xi32, #tpu.memory_space<vmem>>, vector<1x16xi32>,
        %get3A_678 = vector.shape_cast %get3A_677 : vector<1x16xi32> to vector<16xi32>
        %and3A_679 = arith.constant 65535 : i32
        %and3A_680 = vector.broadcast %and3A_679 : i32 to vector<16xi32>
        %and3A_681 = arith.andi %get3A_678, %and3A_680 : vector<16xi32>
        %swap3A_682 = arith.constant 0 : i32
        %swap3A_683 = arith.constant 0 : i32
        %swap3A_684 = arith.index_cast %swap3A_682 : i32 to index
        %swap3A_685 = arith.index_cast %swap3A_683 : i32 to index
        %swap3A_686 = arith.constant 112 : index
        %swap3A_687 = tpu.vector_load %arg7[%swap3A_684, %swap3A_685, %swap3A_686] {strides = array<i32>} : memref<2x2x128xi32, #tpu.memory_space<vmem>>, vector<1x1x16xi32>,
        %swap3A_688 = vector.shape_cast %swap3A_687 : vector<1x1x16xi32> to vector<16xi32>
        %swap3A_689 = vector.shape_cast %and3A_681 : vector<16xi32> to vector<1x1x16xi32>
        tpu.vector_store %arg7[%swap3A_684, %swap3A_685, %swap3A_686], %swap3A_689 {strides = array<i32>} : memref<2x2x128xi32, #tpu.memory_space<vmem>>, vector<1x1x16xi32>,
        %shift_right_logical3A_690 = arith.constant 16 : i32
        %shift_right_logical3A_691 = vector.broadcast %shift_right_logical3A_690 : i32 to vector<16xi32>
        %shift_right_logical3A_692 = arith.shrui %get3A_678, %shift_right_logical3A_691 : vector<16xi32>
        %swap3A_693 = arith.constant 0 : i32
        %swap3A_694 = arith.constant 1 : i32
        %swap3A_695 = arith.index_cast %swap3A_693 : i32 to index
        %swap3A_696 = arith.index_cast %swap3A_694 : i32 to index
        %swap3A_697 = arith.constant 112 : index
        %swap3A_698 = tpu.vector_load %arg7[%swap3A_695, %swap3A_696, %swap3A_697] {strides = array<i32>} : memref<2x2x128xi32, #tpu.memory_space<vmem>>, vector<1x1x16xi32>,
        %swap3A_699 = vector.shape_cast %swap3A_698 : vector<1x1x16xi32> to vector<16xi32>
        %swap3A_700 = vector.shape_cast %shift_right_logical3A_692 : vector<16xi32> to vector<1x1x16xi32>
        tpu.vector_store %arg7[%swap3A_695, %swap3A_696, %swap3A_697], %swap3A_700 {strides = array<i32>} : memref<2x2x128xi32, #tpu.memory_space<vmem>>, vector<1x1x16xi32>,
        %dma_start3A_701 = arith.constant 0 : i32
        %dma_start3A_702 = arith.constant 0 : i32
        %dma_start3A_703 = arith.constant 0 : i32
        %dma_start3A_704 = tpu.memref_slice %arg7[%dma_start3A_701, %dma_start3A_702, %dma_start3A_703] : memref<2x2x128xi32, #tpu.memory_space<vmem>> -> memref<1x1x128xi32, #tpu.memory_space<vmem>>
        %dma_start3A_705 = tpu.memref_squeeze %dma_start3A_704 : memref<1x1x128xi32, #tpu.memory_space<vmem>> -> memref<128xi32, #tpu.memory_space<vmem>>
        %dma_start3A_706 = arith.constant 0 : i32
        %dma_start3A_707 = arith.constant 0 : i32
        %dma_start3A_708 = tpu.memref_slice %arg2[%dma_start3A_706, %dma_start3A_707] : memref<10000x128xf32, #tpu.memory_space<hbm>> -> memref<10000x128xf32, #tpu.memory_space<hbm>>
        tpu.enqueue_indirect_dma source(%dma_start3A_708 : memref<10000x128xf32, #tpu.memory_space<hbm>>) target(%arg8 : memref<128x128xf32, #tpu.memory_space<vmem>>) offsets(%dma_start3A_705 : memref<128xi32, #tpu.memory_space<vmem>>) semaphore(%arg10 : memref<!tpu.dma_semaphore, #tpu.memory_space<semaphore_mem>>)
      } else {
      }
      %dma_wait3A_481 = arith.constant 1 : i32
      %dma_wait3A_482 = arith.constant 0 : i32
      %dma_wait3A_483 = arith.constant 0 : i32
      %dma_wait3A_484 = tpu.memref_slice %arg7[%dma_wait3A_481, %dma_wait3A_482, %dma_wait3A_483] : memref<2x2x128xi32, #tpu.memory_space<vmem>> -> memref<1x1x128xi32, #tpu.memory_space<vmem>>
      %dma_wait3A_485 = tpu.memref_squeeze %dma_wait3A_484 : memref<1x1x128xi32, #tpu.memory_space<vmem>> -> memref<128xi32, #tpu.memory_space<vmem>>
      %dma_wait3A_486 = arith.constant 0 : i32
      %dma_wait3A_487 = arith.constant 0 : i32
      %dma_wait3A_488 = tpu.memref_slice %arg2[%dma_wait3A_486, %dma_wait3A_487] : memref<10000x128xf32, #tpu.memory_space<hbm>> -> memref<10000x128xf32, #tpu.memory_space<hbm>>
      tpu.wait_indirect_dma semaphore(%arg11 : memref<!tpu.dma_semaphore, #tpu.memory_space<semaphore_mem>>) src(%dma_wait3A_488 : memref<10000x128xf32, #tpu.memory_space<hbm>>) dst(%arg9 : memref<128x128xf32, #tpu.memory_space<vmem>>)
      %run_scoped3A_489 = arith.constant 1 : i32
      %run_scoped3A_490 = arith.constant 1 : i32
      "tpu.region"() ({
        %run_scoped3A_491 = tpu.sem_alloc : memref<!tpu.dma_semaphore, #tpu.memory_space<semaphore_mem>>
        %dma_start3A_492 = arith.constant 0 : i32
        %dma_start3A_493 = tpu.memref_slice %arg7[%run_scoped3A_489, %run_scoped3A_490, %dma_start3A_492] : memref<2x2x128xi32, #tpu.memory_space<vmem>> -> memref<1x1x128xi32, #tpu.memory_space<vmem>>
        %dma_start3A_494 = tpu.memref_squeeze %dma_start3A_493 : memref<1x1x128xi32, #tpu.memory_space<vmem>> -> memref<128xi32, #tpu.memory_space<vmem>>
        %dma_start3A_495 = arith.constant 0 : i32
        %dma_start3A_496 = arith.constant 0 : i32
        %dma_start3A_497 = tpu.memref_slice %arg12[%dma_start3A_495, %dma_start3A_496] : memref<10240x128xf32, #tpu.memory_space<vmem_shared>> -> memref<10240x128xf32, #tpu.memory_space<vmem_shared>>
        tpu.enqueue_indirect_dma source(%arg9 : memref<128x128xf32, #tpu.memory_space<vmem>>) target(%dma_start3A_497 : memref<10240x128xf32, #tpu.memory_space<vmem_shared>>) offsets(%dma_start3A_494 : memref<128xi32, #tpu.memory_space<vmem>>) semaphore(%run_scoped3A_491 : memref<!tpu.dma_semaphore, #tpu.memory_space<semaphore_mem>>) {add = true}
        %dma_wait3A_498 = arith.constant 0 : i32
        %dma_wait3A_499 = tpu.memref_slice %arg7[%run_scoped3A_489, %run_scoped3A_490, %dma_wait3A_498] : memref<2x2x128xi32, #tpu.memory_space<vmem>> -> memref<1x1x128xi32, #tpu.memory_space<vmem>>
        %dma_wait3A_500 = tpu.memref_squeeze %dma_wait3A_499 : memref<1x1x128xi32, #tpu.memory_space<vmem>> -> memref<128xi32, #tpu.memory_space<vmem>>
        %dma_wait3A_501 = arith.constant 0 : i32
        %dma_wait3A_502 = arith.constant 0 : i32
        %dma_wait3A_503 = tpu.memref_slice %arg12[%dma_wait3A_501, %dma_wait3A_502] : memref<10240x128xf32, #tpu.memory_space<vmem_shared>> -> memref<10240x128xf32, #tpu.memory_space<vmem_shared>>
        tpu.wait_indirect_dma semaphore(%run_scoped3A_491 : memref<!tpu.dma_semaphore, #tpu.memory_space<semaphore_mem>>) src(%arg9 : memref<128x128xf32, #tpu.memory_space<vmem>>) dst(%dma_wait3A_503 : memref<10240x128xf32, #tpu.memory_space<vmem_shared>>)
        tpu.yield
      }) : () -> ()
    }
    %scan3A_244 = arith.constant 40 : i32
    %barrier3A_245 = arith.constant 0 : index
    tpu.barrier barrier_id(%barrier3A_245)
    %mul3A_246 = arith.constant 640 : i32
    %mul3A_247 = arith.muli %arg1, %mul3A_246 : i32
    %mul3A_248 = arith.constant 640 : i32
    %mul3A_249 = arith.muli %arg1, %mul3A_248 : i32
    "tpu.region"() ({
      %run_scoped3A = tpu.sem_alloc : memref<!tpu.dma_semaphore, #tpu.memory_space<semaphore_mem>>
      %dma_start3A_250 = arith.constant 0 : i32
      %dma_start3A_251 = tpu.memref_slice %arg5[%arg0, %mul3A_249, %dma_start3A_250] : memref<2x10240x128xf32, #tpu.memory_space<hbm>> -> memref<1x640x128xf32, #tpu.memory_space<hbm>>
      %dma_start3A_252 = tpu.memref_squeeze %dma_start3A_251 : memref<1x640x128xf32, #tpu.memory_space<hbm>> -> memref<640x128xf32, #tpu.memory_space<hbm>>
      %dma_start3A_253 = arith.constant 0 : i32
      %dma_start3A_254 = tpu.memref_slice %arg12[%mul3A_247, %dma_start3A_253] : memref<10240x128xf32, #tpu.memory_space<vmem_shared>> -> memref<640x128xf32, #tpu.memory_space<vmem_shared>>
      tpu.enqueue_dma source(%dma_start3A_254 : memref<640x128xf32, #tpu.memory_space<vmem_shared>>) target(%dma_start3A_252 : memref<640x128xf32, #tpu.memory_space<hbm>>) target_semaphore(%run_scoped3A : memref<!tpu.dma_semaphore, #tpu.memory_space<semaphore_mem>>)
      %dma_wait3A = arith.constant 0 : i32
      %dma_wait3A_255 = tpu.memref_slice %arg5[%arg0, %mul3A_249, %dma_wait3A] : memref<2x10240x128xf32, #tpu.memory_space<hbm>> -> memref<1x640x128xf32, #tpu.memory_space<hbm>>
      %dma_wait3A_256 = tpu.memref_squeeze %dma_wait3A_255 : memref<1x640x128xf32, #tpu.memory_space<hbm>> -> memref<640x128xf32, #tpu.memory_space<hbm>>
      %dma_wait3A_257 = arith.constant 0 : i32
      %dma_wait3A_258 = tpu.memref_slice %arg12[%mul3A_247, %dma_wait3A_257] : memref<10240x128xf32, #tpu.memory_space<vmem_shared>> -> memref<640x128xf32, #tpu.memory_space<vmem_shared>>
      tpu.wait_dma2 semaphore(%run_scoped3A : memref<!tpu.dma_semaphore, #tpu.memory_space<semaphore_mem>>) src(%dma_wait3A_258 : memref<640x128xf32, #tpu.memory_space<vmem_shared>>) dst(%dma_wait3A_256 : memref<640x128xf32, #tpu.memory_space<hbm>>)
      tpu.yield
    }) : () -> ()
    return
  }
}

module attributes {stable_mosaic.version = 14 : i64} {
  func.func @_tc_layer_body(%arg0: memref<10000x128xf32, #tpu.memory_space<vmem>>, %arg1: memref<2x10240x128xf32, #tpu.memory_space<vmem>>, %arg2: memref<128x128xf32, #tpu.memory_space<vmem>>, %arg3: memref<1x128xf32, #tpu.memory_space<vmem>>, %arg4: memref<1x128xf32, #tpu.memory_space<vmem>>, %arg5: memref<1x128xf32, #tpu.memory_space<vmem>>, %arg6: memref<128x128xf32, #tpu.memory_space<vmem>>, %arg7: memref<1x128xf32, #tpu.memory_space<vmem>>, %arg8: memref<10000x128xf32, #tpu.memory_space<vmem>>) attributes {dimension_semantics = [], scalar_prefetch = 0 : i64, scratch_operands = 0 : i64, tpu.core_type = #tpu.core_type<tc>} {
    %get3A = arith.constant 0 : index
    %get3A_0 = arith.constant 0 : index
    %get3A_1 = vector.load %arg0[%get3A, %get3A_0] : memref<10000x128xf32, #tpu.memory_space<vmem>>, vector<10000x128xf32>
    %get3A_2 = arith.constant 0 : index
    %get3A_3 = arith.constant 0 : index
    %get3A_4 = arith.constant 0 : index
    %get3A_5 = vector.load %arg1[%get3A_2, %get3A_3, %get3A_4] : memref<2x10240x128xf32, #tpu.memory_space<vmem>>, vector<1x10000x128xf32>
    %get3A_6 = vector.shape_cast %get3A_5 : vector<1x10000x128xf32> to vector<10000x128xf32>
    %add3A = arith.addf %get3A_1, %get3A_6 : vector<10000x128xf32>
    %get3A_7 = arith.constant 1 : index
    %get3A_8 = arith.constant 0 : index
    %get3A_9 = arith.constant 0 : index
    %get3A_10 = vector.load %arg1[%get3A_7, %get3A_8, %get3A_9] : memref<2x10240x128xf32, #tpu.memory_space<vmem>>, vector<1x10000x128xf32>
    %get3A_11 = vector.shape_cast %get3A_10 : vector<1x10000x128xf32> to vector<10000x128xf32>
    %add3A_12 = arith.addf %add3A, %get3A_11 : vector<10000x128xf32>
    %get3A_13 = arith.constant 0 : index
    %get3A_14 = arith.constant 0 : index
    %get3A_15 = vector.load %arg2[%get3A_13, %get3A_14] : memref<128x128xf32, #tpu.memory_space<vmem>>, vector<128x128xf32>
    %dot_general3A = arith.constant dense<0.000000e+00> : vector<10000x128xf32>
    %dot_general3A_16 = tpu.matmul %add3A_12, %get3A_15, %dot_general3A {dimension_numbers = #tpu.dot_dimension_numbers<[1], [0], [0], [1], [0, 0, 1, 1], [], []>, transpose_lhs_hint = false} : vector<10000x128xf32>, vector<128x128xf32>, vector<10000x128xf32> -> vector<10000x128xf32>
    %get3A_17 = arith.constant 0 : index
    %get3A_18 = arith.constant 0 : index
    %get3A_19 = vector.load %arg3[%get3A_17, %get3A_18] : memref<1x128xf32, #tpu.memory_space<vmem>>, vector<1x128xf32>
    %add3A_20 = vector.broadcast %get3A_19 : vector<1x128xf32> to vector<10000x128xf32>
    %add3A_21 = arith.addf %dot_general3A_16, %add3A_20 : vector<10000x128xf32>
    %max3A = arith.constant 0.000000e+00 : f32
    %max3A_22 = vector.broadcast %max3A : f32 to vector<10000x128xf32>
    %max3A_23 = arith.maximumf %add3A_21, %max3A_22 : vector<10000x128xf32>
    %reduce_sum3A = arith.constant dense<0.000000e+00> : vector<128xf32>
    %reduce_sum3A_24 = vector.multi_reduction <add>, %max3A_23, %reduce_sum3A [0] : vector<10000x128xf32> to vector<128xf32>
    %broadcast_in_dim3A = vector.shape_cast %reduce_sum3A_24 : vector<128xf32> to vector<1x128xf32>
    %div3A = arith.constant 1.000000e+04 : f32
    %div3A_25 = vector.broadcast %div3A : f32 to vector<1x128xf32>
    %div3A_26 = arith.divf %broadcast_in_dim3A, %div3A_25 : vector<1x128xf32>
    %sub3A = vector.broadcast %div3A_26 : vector<1x128xf32> to vector<10000x128xf32>
    %sub3A_27 = arith.subf %max3A_23, %sub3A : vector<10000x128xf32>
    %integer_pow3A = arith.mulf %sub3A_27, %sub3A_27 : vector<10000x128xf32>
    %reduce_sum3A_28 = arith.constant dense<0.000000e+00> : vector<128xf32>
    %reduce_sum3A_29 = vector.multi_reduction <add>, %integer_pow3A, %reduce_sum3A_28 [0] : vector<10000x128xf32> to vector<128xf32>
    %broadcast_in_dim3A_30 = vector.shape_cast %reduce_sum3A_29 : vector<128xf32> to vector<1x128xf32>
    %div3A_31 = arith.constant 1.000000e+04 : f32
    %div3A_32 = vector.broadcast %div3A_31 : f32 to vector<1x128xf32>
    %div3A_33 = arith.divf %broadcast_in_dim3A_30, %div3A_32 : vector<1x128xf32>
    %sub3A_34 = vector.broadcast %div3A_26 : vector<1x128xf32> to vector<10000x128xf32>
    %sub3A_35 = arith.subf %max3A_23, %sub3A_34 : vector<10000x128xf32>
    %add3A_36 = arith.constant 9.99999974E-6 : f32
    %add3A_37 = vector.broadcast %add3A_36 : f32 to vector<1x128xf32>
    %add3A_38 = arith.addf %div3A_33, %add3A_37 : vector<1x128xf32>
    %sqrt3A = math.sqrt %add3A_38 : vector<1x128xf32>
    %div3A_39 = vector.broadcast %sqrt3A : vector<1x128xf32> to vector<10000x128xf32>
    %div3A_40 = arith.divf %sub3A_35, %div3A_39 : vector<10000x128xf32>
    %get3A_41 = arith.constant 0 : index
    %get3A_42 = arith.constant 0 : index
    %get3A_43 = vector.load %arg4[%get3A_41, %get3A_42] : memref<1x128xf32, #tpu.memory_space<vmem>>, vector<1x128xf32>
    %mul3A = vector.broadcast %get3A_43 : vector<1x128xf32> to vector<10000x128xf32>
    %mul3A_44 = arith.mulf %div3A_40, %mul3A : vector<10000x128xf32>
    %get3A_45 = arith.constant 0 : index
    %get3A_46 = arith.constant 0 : index
    %get3A_47 = vector.load %arg5[%get3A_45, %get3A_46] : memref<1x128xf32, #tpu.memory_space<vmem>>, vector<1x128xf32>
    %add3A_48 = vector.broadcast %get3A_47 : vector<1x128xf32> to vector<10000x128xf32>
    %add3A_49 = arith.addf %mul3A_44, %add3A_48 : vector<10000x128xf32>
    %get3A_50 = arith.constant 0 : index
    %get3A_51 = arith.constant 0 : index
    %get3A_52 = vector.load %arg6[%get3A_50, %get3A_51] : memref<128x128xf32, #tpu.memory_space<vmem>>, vector<128x128xf32>
    %dot_general3A_53 = arith.constant dense<0.000000e+00> : vector<10000x128xf32>
    %dot_general3A_54 = tpu.matmul %add3A_49, %get3A_52, %dot_general3A_53 {dimension_numbers = #tpu.dot_dimension_numbers<[1], [0], [0], [1], [0, 0, 1, 1], [], []>, transpose_lhs_hint = false} : vector<10000x128xf32>, vector<128x128xf32>, vector<10000x128xf32> -> vector<10000x128xf32>
    %get3A_55 = arith.constant 0 : index
    %get3A_56 = arith.constant 0 : index
    %get3A_57 = vector.load %arg7[%get3A_55, %get3A_56] : memref<1x128xf32, #tpu.memory_space<vmem>>, vector<1x128xf32>
    %add3A_58 = vector.broadcast %get3A_57 : vector<1x128xf32> to vector<10000x128xf32>
    %add3A_59 = arith.addf %dot_general3A_54, %add3A_58 : vector<10000x128xf32>
    %max3A_60 = arith.constant 0.000000e+00 : f32
    %max3A_61 = vector.broadcast %max3A_60 : f32 to vector<10000x128xf32>
    %max3A_62 = arith.maximumf %add3A_59, %max3A_61 : vector<10000x128xf32>
    %swap3A = arith.constant 0 : index
    %swap3A_63 = arith.constant 0 : index
    %swap3A_64 = vector.load %arg8[%swap3A, %swap3A_63] : memref<10000x128xf32, #tpu.memory_space<vmem>>, vector<10000x128xf32>
    tpu.vector_store %arg8[%swap3A, %swap3A_63], %max3A_62 {strides = array<i32>} : memref<10000x128xf32, #tpu.memory_space<vmem>>, vector<10000x128xf32>,
    return
  }
}

module attributes {stable_mosaic.version = 14 : i64} {
  func.func @_tc_layer_pool_body(%arg0: memref<10000x128xf32, #tpu.memory_space<vmem>>, %arg1: memref<2x10240x128xf32, #tpu.memory_space<vmem>>, %arg2: memref<1x10000xi32, #tpu.memory_space<vmem>>, %arg3: memref<128x128xf32, #tpu.memory_space<vmem>>, %arg4: memref<1x128xf32, #tpu.memory_space<vmem>>, %arg5: memref<1x128xf32, #tpu.memory_space<vmem>>, %arg6: memref<1x128xf32, #tpu.memory_space<vmem>>, %arg7: memref<128x128xf32, #tpu.memory_space<vmem>>, %arg8: memref<1x128xf32, #tpu.memory_space<vmem>>, %arg9: memref<64x128xf32, #tpu.memory_space<vmem>>) attributes {dimension_semantics = [], scalar_prefetch = 0 : i64, scratch_operands = 0 : i64, tpu.core_type = #tpu.core_type<tc>} {
    %get3A = arith.constant 0 : index
    %get3A_0 = arith.constant 0 : index
    %get3A_1 = vector.load %arg0[%get3A, %get3A_0] : memref<10000x128xf32, #tpu.memory_space<vmem>>, vector<10000x128xf32>
    %get3A_2 = arith.constant 0 : index
    %get3A_3 = arith.constant 0 : index
    %get3A_4 = arith.constant 0 : index
    %get3A_5 = vector.load %arg1[%get3A_2, %get3A_3, %get3A_4] : memref<2x10240x128xf32, #tpu.memory_space<vmem>>, vector<1x10000x128xf32>
    %get3A_6 = vector.shape_cast %get3A_5 : vector<1x10000x128xf32> to vector<10000x128xf32>
    %add3A = arith.addf %get3A_1, %get3A_6 : vector<10000x128xf32>
    %get3A_7 = arith.constant 1 : index
    %get3A_8 = arith.constant 0 : index
    %get3A_9 = arith.constant 0 : index
    %get3A_10 = vector.load %arg1[%get3A_7, %get3A_8, %get3A_9] : memref<2x10240x128xf32, #tpu.memory_space<vmem>>, vector<1x10000x128xf32>
    %get3A_11 = vector.shape_cast %get3A_10 : vector<1x10000x128xf32> to vector<10000x128xf32>
    %add3A_12 = arith.addf %add3A, %get3A_11 : vector<10000x128xf32>
    %get3A_13 = arith.constant 0 : index
    %get3A_14 = arith.constant 0 : index
    %get3A_15 = vector.load %arg3[%get3A_13, %get3A_14] : memref<128x128xf32, #tpu.memory_space<vmem>>, vector<128x128xf32>
    %dot_general3A = arith.constant dense<0.000000e+00> : vector<10000x128xf32>
    %dot_general3A_16 = tpu.matmul %add3A_12, %get3A_15, %dot_general3A {dimension_numbers = #tpu.dot_dimension_numbers<[1], [0], [0], [1], [0, 0, 1, 1], [], []>, transpose_lhs_hint = false} : vector<10000x128xf32>, vector<128x128xf32>, vector<10000x128xf32> -> vector<10000x128xf32>
    %get3A_17 = arith.constant 0 : index
    %get3A_18 = arith.constant 0 : index
    %get3A_19 = vector.load %arg4[%get3A_17, %get3A_18] : memref<1x128xf32, #tpu.memory_space<vmem>>, vector<1x128xf32>
    %add3A_20 = vector.broadcast %get3A_19 : vector<1x128xf32> to vector<10000x128xf32>
    %add3A_21 = arith.addf %dot_general3A_16, %add3A_20 : vector<10000x128xf32>
    %max3A = arith.constant 0.000000e+00 : f32
    %max3A_22 = vector.broadcast %max3A : f32 to vector<10000x128xf32>
    %max3A_23 = arith.maximumf %add3A_21, %max3A_22 : vector<10000x128xf32>
    %reduce_sum3A = arith.constant dense<0.000000e+00> : vector<128xf32>
    %reduce_sum3A_24 = vector.multi_reduction <add>, %max3A_23, %reduce_sum3A [0] : vector<10000x128xf32> to vector<128xf32>
    %broadcast_in_dim3A = vector.shape_cast %reduce_sum3A_24 : vector<128xf32> to vector<1x128xf32>
    %div3A = arith.constant 1.000000e+04 : f32
    %div3A_25 = vector.broadcast %div3A : f32 to vector<1x128xf32>
    %div3A_26 = arith.divf %broadcast_in_dim3A, %div3A_25 : vector<1x128xf32>
    %sub3A = vector.broadcast %div3A_26 : vector<1x128xf32> to vector<10000x128xf32>
    %sub3A_27 = arith.subf %max3A_23, %sub3A : vector<10000x128xf32>
    %integer_pow3A = arith.mulf %sub3A_27, %sub3A_27 : vector<10000x128xf32>
    %reduce_sum3A_28 = arith.constant dense<0.000000e+00> : vector<128xf32>
    %reduce_sum3A_29 = vector.multi_reduction <add>, %integer_pow3A, %reduce_sum3A_28 [0] : vector<10000x128xf32> to vector<128xf32>
    %broadcast_in_dim3A_30 = vector.shape_cast %reduce_sum3A_29 : vector<128xf32> to vector<1x128xf32>
    %div3A_31 = arith.constant 1.000000e+04 : f32
    %div3A_32 = vector.broadcast %div3A_31 : f32 to vector<1x128xf32>
    %div3A_33 = arith.divf %broadcast_in_dim3A_30, %div3A_32 : vector<1x128xf32>
    %sub3A_34 = vector.broadcast %div3A_26 : vector<1x128xf32> to vector<10000x128xf32>
    %sub3A_35 = arith.subf %max3A_23, %sub3A_34 : vector<10000x128xf32>
    %add3A_36 = arith.constant 9.99999974E-6 : f32
    %add3A_37 = vector.broadcast %add3A_36 : f32 to vector<1x128xf32>
    %add3A_38 = arith.addf %div3A_33, %add3A_37 : vector<1x128xf32>
    %sqrt3A = math.sqrt %add3A_38 : vector<1x128xf32>
    %div3A_39 = vector.broadcast %sqrt3A : vector<1x128xf32> to vector<10000x128xf32>
    %div3A_40 = arith.divf %sub3A_35, %div3A_39 : vector<10000x128xf32>
    %get3A_41 = arith.constant 0 : index
    %get3A_42 = arith.constant 0 : index
    %get3A_43 = vector.load %arg5[%get3A_41, %get3A_42] : memref<1x128xf32, #tpu.memory_space<vmem>>, vector<1x128xf32>
    %mul3A = vector.broadcast %get3A_43 : vector<1x128xf32> to vector<10000x128xf32>
    %mul3A_44 = arith.mulf %div3A_40, %mul3A : vector<10000x128xf32>
    %get3A_45 = arith.constant 0 : index
    %get3A_46 = arith.constant 0 : index
    %get3A_47 = vector.load %arg6[%get3A_45, %get3A_46] : memref<1x128xf32, #tpu.memory_space<vmem>>, vector<1x128xf32>
    %add3A_48 = vector.broadcast %get3A_47 : vector<1x128xf32> to vector<10000x128xf32>
    %add3A_49 = arith.addf %mul3A_44, %add3A_48 : vector<10000x128xf32>
    %get3A_50 = arith.constant 0 : index
    %get3A_51 = arith.constant 0 : index
    %get3A_52 = vector.load %arg7[%get3A_50, %get3A_51] : memref<128x128xf32, #tpu.memory_space<vmem>>, vector<128x128xf32>
    %dot_general3A_53 = arith.constant dense<0.000000e+00> : vector<10000x128xf32>
    %dot_general3A_54 = tpu.matmul %add3A_49, %get3A_52, %dot_general3A_53 {dimension_numbers = #tpu.dot_dimension_numbers<[1], [0], [0], [1], [0, 0, 1, 1], [], []>, transpose_lhs_hint = false} : vector<10000x128xf32>, vector<128x128xf32>, vector<10000x128xf32> -> vector<10000x128xf32>
    %get3A_55 = arith.constant 0 : index
    %get3A_56 = arith.constant 0 : index
    %get3A_57 = vector.load %arg8[%get3A_55, %get3A_56] : memref<1x128xf32, #tpu.memory_space<vmem>>, vector<1x128xf32>
    %add3A_58 = vector.broadcast %get3A_57 : vector<1x128xf32> to vector<10000x128xf32>
    %add3A_59 = arith.addf %dot_general3A_54, %add3A_58 : vector<10000x128xf32>
    %max3A_60 = arith.constant 0.000000e+00 : f32
    %max3A_61 = vector.broadcast %max3A_60 : f32 to vector<10000x128xf32>
    %max3A_62 = arith.maximumf %add3A_59, %max3A_61 : vector<10000x128xf32>
    %iota3A = tpu.iota {dimensions = array<i32: 0>} : vector<64x10000xi32>
    %get3A_63 = arith.constant 0 : index
    %get3A_64 = arith.constant 0 : index
    %get3A_65 = vector.load %arg2[%get3A_63, %get3A_64] : memref<1x10000xi32, #tpu.memory_space<vmem>>, vector<1x10000xi32>
    %eq3A = vector.broadcast %get3A_65 : vector<1x10000xi32> to vector<64x10000xi32>
    %eq3A_66 = arith.cmpi eq, %iota3A, %eq3A : vector<64x10000xi32>
    %convert_element_type3A = arith.extui %eq3A_66 : vector<64x10000xi1> to vector<64x10000xi32>
    %convert_element_type3A_67 = arith.sitofp %convert_element_type3A : vector<64x10000xi32> to vector<64x10000xf32>
    %dot_general3A_68 = arith.constant dense<0.000000e+00> : vector<64x128xf32>
    %dot_general3A_69 = tpu.matmul %convert_element_type3A_67, %max3A_62, %dot_general3A_68 {dimension_numbers = #tpu.dot_dimension_numbers<[1], [0], [0], [1], [0, 0, 1, 1], [], []>, transpose_lhs_hint = false} : vector<64x10000xf32>, vector<10000x128xf32>, vector<64x128xf32> -> vector<64x128xf32>
    %swap3A = arith.constant 0 : index
    %swap3A_70 = arith.constant 0 : index
    %swap3A_71 = vector.load %arg9[%swap3A, %swap3A_70] : memref<64x128xf32, #tpu.memory_space<vmem>>, vector<64x128xf32>
    tpu.vector_store %arg9[%swap3A, %swap3A_70], %dot_general3A_69 {strides = array<i32>} : memref<64x128xf32, #tpu.memory_space<vmem>>, vector<64x128xf32>,
    return
  }
}

</mosaic_0001>

<sc_bundles>
// kernel: kernel.11.cloned.1.call-start
scs
__scs_entry_jumppad:
0x0: {  	(pc) =	sbr.rel $0x88, $3  }
0x1: {  	(tag) =	ssettag $0x0;
	lr =	simm.s32 $0x1  }
0x2: {  	[smem:$0x3F8C] =	sst lr;
	_ =	strace $0xD0000000  }
0x3: {  	_ = 	snop  }
0x4: {  	_ = 	snop  }
0x5: {  	_ = 	snop  }
0x6: {  	_ = 	snop  }
0x7: {  	_ = 	snop  }
__scs_overlays_trampoline_lowered:
0x8: {  	[smem:$0x3F9B] =	sst s0  }
0x9: {  	[smem:$0x3F9C] =	sst s1  }
0xa: {  	[smem:$0x3F9D] =	sst s2  }
0xb: {  	[smem:$0x3F9E] =	sst s3  }
0xc: {  	[smem:$0x3F9F] =	sst s4  }
0xd: {  	[smem:$0x3FA0] =	sst s5  }
0xe: {  	[smem:$0x3FA1] =	sst s6  }
0xf: {  	[smem:$0x3FA2] =	sst s7  }
0x10: {  	[smem:$0x3FA3] =	sst s8  }
0x11: {  	[smem:$0x3FA4] =	sst s9;
	s0 =	simm.s32 @!p0 $0x0  }
0x12: {  	s1 =	sld [smem:$0x3F8A];
	s0 =	simm.s32 @p0 $0x1  }
0x13: {  	[smem:$0x3FA5] =	sst s0;
	s0 =	simm.s32 @!p1 $0x0  }
0x14: {  	s2 =	sld [smem:$0x3F89];
	s0 =	simm.s32 @p1 $0x1  }
0x15: {  	[smem:$0x3FA6] =	sst s0;
	s0 =	simm.s32 @!p2 $0x0  }
0x16: {  	s3 =	sld [smem:$0x3FDB];
	s0 =	simm.s32 @p2 $0x1  }
0x17: {  	s4 =	simm.s32 $0x1BF5;
	[smem:$0x3FA8] =	sst s0  }
0x18: {  	s0 =	sld [smem:$0x3F8B];
	_ =	swait.ge [sflag:s4], $0x0  }
0x19: {  	s7 =	sld [smem:$0x3F8C]  }
0x1a: {  	s8 =	sadd.s32 $0xFFFFE003, lr  }
0x1b: {  	s9 =	sadd.s32 $0xFFFFFEF7, lr;
	s5 =	simm.s32 $0xFFFFFFFF;
	p2 =	slt.u32 s8, $0xFFFFF086  }
0x1c: {  	p1 =	slt.u32 s9, $0xF7A;
	s5 =	simm.s32 @!p2 $0x0  }
0x1d: {  	s5 =	simm.s32 @p1 $0x1;
	p0 =	seq.s32 s7, s2  }
0x1e: {  	s7 =	smul.u32 @!p0 $0xF7A, s2;
	p2 =	seq.s32 @!p0 s5, $0x0  }
0x1f: {  	s9 =	smul.u32 $0xF7A, s1;
	s8 =	simm.s32 @!p0 $0x1BF5;
	p2 =	por !p2, p0  }
0x20: {  	[sflag:s8] =	ssyncset.s32 @!p0 $0xFFFFF086;
	s6 =	sadd.s32 @!p0 s3, s7;
	s7 =	simm.s32 @!p0 $0x108  }
0x21: {  	s3 =	sadd.s32 s3, s9;
	s6 =	sadd.s32 @!p0 $0x88, s6;
	s7 =	simm.s32 @p2 $0x1082  }
0x22: {  	[simem:s7], [sflag:s8] =	dma.local @!p0 [hbm:s6], $0xF7A  }
0x23: {  	s9 =	sor.u32 $0xD0000000, s2;
	s6 =	simm.s32 $0x108;
	_ =	swait.ge @!p0 [sflag:s8], $0x0  }
0x24: {  	s3 =	sadd.s32 $0x88, s3;
	s6 =	simm.s32 @!p1 $0x1082;
	[sflag:s4] =	ssyncset.s32 $0xFFFFF086  }
0x25: {  	[simem:s6], [sflag:s4] =	dma.local [hbm:s3], $0xF7A  }
0x26: {  	[smem:$0x3F8C] =	sst s1;
	(tag) =	ssettag s2;
	_ =	strace s9  }
0x27: {  	s1 =	sld [smem:$0x3F9C]  }
0x28: {  	s2 =	sld [smem:$0x3F9D]  }
0x29: {  	s4 =	sld [smem:$0x3F9F]  }
0x2a: {  	p0 =	seq.s32 s5, $0x0;
	s5 =	sld [smem:$0x3FA0]  }
0x2b: {  	s6 =	sld [smem:$0x3FA1]  }
0x2c: {  	s7 =	sld [smem:$0x3FA2]  }
0x2d: {  	s3 =	simm.s32 $0x108;
	s8 =	sld [smem:$0x3FA3]  }
0x2e: {  	s3 =	simm.s32 @!p0 $0x1082;
	s9 =	sld [smem:$0x3FA4]  }
0x2f: {  	lr =	sadd.s32 s0, s3;
	s0 =	sld [smem:$0x3F9B]  }
0x30: {  	s3 =	sld [smem:$0x3F9E]  }
0x31: {  	[smem:$0x3FA7] =	sst s10  }
0x32: {  	s10 =	sld [smem:$0x3FA5];
	_ =	sdelay $0x3  }
0x33: {  	p0 =	seq.s32 s10, $0x1;
	s10 =	sld [smem:$0x3FA7];
	_ =	sdelay $0x3  }
0x34: {  	[smem:$0x3FA7] =	sst s10  }
0x35: {  	s10 =	sld [smem:$0x3FA6];
	_ =	sdelay $0x3  }
0x36: {  	p1 =	seq.s32 s10, $0x1;
	s10 =	sld [smem:$0x3FA7];
	_ =	sdelay $0x3  }
0x37: {  	[smem:$0x3FA7] =	sst s10  }
0x38: {  	s10 =	sld [smem:$0x3FA8]  }
0x39: {  	_ = 	snop;
	(pc) =	sbr.ind lr, $3  }
0x3a: {  	_ = 	snop  }
0x3b: {  	_ = 	snop  }
0x3c: {  	p2 =	seq.s32 s10, $0x1;
	s10 =	sld [smem:$0x3FA7]  }
0x3d: {  	_ =	shalt  }
0x3e: {  	_ =	shalt  }
0x3f: {  	_ =	shalt  }
0x40: {  	_ =	shalt  }
0x41: {  	_ =	shalt  }
0x42: {  	_ =	shalt  }
0x43: {  	_ =	shalt  }
0x44: {  	_ =	shalt  }
0x45: {  	_ =	shalt  }
0x46: {  	_ =	shalt  }
0x47: {  	_ =	shalt  }
0x48: {  	_ =	shalt  }
0x49: {  	_ =	shalt  }
0x4a: {  	_ =	shalt  }
0x4b: {  	_ =	shalt  }
0x4c: {  	_ =	shalt  }
0x4d: {  	_ =	shalt  }
0x4e: {  	_ =	shalt  }
0x4f: {  	_ =	shalt  }
0x50: {  	_ =	shalt  }
0x51: {  	_ =	shalt  }
0x52: {  	_ =	shalt  }
0x53: {  	_ =	shalt  }
0x54: {  	_ =	shalt  }
0x55: {  	_ =	shalt  }
0x56: {  	_ =	shalt  }
0x57: {  	_ =	shalt  }
0x58: {  	_ =	shalt  }
0x59: {  	_ =	shalt  }
0x5a: {  	_ =	shalt  }
0x5b: {  	_ =	shalt  }
0x5c: {  	_ =	shalt  }
0x5d: {  	_ =	shalt  }
0x5e: {  	_ =	shalt  }
0x5f: {  	_ =	shalt  }
0x60: {  	_ =	shalt  }
0x61: {  	_ =	shalt  }
0x62: {  	_ =	shalt  }
0x63: {  	_ =	shalt  }
0x64: {  	_ =	shalt  }
0x65: {  	_ =	shalt  }
0x66: {  	_ =	shalt  }
0x67: {  	_ =	shalt  }
0x68: {  	_ =	shalt  }
0x69: {  	_ =	shalt  }
0x6a: {  	_ =	shalt  }
0x6b: {  	_ =	shalt  }
0x6c: {  	_ =	shalt  }
0x6d: {  	_ =	shalt  }
0x6e: {  	_ =	shalt  }
0x6f: {  	_ =	shalt  }
0x70: {  	_ =	shalt  }
0x71: {  	_ =	shalt  }
0x72: {  	_ =	shalt  }
0x73: {  	_ =	shalt  }
0x74: {  	_ =	shalt  }
0x75: {  	_ =	shalt  }
0x76: {  	_ =	shalt  }
0x77: {  	_ =	shalt  }
0x78: {  	_ =	shalt  }
0x79: {  	_ =	shalt  }
0x7a: {  	_ =	shalt  }
0x7b: {  	_ =	shalt  }
0x7c: {  	_ =	shalt  }
0x7d: {  	_ =	shalt  }
0x7e: {  	_ =	shalt  }
0x7f: {  	_ =	shalt  }
0x80: {  	_ =	shalt  }
0x81: {  	_ =	shalt  }
0x82: {  	_ =	shalt  }
0x83: {  	_ =	shalt  }
0x84: {  	_ =	shalt  }
0x85: {  	_ =	shalt  }
0x86: {  	_ =	shalt  }
0x87: {  	_ =	shalt  }
.Lfunc_end0:
.L_simem_size_0:
called_computation.1_lowered:
.L_overlay_start_0:
0x88: {  	s2 =	sld [smem:$0x3FD9]  }
0x89: {  	s3 =	sld [smem:$0x3FFE];
	_ =	sdelay $0x1  }
0x8a: {  	s1 =	srdreg.scid  }
0x8b: {  	s0 =	sand.u32 $0x1, s1  }
0x8c: {  	s16 =	sshll.u32 s0, $0xA;
	s2 =	sadd.s32 s3, s2  }
0x8d: {  	s2 =	sadd.s32 s2, s16  }
0x8e: {  	[smem:$0x3FB3] =	sst s2  }
0x8f: {  	_ = 	snop  }
0x90: {  	(tm) =	ssettm $0x1  }
0x91: {  	s17 =	sld [smem:$0x3FFB];
	_ =	sdelay $0x3  }
0x92: {  	_ =	strace s17  }
0x93: {  	s2 =	sld [smem:$0x3FFC];
	_ =	sdelay $0x3  }
0x94: {  	_ =	strace s2  }
0x95: {  	s2 =	sld [smem:$0x3FFD];
	_ =	sdelay $0x3  }
0x96: {  	_ =	strace s2  }
0x97: {  	_ =	strace $0x8FFFFFFF  }
0x98: {  	s18 =	sld [smem:$0x3FDB];
	_ =	sdelay $0x1  }
0x99: {  	s19 =	simm.s32 $_scs_section_size  }
0x9a: {  	s4 =	simm.s32 $_size__tile_overlayer_lowered;
	s5 =	simm.s32 $_tile_overlayer_lowered  }
0x9b: {  	s22 =	simm.s32 $0x1BFF;
	s21 =	sshll.u32 s5, $0x1;
	s2 =	sadd.s32 s19, s18  }
0x9c: {  	s6 =	simm.s32 $0x0;
	s20 =	sshll.u32 s4, $0x1;
	s4 =	sadd.s32 s21, s2  }
0x9d: {  	[timem:s6], [sflag:s22] =	dma.local [hbm:s4], s20  }
0x9e: {  	_ =	swait.ge [sflag:s22], s20  }
0x9f: {  	s3 =	ssub.s32 $0x0, s20;
	[sflag:s22] =	ssyncset.done $0x0  }
0xa0: {  	[sflag:s22] =	ssyncadd.s32 s3;
	_ =	sdelay $0x1  }
0xa1: {  	s23 =	simm.s32 $0x1B8B  }
0xa2: {  	_ =	swait.ge [sflag:s23], $0x1  }
0xa3: {  	[sflag:s23] =	ssyncset.done $0x0  }
0xa4: {  	s25 =	simm.s32 $0x1B8E;
	s24 =	sld [smem:$0x3FFE];
	[sflag:s23] =	ssyncadd.s32 $0xFFFFFFFF  }
0xa5: {  	s26 =	simm.s32 $execute0_lowered;
	[smem:$0x3FD2] =	sst s25  }
0xa6: {  	s4 =	sshll.u32 s26, $0x1;
	_ =	strace $0x80000049;
	[dreg:$0x1] =	wrdreg $0xFFFFFFFF  }
0xa7: {  	s28 =	simm.s32 $_size_execute0_lowered;
	s2 =	sadd.s32 s2, s4;
	[dreg:$0x0] =	wrdreg $0x0  }
0xa8: {  	s4 =	sshll.u32 s28, $0x1;
	[dreg:$0x2] =	wrdreg s2  }
0xa9: {  	[dreg:$0x3] =	wrdreg s4  }
0xaa: {  	[dreg:$0x4] =	wrdreg $0xC0  }
0xab: {  	_ =	task [dreg:s6], $0x5FFFF  }
0xac: {  	[dreg:$0x1] =	wrdreg $0xFFFFFFFF  }
0xad: {  	[dreg:$0x0] =	wrdreg $0x60  }
0xae: {  	[dreg:$0x2] =	wrdreg s24  }
0xaf: {  	[dreg:$0x3] =	wrdreg $0xAA000  }
0xb0: {  	[dreg:$0x4] =	wrdreg $0x9  }
0xb1: {  	_ =	task.clear_ibuf [dreg:s6], $0x5FFFF;
	_ =	strace $0x90000049  }
0xb2: {  	s29 =	simm.s32 $0x9;
	_ =	strace $0x8000004B  }
0xb3: {  	_ =	swait.ge [sflag:s29], $0x1  }
0xb4: {  	[sflag:s29] =	ssyncadd.s32 $0xFFFFFFFF  }
0xb5: {  	_ =	strace $0x9000004B  }
0xb6: {  	_ =	sfence  }
0xb7: {  	s30 =	sld [smem:$0x0];
	_ =	sdelay $0x2  }
0xb8: {  	s31 =	sshll.u32 s1, $0xD;
	s1 =	sshrl.u32 s1, $0x2  }
0xb9: {  	s3 =	sand.u32 $0x4000, s31;
	s1 =	sadd.s32 s1, s30  }
0xba: {  	s0 =	sor.u32 s3, s0;
	s1 =	sshll.u32 s1, $0x11  }
0xbb: {  	s0 =	sor.u32 s1, s0  }
0xbc: {  	s0 =	sadd.s32 $0x8F2B, s0  }
0xbd: {  	[sflag:s0] =	ssyncadd.remote.s32 $0x1  }
0xbe: {  	_ =	sfence.sel $0xFFFF  }
0xbf: {  	[dreg:$0x0] =	wrdreg $0xFFFFFFFF;
	(pc) =	sbr.abs _section_cstart, $3  }
0xc0: {  	[dreg:$0x1] =	wrdreg $0xFFFFFFFF  }
0xc1: {  	_ =	task.clear_ibuf [dreg:s6], $0x2FFFF;
	_ =	strace $0x9FFFFFFF  }
0xc2: {  	(tm) =	ssettm $0x7FFFFFFF  }
0xc3: {  	_ =	shalt  }
tec
execute0_lowered:
.L_overlay_start_1:
0x0: {  	(tag) =	ssettag $0x1  }
0x1: {  	s0 =	srdreg.scid;
	s1 =	rddreg [dreg:$0x0]  }
0x2: {  	s24 =	stileid.u32;
	s2 =	rddreg [dreg:$0x1]  }
0x3: {  	s14 =	simm.s32 $0x2A00;
	s15 =	simm.s32 $0x3;
	s16 =	simm.s32 $0x80  }
0x4: {  	s17 =	simm.s32 $0x2800;
	s18 =	simm.s32 $0x2900;
	s19 =	simm.s32 $0x6A00  }
0x5: {  	s20 =	simm.s32 $0x1;
	s21 =	simm.s32 $0x2880;
	s22 =	simm.s32 $0x2  }
0x6: {  	s23 =	simm.s32 $0x2980;
	s26 =	simm.s32 $0x0;
	s7 =	smul.u32 $0x14000, s24  }
0x7: {  	s0 =	sand.u32 $0x1, s0;
	s8 =	smul.u32 $0x50000, s24;
	s31 =	sshll.u32 s24, $0x6  }
0x8: {  	s3 =	sshll.u32 s0, $0x4;
	s6 =	smul.u32 $0x140000, s0;
	s0 =	ssub.s32 $0x2, s0  }
0x9: {  	s4 =	sor.u32 s24, s3;
	s3 =	simm.s32 $0x0;
	s30 =	sshrl.u32 s0, $0x1  }
0xa: {  	s8 =	sshrl.u32 s8, $0x2;
	s24 =	sor.u32 $0x1C03, s31;
	s5 =	smul.u32 $0x500, s4  }
0xb: {  	[smem:$0x7FF] =	sst s3;
	s4 =	sadd.s32 $0xE800, s1;
	s6 =	sadd.s32 s7, s6  }
0xc: {  	s0 =	ssub.s32 s0, s30;
	s6 =	sshrl.u32 s6, $0x3;
	s11 =	sadd.s32 s5, s1  }
0xd: {  	s5 =	sadd.s32 $0xE000, s1;
	s1 =	sadd.s32 s6, s1;
	s6 =	sadd.s32 s8, s2  }
0xe: {  	_ =	strace $0x8000004A;
	s13 =	smax.u32 s0, $0x1;
	s7 =	sadd.s32 $0x4000, s6  }
0xf: {  	s8 =	sadd.s32 $0x8000, s6;
	s9 =	sadd.s32 $0xC000, s6;
	s10 =	sadd.s32 $0x10000, s6  }
0x10: {  	s11 =	sadd.s32 $0x4000, s11;
	s12 =	sadd.s32 $0x35A00, s1;
	s25 =	sshrl.u32 s6, $0x3  }
.LBB2_1:
0x11: {  	[tilespmem:s14], [sflag:$0x3] =	stream.linear.gather [hbm4b:s5+s3], $0x4000, $0x38;
	[tilespmem:$0x1EA00] =	vst v63  }
0x12: {  	_ =	swait.ge [sflag:s15], $0x4000  }
0x13: {  	[sflag:s15] =	ssyncset.done $0x0  }
0x14: {  	[sflag:s15] =	ssyncadd.s32 $0xFFFFC000  }
0x15: {  	[spmem:s6] =	stream.linear.scatter [tilespmem:s14], [sflag:$0x3], $0x4000, $0x38;
	[tilespmem:$0x1EA00] =	vst v63  }
0x16: {  	_ =	swait.ge [sflag:s15], $0x4000  }
0x17: {  	[sflag:s15] =	ssyncset.done $0x0  }
0x18: {  	[sflag:s15] =	ssyncadd.s32 $0xFFFFC000  }
0x19: {  	[spmem:s7] =	stream.linear.scatter [tilespmem:s14], [sflag:$0x3], $0x4000, $0x38;
	[tilespmem:$0x1EA00] =	vst v63  }
0x1a: {  	_ =	swait.ge [sflag:s15], $0x4000  }
0x1b: {  	[sflag:s15] =	ssyncset.done $0x0  }
0x1c: {  	[sflag:s15] =	ssyncadd.s32 $0xFFFFC000  }
0x1d: {  	[spmem:s8] =	stream.linear.scatter [tilespmem:s14], [sflag:$0x3], $0x4000, $0x38;
	[tilespmem:$0x1EA00] =	vst v63  }
0x1e: {  	_ =	swait.ge [sflag:s15], $0x4000  }
0x1f: {  	[sflag:s15] =	ssyncset.done $0x0  }
0x20: {  	[sflag:s15] =	ssyncadd.s32 $0xFFFFC000  }
0x21: {  	[spmem:s9] =	stream.linear.scatter [tilespmem:s14], [sflag:$0x3], $0x4000, $0x38;
	[tilespmem:$0x1EA00] =	vst v63  }
0x22: {  	_ =	swait.ge [sflag:s15], $0x4000  }
0x23: {  	[sflag:s15] =	ssyncset.done $0x0  }
0x24: {  	[sflag:s15] =	ssyncadd.s32 $0xFFFFC000  }
0x25: {  	[spmem:s10] =	stream.linear.scatter [tilespmem:s14], [sflag:$0x3], $0x4000, $0x38;
	[tilespmem:$0x1EA00] =	vst v63  }
0x26: {  	_ =	swait.ge [sflag:s15], $0x4000  }
0x27: {  	[sflag:s15] =	ssyncset.done $0x0  }
0x28: {  	[sflag:s15] =	ssyncadd.s32 $0xFFFFC000  }
0x29: {  	[tilespmem:s3], [sflag:$0x3] =	stream.linear.gather [hbm4b:s11+s3], $0x2800, $0x38;
	[tilespmem:$0x1EA00] =	vst v63  }
0x2a: {  	_ =	swait.ge [sflag:s15], $0x2800  }
0x2b: {  	[sflag:s15] =	ssyncset.done $0x0  }
0x2c: {  	[sflag:s15] =	ssyncadd.s32 $0xFFFFD800  }
0x2d: {  	[bflag:$0x0] =	sbarrier.arrive $0xFFFF  }
0x2e: {  	v0 =	vld [tilespmem:$0x0];
	_ =	sdelay $0x1  }
0x2f: {  	v1 =	vld [tilespmem:$0x10];
	_ =	sdelay $0x1  }
0x30: {  	v2 =	vld [tilespmem:$0x20]  }
0x31: {  	v3 =	vand.u32 $0xFFFF, v0  }
0x32: {  	v0 =	vshrl.u32 v0, $0x10;
	[tilespmem:$0x2800] =	vst v3;
	v3 =	vld [tilespmem:$0x30]  }
0x33: {  	[tilespmem:$0x2880] =	vst v0;
	v0 =	vand.u32 $0xFFFF, v1  }
0x34: {  	[tilespmem:$0x2810] =	vst v0;
	v0 =	vshrl.u32 v1, $0x10;
	v1 =	vld [tilespmem:$0x40]  }
0x35: {  	[tilespmem:$0x2890] =	vst v0;
	v0 =	vand.u32 $0xFFFF, v2  }
0x36: {  	[tilespmem:$0x2820] =	vst v0;
	v0 =	vshrl.u32 v2, $0x10;
	v2 =	vld [tilespmem:$0x50]  }
0x37: {  	[tilespmem:$0x28A0] =	vst v0;
	v0 =	vand.u32 $0xFFFF, v3  }
0x38: {  	[tilespmem:$0x2830] =	vst v0;
	v0 =	vshrl.u32 v3, $0x10;
	v3 =	vld [tilespmem:$0x60]  }
0x39: {  	[tilespmem:$0x28B0] =	vst v0;
	v0 =	vand.u32 $0xFFFF, v1  }
0x3a: {  	[tilespmem:$0x2840] =	vst v0;
	v0 =	vshrl.u32 v1, $0x10;
	v1 =	vld [tilespmem:$0x70]  }
0x3b: {  	[tilespmem:$0x28C0] =	vst v0;
	v0 =	vand.u32 $0xFFFF, v2  }
0x3c: {  	[tilespmem:$0x2850] =	vst v0;
	v0 =	vshrl.u32 v2, $0x10  }
0x3d: {  	[tilespmem:$0x28D0] =	vst v0;
	v0 =	vand.u32 $0xFFFF, v3  }
0x3e: {  	[tilespmem:$0x2860] =	vst v0;
	v0 =	vshrl.u32 v3, $0x10  }
0x3f: {  	[tilespmem:$0x28E0] =	vst v0;
	v0 =	vand.u32 $0xFFFF, v1  }
0x40: {  	[tilespmem:$0x2870] =	vst v0;
	v0 =	vshrl.u32 v1, $0x10  }
0x41: {  	s0 =	simm.s32 $0x0;
	[tilespmem:$0x28F0] =	vst v0  }
0x42: {  	[tilespmem:s14], [sflag:$0x1] =	stream.indirect.gather [hbm4b:s4+s16], $0x80, s17, s16, $0xb8;
	[tilespmem:$0x1EA00] =	vst v63  }
0x43: {  	v0 =	vld [tilespmem:s0+$0x80];
	_ =	sdelay $0x4  }
0x44: {  	v1 =	vand.u32 $0xFFFF, v0  }
0x45: {  	v0 =	vshrl.u32 v0, $0x10;
	[tilespmem:$0x2900] =	vst v1  }
0x46: {  	[tilespmem:$0x2980] =	vst v0  }
0x47: {  	v0 =	vld [tilespmem:s0+$0x90];
	_ =	sdelay $0x4  }
0x48: {  	v1 =	vand.u32 $0xFFFF, v0  }
0x49: {  	v0 =	vshrl.u32 v0, $0x10;
	[tilespmem:$0x2910] =	vst v1  }
0x4a: {  	[tilespmem:$0x2990] =	vst v0  }
0x4b: {  	v0 =	vld [tilespmem:s0+$0xA0];
	_ =	sdelay $0x4  }
0x4c: {  	v1 =	vand.u32 $0xFFFF, v0  }
0x4d: {  	v0 =	vshrl.u32 v0, $0x10;
	[tilespmem:$0x2920] =	vst v1  }
0x4e: {  	[tilespmem:$0x29A0] =	vst v0  }
0x4f: {  	v0 =	vld [tilespmem:s0+$0xB0];
	_ =	sdelay $0x4  }
0x50: {  	v1 =	vand.u32 $0xFFFF, v0  }
0x51: {  	v0 =	vshrl.u32 v0, $0x10;
	[tilespmem:$0x2930] =	vst v1  }
0x52: {  	[tilespmem:$0x29B0] =	vst v0  }
0x53: {  	v0 =	vld [tilespmem:s0+$0xC0];
	_ =	sdelay $0x4  }
0x54: {  	v1 =	vand.u32 $0xFFFF, v0  }
0x55: {  	v0 =	vshrl.u32 v0, $0x10;
	[tilespmem:$0x2940] =	vst v1  }
0x56: {  	[tilespmem:$0x29C0] =	vst v0  }
0x57: {  	v0 =	vld [tilespmem:s0+$0xD0];
	_ =	sdelay $0x4  }
0x58: {  	v1 =	vand.u32 $0xFFFF, v0  }
0x59: {  	v0 =	vshrl.u32 v0, $0x10;
	[tilespmem:$0x2950] =	vst v1  }
0x5a: {  	[tilespmem:$0x29D0] =	vst v0  }
0x5b: {  	v0 =	vld [tilespmem:s0+$0xE0];
	_ =	sdelay $0x4  }
0x5c: {  	v1 =	vand.u32 $0xFFFF, v0  }
0x5d: {  	v0 =	vshrl.u32 v0, $0x10;
	[tilespmem:$0x2960] =	vst v1  }
0x5e: {  	[tilespmem:$0x29E0] =	vst v0  }
0x5f: {  	v0 =	vld [tilespmem:s0+$0xF0];
	_ =	sdelay $0x4  }
0x60: {  	v1 =	vand.u32 $0xFFFF, v0  }
0x61: {  	v0 =	vshrl.u32 v0, $0x10;
	[tilespmem:$0x2970] =	vst v1  }
0x62: {  	[tilespmem:$0x29F0] =	vst v0  }
0x63: {  	[tilespmem:s19], [sflag:$0x2] =	stream.indirect.gather [hbm4b:s4+s16], $0x80, s18, s16, $0xb8;
	[tilespmem:$0x1EA00] =	vst v63  }
0x64: {  	_ =	swait.ge [sflag:s20], $0x4000  }
0x65: {  	[sflag:s20] =	ssyncset.done $0x0  }
0x66: {  	[sflag:s20] =	ssyncadd.s32 $0xFFFFC000  }
0x67: {  	[spmem:s2] =	stream.indirect.scatter.add.f32 [tilespmem:s14], [sflag:$0x3], $0x80, s21, s16, $0xb8;
	[tilespmem:$0x1EA00] =	vst v63  }
0x68: {  	_ =	swait.ge [sflag:s15], $0x4000  }
0x69: {  	p1 =	por $0x0, $0x0;
	[sflag:s15] =	ssyncset.done $0x0  }
0x6a: {  	s29 =	simm.s32 @!p1 $0x0;
	[sflag:s15] =	ssyncadd.s32 $0xFFFFC000  }
0x6b: {  	v0 =	vld @!p1 [tilespmem:s29+$0x100];
	_ =	sdelay $0x4  }
0x6c: {  	v1 =	vand.u32 @!p1 $0xFFFF, v0  }
0x6d: {  	v0 =	vshrl.u32 @!p1 v0, $0x10;
	[tilespmem:$0x2800] =	vst @!p1 v1  }
0x6e: {  	[tilespmem:$0x2880] =	vst @!p1 v0  }
0x6f: {  	v0 =	vld @!p1 [tilespmem:s29+$0x110];
	_ =	sdelay $0x4  }
0x70: {  	v1 =	vand.u32 @!p1 $0xFFFF, v0  }
0x71: {  	v0 =	vshrl.u32 @!p1 v0, $0x10;
	[tilespmem:$0x2810] =	vst @!p1 v1  }
0x72: {  	[tilespmem:$0x2890] =	vst @!p1 v0  }
0x73: {  	v0 =	vld @!p1 [tilespmem:s29+$0x120];
	_ =	sdelay $0x4  }
0x74: {  	v1 =	vand.u32 @!p1 $0xFFFF, v0  }
0x75: {  	v0 =	vshrl.u32 @!p1 v0, $0x10;
	[tilespmem:$0x2820] =	vst @!p1 v1  }
0x76: {  	[tilespmem:$0x28A0] =	vst @!p1 v0  }
0x77: {  	v0 =	vld @!p1 [tilespmem:s29+$0x130];
	_ =	sdelay $0x4  }
0x78: {  	v1 =	vand.u32 @!p1 $0xFFFF, v0  }
0x79: {  	v0 =	vshrl.u32 @!p1 v0, $0x10;
	[tilespmem:$0x2830] =	vst @!p1 v1  }
0x7a: {  	[tilespmem:$0x28B0] =	vst @!p1 v0  }
0x7b: {  	v0 =	vld @!p1 [tilespmem:s29+$0x140];
	_ =	sdelay $0x4  }
0x7c: {  	v1 =	vand.u32 @!p1 $0xFFFF, v0  }
0x7d: {  	v0 =	vshrl.u32 @!p1 v0, $0x10;
	[tilespmem:$0x2840] =	vst @!p1 v1  }
0x7e: {  	[tilespmem:$0x28C0] =	vst @!p1 v0  }
0x7f: {  	v0 =	vld @!p1 [tilespmem:s29+$0x150];
	_ =	sdelay $0x4  }
0x80: {  	v1 =	vand.u32 @!p1 $0xFFFF, v0  }
0x81: {  	v0 =	vshrl.u32 @!p1 v0, $0x10;
	[tilespmem:$0x2850] =	vst @!p1 v1  }
0x82: {  	[tilespmem:$0x28D0] =	vst @!p1 v0  }
0x83: {  	v0 =	vld @!p1 [tilespmem:s29+$0x160];
	_ =	sdelay $0x4  }
0x84: {  	s28 =	simm.s32 $0x400;
	v1 =	vand.u32 @!p1 $0xFFFF, v0  }
0x85: {  	s31 =	simm.s32 @!p1 $0x80;
	s1 =	simm.s32 @!p1 $0x2800;
	s0 =	simm.s32 @!p1 $0x2A00;
	v0 =	vshrl.u32 @!p1 v0, $0x10;
	[tilespmem:$0x2860] =	vst @!p1 v1  }
.LBB2_2:
0x86: {  	[tilespmem:$0x28E0] =	vst @!p1 v0;
	s30 =	smov.u32 s28;
	s28 =	sadd.s32 $0x400, s28  }
0x87: {  	p0 =	sne.s32 s28, $0xA000;
	v0 =	vld @!p1 [tilespmem:s29+$0x170];
	_ =	sdelay $0x4  }
0x88: {  	v1 =	vand.u32 @!p1 $0xFFFF, v0;
	v0 =	vshrl.u32 @!p1 v0, $0x10  }
0x89: {  	[tilespmem:$0x2870] =	vst @!p1 v1  }
0x8a: {  	[tilespmem:$0x28F0] =	vst @!p1 v0  }
0x8b: {  	[tilespmem:s0], [sflag:$0x1] =	stream.indirect.gather @!p1 [hbm4b:s4+s31], $0x80, s1, s31, $0xb8;
	[tilespmem:$0x1EA00] =	vst v63  }
0x8c: {  	_ =	swait.ge [sflag:s22], $0x4000  }
0x8d: {  	[sflag:s22] =	ssyncset.done $0x0  }
0x8e: {  	[sflag:s22] =	ssyncadd.s32 $0xFFFFC000  }
0x8f: {  	[spmem:s2] =	stream.indirect.scatter.add.f32 [tilespmem:s19], [sflag:$0x3], $0x80, s23, s16, $0xb8;
	[tilespmem:$0x1EA00] =	vst v63  }
0x90: {  	_ =	swait.ge [sflag:s15], $0x4000  }
0x91: {  	[sflag:s15] =	ssyncset.done $0x0  }
0x92: {  	s29 =	sshra.s32 s30, $0x2;
	[sflag:s15] =	ssyncadd.s32 $0xFFFFC000  }
0x93: {  	v0 =	vld [tilespmem:s29+$0x80];
	_ =	sdelay $0x4  }
0x94: {  	v1 =	vand.u32 $0xFFFF, v0;
	v0 =	vshrl.u32 v0, $0x10  }
0x95: {  	[tilespmem:$0x2900] =	vst v1  }
0x96: {  	[tilespmem:$0x2980] =	vst v0  }
0x97: {  	v0 =	vld [tilespmem:s29+$0x90];
	_ =	sdelay $0x4  }
0x98: {  	v1 =	vand.u32 $0xFFFF, v0;
	v0 =	vshrl.u32 v0, $0x10  }
0x99: {  	[tilespmem:$0x2910] =	vst v1  }
0x9a: {  	[tilespmem:$0x2990] =	vst v0  }
0x9b: {  	v0 =	vld [tilespmem:s29+$0xA0];
	_ =	sdelay $0x4  }
0x9c: {  	v1 =	vand.u32 $0xFFFF, v0;
	v0 =	vshrl.u32 v0, $0x10  }
0x9d: {  	[tilespmem:$0x2920] =	vst v1  }
0x9e: {  	[tilespmem:$0x29A0] =	vst v0  }
0x9f: {  	v0 =	vld [tilespmem:s29+$0xB0];
	_ =	sdelay $0x4  }
0xa0: {  	v1 =	vand.u32 $0xFFFF, v0;
	v0 =	vshrl.u32 v0, $0x10  }
0xa1: {  	[tilespmem:$0x2930] =	vst v1  }
0xa2: {  	[tilespmem:$0x29B0] =	vst v0  }
0xa3: {  	v0 =	vld [tilespmem:s29+$0xC0];
	_ =	sdelay $0x4  }
0xa4: {  	v1 =	vand.u32 $0xFFFF, v0;
	v0 =	vshrl.u32 v0, $0x10  }
0xa5: {  	[tilespmem:$0x2940] =	vst v1  }
0xa6: {  	[tilespmem:$0x29C0] =	vst v0  }
0xa7: {  	v0 =	vld [tilespmem:s29+$0xD0];
	_ =	sdelay $0x4  }
0xa8: {  	v1 =	vand.u32 $0xFFFF, v0;
	v0 =	vshrl.u32 v0, $0x10  }
0xa9: {  	[tilespmem:$0x2950] =	vst v1  }
0xaa: {  	[tilespmem:$0x29D0] =	vst v0  }
0xab: {  	v0 =	vld [tilespmem:s29+$0xE0];
	_ =	sdelay $0x4  }
0xac: {  	v1 =	vand.u32 $0xFFFF, v0;
	v0 =	vshrl.u32 v0, $0x10  }
0xad: {  	[tilespmem:$0x2960] =	vst v1  }
0xae: {  	[tilespmem:$0x29E0] =	vst v0  }
0xaf: {  	v0 =	vld [tilespmem:s29+$0xF0];
	_ =	sdelay $0x4  }
0xb0: {  	v1 =	vand.u32 $0xFFFF, v0;
	v0 =	vshrl.u32 v0, $0x10  }
0xb1: {  	p1 =	seq.s32 s30, $0x9C00;
	[tilespmem:$0x2970] =	vst v1  }
0xb2: {  	s29 =	sshra.s32 @!p1 s30, $0x2;
	[tilespmem:$0x29F0] =	vst v0  }
0xb3: {  	[tilespmem:s19], [sflag:$0x2] =	stream.indirect.gather [hbm4b:s4+s16], $0x80, s18, s16, $0xb8;
	[tilespmem:$0x1EA00] =	vst v63  }
0xb4: {  	_ =	swait.ge [sflag:s20], $0x4000  }
0xb5: {  	[sflag:s20] =	ssyncset.done $0x0  }
0xb6: {  	[sflag:s20] =	ssyncadd.s32 $0xFFFFC000  }
0xb7: {  	[spmem:s2] =	stream.indirect.scatter.add.f32 [tilespmem:s14], [sflag:$0x3], $0x80, s21, s16, $0xb8;
	[tilespmem:$0x1EA00] =	vst v63  }
0xb8: {  	_ =	swait.ge [sflag:s15], $0x4000  }
0xb9: {  	[sflag:s15] =	ssyncset.done $0x0  }
0xba: {  	[sflag:s15] =	ssyncadd.s32 $0xFFFFC000  }
0xbb: {  	v0 =	vld @!p1 [tilespmem:s29+$0x100];
	_ =	sdelay $0x4  }
0xbc: {  	v1 =	vand.u32 @!p1 $0xFFFF, v0;
	v0 =	vshrl.u32 @!p1 v0, $0x10  }
0xbd: {  	[tilespmem:$0x2800] =	vst @!p1 v1  }
0xbe: {  	[tilespmem:$0x2880] =	vst @!p1 v0  }
0xbf: {  	v0 =	vld @!p1 [tilespmem:s29+$0x110];
	_ =	sdelay $0x4  }
0xc0: {  	v1 =	vand.u32 @!p1 $0xFFFF, v0;
	v0 =	vshrl.u32 @!p1 v0, $0x10  }
0xc1: {  	[tilespmem:$0x2810] =	vst @!p1 v1  }
0xc2: {  	[tilespmem:$0x2890] =	vst @!p1 v0  }
0xc3: {  	v0 =	vld @!p1 [tilespmem:s29+$0x120];
	_ =	sdelay $0x4  }
0xc4: {  	v1 =	vand.u32 @!p1 $0xFFFF, v0;
	v0 =	vshrl.u32 @!p1 v0, $0x10  }
0xc5: {  	[tilespmem:$0x2820] =	vst @!p1 v1  }
0xc6: {  	[tilespmem:$0x28A0] =	vst @!p1 v0  }
0xc7: {  	v0 =	vld @!p1 [tilespmem:s29+$0x130];
	_ =	sdelay $0x4  }
0xc8: {  	v1 =	vand.u32 @!p1 $0xFFFF, v0;
	v0 =	vshrl.u32 @!p1 v0, $0x10  }
0xc9: {  	[tilespmem:$0x2830] =	vst @!p1 v1  }
0xca: {  	[tilespmem:$0x28B0] =	vst @!p1 v0  }
0xcb: {  	v0 =	vld @!p1 [tilespmem:s29+$0x140];
	_ =	sdelay $0x4  }
0xcc: {  	v1 =	vand.u32 @!p1 $0xFFFF, v0;
	v0 =	vshrl.u32 @!p1 v0, $0x10  }
0xcd: {  	[tilespmem:$0x2840] =	vst @!p1 v1  }
0xce: {  	[tilespmem:$0x28C0] =	vst @!p1 v0  }
0xcf: {  	v0 =	vld @!p1 [tilespmem:s29+$0x150];
	_ =	sdelay $0x4  }
0xd0: {  	v1 =	vand.u32 @!p1 $0xFFFF, v0;
	v0 =	vshrl.u32 @!p1 v0, $0x10  }
0xd1: {  	[tilespmem:$0x2850] =	vst @!p1 v1  }
0xd2: {  	s31 =	simm.s32 @!p1 $0x80;
	s1 =	simm.s32 @!p1 $0x2800;
	s0 =	simm.s32 @!p1 $0x2A00;
	[tilespmem:$0x28D0] =	vst @!p1 v0  }
0xd3: {  	v0 =	vld @!p1 [tilespmem:s29+$0x160];
	_ =	sdelay $0x1  }
.Ltmp0:
0xd4: {  	(pc) =	sbr.rel @p0 .LBB2_2-.Ltmp0, $3  }
0xd5: {  	_ =	sdelay $0x1  }
0xd6: {  	v1 =	vand.u32 @!p1 $0xFFFF, v0;
	v0 =	vshrl.u32 @!p1 v0, $0x10  }
0xd7: {  	[tilespmem:$0x2860] =	vst @!p1 v1  }
0xd8: {  	[tilespmem:$0x28E0] =	vst @!p1 v0  }
0xd9: {  	v0 =	vld @!p1 [tilespmem:s29+$0x170];
	_ =	sdelay $0x4  }
0xda: {  	v1 =	vand.u32 @!p1 $0xFFFF, v0  }
0xdb: {  	v0 =	vshrl.u32 @!p1 v0, $0x10;
	[tilespmem:$0x2870] =	vst @!p1 v1  }
0xdc: {  	[tilespmem:$0x28F0] =	vst @!p1 v0  }
0xdd: {  	[tilespmem:s0], [sflag:$0x1] =	stream.indirect.gather @!p1 [hbm4b:s4+s31], $0x80, s1, s31, $0xb8;
	[tilespmem:$0x1EA00] =	vst v63  }
0xde: {  	_ =	swait.ge [sflag:s22], $0x4000  }
0xdf: {  	[sflag:s22] =	ssyncset.done $0x0  }
0xe0: {  	[sflag:s22] =	ssyncadd.s32 $0xFFFFC000  }
0xe1: {  	[spmem:s2] =	stream.indirect.scatter.add.f32 [tilespmem:s19], [sflag:$0x3], $0x80, s23, s16, $0xb8;
	[tilespmem:$0x1EA00] =	vst v63  }
0xe2: {  	_ =	swait.ge [sflag:s15], $0x4000  }
0xe3: {  	s26 =	sadd.s32 $0x1, s26;
	[sflag:s15] =	ssyncset.done $0x0  }
0xe4: {  	p0 =	sne.s32 s26, s13;
	[sflag:s15] =	ssyncadd.s32 $0xFFFFC000  }
.Ltmp1:
0xe5: {  	[bflag:$0x0] =	sbarrier.arrive $0xFFFF;
	(pc) =	sbr.rel @p0 .LBB2_1-.Ltmp1, $4  }
0xe6: {  	[hbm:s12], [sflag:s24] =	dma.local [spmem:s25], $0x2800  }
0xe7: {  	_ =	swait.ge [sflag:s15], $0x2800  }
0xe8: {  	[sflag:s15] =	ssyncset.done $0x0  }
0xe9: {  	[sflag:s15] =	ssyncadd.s32 $0xFFFFD800  }
0xea: {  	_ =	sfence.sel $0x180000  }
0xeb: {  	[bflag:$0x0] =	sbarrier.arrive $0xFFFF  }
0xec: {  	_ =	strace $0x9000004A  }
0xed: {  	s0 =	stileid.u32;
	[bflag:$0x2] =	sbarrier.arrive $0xFFFF  }
0xee: {  	p0 =	sne.s32 s0, $0x0;
	s0 =	rddreg [dreg:$0x2]  }
0xef: {  	s0 =	sadd.s32 @!p0 $0x100000, s0  }
0xf0: {  	[sflag:s0] =	ssyncadd.tile.s32 @!p0 $0x1;
	_ =	shalt  }
.Lfunc_end2:
_tile_overlayer_lowered:
.L_overlay_start_2:
0xf1: {  	(tag) =	ssettag $0x2  }
0xf2: {  	s0 =	rddreg [dreg:$0x0];
	s2 =	stileid.u32  }
0xf3: {  	s1 =	rddreg [dreg:$0x1];
	p0 =	sne.s32 s2, $0x0  }
0xf4: {  	s3 =	rddreg [dreg:$0x2];
	[bflag:$0x3] =	sbarrier.arrive $0xFFFF;
	s2 =	simm.s32 @!p0 $0x1C03  }
0xf5: {  	[timem:s3], [sflag:s2] =	dma.local @!p0 [hbm:s0], s1  }
0xf6: {  	s0 =	simm.s32 @!p0 $0x3  }
0xf7: {  	_ =	swait.ge @!p0 [sflag:s0], s1  }
0xf8: {  	s1 =	ssub.s32 @!p0 $0x0, s1;
	[sflag:s0] =	ssyncset.done @!p0 $0x0  }
0xf9: {  	[sflag:s0] =	ssyncadd.s32 @!p0 s1  }
0xfa: {  	[bflag:$0x3] =	sbarrier.arrive $0xFFFF  }
0xfb: {  	_ =	shalt  }

// kernel: kernel.14.cloned.1.call-start
scs
__scs_entry_jumppad:
0x0: {  	(pc) =	sbr.rel $0x88, $3  }
0x1: {  	(tag) =	ssettag $0x0;
	lr =	simm.s32 $0x1  }
0x2: {  	[smem:$0x3F8C] =	sst lr;
	_ =	strace $0xD0000000  }
0x3: {  	_ = 	snop  }
0x4: {  	_ = 	snop  }
0x5: {  	_ = 	snop  }
0x6: {  	_ = 	snop  }
0x7: {  	_ = 	snop  }
__scs_overlays_trampoline_lowered:
0x8: {  	[smem:$0x3F9B] =	sst s0  }
0x9: {  	[smem:$0x3F9C] =	sst s1  }
0xa: {  	[smem:$0x3F9D] =	sst s2  }
0xb: {  	[smem:$0x3F9E] =	sst s3  }
0xc: {  	[smem:$0x3F9F] =	sst s4  }
0xd: {  	[smem:$0x3FA0] =	sst s5  }
0xe: {  	[smem:$0x3FA1] =	sst s6  }
0xf: {  	[smem:$0x3FA2] =	sst s7  }
0x10: {  	[smem:$0x3FA3] =	sst s8  }
0x11: {  	[smem:$0x3FA4] =	sst s9;
	s0 =	simm.s32 @!p0 $0x0  }
0x12: {  	s1 =	sld [smem:$0x3F8A];
	s0 =	simm.s32 @p0 $0x1  }
0x13: {  	[smem:$0x3FA5] =	sst s0;
	s0 =	simm.s32 @!p1 $0x0  }
0x14: {  	s2 =	sld [smem:$0x3F89];
	s0 =	simm.s32 @p1 $0x1  }
0x15: {  	[smem:$0x3FA6] =	sst s0;
	s0 =	simm.s32 @!p2 $0x0  }
0x16: {  	s3 =	sld [smem:$0x3FDB];
	s0 =	simm.s32 @p2 $0x1  }
0x17: {  	s4 =	simm.s32 $0x1BF5;
	[smem:$0x3FA8] =	sst s0  }
0x18: {  	s0 =	sld [smem:$0x3F8B];
	_ =	swait.ge [sflag:s4], $0x0  }
0x19: {  	s7 =	sld [smem:$0x3F8C]  }
0x1a: {  	s8 =	sadd.s32 $0xFFFFE003, lr  }
0x1b: {  	s9 =	sadd.s32 $0xFFFFFEF7, lr;
	s5 =	simm.s32 $0xFFFFFFFF;
	p2 =	slt.u32 s8, $0xFFFFF086  }
0x1c: {  	p1 =	slt.u32 s9, $0xF7A;
	s5 =	simm.s32 @!p2 $0x0  }
0x1d: {  	s5 =	simm.s32 @p1 $0x1;
	p0 =	seq.s32 s7, s2  }
0x1e: {  	s7 =	smul.u32 @!p0 $0xF7A, s2;
	p2 =	seq.s32 @!p0 s5, $0x0  }
0x1f: {  	s9 =	smul.u32 $0xF7A, s1;
	s8 =	simm.s32 @!p0 $0x1BF5;
	p2 =	por !p2, p0  }
0x20: {  	[sflag:s8] =	ssyncset.s32 @!p0 $0xFFFFF086;
	s6 =	sadd.s32 @!p0 s3, s7;
	s7 =	simm.s32 @!p0 $0x108  }
0x21: {  	s3 =	sadd.s32 s3, s9;
	s6 =	sadd.s32 @!p0 $0x88, s6;
	s7 =	simm.s32 @p2 $0x1082  }
0x22: {  	[simem:s7], [sflag:s8] =	dma.local @!p0 [hbm:s6], $0xF7A  }
0x23: {  	s9 =	sor.u32 $0xD0000000, s2;
	s6 =	simm.s32 $0x108;
	_ =	swait.ge @!p0 [sflag:s8], $0x0  }
0x24: {  	s3 =	sadd.s32 $0x88, s3;
	s6 =	simm.s32 @!p1 $0x1082;
	[sflag:s4] =	ssyncset.s32 $0xFFFFF086  }
0x25: {  	[simem:s6], [sflag:s4] =	dma.local [hbm:s3], $0xF7A  }
0x26: {  	[smem:$0x3F8C] =	sst s1;
	(tag) =	ssettag s2;
	_ =	strace s9  }
0x27: {  	s1 =	sld [smem:$0x3F9C]  }
0x28: {  	s2 =	sld [smem:$0x3F9D]  }
0x29: {  	s4 =	sld [smem:$0x3F9F]  }
0x2a: {  	p0 =	seq.s32 s5, $0x0;
	s5 =	sld [smem:$0x3FA0]  }
0x2b: {  	s6 =	sld [smem:$0x3FA1]  }
0x2c: {  	s7 =	sld [smem:$0x3FA2]  }
0x2d: {  	s3 =	simm.s32 $0x108;
	s8 =	sld [smem:$0x3FA3]  }
0x2e: {  	s3 =	simm.s32 @!p0 $0x1082;
	s9 =	sld [smem:$0x3FA4]  }
0x2f: {  	lr =	sadd.s32 s0, s3;
	s0 =	sld [smem:$0x3F9B]  }
0x30: {  	s3 =	sld [smem:$0x3F9E]  }
0x31: {  	[smem:$0x3FA7] =	sst s10  }
0x32: {  	s10 =	sld [smem:$0x3FA5];
	_ =	sdelay $0x3  }
0x33: {  	p0 =	seq.s32 s10, $0x1;
	s10 =	sld [smem:$0x3FA7];
	_ =	sdelay $0x3  }
0x34: {  	[smem:$0x3FA7] =	sst s10  }
0x35: {  	s10 =	sld [smem:$0x3FA6];
	_ =	sdelay $0x3  }
0x36: {  	p1 =	seq.s32 s10, $0x1;
	s10 =	sld [smem:$0x3FA7];
	_ =	sdelay $0x3  }
0x37: {  	[smem:$0x3FA7] =	sst s10  }
0x38: {  	s10 =	sld [smem:$0x3FA8]  }
0x39: {  	_ = 	snop;
	(pc) =	sbr.ind lr, $3  }
0x3a: {  	_ = 	snop  }
0x3b: {  	_ = 	snop  }
0x3c: {  	p2 =	seq.s32 s10, $0x1;
	s10 =	sld [smem:$0x3FA7]  }
0x3d: {  	_ =	shalt  }
0x3e: {  	_ =	shalt  }
0x3f: {  	_ =	shalt  }
0x40: {  	_ =	shalt  }
0x41: {  	_ =	shalt  }
0x42: {  	_ =	shalt  }
0x43: {  	_ =	shalt  }
0x44: {  	_ =	shalt  }
0x45: {  	_ =	shalt  }
0x46: {  	_ =	shalt  }
0x47: {  	_ =	shalt  }
0x48: {  	_ =	shalt  }
0x49: {  	_ =	shalt  }
0x4a: {  	_ =	shalt  }
0x4b: {  	_ =	shalt  }
0x4c: {  	_ =	shalt  }
0x4d: {  	_ =	shalt  }
0x4e: {  	_ =	shalt  }
0x4f: {  	_ =	shalt  }
0x50: {  	_ =	shalt  }
0x51: {  	_ =	shalt  }
0x52: {  	_ =	shalt  }
0x53: {  	_ =	shalt  }
0x54: {  	_ =	shalt  }
0x55: {  	_ =	shalt  }
0x56: {  	_ =	shalt  }
0x57: {  	_ =	shalt  }
0x58: {  	_ =	shalt  }
0x59: {  	_ =	shalt  }
0x5a: {  	_ =	shalt  }
0x5b: {  	_ =	shalt  }
0x5c: {  	_ =	shalt  }
0x5d: {  	_ =	shalt  }
0x5e: {  	_ =	shalt  }
0x5f: {  	_ =	shalt  }
0x60: {  	_ =	shalt  }
0x61: {  	_ =	shalt  }
0x62: {  	_ =	shalt  }
0x63: {  	_ =	shalt  }
0x64: {  	_ =	shalt  }
0x65: {  	_ =	shalt  }
0x66: {  	_ =	shalt  }
0x67: {  	_ =	shalt  }
0x68: {  	_ =	shalt  }
0x69: {  	_ =	shalt  }
0x6a: {  	_ =	shalt  }
0x6b: {  	_ =	shalt  }
0x6c: {  	_ =	shalt  }
0x6d: {  	_ =	shalt  }
0x6e: {  	_ =	shalt  }
0x6f: {  	_ =	shalt  }
0x70: {  	_ =	shalt  }
0x71: {  	_ =	shalt  }
0x72: {  	_ =	shalt  }
0x73: {  	_ =	shalt  }
0x74: {  	_ =	shalt  }
0x75: {  	_ =	shalt  }
0x76: {  	_ =	shalt  }
0x77: {  	_ =	shalt  }
0x78: {  	_ =	shalt  }
0x79: {  	_ =	shalt  }
0x7a: {  	_ =	shalt  }
0x7b: {  	_ =	shalt  }
0x7c: {  	_ =	shalt  }
0x7d: {  	_ =	shalt  }
0x7e: {  	_ =	shalt  }
0x7f: {  	_ =	shalt  }
0x80: {  	_ =	shalt  }
0x81: {  	_ =	shalt  }
0x82: {  	_ =	shalt  }
0x83: {  	_ =	shalt  }
0x84: {  	_ =	shalt  }
0x85: {  	_ =	shalt  }
0x86: {  	_ =	shalt  }
0x87: {  	_ =	shalt  }
.Lfunc_end0:
.L_simem_size_0:
called_computation.2_lowered:
.L_overlay_start_0:
0x88: {  	s2 =	sld [smem:$0x3FD9]  }
0x89: {  	s3 =	sld [smem:$0x3FFE];
	_ =	sdelay $0x1  }
0x8a: {  	s1 =	srdreg.scid  }
0x8b: {  	s0 =	sand.u32 $0x1, s1  }
0x8c: {  	s16 =	sshll.u32 s0, $0xA;
	s2 =	sadd.s32 s3, s2  }
0x8d: {  	s2 =	sadd.s32 s2, s16  }
0x8e: {  	[smem:$0x3FB3] =	sst s2  }
0x8f: {  	_ = 	snop  }
0x90: {  	(tm) =	ssettm $0x1  }
0x91: {  	s17 =	sld [smem:$0x3FFB];
	_ =	sdelay $0x3  }
0x92: {  	_ =	strace s17  }
0x93: {  	s2 =	sld [smem:$0x3FFC];
	_ =	sdelay $0x3  }
0x94: {  	_ =	strace s2  }
0x95: {  	s2 =	sld [smem:$0x3FFD];
	_ =	sdelay $0x3  }
0x96: {  	_ =	strace s2  }
0x97: {  	_ =	strace $0x8FFFFFFF  }
0x98: {  	s18 =	sld [smem:$0x3FDB];
	_ =	sdelay $0x1  }
0x99: {  	s19 =	simm.s32 $_scs_section_size  }
0x9a: {  	s4 =	simm.s32 $_size__tile_overlayer_lowered;
	s5 =	simm.s32 $_tile_overlayer_lowered  }
0x9b: {  	s22 =	simm.s32 $0x1BFF;
	s21 =	sshll.u32 s5, $0x1;
	s2 =	sadd.s32 s19, s18  }
0x9c: {  	s6 =	simm.s32 $0x0;
	s20 =	sshll.u32 s4, $0x1;
	s4 =	sadd.s32 s21, s2  }
0x9d: {  	[timem:s6], [sflag:s22] =	dma.local [hbm:s4], s20  }
0x9e: {  	_ =	swait.ge [sflag:s22], s20  }
0x9f: {  	s3 =	ssub.s32 $0x0, s20;
	[sflag:s22] =	ssyncset.done $0x0  }
0xa0: {  	[sflag:s22] =	ssyncadd.s32 s3;
	_ =	sdelay $0x1  }
0xa1: {  	s23 =	simm.s32 $0x1B8B  }
0xa2: {  	_ =	swait.ge [sflag:s23], $0x1  }
0xa3: {  	[sflag:s23] =	ssyncset.done $0x0  }
0xa4: {  	s25 =	simm.s32 $0x1B8E;
	s24 =	sld [smem:$0x3FFE];
	[sflag:s23] =	ssyncadd.s32 $0xFFFFFFFF  }
0xa5: {  	s26 =	simm.s32 $execute0_lowered;
	[smem:$0x3FD2] =	sst s25  }
0xa6: {  	s4 =	sshll.u32 s26, $0x1;
	_ =	strace $0x8000004C;
	[dreg:$0x1] =	wrdreg $0xFFFFFFFF  }
0xa7: {  	s28 =	simm.s32 $_size_execute0_lowered;
	s2 =	sadd.s32 s2, s4;
	[dreg:$0x0] =	wrdreg $0x0  }
0xa8: {  	s4 =	sshll.u32 s28, $0x1;
	[dreg:$0x2] =	wrdreg s2  }
0xa9: {  	[dreg:$0x3] =	wrdreg s4  }
0xaa: {  	[dreg:$0x4] =	wrdreg $0xC0  }
0xab: {  	_ =	task [dreg:s6], $0x5FFFF  }
0xac: {  	[dreg:$0x1] =	wrdreg $0xFFFFFFFF  }
0xad: {  	[dreg:$0x0] =	wrdreg $0x60  }
0xae: {  	[dreg:$0x2] =	wrdreg s24  }
0xaf: {  	[dreg:$0x3] =	wrdreg $0xAA000  }
0xb0: {  	[dreg:$0x4] =	wrdreg $0x9  }
0xb1: {  	_ =	task.clear_ibuf [dreg:s6], $0x5FFFF;
	_ =	strace $0x9000004C  }
0xb2: {  	s29 =	simm.s32 $0x9;
	_ =	strace $0x8000004E  }
0xb3: {  	_ =	swait.ge [sflag:s29], $0x1  }
0xb4: {  	[sflag:s29] =	ssyncadd.s32 $0xFFFFFFFF  }
0xb5: {  	_ =	strace $0x9000004E  }
0xb6: {  	_ =	sfence  }
0xb7: {  	s30 =	sld [smem:$0x0];
	_ =	sdelay $0x2  }
0xb8: {  	s31 =	sshll.u32 s1, $0xD;
	s1 =	sshrl.u32 s1, $0x2  }
0xb9: {  	s3 =	sand.u32 $0x4000, s31;
	s1 =	sadd.s32 s1, s30  }
0xba: {  	s0 =	sor.u32 s3, s0;
	s1 =	sshll.u32 s1, $0x11  }
0xbb: {  	s0 =	sor.u32 s1, s0  }
0xbc: {  	s0 =	sadd.s32 $0x8F2B, s0  }
0xbd: {  	[sflag:s0] =	ssyncadd.remote.s32 $0x1  }
0xbe: {  	_ =	sfence.sel $0xFFFF  }
0xbf: {  	[dreg:$0x0] =	wrdreg $0xFFFFFFFF;
	(pc) =	sbr.abs _section_cstart, $3  }
0xc0: {  	[dreg:$0x1] =	wrdreg $0xFFFFFFFF  }
0xc1: {  	_ =	task.clear_ibuf [dreg:s6], $0x2FFFF;
	_ =	strace $0x9FFFFFFF  }
0xc2: {  	(tm) =	ssettm $0x7FFFFFFF  }
0xc3: {  	_ =	shalt  }
tec
execute0_lowered:
.L_overlay_start_1:
0x0: {  	(tag) =	ssettag $0x1  }
0x1: {  	s0 =	srdreg.scid;
	s1 =	rddreg [dreg:$0x0]  }
0x2: {  	s24 =	stileid.u32;
	s2 =	rddreg [dreg:$0x1]  }
0x3: {  	s14 =	simm.s32 $0x2A00;
	s15 =	simm.s32 $0x3;
	s16 =	simm.s32 $0x80  }
0x4: {  	s17 =	simm.s32 $0x2800;
	s18 =	simm.s32 $0x2900;
	s19 =	simm.s32 $0x6A00  }
0x5: {  	s20 =	simm.s32 $0x1;
	s21 =	simm.s32 $0x2880;
	s22 =	simm.s32 $0x2  }
0x6: {  	s23 =	simm.s32 $0x2980;
	s26 =	simm.s32 $0x0;
	s7 =	smul.u32 $0x14000, s24  }
0x7: {  	s0 =	sand.u32 $0x1, s0;
	s8 =	smul.u32 $0x50000, s24;
	s31 =	sshll.u32 s24, $0x6  }
0x8: {  	s3 =	sshll.u32 s0, $0x4;
	s6 =	smul.u32 $0x140000, s0;
	s0 =	ssub.s32 $0x2, s0  }
0x9: {  	s4 =	sor.u32 s24, s3;
	s3 =	simm.s32 $0x0;
	s30 =	sshrl.u32 s0, $0x1  }
0xa: {  	s8 =	sshrl.u32 s8, $0x2;
	s24 =	sor.u32 $0x1C03, s31;
	s5 =	smul.u32 $0x500, s4  }
0xb: {  	[smem:$0x7FF] =	sst s3;
	s4 =	sadd.s32 $0xE800, s1;
	s6 =	sadd.s32 s7, s6  }
0xc: {  	s0 =	ssub.s32 s0, s30;
	s6 =	sshrl.u32 s6, $0x3;
	s11 =	sadd.s32 s5, s1  }
0xd: {  	s5 =	sadd.s32 $0xE000, s1;
	s1 =	sadd.s32 s6, s1;
	s6 =	sadd.s32 s8, s2  }
0xe: {  	_ =	strace $0x8000004D;
	s13 =	smax.u32 s0, $0x1;
	s7 =	sadd.s32 $0x4000, s6  }
0xf: {  	s8 =	sadd.s32 $0x8000, s6;
	s9 =	sadd.s32 $0xC000, s6;
	s10 =	sadd.s32 $0x10000, s6  }
0x10: {  	s11 =	sadd.s32 $0x4000, s11;
	s12 =	sadd.s32 $0x35A00, s1;
	s25 =	sshrl.u32 s6, $0x3  }
.LBB2_1:
0x11: {  	[tilespmem:s14], [sflag:$0x3] =	stream.linear.gather [hbm4b:s5+s3], $0x4000, $0x38;
	[tilespmem:$0x1EA00] =	vst v63  }
0x12: {  	_ =	swait.ge [sflag:s15], $0x4000  }
0x13: {  	[sflag:s15] =	ssyncset.done $0x0  }
0x14: {  	[sflag:s15] =	ssyncadd.s32 $0xFFFFC000  }
0x15: {  	[spmem:s6] =	stream.linear.scatter [tilespmem:s14], [sflag:$0x3], $0x4000, $0x38;
	[tilespmem:$0x1EA00] =	vst v63  }
0x16: {  	_ =	swait.ge [sflag:s15], $0x4000  }
0x17: {  	[sflag:s15] =	ssyncset.done $0x0  }
0x18: {  	[sflag:s15] =	ssyncadd.s32 $0xFFFFC000  }
0x19: {  	[spmem:s7] =	stream.linear.scatter [tilespmem:s14], [sflag:$0x3], $0x4000, $0x38;
	[tilespmem:$0x1EA00] =	vst v63  }
0x1a: {  	_ =	swait.ge [sflag:s15], $0x4000  }
0x1b: {  	[sflag:s15] =	ssyncset.done $0x0  }
0x1c: {  	[sflag:s15] =	ssyncadd.s32 $0xFFFFC000  }
0x1d: {  	[spmem:s8] =	stream.linear.scatter [tilespmem:s14], [sflag:$0x3], $0x4000, $0x38;
	[tilespmem:$0x1EA00] =	vst v63  }
0x1e: {  	_ =	swait.ge [sflag:s15], $0x4000  }
0x1f: {  	[sflag:s15] =	ssyncset.done $0x0  }
0x20: {  	[sflag:s15] =	ssyncadd.s32 $0xFFFFC000  }
0x21: {  	[spmem:s9] =	stream.linear.scatter [tilespmem:s14], [sflag:$0x3], $0x4000, $0x38;
	[tilespmem:$0x1EA00] =	vst v63  }
0x22: {  	_ =	swait.ge [sflag:s15], $0x4000  }
0x23: {  	[sflag:s15] =	ssyncset.done $0x0  }
0x24: {  	[sflag:s15] =	ssyncadd.s32 $0xFFFFC000  }
0x25: {  	[spmem:s10] =	stream.linear.scatter [tilespmem:s14], [sflag:$0x3], $0x4000, $0x38;
	[tilespmem:$0x1EA00] =	vst v63  }
0x26: {  	_ =	swait.ge [sflag:s15], $0x4000  }
0x27: {  	[sflag:s15] =	ssyncset.done $0x0  }
0x28: {  	[sflag:s15] =	ssyncadd.s32 $0xFFFFC000  }
0x29: {  	[tilespmem:s3], [sflag:$0x3] =	stream.linear.gather [hbm4b:s11+s3], $0x2800, $0x38;
	[tilespmem:$0x1EA00] =	vst v63  }
0x2a: {  	_ =	swait.ge [sflag:s15], $0x2800  }
0x2b: {  	[sflag:s15] =	ssyncset.done $0x0  }
0x2c: {  	[sflag:s15] =	ssyncadd.s32 $0xFFFFD800  }
0x2d: {  	[bflag:$0x0] =	sbarrier.arrive $0xFFFF  }
0x2e: {  	v0 =	vld [tilespmem:$0x0];
	_ =	sdelay $0x1  }
0x2f: {  	v1 =	vld [tilespmem:$0x10];
	_ =	sdelay $0x1  }
0x30: {  	v2 =	vld [tilespmem:$0x20]  }
0x31: {  	v3 =	vand.u32 $0xFFFF, v0  }
0x32: {  	v0 =	vshrl.u32 v0, $0x10;
	[tilespmem:$0x2800] =	vst v3;
	v3 =	vld [tilespmem:$0x30]  }
0x33: {  	[tilespmem:$0x2880] =	vst v0;
	v0 =	vand.u32 $0xFFFF, v1  }
0x34: {  	[tilespmem:$0x2810] =	vst v0;
	v0 =	vshrl.u32 v1, $0x10;
	v1 =	vld [tilespmem:$0x40]  }
0x35: {  	[tilespmem:$0x2890] =	vst v0;
	v0 =	vand.u32 $0xFFFF, v2  }
0x36: {  	[tilespmem:$0x2820] =	vst v0;
	v0 =	vshrl.u32 v2, $0x10;
	v2 =	vld [tilespmem:$0x50]  }
0x37: {  	[tilespmem:$0x28A0] =	vst v0;
	v0 =	vand.u32 $0xFFFF, v3  }
0x38: {  	[tilespmem:$0x2830] =	vst v0;
	v0 =	vshrl.u32 v3, $0x10;
	v3 =	vld [tilespmem:$0x60]  }
0x39: {  	[tilespmem:$0x28B0] =	vst v0;
	v0 =	vand.u32 $0xFFFF, v1  }
0x3a: {  	[tilespmem:$0x2840] =	vst v0;
	v0 =	vshrl.u32 v1, $0x10;
	v1 =	vld [tilespmem:$0x70]  }
0x3b: {  	[tilespmem:$0x28C0] =	vst v0;
	v0 =	vand.u32 $0xFFFF, v2  }
0x3c: {  	[tilespmem:$0x2850] =	vst v0;
	v0 =	vshrl.u32 v2, $0x10  }
0x3d: {  	[tilespmem:$0x28D0] =	vst v0;
	v0 =	vand.u32 $0xFFFF, v3  }
0x3e: {  	[tilespmem:$0x2860] =	vst v0;
	v0 =	vshrl.u32 v3, $0x10  }
0x3f: {  	[tilespmem:$0x28E0] =	vst v0;
	v0 =	vand.u32 $0xFFFF, v1  }
0x40: {  	[tilespmem:$0x2870] =	vst v0;
	v0 =	vshrl.u32 v1, $0x10  }
0x41: {  	s0 =	simm.s32 $0x0;
	[tilespmem:$0x28F0] =	vst v0  }
0x42: {  	[tilespmem:s14], [sflag:$0x1] =	stream.indirect.gather [hbm4b:s4+s16], $0x80, s17, s16, $0xb8;
	[tilespmem:$0x1EA00] =	vst v63  }
0x43: {  	v0 =	vld [tilespmem:s0+$0x80];
	_ =	sdelay $0x4  }
0x44: {  	v1 =	vand.u32 $0xFFFF, v0  }
0x45: {  	v0 =	vshrl.u32 v0, $0x10;
	[tilespmem:$0x2900] =	vst v1  }
0x46: {  	[tilespmem:$0x2980] =	vst v0  }
0x47: {  	v0 =	vld [tilespmem:s0+$0x90];
	_ =	sdelay $0x4  }
0x48: {  	v1 =	vand.u32 $0xFFFF, v0  }
0x49: {  	v0 =	vshrl.u32 v0, $0x10;
	[tilespmem:$0x2910] =	vst v1  }
0x4a: {  	[tilespmem:$0x2990] =	vst v0  }
0x4b: {  	v0 =	vld [tilespmem:s0+$0xA0];
	_ =	sdelay $0x4  }
0x4c: {  	v1 =	vand.u32 $0xFFFF, v0  }
0x4d: {  	v0 =	vshrl.u32 v0, $0x10;
	[tilespmem:$0x2920] =	vst v1  }
0x4e: {  	[tilespmem:$0x29A0] =	vst v0  }
0x4f: {  	v0 =	vld [tilespmem:s0+$0xB0];
	_ =	sdelay $0x4  }
0x50: {  	v1 =	vand.u32 $0xFFFF, v0  }
0x51: {  	v0 =	vshrl.u32 v0, $0x10;
	[tilespmem:$0x2930] =	vst v1  }
0x52: {  	[tilespmem:$0x29B0] =	vst v0  }
0x53: {  	v0 =	vld [tilespmem:s0+$0xC0];
	_ =	sdelay $0x4  }
0x54: {  	v1 =	vand.u32 $0xFFFF, v0  }
0x55: {  	v0 =	vshrl.u32 v0, $0x10;
	[tilespmem:$0x2940] =	vst v1  }
0x56: {  	[tilespmem:$0x29C0] =	vst v0  }
0x57: {  	v0 =	vld [tilespmem:s0+$0xD0];
	_ =	sdelay $0x4  }
0x58: {  	v1 =	vand.u32 $0xFFFF, v0  }
0x59: {  	v0 =	vshrl.u32 v0, $0x10;
	[tilespmem:$0x2950] =	vst v1  }
0x5a: {  	[tilespmem:$0x29D0] =	vst v0  }
0x5b: {  	v0 =	vld [tilespmem:s0+$0xE0];
	_ =	sdelay $0x4  }
0x5c: {  	v1 =	vand.u32 $0xFFFF, v0  }
0x5d: {  	v0 =	vshrl.u32 v0, $0x10;
	[tilespmem:$0x2960] =	vst v1  }
0x5e: {  	[tilespmem:$0x29E0] =	vst v0  }
0x5f: {  	v0 =	vld [tilespmem:s0+$0xF0];
	_ =	sdelay $0x4  }
0x60: {  	v1 =	vand.u32 $0xFFFF, v0  }
0x61: {  	v0 =	vshrl.u32 v0, $0x10;
	[tilespmem:$0x2970] =	vst v1  }
0x62: {  	[tilespmem:$0x29F0] =	vst v0  }
0x63: {  	[tilespmem:s19], [sflag:$0x2] =	stream.indirect.gather [hbm4b:s4+s16], $0x80, s18, s16, $0xb8;
	[tilespmem:$0x1EA00] =	vst v63  }
0x64: {  	_ =	swait.ge [sflag:s20], $0x4000  }
0x65: {  	[sflag:s20] =	ssyncset.done $0x0  }
0x66: {  	[sflag:s20] =	ssyncadd.s32 $0xFFFFC000  }
0x67: {  	[spmem:s2] =	stream.indirect.scatter.add.f32 [tilespmem:s14], [sflag:$0x3], $0x80, s21, s16, $0xb8;
	[tilespmem:$0x1EA00] =	vst v63  }
0x68: {  	_ =	swait.ge [sflag:s15], $0x4000  }
0x69: {  	p1 =	por $0x0, $0x0;
	[sflag:s15] =	ssyncset.done $0x0  }
0x6a: {  	s29 =	simm.s32 @!p1 $0x0;
	[sflag:s15] =	ssyncadd.s32 $0xFFFFC000  }
0x6b: {  	v0 =	vld @!p1 [tilespmem:s29+$0x100];
	_ =	sdelay $0x4  }
0x6c: {  	v1 =	vand.u32 @!p1 $0xFFFF, v0  }
0x6d: {  	v0 =	vshrl.u32 @!p1 v0, $0x10;
	[tilespmem:$0x2800] =	vst @!p1 v1  }
0x6e: {  	[tilespmem:$0x2880] =	vst @!p1 v0  }
0x6f: {  	v0 =	vld @!p1 [tilespmem:s29+$0x110];
	_ =	sdelay $0x4  }
0x70: {  	v1 =	vand.u32 @!p1 $0xFFFF, v0  }
0x71: {  	v0 =	vshrl.u32 @!p1 v0, $0x10;
	[tilespmem:$0x2810] =	vst @!p1 v1  }
0x72: {  	[tilespmem:$0x2890] =	vst @!p1 v0  }
0x73: {  	v0 =	vld @!p1 [tilespmem:s29+$0x120];
	_ =	sdelay $0x4  }
0x74: {  	v1 =	vand.u32 @!p1 $0xFFFF, v0  }
0x75: {  	v0 =	vshrl.u32 @!p1 v0, $0x10;
	[tilespmem:$0x2820] =	vst @!p1 v1  }
0x76: {  	[tilespmem:$0x28A0] =	vst @!p1 v0  }
0x77: {  	v0 =	vld @!p1 [tilespmem:s29+$0x130];
	_ =	sdelay $0x4  }
0x78: {  	v1 =	vand.u32 @!p1 $0xFFFF, v0  }
0x79: {  	v0 =	vshrl.u32 @!p1 v0, $0x10;
	[tilespmem:$0x2830] =	vst @!p1 v1  }
0x7a: {  	[tilespmem:$0x28B0] =	vst @!p1 v0  }
0x7b: {  	v0 =	vld @!p1 [tilespmem:s29+$0x140];
	_ =	sdelay $0x4  }
0x7c: {  	v1 =	vand.u32 @!p1 $0xFFFF, v0  }
0x7d: {  	v0 =	vshrl.u32 @!p1 v0, $0x10;
	[tilespmem:$0x2840] =	vst @!p1 v1  }
0x7e: {  	[tilespmem:$0x28C0] =	vst @!p1 v0  }
0x7f: {  	v0 =	vld @!p1 [tilespmem:s29+$0x150];
	_ =	sdelay $0x4  }
0x80: {  	v1 =	vand.u32 @!p1 $0xFFFF, v0  }
0x81: {  	v0 =	vshrl.u32 @!p1 v0, $0x10;
	[tilespmem:$0x2850] =	vst @!p1 v1  }
0x82: {  	[tilespmem:$0x28D0] =	vst @!p1 v0  }
0x83: {  	v0 =	vld @!p1 [tilespmem:s29+$0x160];
	_ =	sdelay $0x4  }
0x84: {  	s28 =	simm.s32 $0x400;
	v1 =	vand.u32 @!p1 $0xFFFF, v0  }
0x85: {  	s31 =	simm.s32 @!p1 $0x80;
	s1 =	simm.s32 @!p1 $0x2800;
	s0 =	simm.s32 @!p1 $0x2A00;
	v0 =	vshrl.u32 @!p1 v0, $0x10;
	[tilespmem:$0x2860] =	vst @!p1 v1  }
.LBB2_2:
0x86: {  	[tilespmem:$0x28E0] =	vst @!p1 v0;
	s30 =	smov.u32 s28;
	s28 =	sadd.s32 $0x400, s28  }
0x87: {  	p0 =	sne.s32 s28, $0xA000;
	v0 =	vld @!p1 [tilespmem:s29+$0x170];
	_ =	sdelay $0x4  }
0x88: {  	v1 =	vand.u32 @!p1 $0xFFFF, v0;
	v0 =	vshrl.u32 @!p1 v0, $0x10  }
0x89: {  	[tilespmem:$0x2870] =	vst @!p1 v1  }
0x8a: {  	[tilespmem:$0x28F0] =	vst @!p1 v0  }
0x8b: {  	[tilespmem:s0], [sflag:$0x1] =	stream.indirect.gather @!p1 [hbm4b:s4+s31], $0x80, s1, s31, $0xb8;
	[tilespmem:$0x1EA00] =	vst v63  }
0x8c: {  	_ =	swait.ge [sflag:s22], $0x4000  }
0x8d: {  	[sflag:s22] =	ssyncset.done $0x0  }
0x8e: {  	[sflag:s22] =	ssyncadd.s32 $0xFFFFC000  }
0x8f: {  	[spmem:s2] =	stream.indirect.scatter.add.f32 [tilespmem:s19], [sflag:$0x3], $0x80, s23, s16, $0xb8;
	[tilespmem:$0x1EA00] =	vst v63  }
0x90: {  	_ =	swait.ge [sflag:s15], $0x4000  }
0x91: {  	[sflag:s15] =	ssyncset.done $0x0  }
0x92: {  	s29 =	sshra.s32 s30, $0x2;
	[sflag:s15] =	ssyncadd.s32 $0xFFFFC000  }
0x93: {  	v0 =	vld [tilespmem:s29+$0x80];
	_ =	sdelay $0x4  }
0x94: {  	v1 =	vand.u32 $0xFFFF, v0;
	v0 =	vshrl.u32 v0, $0x10  }
0x95: {  	[tilespmem:$0x2900] =	vst v1  }
0x96: {  	[tilespmem:$0x2980] =	vst v0  }
0x97: {  	v0 =	vld [tilespmem:s29+$0x90];
	_ =	sdelay $0x4  }
0x98: {  	v1 =	vand.u32 $0xFFFF, v0;
	v0 =	vshrl.u32 v0, $0x10  }
0x99: {  	[tilespmem:$0x2910] =	vst v1  }
0x9a: {  	[tilespmem:$0x2990] =	vst v0  }
0x9b: {  	v0 =	vld [tilespmem:s29+$0xA0];
	_ =	sdelay $0x4  }
0x9c: {  	v1 =	vand.u32 $0xFFFF, v0;
	v0 =	vshrl.u32 v0, $0x10  }
0x9d: {  	[tilespmem:$0x2920] =	vst v1  }
0x9e: {  	[tilespmem:$0x29A0] =	vst v0  }
0x9f: {  	v0 =	vld [tilespmem:s29+$0xB0];
	_ =	sdelay $0x4  }
0xa0: {  	v1 =	vand.u32 $0xFFFF, v0;
	v0 =	vshrl.u32 v0, $0x10  }
0xa1: {  	[tilespmem:$0x2930] =	vst v1  }
0xa2: {  	[tilespmem:$0x29B0] =	vst v0  }
0xa3: {  	v0 =	vld [tilespmem:s29+$0xC0];
	_ =	sdelay $0x4  }
0xa4: {  	v1 =	vand.u32 $0xFFFF, v0;
	v0 =	vshrl.u32 v0, $0x10  }
0xa5: {  	[tilespmem:$0x2940] =	vst v1  }
0xa6: {  	[tilespmem:$0x29C0] =	vst v0  }
0xa7: {  	v0 =	vld [tilespmem:s29+$0xD0];
	_ =	sdelay $0x4  }
0xa8: {  	v1 =	vand.u32 $0xFFFF, v0;
	v0 =	vshrl.u32 v0, $0x10  }
0xa9: {  	[tilespmem:$0x2950] =	vst v1  }
0xaa: {  	[tilespmem:$0x29D0] =	vst v0  }
0xab: {  	v0 =	vld [tilespmem:s29+$0xE0];
	_ =	sdelay $0x4  }
0xac: {  	v1 =	vand.u32 $0xFFFF, v0;
	v0 =	vshrl.u32 v0, $0x10  }
0xad: {  	[tilespmem:$0x2960] =	vst v1  }
0xae: {  	[tilespmem:$0x29E0] =	vst v0  }
0xaf: {  	v0 =	vld [tilespmem:s29+$0xF0];
	_ =	sdelay $0x4  }
0xb0: {  	v1 =	vand.u32 $0xFFFF, v0;
	v0 =	vshrl.u32 v0, $0x10  }
0xb1: {  	p1 =	seq.s32 s30, $0x9C00;
	[tilespmem:$0x2970] =	vst v1  }
0xb2: {  	s29 =	sshra.s32 @!p1 s30, $0x2;
	[tilespmem:$0x29F0] =	vst v0  }
0xb3: {  	[tilespmem:s19], [sflag:$0x2] =	stream.indirect.gather [hbm4b:s4+s16], $0x80, s18, s16, $0xb8;
	[tilespmem:$0x1EA00] =	vst v63  }
0xb4: {  	_ =	swait.ge [sflag:s20], $0x4000  }
0xb5: {  	[sflag:s20] =	ssyncset.done $0x0  }
0xb6: {  	[sflag:s20] =	ssyncadd.s32 $0xFFFFC000  }
0xb7: {  	[spmem:s2] =	stream.indirect.scatter.add.f32 [tilespmem:s14], [sflag:$0x3], $0x80, s21, s16, $0xb8;
	[tilespmem:$0x1EA00] =	vst v63  }
0xb8: {  	_ =	swait.ge [sflag:s15], $0x4000  }
0xb9: {  	[sflag:s15] =	ssyncset.done $0x0  }
0xba: {  	[sflag:s15] =	ssyncadd.s32 $0xFFFFC000  }
0xbb: {  	v0 =	vld @!p1 [tilespmem:s29+$0x100];
	_ =	sdelay $0x4  }
0xbc: {  	v1 =	vand.u32 @!p1 $0xFFFF, v0;
	v0 =	vshrl.u32 @!p1 v0, $0x10  }
0xbd: {  	[tilespmem:$0x2800] =	vst @!p1 v1  }
0xbe: {  	[tilespmem:$0x2880] =	vst @!p1 v0  }
0xbf: {  	v0 =	vld @!p1 [tilespmem:s29+$0x110];
	_ =	sdelay $0x4  }
0xc0: {  	v1 =	vand.u32 @!p1 $0xFFFF, v0;
	v0 =	vshrl.u32 @!p1 v0, $0x10  }
0xc1: {  	[tilespmem:$0x2810] =	vst @!p1 v1  }
0xc2: {  	[tilespmem:$0x2890] =	vst @!p1 v0  }
0xc3: {  	v0 =	vld @!p1 [tilespmem:s29+$0x120];
	_ =	sdelay $0x4  }
0xc4: {  	v1 =	vand.u32 @!p1 $0xFFFF, v0;
	v0 =	vshrl.u32 @!p1 v0, $0x10  }
0xc5: {  	[tilespmem:$0x2820] =	vst @!p1 v1  }
0xc6: {  	[tilespmem:$0x28A0] =	vst @!p1 v0  }
0xc7: {  	v0 =	vld @!p1 [tilespmem:s29+$0x130];
	_ =	sdelay $0x4  }
0xc8: {  	v1 =	vand.u32 @!p1 $0xFFFF, v0;
	v0 =	vshrl.u32 @!p1 v0, $0x10  }
0xc9: {  	[tilespmem:$0x2830] =	vst @!p1 v1  }
0xca: {  	[tilespmem:$0x28B0] =	vst @!p1 v0  }
0xcb: {  	v0 =	vld @!p1 [tilespmem:s29+$0x140];
	_ =	sdelay $0x4  }
0xcc: {  	v1 =	vand.u32 @!p1 $0xFFFF, v0;
	v0 =	vshrl.u32 @!p1 v0, $0x10  }
0xcd: {  	[tilespmem:$0x2840] =	vst @!p1 v1  }
0xce: {  	[tilespmem:$0x28C0] =	vst @!p1 v0  }
0xcf: {  	v0 =	vld @!p1 [tilespmem:s29+$0x150];
	_ =	sdelay $0x4  }
0xd0: {  	v1 =	vand.u32 @!p1 $0xFFFF, v0;
	v0 =	vshrl.u32 @!p1 v0, $0x10  }
0xd1: {  	[tilespmem:$0x2850] =	vst @!p1 v1  }
0xd2: {  	s31 =	simm.s32 @!p1 $0x80;
	s1 =	simm.s32 @!p1 $0x2800;
	s0 =	simm.s32 @!p1 $0x2A00;
	[tilespmem:$0x28D0] =	vst @!p1 v0  }
0xd3: {  	v0 =	vld @!p1 [tilespmem:s29+$0x160];
	_ =	sdelay $0x1  }
.Ltmp0:
0xd4: {  	(pc) =	sbr.rel @p0 .LBB2_2-.Ltmp0, $3  }
0xd5: {  	_ =	sdelay $0x1  }
0xd6: {  	v1 =	vand.u32 @!p1 $0xFFFF, v0;
	v0 =	vshrl.u32 @!p1 v0, $0x10  }
0xd7: {  	[tilespmem:$0x2860] =	vst @!p1 v1  }
0xd8: {  	[tilespmem:$0x28E0] =	vst @!p1 v0  }
0xd9: {  	v0 =	vld @!p1 [tilespmem:s29+$0x170];
	_ =	sdelay $0x4  }
0xda: {  	v1 =	vand.u32 @!p1 $0xFFFF, v0  }
0xdb: {  	v0 =	vshrl.u32 @!p1 v0, $0x10;
	[tilespmem:$0x2870] =	vst @!p1 v1  }
0xdc: {  	[tilespmem:$0x28F0] =	vst @!p1 v0  }
0xdd: {  	[tilespmem:s0], [sflag:$0x1] =	stream.indirect.gather @!p1 [hbm4b:s4+s31], $0x80, s1, s31, $0xb8;
	[tilespmem:$0x1EA00] =	vst v63  }
0xde: {  	_ =	swait.ge [sflag:s22], $0x4000  }
0xdf: {  	[sflag:s22] =	ssyncset.done $0x0  }
0xe0: {  	[sflag:s22] =	ssyncadd.s32 $0xFFFFC000  }
0xe1: {  	[spmem:s2] =	stream.indirect.scatter.add.f32 [tilespmem:s19], [sflag:$0x3], $0x80, s23, s16, $0xb8;
	[tilespmem:$0x1EA00] =	vst v63  }
0xe2: {  	_ =	swait.ge [sflag:s15], $0x4000  }
0xe3: {  	s26 =	sadd.s32 $0x1, s26;
	[sflag:s15] =	ssyncset.done $0x0  }
0xe4: {  	p0 =	sne.s32 s26, s13;
	[sflag:s15] =	ssyncadd.s32 $0xFFFFC000  }
.Ltmp1:
0xe5: {  	[bflag:$0x0] =	sbarrier.arrive $0xFFFF;
	(pc) =	sbr.rel @p0 .LBB2_1-.Ltmp1, $4  }
0xe6: {  	[hbm:s12], [sflag:s24] =	dma.local [spmem:s25], $0x2800  }
0xe7: {  	_ =	swait.ge [sflag:s15], $0x2800  }
0xe8: {  	[sflag:s15] =	ssyncset.done $0x0  }
0xe9: {  	[sflag:s15] =	ssyncadd.s32 $0xFFFFD800  }
0xea: {  	_ =	sfence.sel $0x180000  }
0xeb: {  	[bflag:$0x0] =	sbarrier.arrive $0xFFFF  }
0xec: {  	_ =	strace $0x9000004D  }
0xed: {  	s0 =	stileid.u32;
	[bflag:$0x2] =	sbarrier.arrive $0xFFFF  }
0xee: {  	p0 =	sne.s32 s0, $0x0;
	s0 =	rddreg [dreg:$0x2]  }
0xef: {  	s0 =	sadd.s32 @!p0 $0x100000, s0  }
0xf0: {  	[sflag:s0] =	ssyncadd.tile.s32 @!p0 $0x1;
	_ =	shalt  }
.Lfunc_end2:
_tile_overlayer_lowered:
.L_overlay_start_2:
0xf1: {  	(tag) =	ssettag $0x2  }
0xf2: {  	s0 =	rddreg [dreg:$0x0];
	s2 =	stileid.u32  }
0xf3: {  	s1 =	rddreg [dreg:$0x1];
	p0 =	sne.s32 s2, $0x0  }
0xf4: {  	s3 =	rddreg [dreg:$0x2];
	[bflag:$0x3] =	sbarrier.arrive $0xFFFF;
	s2 =	simm.s32 @!p0 $0x1C03  }
0xf5: {  	[timem:s3], [sflag:s2] =	dma.local @!p0 [hbm:s0], s1  }
0xf6: {  	s0 =	simm.s32 @!p0 $0x3  }
0xf7: {  	_ =	swait.ge @!p0 [sflag:s0], s1  }
0xf8: {  	s1 =	ssub.s32 @!p0 $0x0, s1;
	[sflag:s0] =	ssyncset.done @!p0 $0x0  }
0xf9: {  	[sflag:s0] =	ssyncadd.s32 @!p0 s1  }
0xfa: {  	[bflag:$0x3] =	sbarrier.arrive $0xFFFF  }
0xfb: {  	_ =	shalt  }

// kernel: kernel.8.cloned.1.call-start
scs
__scs_entry_jumppad:
0x0: {  	(pc) =	sbr.rel $0x88, $3  }
0x1: {  	(tag) =	ssettag $0x0;
	lr =	simm.s32 $0x1  }
0x2: {  	[smem:$0x3F8C] =	sst lr;
	_ =	strace $0xD0000000  }
0x3: {  	_ = 	snop  }
0x4: {  	_ = 	snop  }
0x5: {  	_ = 	snop  }
0x6: {  	_ = 	snop  }
0x7: {  	_ = 	snop  }
__scs_overlays_trampoline_lowered:
0x8: {  	[smem:$0x3F9B] =	sst s0  }
0x9: {  	[smem:$0x3F9C] =	sst s1  }
0xa: {  	[smem:$0x3F9D] =	sst s2  }
0xb: {  	[smem:$0x3F9E] =	sst s3  }
0xc: {  	[smem:$0x3F9F] =	sst s4  }
0xd: {  	[smem:$0x3FA0] =	sst s5  }
0xe: {  	[smem:$0x3FA1] =	sst s6  }
0xf: {  	[smem:$0x3FA2] =	sst s7  }
0x10: {  	[smem:$0x3FA3] =	sst s8  }
0x11: {  	[smem:$0x3FA4] =	sst s9;
	s0 =	simm.s32 @!p0 $0x0  }
0x12: {  	s1 =	sld [smem:$0x3F8A];
	s0 =	simm.s32 @p0 $0x1  }
0x13: {  	[smem:$0x3FA5] =	sst s0;
	s0 =	simm.s32 @!p1 $0x0  }
0x14: {  	s2 =	sld [smem:$0x3F89];
	s0 =	simm.s32 @p1 $0x1  }
0x15: {  	[smem:$0x3FA6] =	sst s0;
	s0 =	simm.s32 @!p2 $0x0  }
0x16: {  	s3 =	sld [smem:$0x3FDB];
	s0 =	simm.s32 @p2 $0x1  }
0x17: {  	s4 =	simm.s32 $0x1BF5;
	[smem:$0x3FA8] =	sst s0  }
0x18: {  	s0 =	sld [smem:$0x3F8B];
	_ =	swait.ge [sflag:s4], $0x0  }
0x19: {  	s7 =	sld [smem:$0x3F8C]  }
0x1a: {  	s8 =	sadd.s32 $0xFFFFE003, lr  }
0x1b: {  	s9 =	sadd.s32 $0xFFFFFEF7, lr;
	s5 =	simm.s32 $0xFFFFFFFF;
	p2 =	slt.u32 s8, $0xFFFFF086  }
0x1c: {  	p1 =	slt.u32 s9, $0xF7A;
	s5 =	simm.s32 @!p2 $0x0  }
0x1d: {  	s5 =	simm.s32 @p1 $0x1;
	p0 =	seq.s32 s7, s2  }
0x1e: {  	s7 =	smul.u32 @!p0 $0xF7A, s2;
	p2 =	seq.s32 @!p0 s5, $0x0  }
0x1f: {  	s9 =	smul.u32 $0xF7A, s1;
	s8 =	simm.s32 @!p0 $0x1BF5;
	p2 =	por !p2, p0  }
0x20: {  	[sflag:s8] =	ssyncset.s32 @!p0 $0xFFFFF086;
	s6 =	sadd.s32 @!p0 s3, s7;
	s7 =	simm.s32 @!p0 $0x108  }
0x21: {  	s3 =	sadd.s32 s3, s9;
	s6 =	sadd.s32 @!p0 $0x88, s6;
	s7 =	simm.s32 @p2 $0x1082  }
0x22: {  	[simem:s7], [sflag:s8] =	dma.local @!p0 [hbm:s6], $0xF7A  }
0x23: {  	s9 =	sor.u32 $0xD0000000, s2;
	s6 =	simm.s32 $0x108;
	_ =	swait.ge @!p0 [sflag:s8], $0x0  }
0x24: {  	s3 =	sadd.s32 $0x88, s3;
	s6 =	simm.s32 @!p1 $0x1082;
	[sflag:s4] =	ssyncset.s32 $0xFFFFF086  }
0x25: {  	[simem:s6], [sflag:s4] =	dma.local [hbm:s3], $0xF7A  }
0x26: {  	[smem:$0x3F8C] =	sst s1;
	(tag) =	ssettag s2;
	_ =	strace s9  }
0x27: {  	s1 =	sld [smem:$0x3F9C]  }
0x28: {  	s2 =	sld [smem:$0x3F9D]  }
0x29: {  	s4 =	sld [smem:$0x3F9F]  }
0x2a: {  	p0 =	seq.s32 s5, $0x0;
	s5 =	sld [smem:$0x3FA0]  }
0x2b: {  	s6 =	sld [smem:$0x3FA1]  }
0x2c: {  	s7 =	sld [smem:$0x3FA2]  }
0x2d: {  	s3 =	simm.s32 $0x108;
	s8 =	sld [smem:$0x3FA3]  }
0x2e: {  	s3 =	simm.s32 @!p0 $0x1082;
	s9 =	sld [smem:$0x3FA4]  }
0x2f: {  	lr =	sadd.s32 s0, s3;
	s0 =	sld [smem:$0x3F9B]  }
0x30: {  	s3 =	sld [smem:$0x3F9E]  }
0x31: {  	[smem:$0x3FA7] =	sst s10  }
0x32: {  	s10 =	sld [smem:$0x3FA5];
	_ =	sdelay $0x3  }
0x33: {  	p0 =	seq.s32 s10, $0x1;
	s10 =	sld [smem:$0x3FA7];
	_ =	sdelay $0x3  }
0x34: {  	[smem:$0x3FA7] =	sst s10  }
0x35: {  	s10 =	sld [smem:$0x3FA6];
	_ =	sdelay $0x3  }
0x36: {  	p1 =	seq.s32 s10, $0x1;
	s10 =	sld [smem:$0x3FA7];
	_ =	sdelay $0x3  }
0x37: {  	[smem:$0x3FA7] =	sst s10  }
0x38: {  	s10 =	sld [smem:$0x3FA8]  }
0x39: {  	_ = 	snop;
	(pc) =	sbr.ind lr, $3  }
0x3a: {  	_ = 	snop  }
0x3b: {  	_ = 	snop  }
0x3c: {  	p2 =	seq.s32 s10, $0x1;
	s10 =	sld [smem:$0x3FA7]  }
0x3d: {  	_ =	shalt  }
0x3e: {  	_ =	shalt  }
0x3f: {  	_ =	shalt  }
0x40: {  	_ =	shalt  }
0x41: {  	_ =	shalt  }
0x42: {  	_ =	shalt  }
0x43: {  	_ =	shalt  }
0x44: {  	_ =	shalt  }
0x45: {  	_ =	shalt  }
0x46: {  	_ =	shalt  }
0x47: {  	_ =	shalt  }
0x48: {  	_ =	shalt  }
0x49: {  	_ =	shalt  }
0x4a: {  	_ =	shalt  }
0x4b: {  	_ =	shalt  }
0x4c: {  	_ =	shalt  }
0x4d: {  	_ =	shalt  }
0x4e: {  	_ =	shalt  }
0x4f: {  	_ =	shalt  }
0x50: {  	_ =	shalt  }
0x51: {  	_ =	shalt  }
0x52: {  	_ =	shalt  }
0x53: {  	_ =	shalt  }
0x54: {  	_ =	shalt  }
0x55: {  	_ =	shalt  }
0x56: {  	_ =	shalt  }
0x57: {  	_ =	shalt  }
0x58: {  	_ =	shalt  }
0x59: {  	_ =	shalt  }
0x5a: {  	_ =	shalt  }
0x5b: {  	_ =	shalt  }
0x5c: {  	_ =	shalt  }
0x5d: {  	_ =	shalt  }
0x5e: {  	_ =	shalt  }
0x5f: {  	_ =	shalt  }
0x60: {  	_ =	shalt  }
0x61: {  	_ =	shalt  }
0x62: {  	_ =	shalt  }
0x63: {  	_ =	shalt  }
0x64: {  	_ =	shalt  }
0x65: {  	_ =	shalt  }
0x66: {  	_ =	shalt  }
0x67: {  	_ =	shalt  }
0x68: {  	_ =	shalt  }
0x69: {  	_ =	shalt  }
0x6a: {  	_ =	shalt  }
0x6b: {  	_ =	shalt  }
0x6c: {  	_ =	shalt  }
0x6d: {  	_ =	shalt  }
0x6e: {  	_ =	shalt  }
0x6f: {  	_ =	shalt  }
0x70: {  	_ =	shalt  }
0x71: {  	_ =	shalt  }
0x72: {  	_ =	shalt  }
0x73: {  	_ =	shalt  }
0x74: {  	_ =	shalt  }
0x75: {  	_ =	shalt  }
0x76: {  	_ =	shalt  }
0x77: {  	_ =	shalt  }
0x78: {  	_ =	shalt  }
0x79: {  	_ =	shalt  }
0x7a: {  	_ =	shalt  }
0x7b: {  	_ =	shalt  }
0x7c: {  	_ =	shalt  }
0x7d: {  	_ =	shalt  }
0x7e: {  	_ =	shalt  }
0x7f: {  	_ =	shalt  }
0x80: {  	_ =	shalt  }
0x81: {  	_ =	shalt  }
0x82: {  	_ =	shalt  }
0x83: {  	_ =	shalt  }
0x84: {  	_ =	shalt  }
0x85: {  	_ =	shalt  }
0x86: {  	_ =	shalt  }
0x87: {  	_ =	shalt  }
.Lfunc_end0:
.L_simem_size_0:
called_computation_lowered:
.L_overlay_start_0:
0x88: {  	s2 =	sld [smem:$0x3FD9]  }
0x89: {  	s3 =	sld [smem:$0x3FFE];
	_ =	sdelay $0x1  }
0x8a: {  	s1 =	srdreg.scid  }
0x8b: {  	s0 =	sand.u32 $0x1, s1  }
0x8c: {  	s17 =	sshll.u32 s0, $0xA;
	s2 =	sadd.s32 s3, s2  }
0x8d: {  	s2 =	sadd.s32 s2, s17  }
0x8e: {  	[smem:$0x3FB3] =	sst s2  }
0x8f: {  	_ = 	snop  }
0x90: {  	s2 =	sld [smem:$0x3FC9];
	(tm) =	ssettm $0x1  }
0x91: {  	s18 =	sld [smem:$0x3FFB];
	_ =	sdelay $0x3  }
0x92: {  	_ =	strace s18  }
0x93: {  	s3 =	sld [smem:$0x3FFC];
	_ =	sdelay $0x3  }
0x94: {  	_ =	strace s3  }
0x95: {  	s3 =	sld [smem:$0x3FFD];
	_ =	sdelay $0x3  }
0x96: {  	_ =	strace s3  }
0x97: {  	_ =	strace $0x8FFFFFFF  }
0x98: {  	s19 =	sld [smem:$0x3FDB];
	_ =	sdelay $0x1  }
0x99: {  	s4 =	simm.s32 $_scs_section_size  }
0x9a: {  	s5 =	simm.s32 $_size__tile_overlayer_lowered;
	s6 =	simm.s32 $_tile_overlayer_lowered  }
0x9b: {  	s22 =	simm.s32 $0x1BFF;
	s21 =	sshll.u32 s6, $0x1;
	s3 =	sadd.s32 s4, s19  }
0x9c: {  	s7 =	simm.s32 $0x0;
	s20 =	sshll.u32 s5, $0x1;
	s5 =	sadd.s32 s21, s3  }
0x9d: {  	[timem:s7], [sflag:s22] =	dma.local [hbm:s5], s20  }
0x9e: {  	_ =	swait.ge [sflag:s22], s20  }
0x9f: {  	s4 =	ssub.s32 $0x0, s20;
	[sflag:s22] =	ssyncset.done $0x0  }
0xa0: {  	[sflag:s22] =	ssyncadd.s32 s4;
	_ =	sdelay $0x1  }
0xa1: {  	s23 =	simm.s32 $0x1B8B  }
0xa2: {  	_ =	swait.ge [sflag:s23], $0x1  }
0xa3: {  	[sflag:s23] =	ssyncset.done $0x0  }
0xa4: {  	s25 =	simm.s32 $0x1B8E;
	s24 =	sld [smem:$0x3FFE];
	[sflag:s23] =	ssyncadd.s32 $0xFFFFFFFF  }
0xa5: {  	s26 =	simm.s32 $execute0_lowered;
	[smem:$0x3FD2] =	sst s25  }
0xa6: {  	s5 =	sshll.u32 s26, $0x1;
	_ =	strace $0x80000046;
	[dreg:$0x1] =	wrdreg $0xFFFFFFFF  }
0xa7: {  	s28 =	simm.s32 $_size_execute0_lowered;
	s3 =	sadd.s32 s3, s5;
	[dreg:$0x0] =	wrdreg $0x0  }
0xa8: {  	s5 =	sshll.u32 s28, $0x1;
	[dreg:$0x2] =	wrdreg s3  }
0xa9: {  	[dreg:$0x3] =	wrdreg s5  }
0xaa: {  	[dreg:$0x4] =	wrdreg $0xC0  }
0xab: {  	_ =	task [dreg:s7], $0x5FFFF  }
0xac: {  	[dreg:$0x1] =	wrdreg $0xFFFFFFFF  }
0xad: {  	[dreg:$0x0] =	wrdreg $0x60  }
0xae: {  	[dreg:$0x2] =	wrdreg s2  }
0xaf: {  	[dreg:$0x3] =	wrdreg s24  }
0xb0: {  	[dreg:$0x4] =	wrdreg $0xAA000  }
0xb1: {  	[dreg:$0x5] =	wrdreg $0x9  }
0xb2: {  	_ =	task.clear_ibuf [dreg:s7], $0x6FFFF;
	_ =	strace $0x90000046  }
0xb3: {  	s29 =	simm.s32 $0x9;
	_ =	strace $0x80000048  }
0xb4: {  	_ =	swait.ge [sflag:s29], $0x1  }
0xb5: {  	[sflag:s29] =	ssyncadd.s32 $0xFFFFFFFF  }
0xb6: {  	_ =	strace $0x90000048  }
0xb7: {  	_ =	sfence  }
0xb8: {  	s30 =	sld [smem:$0x0];
	_ =	sdelay $0x2  }
0xb9: {  	s31 =	sshll.u32 s1, $0xD;
	s1 =	sshrl.u32 s1, $0x2  }
0xba: {  	s3 =	sand.u32 $0x4000, s31;
	s1 =	sadd.s32 s1, s30  }
0xbb: {  	s0 =	sor.u32 s3, s0;
	s1 =	sshll.u32 s1, $0x11  }
0xbc: {  	s0 =	sor.u32 s1, s0  }
0xbd: {  	s0 =	sadd.s32 $0x8F2B, s0  }
0xbe: {  	[sflag:s0] =	ssyncadd.remote.s32 $0x1  }
0xbf: {  	_ =	sfence.sel $0xFFFF  }
0xc0: {  	[dreg:$0x0] =	wrdreg $0xFFFFFFFF;
	(pc) =	sbr.abs _section_cstart, $3  }
0xc1: {  	[dreg:$0x1] =	wrdreg $0xFFFFFFFF  }
0xc2: {  	_ =	task.clear_ibuf [dreg:s7], $0x2FFFF;
	_ =	strace $0x9FFFFFFF  }
0xc3: {  	(tm) =	ssettm $0x7FFFFFFF  }
tec
execute0_lowered:
.L_overlay_start_1:
0x0: {  	(tag) =	ssettag $0x1  }
0x1: {  	s0 =	srdreg.scid;
	s1 =	rddreg [dreg:$0x0]  }
0x2: {  	s24 =	stileid.u32;
	s6 =	rddreg [dreg:$0x1]  }
0x3: {  	s3 =	rddreg [dreg:$0x2];
	s4 =	simm.s32 $0x0;
	s14 =	simm.s32 $0x2A00  }
0x4: {  	s15 =	simm.s32 $0x3;
	s16 =	simm.s32 $0x80;
	s17 =	simm.s32 $0x2800  }
0x5: {  	s18 =	simm.s32 $0x2900;
	s19 =	simm.s32 $0x6A00;
	s20 =	simm.s32 $0x1  }
0x6: {  	s21 =	simm.s32 $0x2880;
	s22 =	simm.s32 $0x2;
	s23 =	simm.s32 $0x2980  }
0x7: {  	s26 =	simm.s32 $0x0;
	s0 =	sand.u32 $0x1, s0;
	s8 =	smul.u32 $0x14000, s24  }
0x8: {  	[smem:$0x7FF] =	sst s4;
	s9 =	smul.u32 $0x50000, s24;
	s5 =	sadd.s32 $0xE000, s6  }
0x9: {  	s31 =	sshll.u32 s24, $0x6;
	s2 =	sshll.u32 s0, $0x4;
	s7 =	smul.u32 $0x140000, s0  }
0xa: {  	_ =	strace $0x80000047;
	s0 =	ssub.s32 $0x2, s0;
	s2 =	sor.u32 s24, s2  }
0xb: {  	s30 =	sshrl.u32 s0, $0x1;
	s2 =	smul.u32 $0x500, s2;
	s7 =	sadd.s32 s8, s7  }
0xc: {  	s9 =	sshrl.u32 s9, $0x2;
	s0 =	ssub.s32 s0, s30;
	s7 =	sshrl.u32 s7, $0x3  }
0xd: {  	s2 =	sadd.s32 s2, s6;
	s12 =	sadd.s32 s7, s6;
	s6 =	sadd.s32 s9, s3  }
0xe: {  	s24 =	sor.u32 $0x1C03, s31;
	s13 =	smax.u32 s0, $0x1;
	s7 =	sadd.s32 $0x4000, s6  }
0xf: {  	s8 =	sadd.s32 $0x8000, s6;
	s9 =	sadd.s32 $0xC000, s6;
	s10 =	sadd.s32 $0x10000, s6  }
0x10: {  	s11 =	sadd.s32 $0x4000, s2;
	s12 =	sadd.s32 $0xE800, s12;
	s25 =	sshrl.u32 s6, $0x3  }
.LBB2_1:
0x11: {  	[tilespmem:s14], [sflag:$0x3] =	stream.linear.gather [hbm4b:s5+s4], $0x4000, $0x38;
	[tilespmem:$0x1EA00] =	vst v63  }
0x12: {  	_ =	swait.ge [sflag:s15], $0x4000  }
0x13: {  	[sflag:s15] =	ssyncset.done $0x0  }
0x14: {  	[sflag:s15] =	ssyncadd.s32 $0xFFFFC000  }
0x15: {  	[spmem:s6] =	stream.linear.scatter [tilespmem:s14], [sflag:$0x3], $0x4000, $0x38;
	[tilespmem:$0x1EA00] =	vst v63  }
0x16: {  	_ =	swait.ge [sflag:s15], $0x4000  }
0x17: {  	[sflag:s15] =	ssyncset.done $0x0  }
0x18: {  	[sflag:s15] =	ssyncadd.s32 $0xFFFFC000  }
0x19: {  	[spmem:s7] =	stream.linear.scatter [tilespmem:s14], [sflag:$0x3], $0x4000, $0x38;
	[tilespmem:$0x1EA00] =	vst v63  }
0x1a: {  	_ =	swait.ge [sflag:s15], $0x4000  }
0x1b: {  	[sflag:s15] =	ssyncset.done $0x0  }
0x1c: {  	[sflag:s15] =	ssyncadd.s32 $0xFFFFC000  }
0x1d: {  	[spmem:s8] =	stream.linear.scatter [tilespmem:s14], [sflag:$0x3], $0x4000, $0x38;
	[tilespmem:$0x1EA00] =	vst v63  }
0x1e: {  	_ =	swait.ge [sflag:s15], $0x4000  }
0x1f: {  	[sflag:s15] =	ssyncset.done $0x0  }
0x20: {  	[sflag:s15] =	ssyncadd.s32 $0xFFFFC000  }
0x21: {  	[spmem:s9] =	stream.linear.scatter [tilespmem:s14], [sflag:$0x3], $0x4000, $0x38;
	[tilespmem:$0x1EA00] =	vst v63  }
0x22: {  	_ =	swait.ge [sflag:s15], $0x4000  }
0x23: {  	[sflag:s15] =	ssyncset.done $0x0  }
0x24: {  	[sflag:s15] =	ssyncadd.s32 $0xFFFFC000  }
0x25: {  	[spmem:s10] =	stream.linear.scatter [tilespmem:s14], [sflag:$0x3], $0x4000, $0x38;
	[tilespmem:$0x1EA00] =	vst v63  }
0x26: {  	_ =	swait.ge [sflag:s15], $0x4000  }
0x27: {  	[sflag:s15] =	ssyncset.done $0x0  }
0x28: {  	[sflag:s15] =	ssyncadd.s32 $0xFFFFC000  }
0x29: {  	[tilespmem:s4], [sflag:$0x3] =	stream.linear.gather [hbm4b:s11+s4], $0x2800, $0x38;
	[tilespmem:$0x1EA00] =	vst v63  }
0x2a: {  	_ =	swait.ge [sflag:s15], $0x2800  }
0x2b: {  	[sflag:s15] =	ssyncset.done $0x0  }
0x2c: {  	[sflag:s15] =	ssyncadd.s32 $0xFFFFD800  }
0x2d: {  	[bflag:$0x0] =	sbarrier.arrive $0xFFFF  }
0x2e: {  	v0 =	vld [tilespmem:$0x0];
	_ =	sdelay $0x1  }
0x2f: {  	v1 =	vld [tilespmem:$0x10];
	_ =	sdelay $0x1  }
0x30: {  	v2 =	vld [tilespmem:$0x20]  }
0x31: {  	v3 =	vand.u32 $0xFFFF, v0  }
0x32: {  	v0 =	vshrl.u32 v0, $0x10;
	[tilespmem:$0x2800] =	vst v3;
	v3 =	vld [tilespmem:$0x30]  }
0x33: {  	[tilespmem:$0x2880] =	vst v0;
	v0 =	vand.u32 $0xFFFF, v1  }
0x34: {  	[tilespmem:$0x2810] =	vst v0;
	v0 =	vshrl.u32 v1, $0x10;
	v1 =	vld [tilespmem:$0x40]  }
0x35: {  	[tilespmem:$0x2890] =	vst v0;
	v0 =	vand.u32 $0xFFFF, v2  }
0x36: {  	[tilespmem:$0x2820] =	vst v0;
	v0 =	vshrl.u32 v2, $0x10;
	v2 =	vld [tilespmem:$0x50]  }
0x37: {  	[tilespmem:$0x28A0] =	vst v0;
	v0 =	vand.u32 $0xFFFF, v3  }
0x38: {  	[tilespmem:$0x2830] =	vst v0;
	v0 =	vshrl.u32 v3, $0x10;
	v3 =	vld [tilespmem:$0x60]  }
0x39: {  	[tilespmem:$0x28B0] =	vst v0;
	v0 =	vand.u32 $0xFFFF, v1  }
0x3a: {  	[tilespmem:$0x2840] =	vst v0;
	v0 =	vshrl.u32 v1, $0x10;
	v1 =	vld [tilespmem:$0x70]  }
0x3b: {  	[tilespmem:$0x28C0] =	vst v0;
	v0 =	vand.u32 $0xFFFF, v2  }
0x3c: {  	[tilespmem:$0x2850] =	vst v0;
	v0 =	vshrl.u32 v2, $0x10  }
0x3d: {  	[tilespmem:$0x28D0] =	vst v0;
	v0 =	vand.u32 $0xFFFF, v3  }
0x3e: {  	[tilespmem:$0x2860] =	vst v0;
	v0 =	vshrl.u32 v3, $0x10  }
0x3f: {  	[tilespmem:$0x28E0] =	vst v0;
	v0 =	vand.u32 $0xFFFF, v1  }
0x40: {  	[tilespmem:$0x2870] =	vst v0;
	v0 =	vshrl.u32 v1, $0x10  }
0x41: {  	s0 =	simm.s32 $0x0;
	[tilespmem:$0x28F0] =	vst v0  }
0x42: {  	[tilespmem:s14], [sflag:$0x1] =	stream.indirect.gather [hbm4b:s1+s16], $0x80, s17, s16, $0xb8;
	[tilespmem:$0x1EA00] =	vst v63  }
0x43: {  	v0 =	vld [tilespmem:s0+$0x80];
	_ =	sdelay $0x4  }
0x44: {  	v1 =	vand.u32 $0xFFFF, v0  }
0x45: {  	v0 =	vshrl.u32 v0, $0x10;
	[tilespmem:$0x2900] =	vst v1  }
0x46: {  	[tilespmem:$0x2980] =	vst v0  }
0x47: {  	v0 =	vld [tilespmem:s0+$0x90];
	_ =	sdelay $0x4  }
0x48: {  	v1 =	vand.u32 $0xFFFF, v0  }
0x49: {  	v0 =	vshrl.u32 v0, $0x10;
	[tilespmem:$0x2910] =	vst v1  }
0x4a: {  	[tilespmem:$0x2990] =	vst v0  }
0x4b: {  	v0 =	vld [tilespmem:s0+$0xA0];
	_ =	sdelay $0x4  }
0x4c: {  	v1 =	vand.u32 $0xFFFF, v0  }
0x4d: {  	v0 =	vshrl.u32 v0, $0x10;
	[tilespmem:$0x2920] =	vst v1  }
0x4e: {  	[tilespmem:$0x29A0] =	vst v0  }
0x4f: {  	v0 =	vld [tilespmem:s0+$0xB0];
	_ =	sdelay $0x4  }
0x50: {  	v1 =	vand.u32 $0xFFFF, v0  }
0x51: {  	v0 =	vshrl.u32 v0, $0x10;
	[tilespmem:$0x2930] =	vst v1  }
0x52: {  	[tilespmem:$0x29B0] =	vst v0  }
0x53: {  	v0 =	vld [tilespmem:s0+$0xC0];
	_ =	sdelay $0x4  }
0x54: {  	v1 =	vand.u32 $0xFFFF, v0  }
0x55: {  	v0 =	vshrl.u32 v0, $0x10;
	[tilespmem:$0x2940] =	vst v1  }
0x56: {  	[tilespmem:$0x29C0] =	vst v0  }
0x57: {  	v0 =	vld [tilespmem:s0+$0xD0];
	_ =	sdelay $0x4  }
0x58: {  	v1 =	vand.u32 $0xFFFF, v0  }
0x59: {  	v0 =	vshrl.u32 v0, $0x10;
	[tilespmem:$0x2950] =	vst v1  }
0x5a: {  	[tilespmem:$0x29D0] =	vst v0  }
0x5b: {  	v0 =	vld [tilespmem:s0+$0xE0];
	_ =	sdelay $0x4  }
0x5c: {  	v1 =	vand.u32 $0xFFFF, v0  }
0x5d: {  	v0 =	vshrl.u32 v0, $0x10;
	[tilespmem:$0x2960] =	vst v1  }
0x5e: {  	[tilespmem:$0x29E0] =	vst v0  }
0x5f: {  	v0 =	vld [tilespmem:s0+$0xF0];
	_ =	sdelay $0x4  }
0x60: {  	v1 =	vand.u32 $0xFFFF, v0  }
0x61: {  	v0 =	vshrl.u32 v0, $0x10;
	[tilespmem:$0x2970] =	vst v1  }
0x62: {  	[tilespmem:$0x29F0] =	vst v0  }
0x63: {  	[tilespmem:s19], [sflag:$0x2] =	stream.indirect.gather [hbm4b:s1+s16], $0x80, s18, s16, $0xb8;
	[tilespmem:$0x1EA00] =	vst v63  }
0x64: {  	_ =	swait.ge [sflag:s20], $0x4000  }
0x65: {  	[sflag:s20] =	ssyncset.done $0x0  }
0x66: {  	[sflag:s20] =	ssyncadd.s32 $0xFFFFC000  }
0x67: {  	[spmem:s3] =	stream.indirect.scatter.add.f32 [tilespmem:s14], [sflag:$0x3], $0x80, s21, s16, $0xb8;
	[tilespmem:$0x1EA00] =	vst v63  }
0x68: {  	_ =	swait.ge [sflag:s15], $0x4000  }
0x69: {  	p1 =	por $0x0, $0x0;
	[sflag:s15] =	ssyncset.done $0x0  }
0x6a: {  	s29 =	simm.s32 @!p1 $0x0;
	[sflag:s15] =	ssyncadd.s32 $0xFFFFC000  }
0x6b: {  	v0 =	vld @!p1 [tilespmem:s29+$0x100];
	_ =	sdelay $0x4  }
0x6c: {  	v1 =	vand.u32 @!p1 $0xFFFF, v0  }
0x6d: {  	v0 =	vshrl.u32 @!p1 v0, $0x10;
	[tilespmem:$0x2800] =	vst @!p1 v1  }
0x6e: {  	[tilespmem:$0x2880] =	vst @!p1 v0  }
0x6f: {  	v0 =	vld @!p1 [tilespmem:s29+$0x110];
	_ =	sdelay $0x4  }
0x70: {  	v1 =	vand.u32 @!p1 $0xFFFF, v0  }
0x71: {  	v0 =	vshrl.u32 @!p1 v0, $0x10;
	[tilespmem:$0x2810] =	vst @!p1 v1  }
0x72: {  	[tilespmem:$0x2890] =	vst @!p1 v0  }
0x73: {  	v0 =	vld @!p1 [tilespmem:s29+$0x120];
	_ =	sdelay $0x4  }
0x74: {  	v1 =	vand.u32 @!p1 $0xFFFF, v0  }
0x75: {  	v0 =	vshrl.u32 @!p1 v0, $0x10;
	[tilespmem:$0x2820] =	vst @!p1 v1  }
0x76: {  	[tilespmem:$0x28A0] =	vst @!p1 v0  }
0x77: {  	v0 =	vld @!p1 [tilespmem:s29+$0x130];
	_ =	sdelay $0x4  }
0x78: {  	v1 =	vand.u32 @!p1 $0xFFFF, v0  }
0x79: {  	v0 =	vshrl.u32 @!p1 v0, $0x10;
	[tilespmem:$0x2830] =	vst @!p1 v1  }
0x7a: {  	[tilespmem:$0x28B0] =	vst @!p1 v0  }
0x7b: {  	v0 =	vld @!p1 [tilespmem:s29+$0x140];
	_ =	sdelay $0x4  }
0x7c: {  	v1 =	vand.u32 @!p1 $0xFFFF, v0  }
0x7d: {  	v0 =	vshrl.u32 @!p1 v0, $0x10;
	[tilespmem:$0x2840] =	vst @!p1 v1  }
0x7e: {  	[tilespmem:$0x28C0] =	vst @!p1 v0  }
0x7f: {  	v0 =	vld @!p1 [tilespmem:s29+$0x150];
	_ =	sdelay $0x4  }
0x80: {  	v1 =	vand.u32 @!p1 $0xFFFF, v0  }
0x81: {  	v0 =	vshrl.u32 @!p1 v0, $0x10;
	[tilespmem:$0x2850] =	vst @!p1 v1  }
0x82: {  	[tilespmem:$0x28D0] =	vst @!p1 v0  }
0x83: {  	v0 =	vld @!p1 [tilespmem:s29+$0x160];
	_ =	sdelay $0x4  }
0x84: {  	s28 =	simm.s32 $0x400;
	v1 =	vand.u32 @!p1 $0xFFFF, v0  }
0x85: {  	s31 =	simm.s32 @!p1 $0x80;
	s2 =	simm.s32 @!p1 $0x2800;
	s0 =	simm.s32 @!p1 $0x2A00;
	v0 =	vshrl.u32 @!p1 v0, $0x10;
	[tilespmem:$0x2860] =	vst @!p1 v1  }
.LBB2_2:
0x86: {  	[tilespmem:$0x28E0] =	vst @!p1 v0;
	s30 =	smov.u32 s28;
	s28 =	sadd.s32 $0x400, s28  }
0x87: {  	p0 =	sne.s32 s28, $0xA000;
	v0 =	vld @!p1 [tilespmem:s29+$0x170];
	_ =	sdelay $0x4  }
0x88: {  	v1 =	vand.u32 @!p1 $0xFFFF, v0;
	v0 =	vshrl.u32 @!p1 v0, $0x10  }
0x89: {  	[tilespmem:$0x2870] =	vst @!p1 v1  }
0x8a: {  	[tilespmem:$0x28F0] =	vst @!p1 v0  }
0x8b: {  	[tilespmem:s0], [sflag:$0x1] =	stream.indirect.gather @!p1 [hbm4b:s1+s31], $0x80, s2, s31, $0xb8;
	[tilespmem:$0x1EA00] =	vst v63  }
0x8c: {  	_ =	swait.ge [sflag:s22], $0x4000  }
0x8d: {  	[sflag:s22] =	ssyncset.done $0x0  }
0x8e: {  	[sflag:s22] =	ssyncadd.s32 $0xFFFFC000  }
0x8f: {  	[spmem:s3] =	stream.indirect.scatter.add.f32 [tilespmem:s19], [sflag:$0x3], $0x80, s23, s16, $0xb8;
	[tilespmem:$0x1EA00] =	vst v63  }
0x90: {  	_ =	swait.ge [sflag:s15], $0x4000  }
0x91: {  	[sflag:s15] =	ssyncset.done $0x0  }
0x92: {  	s29 =	sshra.s32 s30, $0x2;
	[sflag:s15] =	ssyncadd.s32 $0xFFFFC000  }
0x93: {  	v0 =	vld [tilespmem:s29+$0x80];
	_ =	sdelay $0x4  }
0x94: {  	v1 =	vand.u32 $0xFFFF, v0;
	v0 =	vshrl.u32 v0, $0x10  }
0x95: {  	[tilespmem:$0x2900] =	vst v1  }
0x96: {  	[tilespmem:$0x2980] =	vst v0  }
0x97: {  	v0 =	vld [tilespmem:s29+$0x90];
	_ =	sdelay $0x4  }
0x98: {  	v1 =	vand.u32 $0xFFFF, v0;
	v0 =	vshrl.u32 v0, $0x10  }
0x99: {  	[tilespmem:$0x2910] =	vst v1  }
0x9a: {  	[tilespmem:$0x2990] =	vst v0  }
0x9b: {  	v0 =	vld [tilespmem:s29+$0xA0];
	_ =	sdelay $0x4  }
0x9c: {  	v1 =	vand.u32 $0xFFFF, v0;
	v0 =	vshrl.u32 v0, $0x10  }
0x9d: {  	[tilespmem:$0x2920] =	vst v1  }
0x9e: {  	[tilespmem:$0x29A0] =	vst v0  }
0x9f: {  	v0 =	vld [tilespmem:s29+$0xB0];
	_ =	sdelay $0x4  }
0xa0: {  	v1 =	vand.u32 $0xFFFF, v0;
	v0 =	vshrl.u32 v0, $0x10  }
0xa1: {  	[tilespmem:$0x2930] =	vst v1  }
0xa2: {  	[tilespmem:$0x29B0] =	vst v0  }
0xa3: {  	v0 =	vld [tilespmem:s29+$0xC0];
	_ =	sdelay $0x4  }
0xa4: {  	v1 =	vand.u32 $0xFFFF, v0;
	v0 =	vshrl.u32 v0, $0x10  }
0xa5: {  	[tilespmem:$0x2940] =	vst v1  }
0xa6: {  	[tilespmem:$0x29C0] =	vst v0  }
0xa7: {  	v0 =	vld [tilespmem:s29+$0xD0];
	_ =	sdelay $0x4  }
0xa8: {  	v1 =	vand.u32 $0xFFFF, v0;
	v0 =	vshrl.u32 v0, $0x10  }
0xa9: {  	[tilespmem:$0x2950] =	vst v1  }
0xaa: {  	[tilespmem:$0x29D0] =	vst v0  }
0xab: {  	v0 =	vld [tilespmem:s29+$0xE0];
	_ =	sdelay $0x4  }
0xac: {  	v1 =	vand.u32 $0xFFFF, v0;
	v0 =	vshrl.u32 v0, $0x10  }
0xad: {  	[tilespmem:$0x2960] =	vst v1  }
0xae: {  	[tilespmem:$0x29E0] =	vst v0  }
0xaf: {  	v0 =	vld [tilespmem:s29+$0xF0];
	_ =	sdelay $0x4  }
0xb0: {  	v1 =	vand.u32 $0xFFFF, v0;
	v0 =	vshrl.u32 v0, $0x10  }
0xb1: {  	p1 =	seq.s32 s30, $0x9C00;
	[tilespmem:$0x2970] =	vst v1  }
0xb2: {  	s29 =	sshra.s32 @!p1 s30, $0x2;
	[tilespmem:$0x29F0] =	vst v0  }
0xb3: {  	[tilespmem:s19], [sflag:$0x2] =	stream.indirect.gather [hbm4b:s1+s16], $0x80, s18, s16, $0xb8;
	[tilespmem:$0x1EA00] =	vst v63  }
0xb4: {  	_ =	swait.ge [sflag:s20], $0x4000  }
0xb5: {  	[sflag:s20] =	ssyncset.done $0x0  }
0xb6: {  	[sflag:s20] =	ssyncadd.s32 $0xFFFFC000  }
0xb7: {  	[spmem:s3] =	stream.indirect.scatter.add.f32 [tilespmem:s14], [sflag:$0x3], $0x80, s21, s16, $0xb8;
	[tilespmem:$0x1EA00] =	vst v63  }
0xb8: {  	_ =	swait.ge [sflag:s15], $0x4000  }
0xb9: {  	[sflag:s15] =	ssyncset.done $0x0  }
0xba: {  	[sflag:s15] =	ssyncadd.s32 $0xFFFFC000  }
0xbb: {  	v0 =	vld @!p1 [tilespmem:s29+$0x100];
	_ =	sdelay $0x4  }
0xbc: {  	v1 =	vand.u32 @!p1 $0xFFFF, v0;
	v0 =	vshrl.u32 @!p1 v0, $0x10  }
0xbd: {  	[tilespmem:$0x2800] =	vst @!p1 v1  }
0xbe: {  	[tilespmem:$0x2880] =	vst @!p1 v0  }
0xbf: {  	v0 =	vld @!p1 [tilespmem:s29+$0x110];
	_ =	sdelay $0x4  }
0xc0: {  	v1 =	vand.u32 @!p1 $0xFFFF, v0;
	v0 =	vshrl.u32 @!p1 v0, $0x10  }
0xc1: {  	[tilespmem:$0x2810] =	vst @!p1 v1  }
0xc2: {  	[tilespmem:$0x2890] =	vst @!p1 v0  }
0xc3: {  	v0 =	vld @!p1 [tilespmem:s29+$0x120];
	_ =	sdelay $0x4  }
0xc4: {  	v1 =	vand.u32 @!p1 $0xFFFF, v0;
	v0 =	vshrl.u32 @!p1 v0, $0x10  }
0xc5: {  	[tilespmem:$0x2820] =	vst @!p1 v1  }
0xc6: {  	[tilespmem:$0x28A0] =	vst @!p1 v0  }
0xc7: {  	v0 =	vld @!p1 [tilespmem:s29+$0x130];
	_ =	sdelay $0x4  }
0xc8: {  	v1 =	vand.u32 @!p1 $0xFFFF, v0;
	v0 =	vshrl.u32 @!p1 v0, $0x10  }
0xc9: {  	[tilespmem:$0x2830] =	vst @!p1 v1  }
0xca: {  	[tilespmem:$0x28B0] =	vst @!p1 v0  }
0xcb: {  	v0 =	vld @!p1 [tilespmem:s29+$0x140];
	_ =	sdelay $0x4  }
0xcc: {  	v1 =	vand.u32 @!p1 $0xFFFF, v0;
	v0 =	vshrl.u32 @!p1 v0, $0x10  }
0xcd: {  	[tilespmem:$0x2840] =	vst @!p1 v1  }
0xce: {  	[tilespmem:$0x28C0] =	vst @!p1 v0  }
0xcf: {  	v0 =	vld @!p1 [tilespmem:s29+$0x150];
	_ =	sdelay $0x4  }
0xd0: {  	v1 =	vand.u32 @!p1 $0xFFFF, v0;
	v0 =	vshrl.u32 @!p1 v0, $0x10  }
0xd1: {  	[tilespmem:$0x2850] =	vst @!p1 v1  }
0xd2: {  	s31 =	simm.s32 @!p1 $0x80;
	s2 =	simm.s32 @!p1 $0x2800;
	s0 =	simm.s32 @!p1 $0x2A00;
	[tilespmem:$0x28D0] =	vst @!p1 v0  }
0xd3: {  	v0 =	vld @!p1 [tilespmem:s29+$0x160];
	_ =	sdelay $0x1  }
.Ltmp0:
0xd4: {  	(pc) =	sbr.rel @p0 .LBB2_2-.Ltmp0, $3  }
0xd5: {  	_ =	sdelay $0x1  }
0xd6: {  	v1 =	vand.u32 @!p1 $0xFFFF, v0;
	v0 =	vshrl.u32 @!p1 v0, $0x10  }
0xd7: {  	[tilespmem:$0x2860] =	vst @!p1 v1  }
0xd8: {  	[tilespmem:$0x28E0] =	vst @!p1 v0  }
0xd9: {  	v0 =	vld @!p1 [tilespmem:s29+$0x170];
	_ =	sdelay $0x4  }
0xda: {  	v1 =	vand.u32 @!p1 $0xFFFF, v0  }
0xdb: {  	v0 =	vshrl.u32 @!p1 v0, $0x10;
	[tilespmem:$0x2870] =	vst @!p1 v1  }
0xdc: {  	[tilespmem:$0x28F0] =	vst @!p1 v0  }
0xdd: {  	[tilespmem:s0], [sflag:$0x1] =	stream.indirect.gather @!p1 [hbm4b:s1+s31], $0x80, s2, s31, $0xb8;
	[tilespmem:$0x1EA00] =	vst v63  }
0xde: {  	_ =	swait.ge [sflag:s22], $0x4000  }
0xdf: {  	[sflag:s22] =	ssyncset.done $0x0  }
0xe0: {  	[sflag:s22] =	ssyncadd.s32 $0xFFFFC000  }
0xe1: {  	[spmem:s3] =	stream.indirect.scatter.add.f32 [tilespmem:s19], [sflag:$0x3], $0x80, s23, s16, $0xb8;
	[tilespmem:$0x1EA00] =	vst v63  }
0xe2: {  	_ =	swait.ge [sflag:s15], $0x4000  }
0xe3: {  	s26 =	sadd.s32 $0x1, s26;
	[sflag:s15] =	ssyncset.done $0x0  }
0xe4: {  	p0 =	sne.s32 s26, s13;
	[sflag:s15] =	ssyncadd.s32 $0xFFFFC000  }
.Ltmp1:
0xe5: {  	[bflag:$0x0] =	sbarrier.arrive $0xFFFF;
	(pc) =	sbr.rel @p0 .LBB2_1-.Ltmp1, $4  }
0xe6: {  	[hbm:s12], [sflag:s24] =	dma.local [spmem:s25], $0x2800  }
0xe7: {  	_ =	swait.ge [sflag:s15], $0x2800  }
0xe8: {  	[sflag:s15] =	ssyncset.done $0x0  }
0xe9: {  	[sflag:s15] =	ssyncadd.s32 $0xFFFFD800  }
0xea: {  	_ =	sfence.sel $0x180000  }
0xeb: {  	[bflag:$0x0] =	sbarrier.arrive $0xFFFF  }
0xec: {  	_ =	strace $0x90000047  }
0xed: {  	s0 =	stileid.u32;
	[bflag:$0x2] =	sbarrier.arrive $0xFFFF  }
0xee: {  	p0 =	sne.s32 s0, $0x0;
	s0 =	rddreg [dreg:$0x3]  }
0xef: {  	s0 =	sadd.s32 @!p0 $0x100000, s0  }
0xf0: {  	[sflag:s0] =	ssyncadd.tile.s32 @!p0 $0x1;
	_ =	shalt  }
.Lfunc_end2:
_tile_overlayer_lowered:
.L_overlay_start_2:
0xf1: {  	(tag) =	ssettag $0x2  }
0xf2: {  	s0 =	rddreg [dreg:$0x0];
	s2 =	stileid.u32  }
0xf3: {  	s1 =	rddreg [dreg:$0x1];
	p0 =	sne.s32 s2, $0x0  }
0xf4: {  	s3 =	rddreg [dreg:$0x2];
	[bflag:$0x3] =	sbarrier.arrive $0xFFFF;
	s2 =	simm.s32 @!p0 $0x1C03  }
0xf5: {  	[timem:s3], [sflag:s2] =	dma.local @!p0 [hbm:s0], s1  }
0xf6: {  	s0 =	simm.s32 @!p0 $0x3  }
0xf7: {  	_ =	swait.ge @!p0 [sflag:s0], s1  }
0xf8: {  	s1 =	ssub.s32 @!p0 $0x0, s1;
	[sflag:s0] =	ssyncset.done @!p0 $0x0  }
0xf9: {  	[sflag:s0] =	ssyncadd.s32 @!p0 s1  }
0xfa: {  	[bflag:$0x3] =	sbarrier.arrive $0xFFFF  }
0xfb: {  	_ =	shalt  }

</sc_bundles>
